<compile_context>
chip_gen: v7x
topology: tpu7x:2x2x1
jax: 0.10.2.dev20260603
libtpu: 0.0.44.dev20260713+nightly
codegen_flags: <defaults>
</compile_context>

<pallas_src>
import functools

import jax
import jax.numpy as jnp
from jax import lax
from jax.experimental import pallas as pl
from jax.experimental.pallas import tpu as pltpu
from jax.experimental.pallas import tpu_sc as plsc

N = 50000
K = 16
DR = 3
RD = K * DR
H = 128
NW = 32
NP = 53248
CW = NP // NW
BT = 2048
GRID = -(-N // BT)


def _sc_gather(f_row, idx_t):
    mesh = plsc.VectorSubcoreMesh(core_axis_name="c", subcore_axis_name="s")

    @functools.partial(
        pl.kernel,
        out_type=jax.ShapeDtypeStruct((K, NP), jnp.float32),
        mesh=mesh,
        scratch_types=[
            pltpu.VMEM((N,), jnp.float32),
            pltpu.VMEM((K, CW), jnp.int32),
            pltpu.VMEM((K, CW), jnp.float32),
            pltpu.SemaphoreType.DMA,
            pltpu.SemaphoreType.DMA,
        ],
        compiler_params=pltpu.CompilerParams(needs_layout_passes=False),
    )
    def gather_kernel(f_hbm, idx_hbm, out_hbm, f_v, idx_v, out_v, sem1, sem2):
        wid = lax.axis_index("s") * 2 + lax.axis_index("c")
        c0 = wid * CW
        cp1 = pltpu.async_copy(f_hbm.at[0], f_v, sem1)
        cp2 = pltpu.async_copy(idx_hbm.at[:, pl.ds(c0, CW)], idx_v, sem2)
        cp1.wait()
        cp2.wait()

        for k in range(K):
            @plsc.parallel_loop(0, CW, step=16, unroll=4)
            def body(o, k=k):
                iv = idx_v[k, pl.ds(o, 16)]
                out_v[k, pl.ds(o, 16)] = plsc.load_gather(f_v, [iv])

        pltpu.sync_copy(out_v, out_hbm.at[:, pl.ds(c0, CW)])

    return gather_kernel(f_row, idx_t)


def _tc_block_body(rt_ref, fnt_ref, ft_ref, w1rt_ref, w1dt_ref, b1_ref,
                   w2_ref, b2_ref, out_ref):
    diff_t = ft_ref[...] - fnt_ref[...]
    acc = jnp.dot(w1rt_ref[...], rt_ref[...],
                  preferred_element_type=jnp.float32)
    acc += jnp.dot(w1dt_ref[...], diff_t,
                   preferred_element_type=jnp.float32)
    h = jnp.maximum(acc + b1_ref[...], 0.0)
    out_ref[...] = (jnp.sum(h * w2_ref[...], axis=0, keepdims=True)
                    + b2_ref[...])


def _tc_block(r_t, fn_t, f_row, w1rt, w1dt, b1_col, w2_col, b2):
    return pl.pallas_call(
        _tc_block_body,
        grid=(GRID,),
        in_specs=[
            pl.BlockSpec((RD, BT), lambda i: (0, i)),
            pl.BlockSpec((K, BT), lambda i: (0, i)),
            pl.BlockSpec((1, BT), lambda i: (0, i)),
            pl.BlockSpec((H, RD), lambda i: (0, 0)),
            pl.BlockSpec((H, K), lambda i: (0, 0)),
            pl.BlockSpec((H, 1), lambda i: (0, 0)),
            pl.BlockSpec((H, 1), lambda i: (0, 0)),
            pl.BlockSpec((1, 1), lambda i: (0, 0)),
        ],
        out_specs=pl.BlockSpec((1, BT), lambda i: (0, i)),
        out_shape=jax.ShapeDtypeStruct((1, N), jnp.float32),
    )(r_t, fn_t, f_row, w1rt, w1dt, b1_col, w2_col, b2)


def _softmax_body(x_ref, o_ref):
    x = x_ref[...]
    m = jnp.max(x)
    e = jnp.exp(x - m)
    o_ref[...] = e / jnp.sum(e)


def _softmax(x_row):
    return pl.pallas_call(
        _softmax_body,
        out_shape=jax.ShapeDtypeStruct((1, N), jnp.float32),
    )(x_row)


def kernel(p_init, r_matrix, indices_neigh_tri,
           W1a, b1a, W2a, b2a,
           W1b, b1b, W2b, b2b,
           W1c, b1c, W2c, b2c):
    neigh = indices_neigh_tri[:, 1:]
    idx_t = jnp.pad(neigh.T, ((0, 0), (0, NP - N)))
    r_t = r_matrix.reshape(N, RD).T
    rsel = (4 * jnp.arange(K)[:, None] + jnp.arange(DR)[None, :]).reshape(-1)

    f_row = p_init.reshape(1, N)
    for W1, b1, W2, b2 in ((W1a, b1a, W2a, b2a),
                           (W1b, b1b, W2b, b2b),
                           (W1c, b1c, W2c, b2c)):
        w1rt = W1[rsel].T
        w1dt = W1[DR::DR + 1].T
        fn_t = _sc_gather(f_row, idx_t)
        f_row = _tc_block(r_t, fn_t, f_row, w1rt, w1dt,
                          b1.reshape(H, 1), W2.reshape(H, 1),
                          b2.reshape(1, 1))

    return _softmax(f_row).reshape(N)

# --- scband reference (transcript-rebuilt; emitter-appended) ---
"""Pipeline reference for scband-mlp-18872086298686 (READ-ONLY COPY).

The authoritative reference and input builder live on the scoring server;
editing this copy changes nothing except your own understanding.
"""

import jax, jax.numpy as jnp
import numpy as np

N, K, DR, H = 50000, 16, 3, 128
IN_DIM = K * (DR + 1)


def _lin(k, fan_in, fan_out):
    kw, kb = jax.random.split(k)
    bound = 1.0 / np.sqrt(fan_in)
    W = jax.random.uniform(kw, (fan_in, fan_out), jnp.float32, -bound, bound)
    b = jax.random.uniform(kb, (fan_out,), jnp.float32, -bound, bound)
    return W, b


def setup_inputs(seed: int = 0):
    key = jax.random.key(seed)
    ks = jax.random.split(key, 9)
    p_init = jax.random.normal(ks[0], (N,), dtype=jnp.float32)
    r_matrix = jax.random.normal(ks[1], (N, K, DR), dtype=jnp.float32)
    indices_neigh_tri = jax.random.randint(ks[2], (N, K + 1), 0, N, dtype=jnp.int32)
    W1a, b1a = _lin(ks[3], IN_DIM, H)
    W2a, b2a = _lin(ks[4], H, 1)
    W1b, b1b = _lin(ks[5], IN_DIM, H)
    W2b, b2b = _lin(ks[6], H, 1)
    W1c, b1c = _lin(ks[7], IN_DIM, H)
    W2c, b2c = _lin(ks[8], H, 1)
    return {
        'p_init': p_init,
        'r_matrix': r_matrix,
        'indices_neigh_tri': indices_neigh_tri,
        'W1a': W1a, 'b1a': b1a, 'W2a': W2a, 'b2a': b2a,
        'W1b': W1b, 'b1b': b1b, 'W2b': W2b, 'b2b': b2b,
        'W1c': W1c, 'b1c': b1c, 'W2c': W2c, 'b2c': b2c,
    }


def reference(p_init, r_matrix, indices_neigh_tri,
              W1a, b1a, W2a, b2a,
              W1b, b1b, W2b, b2b,
              W1c, b1c, W2c, b2c):
    neigh = indices_neigh_tri[:, 1:]  # [N, K]

    def block(f, W1, b1, W2, b2):
        # torch: f.repeat((K,1)).T - f[neigh]  == broadcast f per node minus gathered neighbor values
        diff_p_all = f[:, None] - f[neigh]                      # [N, K]  (gather on f)
        r_diff = jnp.concatenate([r_matrix, diff_p_all[:, :, None]], axis=2)  # [N, K, DR+1]
        x = r_diff.reshape(r_diff.shape[0], -1)                 # [N, K*(DR+1)]
        x = jax.nn.relu(x @ W1 + b1)                            # [N, H]
        return (x @ W2 + b2)[:, 0]                              # [N]

    f = block(p_init, W1a, b1a, W2a, b2a)
    f = block(f, W1b, b1b, W2b, b2b)
    f = block(f, W1c, b1c, W2c, b2c)
    # torch nn.Softmax() on a 1-D tensor applies over dim 0
    return jax.nn.softmax(f, axis=0)

if __name__ == "__main__":
    import jax
    _d = setup_inputs()
    print(jax.jit(kernel)(*tuple(_d.values())))

</pallas_src>

<mosaic_0001>
#map = affine_map<(d0, d1) -> (0, 0)>
module attributes {stable_mosaic.version = 14 : i64} {
  func.func @gather_kernel(%arg0: i32, %arg1: i32, %arg2: memref<1x50000xf32, #tpu.memory_space<hbm>>, %arg3: memref<16x53248xi32, #tpu.memory_space<hbm>>, %arg4: memref<16x53248xf32, #tpu.memory_space<hbm>>, %arg5: memref<50000xf32, #tpu.memory_space<vmem>>, %arg6: memref<16x1664xi32, #tpu.memory_space<vmem>>, %arg7: memref<16x1664xf32, #tpu.memory_space<vmem>>, %arg8: memref<!tpu.dma_semaphore, #tpu.memory_space<semaphore_mem>>, %arg9: memref<!tpu.dma_semaphore, #tpu.memory_space<semaphore_mem>>) attributes {dimension_semantics = [#tpu.dimension_semantics<core_parallel>, #tpu.dimension_semantics<subcore_parallel>], iteration_bounds = array<i64: 2, 16>, scalar_prefetch = 0 : i64, scratch_operands = 5 : i64, tpu.core_type = #tpu.core_type<sc_vector_subcore>, window_params = [{transform_indices = #map}, {transform_indices = #map}, {transform_indices = #map}]} {
    %mul3A = arith.constant 2 : i32
    %mul3A_0 = arith.muli %arg1, %mul3A : i32
    %add3A = arith.addi %mul3A_0, %arg0 : i32
    %mul3A_1 = arith.constant 1664 : i32
    %mul3A_2 = arith.muli %add3A, %mul3A_1 : i32
    %dma_start3A = arith.constant 0 : i32
    %dma_start3A_3 = arith.constant 0 : i32
    %dma_start3A_4 = tpu.memref_slice %arg2[%dma_start3A, %dma_start3A_3] : memref<1x50000xf32, #tpu.memory_space<hbm>> -> memref<1x50000xf32, #tpu.memory_space<hbm>>
    %dma_start3A_5 = tpu.memref_squeeze %dma_start3A_4 : memref<1x50000xf32, #tpu.memory_space<hbm>> -> memref<50000xf32, #tpu.memory_space<hbm>>
    %dma_start3A_6 = arith.constant 0 : i32
    %dma_start3A_7 = tpu.memref_slice %arg2[%dma_start3A, %dma_start3A_6] : memref<1x50000xf32, #tpu.memory_space<hbm>> -> memref<1x50000xf32, #tpu.memory_space<hbm>>
    %dma_start3A_8 = tpu.memref_squeeze %dma_start3A_7 : memref<1x50000xf32, #tpu.memory_space<hbm>> -> memref<50000xf32, #tpu.memory_space<hbm>>
    tpu.enqueue_dma source(%dma_start3A_8 : memref<50000xf32, #tpu.memory_space<hbm>>) target(%arg5 : memref<50000xf32, #tpu.memory_space<vmem>>) target_semaphore(%arg8 : memref<!tpu.dma_semaphore, #tpu.memory_space<semaphore_mem>>)
    %dma_start3A_9 = arith.constant 0 : i32
    %dma_start3A_10 = tpu.memref_slice %arg3[%dma_start3A_9, %mul3A_2] : memref<16x53248xi32, #tpu.memory_space<hbm>> -> memref<16x1664xi32, #tpu.memory_space<hbm>>
    %dma_start3A_11 = arith.constant 0 : i32
    %dma_start3A_12 = tpu.memref_slice %arg3[%dma_start3A_11, %mul3A_2] : memref<16x53248xi32, #tpu.memory_space<hbm>> -> memref<16x1664xi32, #tpu.memory_space<hbm>>
    tpu.enqueue_dma source(%dma_start3A_12 : memref<16x1664xi32, #tpu.memory_space<hbm>>) target(%arg6 : memref<16x1664xi32, #tpu.memory_space<vmem>>) target_semaphore(%arg9 : memref<!tpu.dma_semaphore, #tpu.memory_space<semaphore_mem>>)
    %dma_wait3A = arith.constant 0 : i32
    %dma_wait3A_13 = arith.constant 0 : i32
    %dma_wait3A_14 = tpu.memref_slice %arg2[%dma_wait3A, %dma_wait3A_13] : memref<1x50000xf32, #tpu.memory_space<hbm>> -> memref<1x50000xf32, #tpu.memory_space<hbm>>
    %dma_wait3A_15 = tpu.memref_squeeze %dma_wait3A_14 : memref<1x50000xf32, #tpu.memory_space<hbm>> -> memref<50000xf32, #tpu.memory_space<hbm>>
    %dma_wait3A_16 = arith.constant 0 : i32
    %dma_wait3A_17 = tpu.memref_slice %arg2[%dma_wait3A, %dma_wait3A_16] : memref<1x50000xf32, #tpu.memory_space<hbm>> -> memref<1x50000xf32, #tpu.memory_space<hbm>>
    %dma_wait3A_18 = tpu.memref_squeeze %dma_wait3A_17 : memref<1x50000xf32, #tpu.memory_space<hbm>> -> memref<50000xf32, #tpu.memory_space<hbm>>
    tpu.wait_dma2 semaphore(%arg8 : memref<!tpu.dma_semaphore, #tpu.memory_space<semaphore_mem>>) src(%dma_wait3A_18 : memref<50000xf32, #tpu.memory_space<hbm>>) dst(%arg5 : memref<50000xf32, #tpu.memory_space<vmem>>)
    %dma_wait3A_19 = arith.constant 0 : i32
    %dma_wait3A_20 = tpu.memref_slice %arg3[%dma_wait3A_19, %mul3A_2] : memref<16x53248xi32, #tpu.memory_space<hbm>> -> memref<16x1664xi32, #tpu.memory_space<hbm>>
    %dma_wait3A_21 = arith.constant 0 : i32
    %dma_wait3A_22 = tpu.memref_slice %arg3[%dma_wait3A_21, %mul3A_2] : memref<16x53248xi32, #tpu.memory_space<hbm>> -> memref<16x1664xi32, #tpu.memory_space<hbm>>
    tpu.wait_dma2 semaphore(%arg9 : memref<!tpu.dma_semaphore, #tpu.memory_space<semaphore_mem>>) src(%dma_wait3A_22 : memref<16x1664xi32, #tpu.memory_space<hbm>>) dst(%arg6 : memref<16x1664xi32, #tpu.memory_space<vmem>>)
    %parallel_loop3A = arith.constant 0 : i32
    %parallel_loop3A_23 = arith.constant 1664 : i32
    %parallel_loop3A_24 = arith.constant 16 : i32
    scf.for %parallel_loop3A_70 = %parallel_loop3A to %parallel_loop3A_23 step %parallel_loop3A_24  : i32 {
      %parallel_loop3A_71 = arith.constant 0 : i32
      %parallel_loop3A_72 = arith.index_cast %parallel_loop3A_71 : i32 to index
      %parallel_loop3A_73 = arith.index_cast %parallel_loop3A_70 : i32 to index
      %parallel_loop3A_74 = tpu.vector_load %arg6[%parallel_loop3A_72, %parallel_loop3A_73] {strides = array<i32>} : memref<16x1664xi32, #tpu.memory_space<vmem>>, vector<16xi32>,
      %parallel_loop3A_75 = tpu.vector_load_idx %arg5[%parallel_loop3A_74] : memref<50000xf32, #tpu.memory_space<vmem>>[vector<16xi32>], vector<16xf32>,
      %parallel_loop3A_76 = arith.constant 0 : i32
      %parallel_loop3A_77 = arith.index_cast %parallel_loop3A_76 : i32 to index
      %parallel_loop3A_78 = arith.index_cast %parallel_loop3A_70 : i32 to index
      %parallel_loop3A_79 = tpu.vector_load %arg7[%parallel_loop3A_77, %parallel_loop3A_78] {strides = array<i32>} : memref<16x1664xf32, #tpu.memory_space<vmem>>, vector<16xf32>,
      tpu.vector_store %arg7[%parallel_loop3A_77, %parallel_loop3A_78], %parallel_loop3A_75 {strides = array<i32>} : memref<16x1664xf32, #tpu.memory_space<vmem>>, vector<16xf32>,
    } {sc.loop_unroll_factor = 4 : i64, sc.parallel_access}
    %parallel_loop3A_25 = arith.constant 0 : i32
    %parallel_loop3A_26 = arith.constant 1664 : i32
    %parallel_loop3A_27 = arith.constant 16 : i32
    scf.for %parallel_loop3A_70 = %parallel_loop3A_25 to %parallel_loop3A_26 step %parallel_loop3A_27  : i32 {
      %parallel_loop3A_71 = arith.constant 1 : i32
      %parallel_loop3A_72 = arith.index_cast %parallel_loop3A_71 : i32 to index
      %parallel_loop3A_73 = arith.index_cast %parallel_loop3A_70 : i32 to index
      %parallel_loop3A_74 = tpu.vector_load %arg6[%parallel_loop3A_72, %parallel_loop3A_73] {strides = array<i32>} : memref<16x1664xi32, #tpu.memory_space<vmem>>, vector<16xi32>,
      %parallel_loop3A_75 = tpu.vector_load_idx %arg5[%parallel_loop3A_74] : memref<50000xf32, #tpu.memory_space<vmem>>[vector<16xi32>], vector<16xf32>,
      %parallel_loop3A_76 = arith.constant 1 : i32
      %parallel_loop3A_77 = arith.index_cast %parallel_loop3A_76 : i32 to index
      %parallel_loop3A_78 = arith.index_cast %parallel_loop3A_70 : i32 to index
      %parallel_loop3A_79 = tpu.vector_load %arg7[%parallel_loop3A_77, %parallel_loop3A_78] {strides = array<i32>} : memref<16x1664xf32, #tpu.memory_space<vmem>>, vector<16xf32>,
      tpu.vector_store %arg7[%parallel_loop3A_77, %parallel_loop3A_78], %parallel_loop3A_75 {strides = array<i32>} : memref<16x1664xf32, #tpu.memory_space<vmem>>, vector<16xf32>,
    } {sc.loop_unroll_factor = 4 : i64, sc.parallel_access}
    %parallel_loop3A_28 = arith.constant 0 : i32
    %parallel_loop3A_29 = arith.constant 1664 : i32
    %parallel_loop3A_30 = arith.constant 16 : i32
    scf.for %parallel_loop3A_70 = %parallel_loop3A_28 to %parallel_loop3A_29 step %parallel_loop3A_30  : i32 {
      %parallel_loop3A_71 = arith.constant 2 : i32
      %parallel_loop3A_72 = arith.index_cast %parallel_loop3A_71 : i32 to index
      %parallel_loop3A_73 = arith.index_cast %parallel_loop3A_70 : i32 to index
      %parallel_loop3A_74 = tpu.vector_load %arg6[%parallel_loop3A_72, %parallel_loop3A_73] {strides = array<i32>} : memref<16x1664xi32, #tpu.memory_space<vmem>>, vector<16xi32>,
      %parallel_loop3A_75 = tpu.vector_load_idx %arg5[%parallel_loop3A_74] : memref<50000xf32, #tpu.memory_space<vmem>>[vector<16xi32>], vector<16xf32>,
      %parallel_loop3A_76 = arith.constant 2 : i32
      %parallel_loop3A_77 = arith.index_cast %parallel_loop3A_76 : i32 to index
      %parallel_loop3A_78 = arith.index_cast %parallel_loop3A_70 : i32 to index
      %parallel_loop3A_79 = tpu.vector_load %arg7[%parallel_loop3A_77, %parallel_loop3A_78] {strides = array<i32>} : memref<16x1664xf32, #tpu.memory_space<vmem>>, vector<16xf32>,
      tpu.vector_store %arg7[%parallel_loop3A_77, %parallel_loop3A_78], %parallel_loop3A_75 {strides = array<i32>} : memref<16x1664xf32, #tpu.memory_space<vmem>>, vector<16xf32>,
    } {sc.loop_unroll_factor = 4 : i64, sc.parallel_access}
    %parallel_loop3A_31 = arith.constant 0 : i32
    %parallel_loop3A_32 = arith.constant 1664 : i32
    %parallel_loop3A_33 = arith.constant 16 : i32
    scf.for %parallel_loop3A_70 = %parallel_loop3A_31 to %parallel_loop3A_32 step %parallel_loop3A_33  : i32 {
      %parallel_loop3A_71 = arith.constant 3 : i32
      %parallel_loop3A_72 = arith.index_cast %parallel_loop3A_71 : i32 to index
      %parallel_loop3A_73 = arith.index_cast %parallel_loop3A_70 : i32 to index
      %parallel_loop3A_74 = tpu.vector_load %arg6[%parallel_loop3A_72, %parallel_loop3A_73] {strides = array<i32>} : memref<16x1664xi32, #tpu.memory_space<vmem>>, vector<16xi32>,
      %parallel_loop3A_75 = tpu.vector_load_idx %arg5[%parallel_loop3A_74] : memref<50000xf32, #tpu.memory_space<vmem>>[vector<16xi32>], vector<16xf32>,
      %parallel_loop3A_76 = arith.constant 3 : i32
      %parallel_loop3A_77 = arith.index_cast %parallel_loop3A_76 : i32 to index
      %parallel_loop3A_78 = arith.index_cast %parallel_loop3A_70 : i32 to index
      %parallel_loop3A_79 = tpu.vector_load %arg7[%parallel_loop3A_77, %parallel_loop3A_78] {strides = array<i32>} : memref<16x1664xf32, #tpu.memory_space<vmem>>, vector<16xf32>,
      tpu.vector_store %arg7[%parallel_loop3A_77, %parallel_loop3A_78], %parallel_loop3A_75 {strides = array<i32>} : memref<16x1664xf32, #tpu.memory_space<vmem>>, vector<16xf32>,
    } {sc.loop_unroll_factor = 4 : i64, sc.parallel_access}
    %parallel_loop3A_34 = arith.constant 0 : i32
    %parallel_loop3A_35 = arith.constant 1664 : i32
    %parallel_loop3A_36 = arith.constant 16 : i32
    scf.for %parallel_loop3A_70 = %parallel_loop3A_34 to %parallel_loop3A_35 step %parallel_loop3A_36  : i32 {
      %parallel_loop3A_71 = arith.constant 4 : i32
      %parallel_loop3A_72 = arith.index_cast %parallel_loop3A_71 : i32 to index
      %parallel_loop3A_73 = arith.index_cast %parallel_loop3A_70 : i32 to index
      %parallel_loop3A_74 = tpu.vector_load %arg6[%parallel_loop3A_72, %parallel_loop3A_73] {strides = array<i32>} : memref<16x1664xi32, #tpu.memory_space<vmem>>, vector<16xi32>,
      %parallel_loop3A_75 = tpu.vector_load_idx %arg5[%parallel_loop3A_74] : memref<50000xf32, #tpu.memory_space<vmem>>[vector<16xi32>], vector<16xf32>,
      %parallel_loop3A_76 = arith.constant 4 : i32
      %parallel_loop3A_77 = arith.index_cast %parallel_loop3A_76 : i32 to index
      %parallel_loop3A_78 = arith.index_cast %parallel_loop3A_70 : i32 to index
      %parallel_loop3A_79 = tpu.vector_load %arg7[%parallel_loop3A_77, %parallel_loop3A_78] {strides = array<i32>} : memref<16x1664xf32, #tpu.memory_space<vmem>>, vector<16xf32>,
      tpu.vector_store %arg7[%parallel_loop3A_77, %parallel_loop3A_78], %parallel_loop3A_75 {strides = array<i32>} : memref<16x1664xf32, #tpu.memory_space<vmem>>, vector<16xf32>,
    } {sc.loop_unroll_factor = 4 : i64, sc.parallel_access}
    %parallel_loop3A_37 = arith.constant 0 : i32
    %parallel_loop3A_38 = arith.constant 1664 : i32
    %parallel_loop3A_39 = arith.constant 16 : i32
    scf.for %parallel_loop3A_70 = %parallel_loop3A_37 to %parallel_loop3A_38 step %parallel_loop3A_39  : i32 {
      %parallel_loop3A_71 = arith.constant 5 : i32
      %parallel_loop3A_72 = arith.index_cast %parallel_loop3A_71 : i32 to index
      %parallel_loop3A_73 = arith.index_cast %parallel_loop3A_70 : i32 to index
      %parallel_loop3A_74 = tpu.vector_load %arg6[%parallel_loop3A_72, %parallel_loop3A_73] {strides = array<i32>} : memref<16x1664xi32, #tpu.memory_space<vmem>>, vector<16xi32>,
      %parallel_loop3A_75 = tpu.vector_load_idx %arg5[%parallel_loop3A_74] : memref<50000xf32, #tpu.memory_space<vmem>>[vector<16xi32>], vector<16xf32>,
      %parallel_loop3A_76 = arith.constant 5 : i32
      %parallel_loop3A_77 = arith.index_cast %parallel_loop3A_76 : i32 to index
      %parallel_loop3A_78 = arith.index_cast %parallel_loop3A_70 : i32 to index
      %parallel_loop3A_79 = tpu.vector_load %arg7[%parallel_loop3A_77, %parallel_loop3A_78] {strides = array<i32>} : memref<16x1664xf32, #tpu.memory_space<vmem>>, vector<16xf32>,
      tpu.vector_store %arg7[%parallel_loop3A_77, %parallel_loop3A_78], %parallel_loop3A_75 {strides = array<i32>} : memref<16x1664xf32, #tpu.memory_space<vmem>>, vector<16xf32>,
    } {sc.loop_unroll_factor = 4 : i64, sc.parallel_access}
    %parallel_loop3A_40 = arith.constant 0 : i32
    %parallel_loop3A_41 = arith.constant 1664 : i32
    %parallel_loop3A_42 = arith.constant 16 : i32
    scf.for %parallel_loop3A_70 = %parallel_loop3A_40 to %parallel_loop3A_41 step %parallel_loop3A_42  : i32 {
      %parallel_loop3A_71 = arith.constant 6 : i32
      %parallel_loop3A_72 = arith.index_cast %parallel_loop3A_71 : i32 to index
      %parallel_loop3A_73 = arith.index_cast %parallel_loop3A_70 : i32 to index
      %parallel_loop3A_74 = tpu.vector_load %arg6[%parallel_loop3A_72, %parallel_loop3A_73] {strides = array<i32>} : memref<16x1664xi32, #tpu.memory_space<vmem>>, vector<16xi32>,
      %parallel_loop3A_75 = tpu.vector_load_idx %arg5[%parallel_loop3A_74] : memref<50000xf32, #tpu.memory_space<vmem>>[vector<16xi32>], vector<16xf32>,
      %parallel_loop3A_76 = arith.constant 6 : i32
      %parallel_loop3A_77 = arith.index_cast %parallel_loop3A_76 : i32 to index
      %parallel_loop3A_78 = arith.index_cast %parallel_loop3A_70 : i32 to index
      %parallel_loop3A_79 = tpu.vector_load %arg7[%parallel_loop3A_77, %parallel_loop3A_78] {strides = array<i32>} : memref<16x1664xf32, #tpu.memory_space<vmem>>, vector<16xf32>,
      tpu.vector_store %arg7[%parallel_loop3A_77, %parallel_loop3A_78], %parallel_loop3A_75 {strides = array<i32>} : memref<16x1664xf32, #tpu.memory_space<vmem>>, vector<16xf32>,
    } {sc.loop_unroll_factor = 4 : i64, sc.parallel_access}
    %parallel_loop3A_43 = arith.constant 0 : i32
    %parallel_loop3A_44 = arith.constant 1664 : i32
    %parallel_loop3A_45 = arith.constant 16 : i32
    scf.for %parallel_loop3A_70 = %parallel_loop3A_43 to %parallel_loop3A_44 step %parallel_loop3A_45  : i32 {
      %parallel_loop3A_71 = arith.constant 7 : i32
      %parallel_loop3A_72 = arith.index_cast %parallel_loop3A_71 : i32 to index
      %parallel_loop3A_73 = arith.index_cast %parallel_loop3A_70 : i32 to index
      %parallel_loop3A_74 = tpu.vector_load %arg6[%parallel_loop3A_72, %parallel_loop3A_73] {strides = array<i32>} : memref<16x1664xi32, #tpu.memory_space<vmem>>, vector<16xi32>,
      %parallel_loop3A_75 = tpu.vector_load_idx %arg5[%parallel_loop3A_74] : memref<50000xf32, #tpu.memory_space<vmem>>[vector<16xi32>], vector<16xf32>,
      %parallel_loop3A_76 = arith.constant 7 : i32
      %parallel_loop3A_77 = arith.index_cast %parallel_loop3A_76 : i32 to index
      %parallel_loop3A_78 = arith.index_cast %parallel_loop3A_70 : i32 to index
      %parallel_loop3A_79 = tpu.vector_load %arg7[%parallel_loop3A_77, %parallel_loop3A_78] {strides = array<i32>} : memref<16x1664xf32, #tpu.memory_space<vmem>>, vector<16xf32>,
      tpu.vector_store %arg7[%parallel_loop3A_77, %parallel_loop3A_78], %parallel_loop3A_75 {strides = array<i32>} : memref<16x1664xf32, #tpu.memory_space<vmem>>, vector<16xf32>,
    } {sc.loop_unroll_factor = 4 : i64, sc.parallel_access}
    %parallel_loop3A_46 = arith.constant 0 : i32
    %parallel_loop3A_47 = arith.constant 1664 : i32
    %parallel_loop3A_48 = arith.constant 16 : i32
    scf.for %parallel_loop3A_70 = %parallel_loop3A_46 to %parallel_loop3A_47 step %parallel_loop3A_48  : i32 {
      %parallel_loop3A_71 = arith.constant 8 : i32
      %parallel_loop3A_72 = arith.index_cast %parallel_loop3A_71 : i32 to index
      %parallel_loop3A_73 = arith.index_cast %parallel_loop3A_70 : i32 to index
      %parallel_loop3A_74 = tpu.vector_load %arg6[%parallel_loop3A_72, %parallel_loop3A_73] {strides = array<i32>} : memref<16x1664xi32, #tpu.memory_space<vmem>>, vector<16xi32>,
      %parallel_loop3A_75 = tpu.vector_load_idx %arg5[%parallel_loop3A_74] : memref<50000xf32, #tpu.memory_space<vmem>>[vector<16xi32>], vector<16xf32>,
      %parallel_loop3A_76 = arith.constant 8 : i32
      %parallel_loop3A_77 = arith.index_cast %parallel_loop3A_76 : i32 to index
      %parallel_loop3A_78 = arith.index_cast %parallel_loop3A_70 : i32 to index
      %parallel_loop3A_79 = tpu.vector_load %arg7[%parallel_loop3A_77, %parallel_loop3A_78] {strides = array<i32>} : memref<16x1664xf32, #tpu.memory_space<vmem>>, vector<16xf32>,
      tpu.vector_store %arg7[%parallel_loop3A_77, %parallel_loop3A_78], %parallel_loop3A_75 {strides = array<i32>} : memref<16x1664xf32, #tpu.memory_space<vmem>>, vector<16xf32>,
    } {sc.loop_unroll_factor = 4 : i64, sc.parallel_access}
    %parallel_loop3A_49 = arith.constant 0 : i32
    %parallel_loop3A_50 = arith.constant 1664 : i32
    %parallel_loop3A_51 = arith.constant 16 : i32
    scf.for %parallel_loop3A_70 = %parallel_loop3A_49 to %parallel_loop3A_50 step %parallel_loop3A_51  : i32 {
      %parallel_loop3A_71 = arith.constant 9 : i32
      %parallel_loop3A_72 = arith.index_cast %parallel_loop3A_71 : i32 to index
      %parallel_loop3A_73 = arith.index_cast %parallel_loop3A_70 : i32 to index
      %parallel_loop3A_74 = tpu.vector_load %arg6[%parallel_loop3A_72, %parallel_loop3A_73] {strides = array<i32>} : memref<16x1664xi32, #tpu.memory_space<vmem>>, vector<16xi32>,
      %parallel_loop3A_75 = tpu.vector_load_idx %arg5[%parallel_loop3A_74] : memref<50000xf32, #tpu.memory_space<vmem>>[vector<16xi32>], vector<16xf32>,
      %parallel_loop3A_76 = arith.constant 9 : i32
      %parallel_loop3A_77 = arith.index_cast %parallel_loop3A_76 : i32 to index
      %parallel_loop3A_78 = arith.index_cast %parallel_loop3A_70 : i32 to index
      %parallel_loop3A_79 = tpu.vector_load %arg7[%parallel_loop3A_77, %parallel_loop3A_78] {strides = array<i32>} : memref<16x1664xf32, #tpu.memory_space<vmem>>, vector<16xf32>,
      tpu.vector_store %arg7[%parallel_loop3A_77, %parallel_loop3A_78], %parallel_loop3A_75 {strides = array<i32>} : memref<16x1664xf32, #tpu.memory_space<vmem>>, vector<16xf32>,
    } {sc.loop_unroll_factor = 4 : i64, sc.parallel_access}
    %parallel_loop3A_52 = arith.constant 0 : i32
    %parallel_loop3A_53 = arith.constant 1664 : i32
    %parallel_loop3A_54 = arith.constant 16 : i32
    scf.for %parallel_loop3A_70 = %parallel_loop3A_52 to %parallel_loop3A_53 step %parallel_loop3A_54  : i32 {
      %parallel_loop3A_71 = arith.constant 10 : i32
      %parallel_loop3A_72 = arith.index_cast %parallel_loop3A_71 : i32 to index
      %parallel_loop3A_73 = arith.index_cast %parallel_loop3A_70 : i32 to index
      %parallel_loop3A_74 = tpu.vector_load %arg6[%parallel_loop3A_72, %parallel_loop3A_73] {strides = array<i32>} : memref<16x1664xi32, #tpu.memory_space<vmem>>, vector<16xi32>,
      %parallel_loop3A_75 = tpu.vector_load_idx %arg5[%parallel_loop3A_74] : memref<50000xf32, #tpu.memory_space<vmem>>[vector<16xi32>], vector<16xf32>,
      %parallel_loop3A_76 = arith.constant 10 : i32
      %parallel_loop3A_77 = arith.index_cast %parallel_loop3A_76 : i32 to index
      %parallel_loop3A_78 = arith.index_cast %parallel_loop3A_70 : i32 to index
      %parallel_loop3A_79 = tpu.vector_load %arg7[%parallel_loop3A_77, %parallel_loop3A_78] {strides = array<i32>} : memref<16x1664xf32, #tpu.memory_space<vmem>>, vector<16xf32>,
      tpu.vector_store %arg7[%parallel_loop3A_77, %parallel_loop3A_78], %parallel_loop3A_75 {strides = array<i32>} : memref<16x1664xf32, #tpu.memory_space<vmem>>, vector<16xf32>,
    } {sc.loop_unroll_factor = 4 : i64, sc.parallel_access}
    %parallel_loop3A_55 = arith.constant 0 : i32
    %parallel_loop3A_56 = arith.constant 1664 : i32
    %parallel_loop3A_57 = arith.constant 16 : i32
    scf.for %parallel_loop3A_70 = %parallel_loop3A_55 to %parallel_loop3A_56 step %parallel_loop3A_57  : i32 {
      %parallel_loop3A_71 = arith.constant 11 : i32
      %parallel_loop3A_72 = arith.index_cast %parallel_loop3A_71 : i32 to index
      %parallel_loop3A_73 = arith.index_cast %parallel_loop3A_70 : i32 to index
      %parallel_loop3A_74 = tpu.vector_load %arg6[%parallel_loop3A_72, %parallel_loop3A_73] {strides = array<i32>} : memref<16x1664xi32, #tpu.memory_space<vmem>>, vector<16xi32>,
      %parallel_loop3A_75 = tpu.vector_load_idx %arg5[%parallel_loop3A_74] : memref<50000xf32, #tpu.memory_space<vmem>>[vector<16xi32>], vector<16xf32>,
      %parallel_loop3A_76 = arith.constant 11 : i32
      %parallel_loop3A_77 = arith.index_cast %parallel_loop3A_76 : i32 to index
      %parallel_loop3A_78 = arith.index_cast %parallel_loop3A_70 : i32 to index
      %parallel_loop3A_79 = tpu.vector_load %arg7[%parallel_loop3A_77, %parallel_loop3A_78] {strides = array<i32>} : memref<16x1664xf32, #tpu.memory_space<vmem>>, vector<16xf32>,
      tpu.vector_store %arg7[%parallel_loop3A_77, %parallel_loop3A_78], %parallel_loop3A_75 {strides = array<i32>} : memref<16x1664xf32, #tpu.memory_space<vmem>>, vector<16xf32>,
    } {sc.loop_unroll_factor = 4 : i64, sc.parallel_access}
    %parallel_loop3A_58 = arith.constant 0 : i32
    %parallel_loop3A_59 = arith.constant 1664 : i32
    %parallel_loop3A_60 = arith.constant 16 : i32
    scf.for %parallel_loop3A_70 = %parallel_loop3A_58 to %parallel_loop3A_59 step %parallel_loop3A_60  : i32 {
      %parallel_loop3A_71 = arith.constant 12 : i32
      %parallel_loop3A_72 = arith.index_cast %parallel_loop3A_71 : i32 to index
      %parallel_loop3A_73 = arith.index_cast %parallel_loop3A_70 : i32 to index
      %parallel_loop3A_74 = tpu.vector_load %arg6[%parallel_loop3A_72, %parallel_loop3A_73] {strides = array<i32>} : memref<16x1664xi32, #tpu.memory_space<vmem>>, vector<16xi32>,
      %parallel_loop3A_75 = tpu.vector_load_idx %arg5[%parallel_loop3A_74] : memref<50000xf32, #tpu.memory_space<vmem>>[vector<16xi32>], vector<16xf32>,
      %parallel_loop3A_76 = arith.constant 12 : i32
      %parallel_loop3A_77 = arith.index_cast %parallel_loop3A_76 : i32 to index
      %parallel_loop3A_78 = arith.index_cast %parallel_loop3A_70 : i32 to index
      %parallel_loop3A_79 = tpu.vector_load %arg7[%parallel_loop3A_77, %parallel_loop3A_78] {strides = array<i32>} : memref<16x1664xf32, #tpu.memory_space<vmem>>, vector<16xf32>,
      tpu.vector_store %arg7[%parallel_loop3A_77, %parallel_loop3A_78], %parallel_loop3A_75 {strides = array<i32>} : memref<16x1664xf32, #tpu.memory_space<vmem>>, vector<16xf32>,
    } {sc.loop_unroll_factor = 4 : i64, sc.parallel_access}
    %parallel_loop3A_61 = arith.constant 0 : i32
    %parallel_loop3A_62 = arith.constant 1664 : i32
    %parallel_loop3A_63 = arith.constant 16 : i32
    scf.for %parallel_loop3A_70 = %parallel_loop3A_61 to %parallel_loop3A_62 step %parallel_loop3A_63  : i32 {
      %parallel_loop3A_71 = arith.constant 13 : i32
      %parallel_loop3A_72 = arith.index_cast %parallel_loop3A_71 : i32 to index
      %parallel_loop3A_73 = arith.index_cast %parallel_loop3A_70 : i32 to index
      %parallel_loop3A_74 = tpu.vector_load %arg6[%parallel_loop3A_72, %parallel_loop3A_73] {strides = array<i32>} : memref<16x1664xi32, #tpu.memory_space<vmem>>, vector<16xi32>,
      %parallel_loop3A_75 = tpu.vector_load_idx %arg5[%parallel_loop3A_74] : memref<50000xf32, #tpu.memory_space<vmem>>[vector<16xi32>], vector<16xf32>,
      %parallel_loop3A_76 = arith.constant 13 : i32
      %parallel_loop3A_77 = arith.index_cast %parallel_loop3A_76 : i32 to index
      %parallel_loop3A_78 = arith.index_cast %parallel_loop3A_70 : i32 to index
      %parallel_loop3A_79 = tpu.vector_load %arg7[%parallel_loop3A_77, %parallel_loop3A_78] {strides = array<i32>} : memref<16x1664xf32, #tpu.memory_space<vmem>>, vector<16xf32>,
      tpu.vector_store %arg7[%parallel_loop3A_77, %parallel_loop3A_78], %parallel_loop3A_75 {strides = array<i32>} : memref<16x1664xf32, #tpu.memory_space<vmem>>, vector<16xf32>,
    } {sc.loop_unroll_factor = 4 : i64, sc.parallel_access}
    %parallel_loop3A_64 = arith.constant 0 : i32
    %parallel_loop3A_65 = arith.constant 1664 : i32
    %parallel_loop3A_66 = arith.constant 16 : i32
    scf.for %parallel_loop3A_70 = %parallel_loop3A_64 to %parallel_loop3A_65 step %parallel_loop3A_66  : i32 {
      %parallel_loop3A_71 = arith.constant 14 : i32
      %parallel_loop3A_72 = arith.index_cast %parallel_loop3A_71 : i32 to index
      %parallel_loop3A_73 = arith.index_cast %parallel_loop3A_70 : i32 to index
      %parallel_loop3A_74 = tpu.vector_load %arg6[%parallel_loop3A_72, %parallel_loop3A_73] {strides = array<i32>} : memref<16x1664xi32, #tpu.memory_space<vmem>>, vector<16xi32>,
      %parallel_loop3A_75 = tpu.vector_load_idx %arg5[%parallel_loop3A_74] : memref<50000xf32, #tpu.memory_space<vmem>>[vector<16xi32>], vector<16xf32>,
      %parallel_loop3A_76 = arith.constant 14 : i32
      %parallel_loop3A_77 = arith.index_cast %parallel_loop3A_76 : i32 to index
      %parallel_loop3A_78 = arith.index_cast %parallel_loop3A_70 : i32 to index
      %parallel_loop3A_79 = tpu.vector_load %arg7[%parallel_loop3A_77, %parallel_loop3A_78] {strides = array<i32>} : memref<16x1664xf32, #tpu.memory_space<vmem>>, vector<16xf32>,
      tpu.vector_store %arg7[%parallel_loop3A_77, %parallel_loop3A_78], %parallel_loop3A_75 {strides = array<i32>} : memref<16x1664xf32, #tpu.memory_space<vmem>>, vector<16xf32>,
    } {sc.loop_unroll_factor = 4 : i64, sc.parallel_access}
    %parallel_loop3A_67 = arith.constant 0 : i32
    %parallel_loop3A_68 = arith.constant 1664 : i32
    %parallel_loop3A_69 = arith.constant 16 : i32
    scf.for %parallel_loop3A_70 = %parallel_loop3A_67 to %parallel_loop3A_68 step %parallel_loop3A_69  : i32 {
      %parallel_loop3A_71 = arith.constant 15 : i32
      %parallel_loop3A_72 = arith.index_cast %parallel_loop3A_71 : i32 to index
      %parallel_loop3A_73 = arith.index_cast %parallel_loop3A_70 : i32 to index
      %parallel_loop3A_74 = tpu.vector_load %arg6[%parallel_loop3A_72, %parallel_loop3A_73] {strides = array<i32>} : memref<16x1664xi32, #tpu.memory_space<vmem>>, vector<16xi32>,
      %parallel_loop3A_75 = tpu.vector_load_idx %arg5[%parallel_loop3A_74] : memref<50000xf32, #tpu.memory_space<vmem>>[vector<16xi32>], vector<16xf32>,
      %parallel_loop3A_76 = arith.constant 15 : i32
      %parallel_loop3A_77 = arith.index_cast %parallel_loop3A_76 : i32 to index
      %parallel_loop3A_78 = arith.index_cast %parallel_loop3A_70 : i32 to index
      %parallel_loop3A_79 = tpu.vector_load %arg7[%parallel_loop3A_77, %parallel_loop3A_78] {strides = array<i32>} : memref<16x1664xf32, #tpu.memory_space<vmem>>, vector<16xf32>,
      tpu.vector_store %arg7[%parallel_loop3A_77, %parallel_loop3A_78], %parallel_loop3A_75 {strides = array<i32>} : memref<16x1664xf32, #tpu.memory_space<vmem>>, vector<16xf32>,
    } {sc.loop_unroll_factor = 4 : i64, sc.parallel_access}
    "tpu.region"() ({
      %run_scoped3A = tpu.sem_alloc : memref<!tpu.dma_semaphore, #tpu.memory_space<semaphore_mem>>
      %dma_start3A_70 = arith.constant 0 : i32
      %dma_start3A_71 = tpu.memref_slice %arg4[%dma_start3A_70, %mul3A_2] : memref<16x53248xf32, #tpu.memory_space<hbm>> -> memref<16x1664xf32, #tpu.memory_space<hbm>>
      %dma_start3A_72 = arith.constant 0 : i32
      %dma_start3A_73 = tpu.memref_slice %arg4[%dma_start3A_72, %mul3A_2] : memref<16x53248xf32, #tpu.memory_space<hbm>> -> memref<16x1664xf32, #tpu.memory_space<hbm>>
      tpu.enqueue_dma source(%arg7 : memref<16x1664xf32, #tpu.memory_space<vmem>>) target(%dma_start3A_73 : memref<16x1664xf32, #tpu.memory_space<hbm>>) target_semaphore(%run_scoped3A : memref<!tpu.dma_semaphore, #tpu.memory_space<semaphore_mem>>)
      %dma_wait3A_74 = arith.constant 0 : i32
      %dma_wait3A_75 = tpu.memref_slice %arg4[%dma_wait3A_74, %mul3A_2] : memref<16x53248xf32, #tpu.memory_space<hbm>> -> memref<16x1664xf32, #tpu.memory_space<hbm>>
      %dma_wait3A_76 = arith.constant 0 : i32
      %dma_wait3A_77 = tpu.memref_slice %arg4[%dma_wait3A_76, %mul3A_2] : memref<16x53248xf32, #tpu.memory_space<hbm>> -> memref<16x1664xf32, #tpu.memory_space<hbm>>
      tpu.wait_dma2 semaphore(%run_scoped3A : memref<!tpu.dma_semaphore, #tpu.memory_space<semaphore_mem>>) src(%arg7 : memref<16x1664xf32, #tpu.memory_space<vmem>>) dst(%dma_wait3A_77 : memref<16x1664xf32, #tpu.memory_space<hbm>>)
      tpu.yield
    }) : () -> ()
    return
  }
}

#map = affine_map<(d0, d1) -> (0, 0)>
module attributes {stable_mosaic.version = 14 : i64} {
  func.func @gather_kernel(%arg0: i32, %arg1: i32, %arg2: memref<1x50000xf32, #tpu.memory_space<hbm>>, %arg3: memref<16x53248xi32, #tpu.memory_space<hbm>>, %arg4: memref<16x53248xf32, #tpu.memory_space<hbm>>, %arg5: memref<50000xf32, #tpu.memory_space<vmem>>, %arg6: memref<16x1664xi32, #tpu.memory_space<vmem>>, %arg7: memref<16x1664xf32, #tpu.memory_space<vmem>>, %arg8: memref<!tpu.dma_semaphore, #tpu.memory_space<semaphore_mem>>, %arg9: memref<!tpu.dma_semaphore, #tpu.memory_space<semaphore_mem>>) attributes {dimension_semantics = [#tpu.dimension_semantics<core_parallel>, #tpu.dimension_semantics<subcore_parallel>], iteration_bounds = array<i64: 2, 16>, scalar_prefetch = 0 : i64, scratch_operands = 5 : i64, tpu.core_type = #tpu.core_type<sc_vector_subcore>, window_params = [{transform_indices = #map}, {transform_indices = #map}, {transform_indices = #map}]} {
    %mul3A = arith.constant 2 : i32
    %mul3A_0 = arith.muli %arg1, %mul3A : i32
    %add3A = arith.addi %mul3A_0, %arg0 : i32
    %mul3A_1 = arith.constant 1664 : i32
    %mul3A_2 = arith.muli %add3A, %mul3A_1 : i32
    %dma_start3A = arith.constant 0 : i32
    %dma_start3A_3 = arith.constant 0 : i32
    %dma_start3A_4 = tpu.memref_slice %arg2[%dma_start3A, %dma_start3A_3] : memref<1x50000xf32, #tpu.memory_space<hbm>> -> memref<1x50000xf32, #tpu.memory_space<hbm>>
    %dma_start3A_5 = tpu.memref_squeeze %dma_start3A_4 : memref<1x50000xf32, #tpu.memory_space<hbm>> -> memref<50000xf32, #tpu.memory_space<hbm>>
    %dma_start3A_6 = arith.constant 0 : i32
    %dma_start3A_7 = tpu.memref_slice %arg2[%dma_start3A, %dma_start3A_6] : memref<1x50000xf32, #tpu.memory_space<hbm>> -> memref<1x50000xf32, #tpu.memory_space<hbm>>
    %dma_start3A_8 = tpu.memref_squeeze %dma_start3A_7 : memref<1x50000xf32, #tpu.memory_space<hbm>> -> memref<50000xf32, #tpu.memory_space<hbm>>
    tpu.enqueue_dma source(%dma_start3A_8 : memref<50000xf32, #tpu.memory_space<hbm>>) target(%arg5 : memref<50000xf32, #tpu.memory_space<vmem>>) target_semaphore(%arg8 : memref<!tpu.dma_semaphore, #tpu.memory_space<semaphore_mem>>)
    %dma_start3A_9 = arith.constant 0 : i32
    %dma_start3A_10 = tpu.memref_slice %arg3[%dma_start3A_9, %mul3A_2] : memref<16x53248xi32, #tpu.memory_space<hbm>> -> memref<16x1664xi32, #tpu.memory_space<hbm>>
    %dma_start3A_11 = arith.constant 0 : i32
    %dma_start3A_12 = tpu.memref_slice %arg3[%dma_start3A_11, %mul3A_2] : memref<16x53248xi32, #tpu.memory_space<hbm>> -> memref<16x1664xi32, #tpu.memory_space<hbm>>
    tpu.enqueue_dma source(%dma_start3A_12 : memref<16x1664xi32, #tpu.memory_space<hbm>>) target(%arg6 : memref<16x1664xi32, #tpu.memory_space<vmem>>) target_semaphore(%arg9 : memref<!tpu.dma_semaphore, #tpu.memory_space<semaphore_mem>>)
    %dma_wait3A = arith.constant 0 : i32
    %dma_wait3A_13 = arith.constant 0 : i32
    %dma_wait3A_14 = tpu.memref_slice %arg2[%dma_wait3A, %dma_wait3A_13] : memref<1x50000xf32, #tpu.memory_space<hbm>> -> memref<1x50000xf32, #tpu.memory_space<hbm>>
    %dma_wait3A_15 = tpu.memref_squeeze %dma_wait3A_14 : memref<1x50000xf32, #tpu.memory_space<hbm>> -> memref<50000xf32, #tpu.memory_space<hbm>>
    %dma_wait3A_16 = arith.constant 0 : i32
    %dma_wait3A_17 = tpu.memref_slice %arg2[%dma_wait3A, %dma_wait3A_16] : memref<1x50000xf32, #tpu.memory_space<hbm>> -> memref<1x50000xf32, #tpu.memory_space<hbm>>
    %dma_wait3A_18 = tpu.memref_squeeze %dma_wait3A_17 : memref<1x50000xf32, #tpu.memory_space<hbm>> -> memref<50000xf32, #tpu.memory_space<hbm>>
    tpu.wait_dma2 semaphore(%arg8 : memref<!tpu.dma_semaphore, #tpu.memory_space<semaphore_mem>>) src(%dma_wait3A_18 : memref<50000xf32, #tpu.memory_space<hbm>>) dst(%arg5 : memref<50000xf32, #tpu.memory_space<vmem>>)
    %dma_wait3A_19 = arith.constant 0 : i32
    %dma_wait3A_20 = tpu.memref_slice %arg3[%dma_wait3A_19, %mul3A_2] : memref<16x53248xi32, #tpu.memory_space<hbm>> -> memref<16x1664xi32, #tpu.memory_space<hbm>>
    %dma_wait3A_21 = arith.constant 0 : i32
    %dma_wait3A_22 = tpu.memref_slice %arg3[%dma_wait3A_21, %mul3A_2] : memref<16x53248xi32, #tpu.memory_space<hbm>> -> memref<16x1664xi32, #tpu.memory_space<hbm>>
    tpu.wait_dma2 semaphore(%arg9 : memref<!tpu.dma_semaphore, #tpu.memory_space<semaphore_mem>>) src(%dma_wait3A_22 : memref<16x1664xi32, #tpu.memory_space<hbm>>) dst(%arg6 : memref<16x1664xi32, #tpu.memory_space<vmem>>)
    %parallel_loop3A = arith.constant 0 : i32
    %parallel_loop3A_23 = arith.constant 1664 : i32
    %parallel_loop3A_24 = arith.constant 16 : i32
    scf.for %parallel_loop3A_70 = %parallel_loop3A to %parallel_loop3A_23 step %parallel_loop3A_24  : i32 {
      %parallel_loop3A_71 = arith.constant 0 : i32
      %parallel_loop3A_72 = arith.index_cast %parallel_loop3A_71 : i32 to index
      %parallel_loop3A_73 = arith.index_cast %parallel_loop3A_70 : i32 to index
      %parallel_loop3A_74 = tpu.vector_load %arg6[%parallel_loop3A_72, %parallel_loop3A_73] {strides = array<i32>} : memref<16x1664xi32, #tpu.memory_space<vmem>>, vector<16xi32>,
      %parallel_loop3A_75 = tpu.vector_load_idx %arg5[%parallel_loop3A_74] : memref<50000xf32, #tpu.memory_space<vmem>>[vector<16xi32>], vector<16xf32>,
      %parallel_loop3A_76 = arith.constant 0 : i32
      %parallel_loop3A_77 = arith.index_cast %parallel_loop3A_76 : i32 to index
      %parallel_loop3A_78 = arith.index_cast %parallel_loop3A_70 : i32 to index
      %parallel_loop3A_79 = tpu.vector_load %arg7[%parallel_loop3A_77, %parallel_loop3A_78] {strides = array<i32>} : memref<16x1664xf32, #tpu.memory_space<vmem>>, vector<16xf32>,
      tpu.vector_store %arg7[%parallel_loop3A_77, %parallel_loop3A_78], %parallel_loop3A_75 {strides = array<i32>} : memref<16x1664xf32, #tpu.memory_space<vmem>>, vector<16xf32>,
    } {sc.loop_unroll_factor = 4 : i64, sc.parallel_access}
    %parallel_loop3A_25 = arith.constant 0 : i32
    %parallel_loop3A_26 = arith.constant 1664 : i32
    %parallel_loop3A_27 = arith.constant 16 : i32
    scf.for %parallel_loop3A_70 = %parallel_loop3A_25 to %parallel_loop3A_26 step %parallel_loop3A_27  : i32 {
      %parallel_loop3A_71 = arith.constant 1 : i32
      %parallel_loop3A_72 = arith.index_cast %parallel_loop3A_71 : i32 to index
      %parallel_loop3A_73 = arith.index_cast %parallel_loop3A_70 : i32 to index
      %parallel_loop3A_74 = tpu.vector_load %arg6[%parallel_loop3A_72, %parallel_loop3A_73] {strides = array<i32>} : memref<16x1664xi32, #tpu.memory_space<vmem>>, vector<16xi32>,
      %parallel_loop3A_75 = tpu.vector_load_idx %arg5[%parallel_loop3A_74] : memref<50000xf32, #tpu.memory_space<vmem>>[vector<16xi32>], vector<16xf32>,
      %parallel_loop3A_76 = arith.constant 1 : i32
      %parallel_loop3A_77 = arith.index_cast %parallel_loop3A_76 : i32 to index
      %parallel_loop3A_78 = arith.index_cast %parallel_loop3A_70 : i32 to index
      %parallel_loop3A_79 = tpu.vector_load %arg7[%parallel_loop3A_77, %parallel_loop3A_78] {strides = array<i32>} : memref<16x1664xf32, #tpu.memory_space<vmem>>, vector<16xf32>,
      tpu.vector_store %arg7[%parallel_loop3A_77, %parallel_loop3A_78], %parallel_loop3A_75 {strides = array<i32>} : memref<16x1664xf32, #tpu.memory_space<vmem>>, vector<16xf32>,
    } {sc.loop_unroll_factor = 4 : i64, sc.parallel_access}
    %parallel_loop3A_28 = arith.constant 0 : i32
    %parallel_loop3A_29 = arith.constant 1664 : i32
    %parallel_loop3A_30 = arith.constant 16 : i32
    scf.for %parallel_loop3A_70 = %parallel_loop3A_28 to %parallel_loop3A_29 step %parallel_loop3A_30  : i32 {
      %parallel_loop3A_71 = arith.constant 2 : i32
      %parallel_loop3A_72 = arith.index_cast %parallel_loop3A_71 : i32 to index
      %parallel_loop3A_73 = arith.index_cast %parallel_loop3A_70 : i32 to index
      %parallel_loop3A_74 = tpu.vector_load %arg6[%parallel_loop3A_72, %parallel_loop3A_73] {strides = array<i32>} : memref<16x1664xi32, #tpu.memory_space<vmem>>, vector<16xi32>,
      %parallel_loop3A_75 = tpu.vector_load_idx %arg5[%parallel_loop3A_74] : memref<50000xf32, #tpu.memory_space<vmem>>[vector<16xi32>], vector<16xf32>,
      %parallel_loop3A_76 = arith.constant 2 : i32
      %parallel_loop3A_77 = arith.index_cast %parallel_loop3A_76 : i32 to index
      %parallel_loop3A_78 = arith.index_cast %parallel_loop3A_70 : i32 to index
      %parallel_loop3A_79 = tpu.vector_load %arg7[%parallel_loop3A_77, %parallel_loop3A_78] {strides = array<i32>} : memref<16x1664xf32, #tpu.memory_space<vmem>>, vector<16xf32>,
      tpu.vector_store %arg7[%parallel_loop3A_77, %parallel_loop3A_78], %parallel_loop3A_75 {strides = array<i32>} : memref<16x1664xf32, #tpu.memory_space<vmem>>, vector<16xf32>,
    } {sc.loop_unroll_factor = 4 : i64, sc.parallel_access}
    %parallel_loop3A_31 = arith.constant 0 : i32
    %parallel_loop3A_32 = arith.constant 1664 : i32
    %parallel_loop3A_33 = arith.constant 16 : i32
    scf.for %parallel_loop3A_70 = %parallel_loop3A_31 to %parallel_loop3A_32 step %parallel_loop3A_33  : i32 {
      %parallel_loop3A_71 = arith.constant 3 : i32
      %parallel_loop3A_72 = arith.index_cast %parallel_loop3A_71 : i32 to index
      %parallel_loop3A_73 = arith.index_cast %parallel_loop3A_70 : i32 to index
      %parallel_loop3A_74 = tpu.vector_load %arg6[%parallel_loop3A_72, %parallel_loop3A_73] {strides = array<i32>} : memref<16x1664xi32, #tpu.memory_space<vmem>>, vector<16xi32>,
      %parallel_loop3A_75 = tpu.vector_load_idx %arg5[%parallel_loop3A_74] : memref<50000xf32, #tpu.memory_space<vmem>>[vector<16xi32>], vector<16xf32>,
      %parallel_loop3A_76 = arith.constant 3 : i32
      %parallel_loop3A_77 = arith.index_cast %parallel_loop3A_76 : i32 to index
      %parallel_loop3A_78 = arith.index_cast %parallel_loop3A_70 : i32 to index
      %parallel_loop3A_79 = tpu.vector_load %arg7[%parallel_loop3A_77, %parallel_loop3A_78] {strides = array<i32>} : memref<16x1664xf32, #tpu.memory_space<vmem>>, vector<16xf32>,
      tpu.vector_store %arg7[%parallel_loop3A_77, %parallel_loop3A_78], %parallel_loop3A_75 {strides = array<i32>} : memref<16x1664xf32, #tpu.memory_space<vmem>>, vector<16xf32>,
    } {sc.loop_unroll_factor = 4 : i64, sc.parallel_access}
    %parallel_loop3A_34 = arith.constant 0 : i32
    %parallel_loop3A_35 = arith.constant 1664 : i32
    %parallel_loop3A_36 = arith.constant 16 : i32
    scf.for %parallel_loop3A_70 = %parallel_loop3A_34 to %parallel_loop3A_35 step %parallel_loop3A_36  : i32 {
      %parallel_loop3A_71 = arith.constant 4 : i32
      %parallel_loop3A_72 = arith.index_cast %parallel_loop3A_71 : i32 to index
      %parallel_loop3A_73 = arith.index_cast %parallel_loop3A_70 : i32 to index
      %parallel_loop3A_74 = tpu.vector_load %arg6[%parallel_loop3A_72, %parallel_loop3A_73] {strides = array<i32>} : memref<16x1664xi32, #tpu.memory_space<vmem>>, vector<16xi32>,
      %parallel_loop3A_75 = tpu.vector_load_idx %arg5[%parallel_loop3A_74] : memref<50000xf32, #tpu.memory_space<vmem>>[vector<16xi32>], vector<16xf32>,
      %parallel_loop3A_76 = arith.constant 4 : i32
      %parallel_loop3A_77 = arith.index_cast %parallel_loop3A_76 : i32 to index
      %parallel_loop3A_78 = arith.index_cast %parallel_loop3A_70 : i32 to index
      %parallel_loop3A_79 = tpu.vector_load %arg7[%parallel_loop3A_77, %parallel_loop3A_78] {strides = array<i32>} : memref<16x1664xf32, #tpu.memory_space<vmem>>, vector<16xf32>,
      tpu.vector_store %arg7[%parallel_loop3A_77, %parallel_loop3A_78], %parallel_loop3A_75 {strides = array<i32>} : memref<16x1664xf32, #tpu.memory_space<vmem>>, vector<16xf32>,
    } {sc.loop_unroll_factor = 4 : i64, sc.parallel_access}
    %parallel_loop3A_37 = arith.constant 0 : i32
    %parallel_loop3A_38 = arith.constant 1664 : i32
    %parallel_loop3A_39 = arith.constant 16 : i32
    scf.for %parallel_loop3A_70 = %parallel_loop3A_37 to %parallel_loop3A_38 step %parallel_loop3A_39  : i32 {
      %parallel_loop3A_71 = arith.constant 5 : i32
      %parallel_loop3A_72 = arith.index_cast %parallel_loop3A_71 : i32 to index
      %parallel_loop3A_73 = arith.index_cast %parallel_loop3A_70 : i32 to index
      %parallel_loop3A_74 = tpu.vector_load %arg6[%parallel_loop3A_72, %parallel_loop3A_73] {strides = array<i32>} : memref<16x1664xi32, #tpu.memory_space<vmem>>, vector<16xi32>,
      %parallel_loop3A_75 = tpu.vector_load_idx %arg5[%parallel_loop3A_74] : memref<50000xf32, #tpu.memory_space<vmem>>[vector<16xi32>], vector<16xf32>,
      %parallel_loop3A_76 = arith.constant 5 : i32
      %parallel_loop3A_77 = arith.index_cast %parallel_loop3A_76 : i32 to index
      %parallel_loop3A_78 = arith.index_cast %parallel_loop3A_70 : i32 to index
      %parallel_loop3A_79 = tpu.vector_load %arg7[%parallel_loop3A_77, %parallel_loop3A_78] {strides = array<i32>} : memref<16x1664xf32, #tpu.memory_space<vmem>>, vector<16xf32>,
      tpu.vector_store %arg7[%parallel_loop3A_77, %parallel_loop3A_78], %parallel_loop3A_75 {strides = array<i32>} : memref<16x1664xf32, #tpu.memory_space<vmem>>, vector<16xf32>,
    } {sc.loop_unroll_factor = 4 : i64, sc.parallel_access}
    %parallel_loop3A_40 = arith.constant 0 : i32
    %parallel_loop3A_41 = arith.constant 1664 : i32
    %parallel_loop3A_42 = arith.constant 16 : i32
    scf.for %parallel_loop3A_70 = %parallel_loop3A_40 to %parallel_loop3A_41 step %parallel_loop3A_42  : i32 {
      %parallel_loop3A_71 = arith.constant 6 : i32
      %parallel_loop3A_72 = arith.index_cast %parallel_loop3A_71 : i32 to index
      %parallel_loop3A_73 = arith.index_cast %parallel_loop3A_70 : i32 to index
      %parallel_loop3A_74 = tpu.vector_load %arg6[%parallel_loop3A_72, %parallel_loop3A_73] {strides = array<i32>} : memref<16x1664xi32, #tpu.memory_space<vmem>>, vector<16xi32>,
      %parallel_loop3A_75 = tpu.vector_load_idx %arg5[%parallel_loop3A_74] : memref<50000xf32, #tpu.memory_space<vmem>>[vector<16xi32>], vector<16xf32>,
      %parallel_loop3A_76 = arith.constant 6 : i32
      %parallel_loop3A_77 = arith.index_cast %parallel_loop3A_76 : i32 to index
      %parallel_loop3A_78 = arith.index_cast %parallel_loop3A_70 : i32 to index
      %parallel_loop3A_79 = tpu.vector_load %arg7[%parallel_loop3A_77, %parallel_loop3A_78] {strides = array<i32>} : memref<16x1664xf32, #tpu.memory_space<vmem>>, vector<16xf32>,
      tpu.vector_store %arg7[%parallel_loop3A_77, %parallel_loop3A_78], %parallel_loop3A_75 {strides = array<i32>} : memref<16x1664xf32, #tpu.memory_space<vmem>>, vector<16xf32>,
    } {sc.loop_unroll_factor = 4 : i64, sc.parallel_access}
    %parallel_loop3A_43 = arith.constant 0 : i32
    %parallel_loop3A_44 = arith.constant 1664 : i32
    %parallel_loop3A_45 = arith.constant 16 : i32
    scf.for %parallel_loop3A_70 = %parallel_loop3A_43 to %parallel_loop3A_44 step %parallel_loop3A_45  : i32 {
      %parallel_loop3A_71 = arith.constant 7 : i32
      %parallel_loop3A_72 = arith.index_cast %parallel_loop3A_71 : i32 to index
      %parallel_loop3A_73 = arith.index_cast %parallel_loop3A_70 : i32 to index
      %parallel_loop3A_74 = tpu.vector_load %arg6[%parallel_loop3A_72, %parallel_loop3A_73] {strides = array<i32>} : memref<16x1664xi32, #tpu.memory_space<vmem>>, vector<16xi32>,
      %parallel_loop3A_75 = tpu.vector_load_idx %arg5[%parallel_loop3A_74] : memref<50000xf32, #tpu.memory_space<vmem>>[vector<16xi32>], vector<16xf32>,
      %parallel_loop3A_76 = arith.constant 7 : i32
      %parallel_loop3A_77 = arith.index_cast %parallel_loop3A_76 : i32 to index
      %parallel_loop3A_78 = arith.index_cast %parallel_loop3A_70 : i32 to index
      %parallel_loop3A_79 = tpu.vector_load %arg7[%parallel_loop3A_77, %parallel_loop3A_78] {strides = array<i32>} : memref<16x1664xf32, #tpu.memory_space<vmem>>, vector<16xf32>,
      tpu.vector_store %arg7[%parallel_loop3A_77, %parallel_loop3A_78], %parallel_loop3A_75 {strides = array<i32>} : memref<16x1664xf32, #tpu.memory_space<vmem>>, vector<16xf32>,
    } {sc.loop_unroll_factor = 4 : i64, sc.parallel_access}
    %parallel_loop3A_46 = arith.constant 0 : i32
    %parallel_loop3A_47 = arith.constant 1664 : i32
    %parallel_loop3A_48 = arith.constant 16 : i32
    scf.for %parallel_loop3A_70 = %parallel_loop3A_46 to %parallel_loop3A_47 step %parallel_loop3A_48  : i32 {
      %parallel_loop3A_71 = arith.constant 8 : i32
      %parallel_loop3A_72 = arith.index_cast %parallel_loop3A_71 : i32 to index
      %parallel_loop3A_73 = arith.index_cast %parallel_loop3A_70 : i32 to index
      %parallel_loop3A_74 = tpu.vector_load %arg6[%parallel_loop3A_72, %parallel_loop3A_73] {strides = array<i32>} : memref<16x1664xi32, #tpu.memory_space<vmem>>, vector<16xi32>,
      %parallel_loop3A_75 = tpu.vector_load_idx %arg5[%parallel_loop3A_74] : memref<50000xf32, #tpu.memory_space<vmem>>[vector<16xi32>], vector<16xf32>,
      %parallel_loop3A_76 = arith.constant 8 : i32
      %parallel_loop3A_77 = arith.index_cast %parallel_loop3A_76 : i32 to index
      %parallel_loop3A_78 = arith.index_cast %parallel_loop3A_70 : i32 to index
      %parallel_loop3A_79 = tpu.vector_load %arg7[%parallel_loop3A_77, %parallel_loop3A_78] {strides = array<i32>} : memref<16x1664xf32, #tpu.memory_space<vmem>>, vector<16xf32>,
      tpu.vector_store %arg7[%parallel_loop3A_77, %parallel_loop3A_78], %parallel_loop3A_75 {strides = array<i32>} : memref<16x1664xf32, #tpu.memory_space<vmem>>, vector<16xf32>,
    } {sc.loop_unroll_factor = 4 : i64, sc.parallel_access}
    %parallel_loop3A_49 = arith.constant 0 : i32
    %parallel_loop3A_50 = arith.constant 1664 : i32
    %parallel_loop3A_51 = arith.constant 16 : i32
    scf.for %parallel_loop3A_70 = %parallel_loop3A_49 to %parallel_loop3A_50 step %parallel_loop3A_51  : i32 {
      %parallel_loop3A_71 = arith.constant 9 : i32
      %parallel_loop3A_72 = arith.index_cast %parallel_loop3A_71 : i32 to index
      %parallel_loop3A_73 = arith.index_cast %parallel_loop3A_70 : i32 to index
      %parallel_loop3A_74 = tpu.vector_load %arg6[%parallel_loop3A_72, %parallel_loop3A_73] {strides = array<i32>} : memref<16x1664xi32, #tpu.memory_space<vmem>>, vector<16xi32>,
      %parallel_loop3A_75 = tpu.vector_load_idx %arg5[%parallel_loop3A_74] : memref<50000xf32, #tpu.memory_space<vmem>>[vector<16xi32>], vector<16xf32>,
      %parallel_loop3A_76 = arith.constant 9 : i32
      %parallel_loop3A_77 = arith.index_cast %parallel_loop3A_76 : i32 to index
      %parallel_loop3A_78 = arith.index_cast %parallel_loop3A_70 : i32 to index
      %parallel_loop3A_79 = tpu.vector_load %arg7[%parallel_loop3A_77, %parallel_loop3A_78] {strides = array<i32>} : memref<16x1664xf32, #tpu.memory_space<vmem>>, vector<16xf32>,
      tpu.vector_store %arg7[%parallel_loop3A_77, %parallel_loop3A_78], %parallel_loop3A_75 {strides = array<i32>} : memref<16x1664xf32, #tpu.memory_space<vmem>>, vector<16xf32>,
    } {sc.loop_unroll_factor = 4 : i64, sc.parallel_access}
    %parallel_loop3A_52 = arith.constant 0 : i32
    %parallel_loop3A_53 = arith.constant 1664 : i32
    %parallel_loop3A_54 = arith.constant 16 : i32
    scf.for %parallel_loop3A_70 = %parallel_loop3A_52 to %parallel_loop3A_53 step %parallel_loop3A_54  : i32 {
      %parallel_loop3A_71 = arith.constant 10 : i32
      %parallel_loop3A_72 = arith.index_cast %parallel_loop3A_71 : i32 to index
      %parallel_loop3A_73 = arith.index_cast %parallel_loop3A_70 : i32 to index
      %parallel_loop3A_74 = tpu.vector_load %arg6[%parallel_loop3A_72, %parallel_loop3A_73] {strides = array<i32>} : memref<16x1664xi32, #tpu.memory_space<vmem>>, vector<16xi32>,
      %parallel_loop3A_75 = tpu.vector_load_idx %arg5[%parallel_loop3A_74] : memref<50000xf32, #tpu.memory_space<vmem>>[vector<16xi32>], vector<16xf32>,
      %parallel_loop3A_76 = arith.constant 10 : i32
      %parallel_loop3A_77 = arith.index_cast %parallel_loop3A_76 : i32 to index
      %parallel_loop3A_78 = arith.index_cast %parallel_loop3A_70 : i32 to index
      %parallel_loop3A_79 = tpu.vector_load %arg7[%parallel_loop3A_77, %parallel_loop3A_78] {strides = array<i32>} : memref<16x1664xf32, #tpu.memory_space<vmem>>, vector<16xf32>,
      tpu.vector_store %arg7[%parallel_loop3A_77, %parallel_loop3A_78], %parallel_loop3A_75 {strides = array<i32>} : memref<16x1664xf32, #tpu.memory_space<vmem>>, vector<16xf32>,
    } {sc.loop_unroll_factor = 4 : i64, sc.parallel_access}
    %parallel_loop3A_55 = arith.constant 0 : i32
    %parallel_loop3A_56 = arith.constant 1664 : i32
    %parallel_loop3A_57 = arith.constant 16 : i32
    scf.for %parallel_loop3A_70 = %parallel_loop3A_55 to %parallel_loop3A_56 step %parallel_loop3A_57  : i32 {
      %parallel_loop3A_71 = arith.constant 11 : i32
      %parallel_loop3A_72 = arith.index_cast %parallel_loop3A_71 : i32 to index
      %parallel_loop3A_73 = arith.index_cast %parallel_loop3A_70 : i32 to index
      %parallel_loop3A_74 = tpu.vector_load %arg6[%parallel_loop3A_72, %parallel_loop3A_73] {strides = array<i32>} : memref<16x1664xi32, #tpu.memory_space<vmem>>, vector<16xi32>,
      %parallel_loop3A_75 = tpu.vector_load_idx %arg5[%parallel_loop3A_74] : memref<50000xf32, #tpu.memory_space<vmem>>[vector<16xi32>], vector<16xf32>,
      %parallel_loop3A_76 = arith.constant 11 : i32
      %parallel_loop3A_77 = arith.index_cast %parallel_loop3A_76 : i32 to index
      %parallel_loop3A_78 = arith.index_cast %parallel_loop3A_70 : i32 to index
      %parallel_loop3A_79 = tpu.vector_load %arg7[%parallel_loop3A_77, %parallel_loop3A_78] {strides = array<i32>} : memref<16x1664xf32, #tpu.memory_space<vmem>>, vector<16xf32>,
      tpu.vector_store %arg7[%parallel_loop3A_77, %parallel_loop3A_78], %parallel_loop3A_75 {strides = array<i32>} : memref<16x1664xf32, #tpu.memory_space<vmem>>, vector<16xf32>,
    } {sc.loop_unroll_factor = 4 : i64, sc.parallel_access}
    %parallel_loop3A_58 = arith.constant 0 : i32
    %parallel_loop3A_59 = arith.constant 1664 : i32
    %parallel_loop3A_60 = arith.constant 16 : i32
    scf.for %parallel_loop3A_70 = %parallel_loop3A_58 to %parallel_loop3A_59 step %parallel_loop3A_60  : i32 {
      %parallel_loop3A_71 = arith.constant 12 : i32
      %parallel_loop3A_72 = arith.index_cast %parallel_loop3A_71 : i32 to index
      %parallel_loop3A_73 = arith.index_cast %parallel_loop3A_70 : i32 to index
      %parallel_loop3A_74 = tpu.vector_load %arg6[%parallel_loop3A_72, %parallel_loop3A_73] {strides = array<i32>} : memref<16x1664xi32, #tpu.memory_space<vmem>>, vector<16xi32>,
      %parallel_loop3A_75 = tpu.vector_load_idx %arg5[%parallel_loop3A_74] : memref<50000xf32, #tpu.memory_space<vmem>>[vector<16xi32>], vector<16xf32>,
      %parallel_loop3A_76 = arith.constant 12 : i32
      %parallel_loop3A_77 = arith.index_cast %parallel_loop3A_76 : i32 to index
      %parallel_loop3A_78 = arith.index_cast %parallel_loop3A_70 : i32 to index
      %parallel_loop3A_79 = tpu.vector_load %arg7[%parallel_loop3A_77, %parallel_loop3A_78] {strides = array<i32>} : memref<16x1664xf32, #tpu.memory_space<vmem>>, vector<16xf32>,
      tpu.vector_store %arg7[%parallel_loop3A_77, %parallel_loop3A_78], %parallel_loop3A_75 {strides = array<i32>} : memref<16x1664xf32, #tpu.memory_space<vmem>>, vector<16xf32>,
    } {sc.loop_unroll_factor = 4 : i64, sc.parallel_access}
    %parallel_loop3A_61 = arith.constant 0 : i32
    %parallel_loop3A_62 = arith.constant 1664 : i32
    %parallel_loop3A_63 = arith.constant 16 : i32
    scf.for %parallel_loop3A_70 = %parallel_loop3A_61 to %parallel_loop3A_62 step %parallel_loop3A_63  : i32 {
      %parallel_loop3A_71 = arith.constant 13 : i32
      %parallel_loop3A_72 = arith.index_cast %parallel_loop3A_71 : i32 to index
      %parallel_loop3A_73 = arith.index_cast %parallel_loop3A_70 : i32 to index
      %parallel_loop3A_74 = tpu.vector_load %arg6[%parallel_loop3A_72, %parallel_loop3A_73] {strides = array<i32>} : memref<16x1664xi32, #tpu.memory_space<vmem>>, vector<16xi32>,
      %parallel_loop3A_75 = tpu.vector_load_idx %arg5[%parallel_loop3A_74] : memref<50000xf32, #tpu.memory_space<vmem>>[vector<16xi32>], vector<16xf32>,
      %parallel_loop3A_76 = arith.constant 13 : i32
      %parallel_loop3A_77 = arith.index_cast %parallel_loop3A_76 : i32 to index
      %parallel_loop3A_78 = arith.index_cast %parallel_loop3A_70 : i32 to index
      %parallel_loop3A_79 = tpu.vector_load %arg7[%parallel_loop3A_77, %parallel_loop3A_78] {strides = array<i32>} : memref<16x1664xf32, #tpu.memory_space<vmem>>, vector<16xf32>,
      tpu.vector_store %arg7[%parallel_loop3A_77, %parallel_loop3A_78], %parallel_loop3A_75 {strides = array<i32>} : memref<16x1664xf32, #tpu.memory_space<vmem>>, vector<16xf32>,
    } {sc.loop_unroll_factor = 4 : i64, sc.parallel_access}
    %parallel_loop3A_64 = arith.constant 0 : i32
    %parallel_loop3A_65 = arith.constant 1664 : i32
    %parallel_loop3A_66 = arith.constant 16 : i32
    scf.for %parallel_loop3A_70 = %parallel_loop3A_64 to %parallel_loop3A_65 step %parallel_loop3A_66  : i32 {
      %parallel_loop3A_71 = arith.constant 14 : i32
      %parallel_loop3A_72 = arith.index_cast %parallel_loop3A_71 : i32 to index
      %parallel_loop3A_73 = arith.index_cast %parallel_loop3A_70 : i32 to index
      %parallel_loop3A_74 = tpu.vector_load %arg6[%parallel_loop3A_72, %parallel_loop3A_73] {strides = array<i32>} : memref<16x1664xi32, #tpu.memory_space<vmem>>, vector<16xi32>,
      %parallel_loop3A_75 = tpu.vector_load_idx %arg5[%parallel_loop3A_74] : memref<50000xf32, #tpu.memory_space<vmem>>[vector<16xi32>], vector<16xf32>,
      %parallel_loop3A_76 = arith.constant 14 : i32
      %parallel_loop3A_77 = arith.index_cast %parallel_loop3A_76 : i32 to index
      %parallel_loop3A_78 = arith.index_cast %parallel_loop3A_70 : i32 to index
      %parallel_loop3A_79 = tpu.vector_load %arg7[%parallel_loop3A_77, %parallel_loop3A_78] {strides = array<i32>} : memref<16x1664xf32, #tpu.memory_space<vmem>>, vector<16xf32>,
      tpu.vector_store %arg7[%parallel_loop3A_77, %parallel_loop3A_78], %parallel_loop3A_75 {strides = array<i32>} : memref<16x1664xf32, #tpu.memory_space<vmem>>, vector<16xf32>,
    } {sc.loop_unroll_factor = 4 : i64, sc.parallel_access}
    %parallel_loop3A_67 = arith.constant 0 : i32
    %parallel_loop3A_68 = arith.constant 1664 : i32
    %parallel_loop3A_69 = arith.constant 16 : i32
    scf.for %parallel_loop3A_70 = %parallel_loop3A_67 to %parallel_loop3A_68 step %parallel_loop3A_69  : i32 {
      %parallel_loop3A_71 = arith.constant 15 : i32
      %parallel_loop3A_72 = arith.index_cast %parallel_loop3A_71 : i32 to index
      %parallel_loop3A_73 = arith.index_cast %parallel_loop3A_70 : i32 to index
      %parallel_loop3A_74 = tpu.vector_load %arg6[%parallel_loop3A_72, %parallel_loop3A_73] {strides = array<i32>} : memref<16x1664xi32, #tpu.memory_space<vmem>>, vector<16xi32>,
      %parallel_loop3A_75 = tpu.vector_load_idx %arg5[%parallel_loop3A_74] : memref<50000xf32, #tpu.memory_space<vmem>>[vector<16xi32>], vector<16xf32>,
      %parallel_loop3A_76 = arith.constant 15 : i32
      %parallel_loop3A_77 = arith.index_cast %parallel_loop3A_76 : i32 to index
      %parallel_loop3A_78 = arith.index_cast %parallel_loop3A_70 : i32 to index
      %parallel_loop3A_79 = tpu.vector_load %arg7[%parallel_loop3A_77, %parallel_loop3A_78] {strides = array<i32>} : memref<16x1664xf32, #tpu.memory_space<vmem>>, vector<16xf32>,
      tpu.vector_store %arg7[%parallel_loop3A_77, %parallel_loop3A_78], %parallel_loop3A_75 {strides = array<i32>} : memref<16x1664xf32, #tpu.memory_space<vmem>>, vector<16xf32>,
    } {sc.loop_unroll_factor = 4 : i64, sc.parallel_access}
    "tpu.region"() ({
      %run_scoped3A = tpu.sem_alloc : memref<!tpu.dma_semaphore, #tpu.memory_space<semaphore_mem>>
      %dma_start3A_70 = arith.constant 0 : i32
      %dma_start3A_71 = tpu.memref_slice %arg4[%dma_start3A_70, %mul3A_2] : memref<16x53248xf32, #tpu.memory_space<hbm>> -> memref<16x1664xf32, #tpu.memory_space<hbm>>
      %dma_start3A_72 = arith.constant 0 : i32
      %dma_start3A_73 = tpu.memref_slice %arg4[%dma_start3A_72, %mul3A_2] : memref<16x53248xf32, #tpu.memory_space<hbm>> -> memref<16x1664xf32, #tpu.memory_space<hbm>>
      tpu.enqueue_dma source(%arg7 : memref<16x1664xf32, #tpu.memory_space<vmem>>) target(%dma_start3A_73 : memref<16x1664xf32, #tpu.memory_space<hbm>>) target_semaphore(%run_scoped3A : memref<!tpu.dma_semaphore, #tpu.memory_space<semaphore_mem>>)
      %dma_wait3A_74 = arith.constant 0 : i32
      %dma_wait3A_75 = tpu.memref_slice %arg4[%dma_wait3A_74, %mul3A_2] : memref<16x53248xf32, #tpu.memory_space<hbm>> -> memref<16x1664xf32, #tpu.memory_space<hbm>>
      %dma_wait3A_76 = arith.constant 0 : i32
      %dma_wait3A_77 = tpu.memref_slice %arg4[%dma_wait3A_76, %mul3A_2] : memref<16x53248xf32, #tpu.memory_space<hbm>> -> memref<16x1664xf32, #tpu.memory_space<hbm>>
      tpu.wait_dma2 semaphore(%run_scoped3A : memref<!tpu.dma_semaphore, #tpu.memory_space<semaphore_mem>>) src(%arg7 : memref<16x1664xf32, #tpu.memory_space<vmem>>) dst(%dma_wait3A_77 : memref<16x1664xf32, #tpu.memory_space<hbm>>)
      tpu.yield
    }) : () -> ()
    return
  }
}

#map = affine_map<(d0, d1) -> (0, 0)>
module attributes {stable_mosaic.version = 14 : i64} {
  func.func @gather_kernel(%arg0: i32, %arg1: i32, %arg2: memref<1x50000xf32, #tpu.memory_space<hbm>>, %arg3: memref<16x53248xi32, #tpu.memory_space<hbm>>, %arg4: memref<16x53248xf32, #tpu.memory_space<hbm>>, %arg5: memref<50000xf32, #tpu.memory_space<vmem>>, %arg6: memref<16x1664xi32, #tpu.memory_space<vmem>>, %arg7: memref<16x1664xf32, #tpu.memory_space<vmem>>, %arg8: memref<!tpu.dma_semaphore, #tpu.memory_space<semaphore_mem>>, %arg9: memref<!tpu.dma_semaphore, #tpu.memory_space<semaphore_mem>>) attributes {dimension_semantics = [#tpu.dimension_semantics<core_parallel>, #tpu.dimension_semantics<subcore_parallel>], iteration_bounds = array<i64: 2, 16>, scalar_prefetch = 0 : i64, scratch_operands = 5 : i64, tpu.core_type = #tpu.core_type<sc_vector_subcore>, window_params = [{transform_indices = #map}, {transform_indices = #map}, {transform_indices = #map}]} {
    %mul3A = arith.constant 2 : i32
    %mul3A_0 = arith.muli %arg1, %mul3A : i32
    %add3A = arith.addi %mul3A_0, %arg0 : i32
    %mul3A_1 = arith.constant 1664 : i32
    %mul3A_2 = arith.muli %add3A, %mul3A_1 : i32
    %dma_start3A = arith.constant 0 : i32
    %dma_start3A_3 = arith.constant 0 : i32
    %dma_start3A_4 = tpu.memref_slice %arg2[%dma_start3A, %dma_start3A_3] : memref<1x50000xf32, #tpu.memory_space<hbm>> -> memref<1x50000xf32, #tpu.memory_space<hbm>>
    %dma_start3A_5 = tpu.memref_squeeze %dma_start3A_4 : memref<1x50000xf32, #tpu.memory_space<hbm>> -> memref<50000xf32, #tpu.memory_space<hbm>>
    %dma_start3A_6 = arith.constant 0 : i32
    %dma_start3A_7 = tpu.memref_slice %arg2[%dma_start3A, %dma_start3A_6] : memref<1x50000xf32, #tpu.memory_space<hbm>> -> memref<1x50000xf32, #tpu.memory_space<hbm>>
    %dma_start3A_8 = tpu.memref_squeeze %dma_start3A_7 : memref<1x50000xf32, #tpu.memory_space<hbm>> -> memref<50000xf32, #tpu.memory_space<hbm>>
    tpu.enqueue_dma source(%dma_start3A_8 : memref<50000xf32, #tpu.memory_space<hbm>>) target(%arg5 : memref<50000xf32, #tpu.memory_space<vmem>>) target_semaphore(%arg8 : memref<!tpu.dma_semaphore, #tpu.memory_space<semaphore_mem>>)
    %dma_start3A_9 = arith.constant 0 : i32
    %dma_start3A_10 = tpu.memref_slice %arg3[%dma_start3A_9, %mul3A_2] : memref<16x53248xi32, #tpu.memory_space<hbm>> -> memref<16x1664xi32, #tpu.memory_space<hbm>>
    %dma_start3A_11 = arith.constant 0 : i32
    %dma_start3A_12 = tpu.memref_slice %arg3[%dma_start3A_11, %mul3A_2] : memref<16x53248xi32, #tpu.memory_space<hbm>> -> memref<16x1664xi32, #tpu.memory_space<hbm>>
    tpu.enqueue_dma source(%dma_start3A_12 : memref<16x1664xi32, #tpu.memory_space<hbm>>) target(%arg6 : memref<16x1664xi32, #tpu.memory_space<vmem>>) target_semaphore(%arg9 : memref<!tpu.dma_semaphore, #tpu.memory_space<semaphore_mem>>)
    %dma_wait3A = arith.constant 0 : i32
    %dma_wait3A_13 = arith.constant 0 : i32
    %dma_wait3A_14 = tpu.memref_slice %arg2[%dma_wait3A, %dma_wait3A_13] : memref<1x50000xf32, #tpu.memory_space<hbm>> -> memref<1x50000xf32, #tpu.memory_space<hbm>>
    %dma_wait3A_15 = tpu.memref_squeeze %dma_wait3A_14 : memref<1x50000xf32, #tpu.memory_space<hbm>> -> memref<50000xf32, #tpu.memory_space<hbm>>
    %dma_wait3A_16 = arith.constant 0 : i32
    %dma_wait3A_17 = tpu.memref_slice %arg2[%dma_wait3A, %dma_wait3A_16] : memref<1x50000xf32, #tpu.memory_space<hbm>> -> memref<1x50000xf32, #tpu.memory_space<hbm>>
    %dma_wait3A_18 = tpu.memref_squeeze %dma_wait3A_17 : memref<1x50000xf32, #tpu.memory_space<hbm>> -> memref<50000xf32, #tpu.memory_space<hbm>>
    tpu.wait_dma2 semaphore(%arg8 : memref<!tpu.dma_semaphore, #tpu.memory_space<semaphore_mem>>) src(%dma_wait3A_18 : memref<50000xf32, #tpu.memory_space<hbm>>) dst(%arg5 : memref<50000xf32, #tpu.memory_space<vmem>>)
    %dma_wait3A_19 = arith.constant 0 : i32
    %dma_wait3A_20 = tpu.memref_slice %arg3[%dma_wait3A_19, %mul3A_2] : memref<16x53248xi32, #tpu.memory_space<hbm>> -> memref<16x1664xi32, #tpu.memory_space<hbm>>
    %dma_wait3A_21 = arith.constant 0 : i32
    %dma_wait3A_22 = tpu.memref_slice %arg3[%dma_wait3A_21, %mul3A_2] : memref<16x53248xi32, #tpu.memory_space<hbm>> -> memref<16x1664xi32, #tpu.memory_space<hbm>>
    tpu.wait_dma2 semaphore(%arg9 : memref<!tpu.dma_semaphore, #tpu.memory_space<semaphore_mem>>) src(%dma_wait3A_22 : memref<16x1664xi32, #tpu.memory_space<hbm>>) dst(%arg6 : memref<16x1664xi32, #tpu.memory_space<vmem>>)
    %parallel_loop3A = arith.constant 0 : i32
    %parallel_loop3A_23 = arith.constant 1664 : i32
    %parallel_loop3A_24 = arith.constant 16 : i32
    scf.for %parallel_loop3A_70 = %parallel_loop3A to %parallel_loop3A_23 step %parallel_loop3A_24  : i32 {
      %parallel_loop3A_71 = arith.constant 0 : i32
      %parallel_loop3A_72 = arith.index_cast %parallel_loop3A_71 : i32 to index
      %parallel_loop3A_73 = arith.index_cast %parallel_loop3A_70 : i32 to index
      %parallel_loop3A_74 = tpu.vector_load %arg6[%parallel_loop3A_72, %parallel_loop3A_73] {strides = array<i32>} : memref<16x1664xi32, #tpu.memory_space<vmem>>, vector<16xi32>,
      %parallel_loop3A_75 = tpu.vector_load_idx %arg5[%parallel_loop3A_74] : memref<50000xf32, #tpu.memory_space<vmem>>[vector<16xi32>], vector<16xf32>,
      %parallel_loop3A_76 = arith.constant 0 : i32
      %parallel_loop3A_77 = arith.index_cast %parallel_loop3A_76 : i32 to index
      %parallel_loop3A_78 = arith.index_cast %parallel_loop3A_70 : i32 to index
      %parallel_loop3A_79 = tpu.vector_load %arg7[%parallel_loop3A_77, %parallel_loop3A_78] {strides = array<i32>} : memref<16x1664xf32, #tpu.memory_space<vmem>>, vector<16xf32>,
      tpu.vector_store %arg7[%parallel_loop3A_77, %parallel_loop3A_78], %parallel_loop3A_75 {strides = array<i32>} : memref<16x1664xf32, #tpu.memory_space<vmem>>, vector<16xf32>,
    } {sc.loop_unroll_factor = 4 : i64, sc.parallel_access}
    %parallel_loop3A_25 = arith.constant 0 : i32
    %parallel_loop3A_26 = arith.constant 1664 : i32
    %parallel_loop3A_27 = arith.constant 16 : i32
    scf.for %parallel_loop3A_70 = %parallel_loop3A_25 to %parallel_loop3A_26 step %parallel_loop3A_27  : i32 {
      %parallel_loop3A_71 = arith.constant 1 : i32
      %parallel_loop3A_72 = arith.index_cast %parallel_loop3A_71 : i32 to index
      %parallel_loop3A_73 = arith.index_cast %parallel_loop3A_70 : i32 to index
      %parallel_loop3A_74 = tpu.vector_load %arg6[%parallel_loop3A_72, %parallel_loop3A_73] {strides = array<i32>} : memref<16x1664xi32, #tpu.memory_space<vmem>>, vector<16xi32>,
      %parallel_loop3A_75 = tpu.vector_load_idx %arg5[%parallel_loop3A_74] : memref<50000xf32, #tpu.memory_space<vmem>>[vector<16xi32>], vector<16xf32>,
      %parallel_loop3A_76 = arith.constant 1 : i32
      %parallel_loop3A_77 = arith.index_cast %parallel_loop3A_76 : i32 to index
      %parallel_loop3A_78 = arith.index_cast %parallel_loop3A_70 : i32 to index
      %parallel_loop3A_79 = tpu.vector_load %arg7[%parallel_loop3A_77, %parallel_loop3A_78] {strides = array<i32>} : memref<16x1664xf32, #tpu.memory_space<vmem>>, vector<16xf32>,
      tpu.vector_store %arg7[%parallel_loop3A_77, %parallel_loop3A_78], %parallel_loop3A_75 {strides = array<i32>} : memref<16x1664xf32, #tpu.memory_space<vmem>>, vector<16xf32>,
    } {sc.loop_unroll_factor = 4 : i64, sc.parallel_access}
    %parallel_loop3A_28 = arith.constant 0 : i32
    %parallel_loop3A_29 = arith.constant 1664 : i32
    %parallel_loop3A_30 = arith.constant 16 : i32
    scf.for %parallel_loop3A_70 = %parallel_loop3A_28 to %parallel_loop3A_29 step %parallel_loop3A_30  : i32 {
      %parallel_loop3A_71 = arith.constant 2 : i32
      %parallel_loop3A_72 = arith.index_cast %parallel_loop3A_71 : i32 to index
      %parallel_loop3A_73 = arith.index_cast %parallel_loop3A_70 : i32 to index
      %parallel_loop3A_74 = tpu.vector_load %arg6[%parallel_loop3A_72, %parallel_loop3A_73] {strides = array<i32>} : memref<16x1664xi32, #tpu.memory_space<vmem>>, vector<16xi32>,
      %parallel_loop3A_75 = tpu.vector_load_idx %arg5[%parallel_loop3A_74] : memref<50000xf32, #tpu.memory_space<vmem>>[vector<16xi32>], vector<16xf32>,
      %parallel_loop3A_76 = arith.constant 2 : i32
      %parallel_loop3A_77 = arith.index_cast %parallel_loop3A_76 : i32 to index
      %parallel_loop3A_78 = arith.index_cast %parallel_loop3A_70 : i32 to index
      %parallel_loop3A_79 = tpu.vector_load %arg7[%parallel_loop3A_77, %parallel_loop3A_78] {strides = array<i32>} : memref<16x1664xf32, #tpu.memory_space<vmem>>, vector<16xf32>,
      tpu.vector_store %arg7[%parallel_loop3A_77, %parallel_loop3A_78], %parallel_loop3A_75 {strides = array<i32>} : memref<16x1664xf32, #tpu.memory_space<vmem>>, vector<16xf32>,
    } {sc.loop_unroll_factor = 4 : i64, sc.parallel_access}
    %parallel_loop3A_31 = arith.constant 0 : i32
    %parallel_loop3A_32 = arith.constant 1664 : i32
    %parallel_loop3A_33 = arith.constant 16 : i32
    scf.for %parallel_loop3A_70 = %parallel_loop3A_31 to %parallel_loop3A_32 step %parallel_loop3A_33  : i32 {
      %parallel_loop3A_71 = arith.constant 3 : i32
      %parallel_loop3A_72 = arith.index_cast %parallel_loop3A_71 : i32 to index
      %parallel_loop3A_73 = arith.index_cast %parallel_loop3A_70 : i32 to index
      %parallel_loop3A_74 = tpu.vector_load %arg6[%parallel_loop3A_72, %parallel_loop3A_73] {strides = array<i32>} : memref<16x1664xi32, #tpu.memory_space<vmem>>, vector<16xi32>,
      %parallel_loop3A_75 = tpu.vector_load_idx %arg5[%parallel_loop3A_74] : memref<50000xf32, #tpu.memory_space<vmem>>[vector<16xi32>], vector<16xf32>,
      %parallel_loop3A_76 = arith.constant 3 : i32
      %parallel_loop3A_77 = arith.index_cast %parallel_loop3A_76 : i32 to index
      %parallel_loop3A_78 = arith.index_cast %parallel_loop3A_70 : i32 to index
      %parallel_loop3A_79 = tpu.vector_load %arg7[%parallel_loop3A_77, %parallel_loop3A_78] {strides = array<i32>} : memref<16x1664xf32, #tpu.memory_space<vmem>>, vector<16xf32>,
      tpu.vector_store %arg7[%parallel_loop3A_77, %parallel_loop3A_78], %parallel_loop3A_75 {strides = array<i32>} : memref<16x1664xf32, #tpu.memory_space<vmem>>, vector<16xf32>,
    } {sc.loop_unroll_factor = 4 : i64, sc.parallel_access}
    %parallel_loop3A_34 = arith.constant 0 : i32
    %parallel_loop3A_35 = arith.constant 1664 : i32
    %parallel_loop3A_36 = arith.constant 16 : i32
    scf.for %parallel_loop3A_70 = %parallel_loop3A_34 to %parallel_loop3A_35 step %parallel_loop3A_36  : i32 {
      %parallel_loop3A_71 = arith.constant 4 : i32
      %parallel_loop3A_72 = arith.index_cast %parallel_loop3A_71 : i32 to index
      %parallel_loop3A_73 = arith.index_cast %parallel_loop3A_70 : i32 to index
      %parallel_loop3A_74 = tpu.vector_load %arg6[%parallel_loop3A_72, %parallel_loop3A_73] {strides = array<i32>} : memref<16x1664xi32, #tpu.memory_space<vmem>>, vector<16xi32>,
      %parallel_loop3A_75 = tpu.vector_load_idx %arg5[%parallel_loop3A_74] : memref<50000xf32, #tpu.memory_space<vmem>>[vector<16xi32>], vector<16xf32>,
      %parallel_loop3A_76 = arith.constant 4 : i32
      %parallel_loop3A_77 = arith.index_cast %parallel_loop3A_76 : i32 to index
      %parallel_loop3A_78 = arith.index_cast %parallel_loop3A_70 : i32 to index
      %parallel_loop3A_79 = tpu.vector_load %arg7[%parallel_loop3A_77, %parallel_loop3A_78] {strides = array<i32>} : memref<16x1664xf32, #tpu.memory_space<vmem>>, vector<16xf32>,
      tpu.vector_store %arg7[%parallel_loop3A_77, %parallel_loop3A_78], %parallel_loop3A_75 {strides = array<i32>} : memref<16x1664xf32, #tpu.memory_space<vmem>>, vector<16xf32>,
    } {sc.loop_unroll_factor = 4 : i64, sc.parallel_access}
    %parallel_loop3A_37 = arith.constant 0 : i32
    %parallel_loop3A_38 = arith.constant 1664 : i32
    %parallel_loop3A_39 = arith.constant 16 : i32
    scf.for %parallel_loop3A_70 = %parallel_loop3A_37 to %parallel_loop3A_38 step %parallel_loop3A_39  : i32 {
      %parallel_loop3A_71 = arith.constant 5 : i32
      %parallel_loop3A_72 = arith.index_cast %parallel_loop3A_71 : i32 to index
      %parallel_loop3A_73 = arith.index_cast %parallel_loop3A_70 : i32 to index
      %parallel_loop3A_74 = tpu.vector_load %arg6[%parallel_loop3A_72, %parallel_loop3A_73] {strides = array<i32>} : memref<16x1664xi32, #tpu.memory_space<vmem>>, vector<16xi32>,
      %parallel_loop3A_75 = tpu.vector_load_idx %arg5[%parallel_loop3A_74] : memref<50000xf32, #tpu.memory_space<vmem>>[vector<16xi32>], vector<16xf32>,
      %parallel_loop3A_76 = arith.constant 5 : i32
      %parallel_loop3A_77 = arith.index_cast %parallel_loop3A_76 : i32 to index
      %parallel_loop3A_78 = arith.index_cast %parallel_loop3A_70 : i32 to index
      %parallel_loop3A_79 = tpu.vector_load %arg7[%parallel_loop3A_77, %parallel_loop3A_78] {strides = array<i32>} : memref<16x1664xf32, #tpu.memory_space<vmem>>, vector<16xf32>,
      tpu.vector_store %arg7[%parallel_loop3A_77, %parallel_loop3A_78], %parallel_loop3A_75 {strides = array<i32>} : memref<16x1664xf32, #tpu.memory_space<vmem>>, vector<16xf32>,
    } {sc.loop_unroll_factor = 4 : i64, sc.parallel_access}
    %parallel_loop3A_40 = arith.constant 0 : i32
    %parallel_loop3A_41 = arith.constant 1664 : i32
    %parallel_loop3A_42 = arith.constant 16 : i32
    scf.for %parallel_loop3A_70 = %parallel_loop3A_40 to %parallel_loop3A_41 step %parallel_loop3A_42  : i32 {
      %parallel_loop3A_71 = arith.constant 6 : i32
      %parallel_loop3A_72 = arith.index_cast %parallel_loop3A_71 : i32 to index
      %parallel_loop3A_73 = arith.index_cast %parallel_loop3A_70 : i32 to index
      %parallel_loop3A_74 = tpu.vector_load %arg6[%parallel_loop3A_72, %parallel_loop3A_73] {strides = array<i32>} : memref<16x1664xi32, #tpu.memory_space<vmem>>, vector<16xi32>,
      %parallel_loop3A_75 = tpu.vector_load_idx %arg5[%parallel_loop3A_74] : memref<50000xf32, #tpu.memory_space<vmem>>[vector<16xi32>], vector<16xf32>,
      %parallel_loop3A_76 = arith.constant 6 : i32
      %parallel_loop3A_77 = arith.index_cast %parallel_loop3A_76 : i32 to index
      %parallel_loop3A_78 = arith.index_cast %parallel_loop3A_70 : i32 to index
      %parallel_loop3A_79 = tpu.vector_load %arg7[%parallel_loop3A_77, %parallel_loop3A_78] {strides = array<i32>} : memref<16x1664xf32, #tpu.memory_space<vmem>>, vector<16xf32>,
      tpu.vector_store %arg7[%parallel_loop3A_77, %parallel_loop3A_78], %parallel_loop3A_75 {strides = array<i32>} : memref<16x1664xf32, #tpu.memory_space<vmem>>, vector<16xf32>,
    } {sc.loop_unroll_factor = 4 : i64, sc.parallel_access}
    %parallel_loop3A_43 = arith.constant 0 : i32
    %parallel_loop3A_44 = arith.constant 1664 : i32
    %parallel_loop3A_45 = arith.constant 16 : i32
    scf.for %parallel_loop3A_70 = %parallel_loop3A_43 to %parallel_loop3A_44 step %parallel_loop3A_45  : i32 {
      %parallel_loop3A_71 = arith.constant 7 : i32
      %parallel_loop3A_72 = arith.index_cast %parallel_loop3A_71 : i32 to index
      %parallel_loop3A_73 = arith.index_cast %parallel_loop3A_70 : i32 to index
      %parallel_loop3A_74 = tpu.vector_load %arg6[%parallel_loop3A_72, %parallel_loop3A_73] {strides = array<i32>} : memref<16x1664xi32, #tpu.memory_space<vmem>>, vector<16xi32>,
      %parallel_loop3A_75 = tpu.vector_load_idx %arg5[%parallel_loop3A_74] : memref<50000xf32, #tpu.memory_space<vmem>>[vector<16xi32>], vector<16xf32>,
      %parallel_loop3A_76 = arith.constant 7 : i32
      %parallel_loop3A_77 = arith.index_cast %parallel_loop3A_76 : i32 to index
      %parallel_loop3A_78 = arith.index_cast %parallel_loop3A_70 : i32 to index
      %parallel_loop3A_79 = tpu.vector_load %arg7[%parallel_loop3A_77, %parallel_loop3A_78] {strides = array<i32>} : memref<16x1664xf32, #tpu.memory_space<vmem>>, vector<16xf32>,
      tpu.vector_store %arg7[%parallel_loop3A_77, %parallel_loop3A_78], %parallel_loop3A_75 {strides = array<i32>} : memref<16x1664xf32, #tpu.memory_space<vmem>>, vector<16xf32>,
    } {sc.loop_unroll_factor = 4 : i64, sc.parallel_access}
    %parallel_loop3A_46 = arith.constant 0 : i32
    %parallel_loop3A_47 = arith.constant 1664 : i32
    %parallel_loop3A_48 = arith.constant 16 : i32
    scf.for %parallel_loop3A_70 = %parallel_loop3A_46 to %parallel_loop3A_47 step %parallel_loop3A_48  : i32 {
      %parallel_loop3A_71 = arith.constant 8 : i32
      %parallel_loop3A_72 = arith.index_cast %parallel_loop3A_71 : i32 to index
      %parallel_loop3A_73 = arith.index_cast %parallel_loop3A_70 : i32 to index
      %parallel_loop3A_74 = tpu.vector_load %arg6[%parallel_loop3A_72, %parallel_loop3A_73] {strides = array<i32>} : memref<16x1664xi32, #tpu.memory_space<vmem>>, vector<16xi32>,
      %parallel_loop3A_75 = tpu.vector_load_idx %arg5[%parallel_loop3A_74] : memref<50000xf32, #tpu.memory_space<vmem>>[vector<16xi32>], vector<16xf32>,
      %parallel_loop3A_76 = arith.constant 8 : i32
      %parallel_loop3A_77 = arith.index_cast %parallel_loop3A_76 : i32 to index
      %parallel_loop3A_78 = arith.index_cast %parallel_loop3A_70 : i32 to index
      %parallel_loop3A_79 = tpu.vector_load %arg7[%parallel_loop3A_77, %parallel_loop3A_78] {strides = array<i32>} : memref<16x1664xf32, #tpu.memory_space<vmem>>, vector<16xf32>,
      tpu.vector_store %arg7[%parallel_loop3A_77, %parallel_loop3A_78], %parallel_loop3A_75 {strides = array<i32>} : memref<16x1664xf32, #tpu.memory_space<vmem>>, vector<16xf32>,
    } {sc.loop_unroll_factor = 4 : i64, sc.parallel_access}
    %parallel_loop3A_49 = arith.constant 0 : i32
    %parallel_loop3A_50 = arith.constant 1664 : i32
    %parallel_loop3A_51 = arith.constant 16 : i32
    scf.for %parallel_loop3A_70 = %parallel_loop3A_49 to %parallel_loop3A_50 step %parallel_loop3A_51  : i32 {
      %parallel_loop3A_71 = arith.constant 9 : i32
      %parallel_loop3A_72 = arith.index_cast %parallel_loop3A_71 : i32 to index
      %parallel_loop3A_73 = arith.index_cast %parallel_loop3A_70 : i32 to index
      %parallel_loop3A_74 = tpu.vector_load %arg6[%parallel_loop3A_72, %parallel_loop3A_73] {strides = array<i32>} : memref<16x1664xi32, #tpu.memory_space<vmem>>, vector<16xi32>,
      %parallel_loop3A_75 = tpu.vector_load_idx %arg5[%parallel_loop3A_74] : memref<50000xf32, #tpu.memory_space<vmem>>[vector<16xi32>], vector<16xf32>,
      %parallel_loop3A_76 = arith.constant 9 : i32
      %parallel_loop3A_77 = arith.index_cast %parallel_loop3A_76 : i32 to index
      %parallel_loop3A_78 = arith.index_cast %parallel_loop3A_70 : i32 to index
      %parallel_loop3A_79 = tpu.vector_load %arg7[%parallel_loop3A_77, %parallel_loop3A_78] {strides = array<i32>} : memref<16x1664xf32, #tpu.memory_space<vmem>>, vector<16xf32>,
      tpu.vector_store %arg7[%parallel_loop3A_77, %parallel_loop3A_78], %parallel_loop3A_75 {strides = array<i32>} : memref<16x1664xf32, #tpu.memory_space<vmem>>, vector<16xf32>,
    } {sc.loop_unroll_factor = 4 : i64, sc.parallel_access}
    %parallel_loop3A_52 = arith.constant 0 : i32
    %parallel_loop3A_53 = arith.constant 1664 : i32
    %parallel_loop3A_54 = arith.constant 16 : i32
    scf.for %parallel_loop3A_70 = %parallel_loop3A_52 to %parallel_loop3A_53 step %parallel_loop3A_54  : i32 {
      %parallel_loop3A_71 = arith.constant 10 : i32
      %parallel_loop3A_72 = arith.index_cast %parallel_loop3A_71 : i32 to index
      %parallel_loop3A_73 = arith.index_cast %parallel_loop3A_70 : i32 to index
      %parallel_loop3A_74 = tpu.vector_load %arg6[%parallel_loop3A_72, %parallel_loop3A_73] {strides = array<i32>} : memref<16x1664xi32, #tpu.memory_space<vmem>>, vector<16xi32>,
      %parallel_loop3A_75 = tpu.vector_load_idx %arg5[%parallel_loop3A_74] : memref<50000xf32, #tpu.memory_space<vmem>>[vector<16xi32>], vector<16xf32>,
      %parallel_loop3A_76 = arith.constant 10 : i32
      %parallel_loop3A_77 = arith.index_cast %parallel_loop3A_76 : i32 to index
      %parallel_loop3A_78 = arith.index_cast %parallel_loop3A_70 : i32 to index
      %parallel_loop3A_79 = tpu.vector_load %arg7[%parallel_loop3A_77, %parallel_loop3A_78] {strides = array<i32>} : memref<16x1664xf32, #tpu.memory_space<vmem>>, vector<16xf32>,
      tpu.vector_store %arg7[%parallel_loop3A_77, %parallel_loop3A_78], %parallel_loop3A_75 {strides = array<i32>} : memref<16x1664xf32, #tpu.memory_space<vmem>>, vector<16xf32>,
    } {sc.loop_unroll_factor = 4 : i64, sc.parallel_access}
    %parallel_loop3A_55 = arith.constant 0 : i32
    %parallel_loop3A_56 = arith.constant 1664 : i32
    %parallel_loop3A_57 = arith.constant 16 : i32
    scf.for %parallel_loop3A_70 = %parallel_loop3A_55 to %parallel_loop3A_56 step %parallel_loop3A_57  : i32 {
      %parallel_loop3A_71 = arith.constant 11 : i32
      %parallel_loop3A_72 = arith.index_cast %parallel_loop3A_71 : i32 to index
      %parallel_loop3A_73 = arith.index_cast %parallel_loop3A_70 : i32 to index
      %parallel_loop3A_74 = tpu.vector_load %arg6[%parallel_loop3A_72, %parallel_loop3A_73] {strides = array<i32>} : memref<16x1664xi32, #tpu.memory_space<vmem>>, vector<16xi32>,
      %parallel_loop3A_75 = tpu.vector_load_idx %arg5[%parallel_loop3A_74] : memref<50000xf32, #tpu.memory_space<vmem>>[vector<16xi32>], vector<16xf32>,
      %parallel_loop3A_76 = arith.constant 11 : i32
      %parallel_loop3A_77 = arith.index_cast %parallel_loop3A_76 : i32 to index
      %parallel_loop3A_78 = arith.index_cast %parallel_loop3A_70 : i32 to index
      %parallel_loop3A_79 = tpu.vector_load %arg7[%parallel_loop3A_77, %parallel_loop3A_78] {strides = array<i32>} : memref<16x1664xf32, #tpu.memory_space<vmem>>, vector<16xf32>,
      tpu.vector_store %arg7[%parallel_loop3A_77, %parallel_loop3A_78], %parallel_loop3A_75 {strides = array<i32>} : memref<16x1664xf32, #tpu.memory_space<vmem>>, vector<16xf32>,
    } {sc.loop_unroll_factor = 4 : i64, sc.parallel_access}
    %parallel_loop3A_58 = arith.constant 0 : i32
    %parallel_loop3A_59 = arith.constant 1664 : i32
    %parallel_loop3A_60 = arith.constant 16 : i32
    scf.for %parallel_loop3A_70 = %parallel_loop3A_58 to %parallel_loop3A_59 step %parallel_loop3A_60  : i32 {
      %parallel_loop3A_71 = arith.constant 12 : i32
      %parallel_loop3A_72 = arith.index_cast %parallel_loop3A_71 : i32 to index
      %parallel_loop3A_73 = arith.index_cast %parallel_loop3A_70 : i32 to index
      %parallel_loop3A_74 = tpu.vector_load %arg6[%parallel_loop3A_72, %parallel_loop3A_73] {strides = array<i32>} : memref<16x1664xi32, #tpu.memory_space<vmem>>, vector<16xi32>,
      %parallel_loop3A_75 = tpu.vector_load_idx %arg5[%parallel_loop3A_74] : memref<50000xf32, #tpu.memory_space<vmem>>[vector<16xi32>], vector<16xf32>,
      %parallel_loop3A_76 = arith.constant 12 : i32
      %parallel_loop3A_77 = arith.index_cast %parallel_loop3A_76 : i32 to index
      %parallel_loop3A_78 = arith.index_cast %parallel_loop3A_70 : i32 to index
      %parallel_loop3A_79 = tpu.vector_load %arg7[%parallel_loop3A_77, %parallel_loop3A_78] {strides = array<i32>} : memref<16x1664xf32, #tpu.memory_space<vmem>>, vector<16xf32>,
      tpu.vector_store %arg7[%parallel_loop3A_77, %parallel_loop3A_78], %parallel_loop3A_75 {strides = array<i32>} : memref<16x1664xf32, #tpu.memory_space<vmem>>, vector<16xf32>,
    } {sc.loop_unroll_factor = 4 : i64, sc.parallel_access}
    %parallel_loop3A_61 = arith.constant 0 : i32
    %parallel_loop3A_62 = arith.constant 1664 : i32
    %parallel_loop3A_63 = arith.constant 16 : i32
    scf.for %parallel_loop3A_70 = %parallel_loop3A_61 to %parallel_loop3A_62 step %parallel_loop3A_63  : i32 {
      %parallel_loop3A_71 = arith.constant 13 : i32
      %parallel_loop3A_72 = arith.index_cast %parallel_loop3A_71 : i32 to index
      %parallel_loop3A_73 = arith.index_cast %parallel_loop3A_70 : i32 to index
      %parallel_loop3A_74 = tpu.vector_load %arg6[%parallel_loop3A_72, %parallel_loop3A_73] {strides = array<i32>} : memref<16x1664xi32, #tpu.memory_space<vmem>>, vector<16xi32>,
      %parallel_loop3A_75 = tpu.vector_load_idx %arg5[%parallel_loop3A_74] : memref<50000xf32, #tpu.memory_space<vmem>>[vector<16xi32>], vector<16xf32>,
      %parallel_loop3A_76 = arith.constant 13 : i32
      %parallel_loop3A_77 = arith.index_cast %parallel_loop3A_76 : i32 to index
      %parallel_loop3A_78 = arith.index_cast %parallel_loop3A_70 : i32 to index
      %parallel_loop3A_79 = tpu.vector_load %arg7[%parallel_loop3A_77, %parallel_loop3A_78] {strides = array<i32>} : memref<16x1664xf32, #tpu.memory_space<vmem>>, vector<16xf32>,
      tpu.vector_store %arg7[%parallel_loop3A_77, %parallel_loop3A_78], %parallel_loop3A_75 {strides = array<i32>} : memref<16x1664xf32, #tpu.memory_space<vmem>>, vector<16xf32>,
    } {sc.loop_unroll_factor = 4 : i64, sc.parallel_access}
    %parallel_loop3A_64 = arith.constant 0 : i32
    %parallel_loop3A_65 = arith.constant 1664 : i32
    %parallel_loop3A_66 = arith.constant 16 : i32
    scf.for %parallel_loop3A_70 = %parallel_loop3A_64 to %parallel_loop3A_65 step %parallel_loop3A_66  : i32 {
      %parallel_loop3A_71 = arith.constant 14 : i32
      %parallel_loop3A_72 = arith.index_cast %parallel_loop3A_71 : i32 to index
      %parallel_loop3A_73 = arith.index_cast %parallel_loop3A_70 : i32 to index
      %parallel_loop3A_74 = tpu.vector_load %arg6[%parallel_loop3A_72, %parallel_loop3A_73] {strides = array<i32>} : memref<16x1664xi32, #tpu.memory_space<vmem>>, vector<16xi32>,
      %parallel_loop3A_75 = tpu.vector_load_idx %arg5[%parallel_loop3A_74] : memref<50000xf32, #tpu.memory_space<vmem>>[vector<16xi32>], vector<16xf32>,
      %parallel_loop3A_76 = arith.constant 14 : i32
      %parallel_loop3A_77 = arith.index_cast %parallel_loop3A_76 : i32 to index
      %parallel_loop3A_78 = arith.index_cast %parallel_loop3A_70 : i32 to index
      %parallel_loop3A_79 = tpu.vector_load %arg7[%parallel_loop3A_77, %parallel_loop3A_78] {strides = array<i32>} : memref<16x1664xf32, #tpu.memory_space<vmem>>, vector<16xf32>,
      tpu.vector_store %arg7[%parallel_loop3A_77, %parallel_loop3A_78], %parallel_loop3A_75 {strides = array<i32>} : memref<16x1664xf32, #tpu.memory_space<vmem>>, vector<16xf32>,
    } {sc.loop_unroll_factor = 4 : i64, sc.parallel_access}
    %parallel_loop3A_67 = arith.constant 0 : i32
    %parallel_loop3A_68 = arith.constant 1664 : i32
    %parallel_loop3A_69 = arith.constant 16 : i32
    scf.for %parallel_loop3A_70 = %parallel_loop3A_67 to %parallel_loop3A_68 step %parallel_loop3A_69  : i32 {
      %parallel_loop3A_71 = arith.constant 15 : i32
      %parallel_loop3A_72 = arith.index_cast %parallel_loop3A_71 : i32 to index
      %parallel_loop3A_73 = arith.index_cast %parallel_loop3A_70 : i32 to index
      %parallel_loop3A_74 = tpu.vector_load %arg6[%parallel_loop3A_72, %parallel_loop3A_73] {strides = array<i32>} : memref<16x1664xi32, #tpu.memory_space<vmem>>, vector<16xi32>,
      %parallel_loop3A_75 = tpu.vector_load_idx %arg5[%parallel_loop3A_74] : memref<50000xf32, #tpu.memory_space<vmem>>[vector<16xi32>], vector<16xf32>,
      %parallel_loop3A_76 = arith.constant 15 : i32
      %parallel_loop3A_77 = arith.index_cast %parallel_loop3A_76 : i32 to index
      %parallel_loop3A_78 = arith.index_cast %parallel_loop3A_70 : i32 to index
      %parallel_loop3A_79 = tpu.vector_load %arg7[%parallel_loop3A_77, %parallel_loop3A_78] {strides = array<i32>} : memref<16x1664xf32, #tpu.memory_space<vmem>>, vector<16xf32>,
      tpu.vector_store %arg7[%parallel_loop3A_77, %parallel_loop3A_78], %parallel_loop3A_75 {strides = array<i32>} : memref<16x1664xf32, #tpu.memory_space<vmem>>, vector<16xf32>,
    } {sc.loop_unroll_factor = 4 : i64, sc.parallel_access}
    "tpu.region"() ({
      %run_scoped3A = tpu.sem_alloc : memref<!tpu.dma_semaphore, #tpu.memory_space<semaphore_mem>>
      %dma_start3A_70 = arith.constant 0 : i32
      %dma_start3A_71 = tpu.memref_slice %arg4[%dma_start3A_70, %mul3A_2] : memref<16x53248xf32, #tpu.memory_space<hbm>> -> memref<16x1664xf32, #tpu.memory_space<hbm>>
      %dma_start3A_72 = arith.constant 0 : i32
      %dma_start3A_73 = tpu.memref_slice %arg4[%dma_start3A_72, %mul3A_2] : memref<16x53248xf32, #tpu.memory_space<hbm>> -> memref<16x1664xf32, #tpu.memory_space<hbm>>
      tpu.enqueue_dma source(%arg7 : memref<16x1664xf32, #tpu.memory_space<vmem>>) target(%dma_start3A_73 : memref<16x1664xf32, #tpu.memory_space<hbm>>) target_semaphore(%run_scoped3A : memref<!tpu.dma_semaphore, #tpu.memory_space<semaphore_mem>>)
      %dma_wait3A_74 = arith.constant 0 : i32
      %dma_wait3A_75 = tpu.memref_slice %arg4[%dma_wait3A_74, %mul3A_2] : memref<16x53248xf32, #tpu.memory_space<hbm>> -> memref<16x1664xf32, #tpu.memory_space<hbm>>
      %dma_wait3A_76 = arith.constant 0 : i32
      %dma_wait3A_77 = tpu.memref_slice %arg4[%dma_wait3A_76, %mul3A_2] : memref<16x53248xf32, #tpu.memory_space<hbm>> -> memref<16x1664xf32, #tpu.memory_space<hbm>>
      tpu.wait_dma2 semaphore(%run_scoped3A : memref<!tpu.dma_semaphore, #tpu.memory_space<semaphore_mem>>) src(%arg7 : memref<16x1664xf32, #tpu.memory_space<vmem>>) dst(%dma_wait3A_77 : memref<16x1664xf32, #tpu.memory_space<hbm>>)
      tpu.yield
    }) : () -> ()
    return
  }
}

module attributes {stable_mosaic.version = 14 : i64} {
  func.func @_tc_block_body(%arg0: i32, %arg1: memref<48x2048xf32, #tpu.memory_space<vmem>>, %arg2: memref<16x2048xf32, #tpu.memory_space<vmem>>, %arg3: memref<1x2048xf32, #tpu.memory_space<vmem>>, %arg4: memref<128x48xf32, #tpu.memory_space<vmem>>, %arg5: memref<128x16xf32, #tpu.memory_space<vmem>>, %arg6: memref<128x1xf32, #tpu.memory_space<vmem>>, %arg7: memref<128x1xf32, #tpu.memory_space<vmem>>, %arg8: memref<1x1xf32, #tpu.memory_space<vmem>>, %arg9: memref<1x2048xf32, #tpu.memory_space<vmem>>) attributes {dimension_semantics = [#tpu.dimension_semantics<arbitrary>], iteration_bounds = array<i64: 25>, scalar_prefetch = 0 : i64, scratch_operands = 0 : i64, tpu.core_type = #tpu.core_type<tc>, window_params = [{transform_indices = @transform_0, window_bounds = array<i64: 48, 2048>}, {transform_indices = @transform_1, window_bounds = array<i64: 16, 2048>}, {transform_indices = @transform_2, window_bounds = array<i64: 1, 2048>}, {pipeline_mode = #tpu.pipeline_mode<synchronous>, transform_indices = @transform_3, window_bounds = array<i64: 128, 48>}, {pipeline_mode = #tpu.pipeline_mode<synchronous>, transform_indices = @transform_4, window_bounds = array<i64: 128, 16>}, {pipeline_mode = #tpu.pipeline_mode<synchronous>, transform_indices = @transform_5, window_bounds = array<i64: 128, 1>}, {pipeline_mode = #tpu.pipeline_mode<synchronous>, transform_indices = @transform_6, window_bounds = array<i64: 128, 1>}, {pipeline_mode = #tpu.pipeline_mode<synchronous>, transform_indices = @transform_7, window_bounds = array<i64: 1, 1>}, {transform_indices = @transform_8, window_bounds = array<i64: 1, 2048>}]} {
    %get3A = arith.constant 0 : index
    %get3A_0 = arith.constant 0 : index
    %get3A_1 = vector.load %arg3[%get3A, %get3A_0] : memref<1x2048xf32, #tpu.memory_space<vmem>>, vector<1x2048xf32>
    %get3A_2 = arith.constant 0 : index
    %get3A_3 = arith.constant 0 : index
    %get3A_4 = vector.load %arg2[%get3A_2, %get3A_3] : memref<16x2048xf32, #tpu.memory_space<vmem>>, vector<16x2048xf32>
    %sub3A = vector.broadcast %get3A_1 : vector<1x2048xf32> to vector<16x2048xf32>
    %sub3A_5 = arith.subf %sub3A, %get3A_4 : vector<16x2048xf32>
    %get3A_6 = arith.constant 0 : index
    %get3A_7 = arith.constant 0 : index
    %get3A_8 = vector.load %arg4[%get3A_6, %get3A_7] : memref<128x48xf32, #tpu.memory_space<vmem>>, vector<128x48xf32>
    %get3A_9 = arith.constant 0 : index
    %get3A_10 = arith.constant 0 : index
    %get3A_11 = vector.load %arg1[%get3A_9, %get3A_10] : memref<48x2048xf32, #tpu.memory_space<vmem>>, vector<48x2048xf32>
    %dot_general3A = arith.constant dense<0.000000e+00> : vector<128x2048xf32>
    %dot_general3A_12 = tpu.matmul %get3A_8, %get3A_11, %dot_general3A {dimension_numbers = #tpu.dot_dimension_numbers<[1], [0], [0], [1], [0, 0, 1, 1], [], []>, transpose_lhs_hint = false} : vector<128x48xf32>, vector<48x2048xf32>, vector<128x2048xf32> -> vector<128x2048xf32>
    %get3A_13 = arith.constant 0 : index
    %get3A_14 = arith.constant 0 : index
    %get3A_15 = vector.load %arg5[%get3A_13, %get3A_14] : memref<128x16xf32, #tpu.memory_space<vmem>>, vector<128x16xf32>
    %dot_general3A_16 = arith.constant dense<0.000000e+00> : vector<128x2048xf32>
    %dot_general3A_17 = tpu.matmul %get3A_15, %sub3A_5, %dot_general3A_16 {dimension_numbers = #tpu.dot_dimension_numbers<[1], [0], [0], [1], [0, 0, 1, 1], [], []>, transpose_lhs_hint = false} : vector<128x16xf32>, vector<16x2048xf32>, vector<128x2048xf32> -> vector<128x2048xf32>
    %add3A = arith.addf %dot_general3A_12, %dot_general3A_17 : vector<128x2048xf32>
    %get3A_18 = arith.constant 0 : index
    %get3A_19 = arith.constant 0 : index
    %get3A_20 = vector.load %arg6[%get3A_18, %get3A_19] : memref<128x1xf32, #tpu.memory_space<vmem>>, vector<128x1xf32>
    %add3A_21 = vector.broadcast %get3A_20 : vector<128x1xf32> to vector<128x2048xf32>
    %add3A_22 = arith.addf %add3A, %add3A_21 : vector<128x2048xf32>
    %max3A = arith.constant 0.000000e+00 : f32
    %max3A_23 = vector.broadcast %max3A : f32 to vector<128x2048xf32>
    %max3A_24 = arith.maximumf %add3A_22, %max3A_23 : vector<128x2048xf32>
    %get3A_25 = arith.constant 0 : index
    %get3A_26 = arith.constant 0 : index
    %get3A_27 = vector.load %arg7[%get3A_25, %get3A_26] : memref<128x1xf32, #tpu.memory_space<vmem>>, vector<128x1xf32>
    %mul3A = vector.broadcast %get3A_27 : vector<128x1xf32> to vector<128x2048xf32>
    %mul3A_28 = arith.mulf %max3A_24, %mul3A : vector<128x2048xf32>
    %reduce_sum3A = arith.constant dense<0.000000e+00> : vector<2048xf32>
    %reduce_sum3A_29 = vector.multi_reduction <add>, %mul3A_28, %reduce_sum3A [0] : vector<128x2048xf32> to vector<2048xf32>
    %broadcast_in_dim3A = vector.shape_cast %reduce_sum3A_29 : vector<2048xf32> to vector<1x2048xf32>
    %get3A_30 = arith.constant 0 : index
    %get3A_31 = arith.constant 0 : index
    %get3A_32 = vector.load %arg8[%get3A_30, %get3A_31] : memref<1x1xf32, #tpu.memory_space<vmem>>, vector<1x1xf32>
    %add3A_33 = vector.broadcast %get3A_32 : vector<1x1xf32> to vector<1x2048xf32>
    %add3A_34 = arith.addf %broadcast_in_dim3A, %add3A_33 : vector<1x2048xf32>
    %swap3A = arith.constant 0 : index
    %swap3A_35 = arith.constant 0 : index
    %swap3A_36 = vector.load %arg9[%swap3A, %swap3A_35] : memref<1x2048xf32, #tpu.memory_space<vmem>>, vector<1x2048xf32>
    tpu.vector_store %arg9[%swap3A, %swap3A_35], %add3A_34 {strides = array<i32>} : memref<1x2048xf32, #tpu.memory_space<vmem>>, vector<1x2048xf32>,
    return
  }
  func.func @transform_0(%arg0: i32) -> (i32, i32) {
    %c0_i32 = arith.constant 0 : i32
    %c0_i32_0 = arith.constant 0 : i32
    return %c0_i32, %arg0 : i32, i32
  }
  func.func @transform_1(%arg0: i32) -> (i32, i32) {
    %c0_i32 = arith.constant 0 : i32
    %c0_i32_0 = arith.constant 0 : i32
    return %c0_i32, %arg0 : i32, i32
  }
  func.func @transform_2(%arg0: i32) -> (i32, i32) {
    %c0_i32 = arith.constant 0 : i32
    %c0_i32_0 = arith.constant 0 : i32
    return %c0_i32, %arg0 : i32, i32
  }
  func.func @transform_3(%arg0: i32) -> (i32, i32) {
    %c0_i32 = arith.constant 0 : i32
    %c0_i32_0 = arith.constant 0 : i32
    %c0_i32_1 = arith.constant 0 : i32
    return %c0_i32, %c0_i32_0 : i32, i32
  }
  func.func @transform_4(%arg0: i32) -> (i32, i32) {
    %c0_i32 = arith.constant 0 : i32
    %c0_i32_0 = arith.constant 0 : i32
    %c0_i32_1 = arith.constant 0 : i32
    return %c0_i32, %c0_i32_0 : i32, i32
  }
  func.func @transform_5(%arg0: i32) -> (i32, i32) {
    %c0_i32 = arith.constant 0 : i32
    %c0_i32_0 = arith.constant 0 : i32
    %c0_i32_1 = arith.constant 0 : i32
    return %c0_i32, %c0_i32_0 : i32, i32
  }
  func.func @transform_6(%arg0: i32) -> (i32, i32) {
    %c0_i32 = arith.constant 0 : i32
    %c0_i32_0 = arith.constant 0 : i32
    %c0_i32_1 = arith.constant 0 : i32
    return %c0_i32, %c0_i32_0 : i32, i32
  }
  func.func @transform_7(%arg0: i32) -> (i32, i32) {
    %c0_i32 = arith.constant 0 : i32
    %c0_i32_0 = arith.constant 0 : i32
    %c0_i32_1 = arith.constant 0 : i32
    return %c0_i32, %c0_i32_0 : i32, i32
  }
  func.func @transform_8(%arg0: i32) -> (i32, i32) {
    %c0_i32 = arith.constant 0 : i32
    %c0_i32_0 = arith.constant 0 : i32
    return %c0_i32, %arg0 : i32, i32
  }
}

module attributes {stable_mosaic.version = 14 : i64} {
  func.func @_softmax_body(%arg0: memref<1x50000xf32, #tpu.memory_space<vmem>>, %arg1: memref<1x50000xf32, #tpu.memory_space<vmem>>) attributes {dimension_semantics = [], scalar_prefetch = 0 : i64, scratch_operands = 0 : i64, tpu.core_type = #tpu.core_type<tc>} {
    %get3A = arith.constant 0 : index
    %get3A_0 = arith.constant 0 : index
    %get3A_1 = vector.load %arg0[%get3A, %get3A_0] : memref<1x50000xf32, #tpu.memory_space<vmem>>, vector<1x50000xf32>
    %reduce_max3A = vector.shape_cast %get3A_1 : vector<1x50000xf32> to vector<1x1x50000xf32>
    %reduce_max3A_2 = arith.constant dense<0xFF800000> : vector<1xf32>
    %reduce_max3A_3 = vector.multi_reduction <maximumf>, %reduce_max3A, %reduce_max3A_2 [1, 2] : vector<1x1x50000xf32> to vector<1xf32>
    %reduce_max3A_4 = vector.shape_cast %reduce_max3A_3 : vector<1xf32> to vector<1x1x1xf32>
    %reduce_max3A_5 = vector.extract %reduce_max3A_4[0, 0, 0] : f32 from vector<1x1x1xf32>
    %sub3A = vector.broadcast %reduce_max3A_5 : f32 to vector<1x50000xf32>
    %sub3A_6 = arith.subf %get3A_1, %sub3A : vector<1x50000xf32>
    %exp3A = math.exp %sub3A_6 : vector<1x50000xf32>
    %reduce_sum3A = vector.shape_cast %exp3A : vector<1x50000xf32> to vector<1x1x50000xf32>
    %reduce_sum3A_7 = arith.constant dense<0.000000e+00> : vector<1xf32>
    %reduce_sum3A_8 = vector.multi_reduction <add>, %reduce_sum3A, %reduce_sum3A_7 [1, 2] : vector<1x1x50000xf32> to vector<1xf32>
    %reduce_sum3A_9 = vector.shape_cast %reduce_sum3A_8 : vector<1xf32> to vector<1x1x1xf32>
    %reduce_sum3A_10 = vector.extract %reduce_sum3A_9[0, 0, 0] : f32 from vector<1x1x1xf32>
    %div3A = vector.broadcast %reduce_sum3A_10 : f32 to vector<1x50000xf32>
    %div3A_11 = arith.divf %exp3A, %div3A : vector<1x50000xf32>
    %swap3A = arith.constant 0 : index
    %swap3A_12 = arith.constant 0 : index
    %swap3A_13 = vector.load %arg1[%swap3A, %swap3A_12] : memref<1x50000xf32, #tpu.memory_space<vmem>>, vector<1x50000xf32>
    tpu.vector_store %arg1[%swap3A, %swap3A_12], %div3A_11 {strides = array<i32>} : memref<1x50000xf32, #tpu.memory_space<vmem>>, vector<1x50000xf32>,
    return
  }
}

</mosaic_0001>

<sc_bundles>
// kernel: kernel.12.cloned.1.call-start
scs
__scs_entry_jumppad:
0x0: {  	(pc) =	sbr.rel $0x88, $3  }
0x1: {  	(tag) =	ssettag $0x0;
	lr =	simm.s32 $0x1  }
0x2: {  	[smem:$0x3F92] =	sst lr;
	_ =	strace $0xD0000000  }
0x3: {  	_ = 	snop  }
0x4: {  	_ = 	snop  }
0x5: {  	_ = 	snop  }
0x6: {  	_ = 	snop  }
0x7: {  	_ = 	snop  }
__scs_overlays_trampoline_lowered:
0x8: {  	[smem:$0x3FA1] =	sst s0  }
0x9: {  	[smem:$0x3FA2] =	sst s1  }
0xa: {  	[smem:$0x3FA3] =	sst s2  }
0xb: {  	[smem:$0x3FA4] =	sst s3  }
0xc: {  	[smem:$0x3FA5] =	sst s4  }
0xd: {  	[smem:$0x3FA6] =	sst s5  }
0xe: {  	[smem:$0x3FA7] =	sst s6  }
0xf: {  	[smem:$0x3FA8] =	sst s7  }
0x10: {  	[smem:$0x3FA9] =	sst s8  }
0x11: {  	[smem:$0x3FAA] =	sst s9;
	s0 =	simm.s32 @!p0 $0x0  }
0x12: {  	s1 =	sld [smem:$0x3F90];
	s0 =	simm.s32 @p0 $0x1  }
0x13: {  	[smem:$0x3FAB] =	sst s0;
	s0 =	simm.s32 @!p1 $0x0  }
0x14: {  	s2 =	sld [smem:$0x3F8F];
	s0 =	simm.s32 @p1 $0x1  }
0x15: {  	[smem:$0x3FAC] =	sst s0;
	s0 =	simm.s32 @!p2 $0x0  }
0x16: {  	s3 =	sld [smem:$0x3FDB];
	s0 =	simm.s32 @p2 $0x1  }
0x17: {  	s4 =	simm.s32 $0x1BF5;
	[smem:$0x3FAE] =	sst s0  }
0x18: {  	s0 =	sld [smem:$0x3F91];
	_ =	swait.ge [sflag:s4], $0x0  }
0x19: {  	s7 =	sld [smem:$0x3F92]  }
0x1a: {  	s8 =	sadd.s32 $0xFFFFE003, lr  }
0x1b: {  	s9 =	sadd.s32 $0xFFFFFEF7, lr;
	s5 =	simm.s32 $0xFFFFFFFF;
	p2 =	slt.u32 s8, $0xFFFFF086  }
0x1c: {  	p1 =	slt.u32 s9, $0xF7A;
	s5 =	simm.s32 @!p2 $0x0  }
0x1d: {  	s5 =	simm.s32 @p1 $0x1;
	p0 =	seq.s32 s7, s2  }
0x1e: {  	s7 =	smul.u32 @!p0 $0xF7A, s2;
	p2 =	seq.s32 @!p0 s5, $0x0  }
0x1f: {  	s9 =	smul.u32 $0xF7A, s1;
	s8 =	simm.s32 @!p0 $0x1BF5;
	p2 =	por !p2, p0  }
0x20: {  	[sflag:s8] =	ssyncset.s32 @!p0 $0xFFFFF086;
	s6 =	sadd.s32 @!p0 s3, s7;
	s7 =	simm.s32 @!p0 $0x108  }
0x21: {  	s3 =	sadd.s32 s3, s9;
	s6 =	sadd.s32 @!p0 $0x88, s6;
	s7 =	simm.s32 @p2 $0x1082  }
0x22: {  	[simem:s7], [sflag:s8] =	dma.local @!p0 [hbm:s6], $0xF7A  }
0x23: {  	s9 =	sor.u32 $0xD0000000, s2;
	s6 =	simm.s32 $0x108;
	_ =	swait.ge @!p0 [sflag:s8], $0x0  }
0x24: {  	s3 =	sadd.s32 $0x88, s3;
	s6 =	simm.s32 @!p1 $0x1082;
	[sflag:s4] =	ssyncset.s32 $0xFFFFF086  }
0x25: {  	[simem:s6], [sflag:s4] =	dma.local [hbm:s3], $0xF7A  }
0x26: {  	[smem:$0x3F92] =	sst s1;
	(tag) =	ssettag s2;
	_ =	strace s9  }
0x27: {  	s1 =	sld [smem:$0x3FA2]  }
0x28: {  	s2 =	sld [smem:$0x3FA3]  }
0x29: {  	s4 =	sld [smem:$0x3FA5]  }
0x2a: {  	p0 =	seq.s32 s5, $0x0;
	s5 =	sld [smem:$0x3FA6]  }
0x2b: {  	s6 =	sld [smem:$0x3FA7]  }
0x2c: {  	s7 =	sld [smem:$0x3FA8]  }
0x2d: {  	s3 =	simm.s32 $0x108;
	s8 =	sld [smem:$0x3FA9]  }
0x2e: {  	s3 =	simm.s32 @!p0 $0x1082;
	s9 =	sld [smem:$0x3FAA]  }
0x2f: {  	lr =	sadd.s32 s0, s3;
	s0 =	sld [smem:$0x3FA1]  }
0x30: {  	s3 =	sld [smem:$0x3FA4]  }
0x31: {  	[smem:$0x3FAD] =	sst s10  }
0x32: {  	s10 =	sld [smem:$0x3FAB];
	_ =	sdelay $0x3  }
0x33: {  	p0 =	seq.s32 s10, $0x1;
	s10 =	sld [smem:$0x3FAD];
	_ =	sdelay $0x3  }
0x34: {  	[smem:$0x3FAD] =	sst s10  }
0x35: {  	s10 =	sld [smem:$0x3FAC];
	_ =	sdelay $0x3  }
0x36: {  	p1 =	seq.s32 s10, $0x1;
	s10 =	sld [smem:$0x3FAD];
	_ =	sdelay $0x3  }
0x37: {  	[smem:$0x3FAD] =	sst s10  }
0x38: {  	s10 =	sld [smem:$0x3FAE]  }
0x39: {  	_ = 	snop;
	(pc) =	sbr.ind lr, $3  }
0x3a: {  	_ = 	snop  }
0x3b: {  	_ = 	snop  }
0x3c: {  	p2 =	seq.s32 s10, $0x1;
	s10 =	sld [smem:$0x3FAD]  }
0x3d: {  	_ =	shalt  }
0x3e: {  	_ =	shalt  }
0x3f: {  	_ =	shalt  }
0x40: {  	_ =	shalt  }
0x41: {  	_ =	shalt  }
0x42: {  	_ =	shalt  }
0x43: {  	_ =	shalt  }
0x44: {  	_ =	shalt  }
0x45: {  	_ =	shalt  }
0x46: {  	_ =	shalt  }
0x47: {  	_ =	shalt  }
0x48: {  	_ =	shalt  }
0x49: {  	_ =	shalt  }
0x4a: {  	_ =	shalt  }
0x4b: {  	_ =	shalt  }
0x4c: {  	_ =	shalt  }
0x4d: {  	_ =	shalt  }
0x4e: {  	_ =	shalt  }
0x4f: {  	_ =	shalt  }
0x50: {  	_ =	shalt  }
0x51: {  	_ =	shalt  }
0x52: {  	_ =	shalt  }
0x53: {  	_ =	shalt  }
0x54: {  	_ =	shalt  }
0x55: {  	_ =	shalt  }
0x56: {  	_ =	shalt  }
0x57: {  	_ =	shalt  }
0x58: {  	_ =	shalt  }
0x59: {  	_ =	shalt  }
0x5a: {  	_ =	shalt  }
0x5b: {  	_ =	shalt  }
0x5c: {  	_ =	shalt  }
0x5d: {  	_ =	shalt  }
0x5e: {  	_ =	shalt  }
0x5f: {  	_ =	shalt  }
0x60: {  	_ =	shalt  }
0x61: {  	_ =	shalt  }
0x62: {  	_ =	shalt  }
0x63: {  	_ =	shalt  }
0x64: {  	_ =	shalt  }
0x65: {  	_ =	shalt  }
0x66: {  	_ =	shalt  }
0x67: {  	_ =	shalt  }
0x68: {  	_ =	shalt  }
0x69: {  	_ =	shalt  }
0x6a: {  	_ =	shalt  }
0x6b: {  	_ =	shalt  }
0x6c: {  	_ =	shalt  }
0x6d: {  	_ =	shalt  }
0x6e: {  	_ =	shalt  }
0x6f: {  	_ =	shalt  }
0x70: {  	_ =	shalt  }
0x71: {  	_ =	shalt  }
0x72: {  	_ =	shalt  }
0x73: {  	_ =	shalt  }
0x74: {  	_ =	shalt  }
0x75: {  	_ =	shalt  }
0x76: {  	_ =	shalt  }
0x77: {  	_ =	shalt  }
0x78: {  	_ =	shalt  }
0x79: {  	_ =	shalt  }
0x7a: {  	_ =	shalt  }
0x7b: {  	_ =	shalt  }
0x7c: {  	_ =	shalt  }
0x7d: {  	_ =	shalt  }
0x7e: {  	_ =	shalt  }
0x7f: {  	_ =	shalt  }
0x80: {  	_ =	shalt  }
0x81: {  	_ =	shalt  }
0x82: {  	_ =	shalt  }
0x83: {  	_ =	shalt  }
0x84: {  	_ =	shalt  }
0x85: {  	_ =	shalt  }
0x86: {  	_ =	shalt  }
0x87: {  	_ =	shalt  }
.Lfunc_end0:
.L_simem_size_0:
called_computation.1_lowered:
.L_overlay_start_0:
0x88: {  	s2 =	sld [smem:$0x3FD9]  }
0x89: {  	s3 =	sld [smem:$0x3FFE];
	_ =	sdelay $0x1  }
0x8a: {  	s1 =	srdreg.scid  }
0x8b: {  	s0 =	sand.u32 $0x1, s1  }
0x8c: {  	s17 =	sshll.u32 s0, $0xA;
	s2 =	sadd.s32 s3, s2  }
0x8d: {  	s2 =	sadd.s32 s2, s17  }
0x8e: {  	[smem:$0x3FB9] =	sst s2  }
0x8f: {  	_ = 	snop  }
0x90: {  	s2 =	sld [smem:$0x3FD0];
	(tm) =	ssettm $0x1  }
0x91: {  	s18 =	sld [smem:$0x3FFB];
	_ =	sdelay $0x3  }
0x92: {  	_ =	strace s18  }
0x93: {  	s3 =	sld [smem:$0x3FFC];
	_ =	sdelay $0x3  }
0x94: {  	_ =	strace s3  }
0x95: {  	s3 =	sld [smem:$0x3FFD];
	_ =	sdelay $0x3  }
0x96: {  	_ =	strace s3  }
0x97: {  	_ =	strace $0x8FFFFFFF  }
0x98: {  	s19 =	sld [smem:$0x3FDB];
	_ =	sdelay $0x1  }
0x99: {  	s4 =	simm.s32 $_scs_section_size  }
0x9a: {  	s5 =	simm.s32 $_size__tile_overlayer_lowered;
	s6 =	simm.s32 $_tile_overlayer_lowered  }
0x9b: {  	s22 =	simm.s32 $0x1BFF;
	s21 =	sshll.u32 s6, $0x1;
	s3 =	sadd.s32 s4, s19  }
0x9c: {  	s7 =	simm.s32 $0x0;
	s20 =	sshll.u32 s5, $0x1;
	s5 =	sadd.s32 s21, s3  }
0x9d: {  	[timem:s7], [sflag:s22] =	dma.local [hbm:s5], s20  }
0x9e: {  	_ =	swait.ge [sflag:s22], s20  }
0x9f: {  	s4 =	ssub.s32 $0x0, s20;
	[sflag:s22] =	ssyncset.done $0x0  }
0xa0: {  	[sflag:s22] =	ssyncadd.s32 s4;
	_ =	sdelay $0x1  }
0xa1: {  	s23 =	simm.s32 $0x1B8B  }
0xa2: {  	_ =	swait.ge [sflag:s23], $0x1  }
0xa3: {  	[sflag:s23] =	ssyncset.done $0x0  }
0xa4: {  	s25 =	simm.s32 $0x1B8E;
	s24 =	sld [smem:$0x3FFE];
	[sflag:s23] =	ssyncadd.s32 $0xFFFFFFFF  }
0xa5: {  	s26 =	simm.s32 $execute0_lowered;
	[smem:$0x3FD2] =	sst s25  }
0xa6: {  	s5 =	sshll.u32 s26, $0x1;
	_ =	strace $0x80000049;
	[dreg:$0x1] =	wrdreg $0xFFFFFFFF  }
0xa7: {  	s28 =	simm.s32 $_size_execute0_lowered;
	s3 =	sadd.s32 s3, s5;
	[dreg:$0x0] =	wrdreg $0x0  }
0xa8: {  	s5 =	sshll.u32 s28, $0x1;
	[dreg:$0x2] =	wrdreg s3  }
0xa9: {  	[dreg:$0x3] =	wrdreg s5  }
0xaa: {  	[dreg:$0x4] =	wrdreg $0xC0  }
0xab: {  	_ =	task [dreg:s7], $0x5FFFF  }
0xac: {  	[dreg:$0x1] =	wrdreg $0xFFFFFFFF  }
0xad: {  	[dreg:$0x0] =	wrdreg $0x60  }
0xae: {  	[dreg:$0x2] =	wrdreg s2  }
0xaf: {  	[dreg:$0x3] =	wrdreg s24  }
0xb0: {  	[dreg:$0x4] =	wrdreg $0x9  }
0xb1: {  	_ =	task.clear_ibuf [dreg:s7], $0x5FFFF;
	_ =	strace $0x90000049  }
0xb2: {  	s29 =	simm.s32 $0x9;
	_ =	strace $0x8000004B  }
0xb3: {  	_ =	swait.ge [sflag:s29], $0x1  }
0xb4: {  	[sflag:s29] =	ssyncadd.s32 $0xFFFFFFFF  }
0xb5: {  	_ =	strace $0x9000004B  }
0xb6: {  	_ =	sfence  }
0xb7: {  	s30 =	sld [smem:$0x0];
	_ =	sdelay $0x2  }
0xb8: {  	s31 =	sshll.u32 s1, $0xD;
	s1 =	sshrl.u32 s1, $0x2  }
0xb9: {  	s3 =	sand.u32 $0x4000, s31;
	s1 =	sadd.s32 s1, s30  }
0xba: {  	s0 =	sor.u32 s3, s0;
	s1 =	sshll.u32 s1, $0x11  }
0xbb: {  	s0 =	sor.u32 s1, s0  }
0xbc: {  	s0 =	sadd.s32 $0x8F2B, s0  }
0xbd: {  	[sflag:s0] =	ssyncadd.remote.s32 $0x1  }
0xbe: {  	_ =	sfence.sel $0xFFFF  }
0xbf: {  	[dreg:$0x0] =	wrdreg $0xFFFFFFFF;
	(pc) =	sbr.abs _section_cstart, $3  }
0xc0: {  	[dreg:$0x1] =	wrdreg $0xFFFFFFFF  }
0xc1: {  	_ =	task.clear_ibuf [dreg:s7], $0x2FFFF;
	_ =	strace $0x9FFFFFFF  }
0xc2: {  	(tm) =	ssettm $0x7FFFFFFF  }
0xc3: {  	_ =	shalt  }
tec
execute0_lowered:
.L_overlay_start_1:
0x0: {  	(tag) =	ssettag $0x1  }
0x1: {  	s1 =	srdreg.scid  }
0x2: {  	s0 =	stileid.u32;
	s2 =	rddreg [dreg:$0x0]  }
0x3: {  	s5 =	rddreg [dreg:$0x1];
	s3 =	simm.s32 $0x0;
	s7 =	simm.s32 $0x3400  }
0x4: {  	s8 =	simm.s32 $0x68000;
	s9 =	simm.s32 $0xC380;
	s10 =	simm.s32 $0x1  }
0x5: {  	s11 =	simm.s32 $0x2;
	s4 =	sand.u32 $0x1, s1;
	s30 =	sshll.u32 s0, $0x1  }
0x6: {  	s12 =	simm.s32 $0x12B80;
	s13 =	simm.s32 $0x3;
	s6 =	sor.u32 s4, s30  }
0x7: {  	s1 =	rddreg [dreg:$0x2];
	s4 =	ssub.s32 $0x2, s4;
	s6 =	smul.u32 $0x680, s6  }
0x8: {  	s14 =	simm.s32 $0x0;
	[smem:$0x7FF] =	sst s3;
	s31 =	sshrl.u32 s4, $0x1  }
0x9: {  	_ =	strace $0x8000004A;
	s5 =	sadd.s32 s6, s5;
	s6 =	ssub.s32 s4, s31  }
0xa: {  	s4 =	sadd.s32 $0x3600, s5;
	s5 =	sadd.s32 $0x1D600, s5;
	s6 =	smax.u32 s6, $0x1  }
.LBB2_1:
0xb: {  	[tilespmem:s3], [sflag:$0x1] =	stream.linear.gather [hbm4b:s2+s3], $0xC380, $0x38;
	[tilespmem:$0x19380] =	vst v63  }
0xc: {  	_ = 	snop  }
0xd: {  	[tilespmem:s9], [sflag:$0x2] =	stream.strided.gather [hbm4b:s4+s7], $0x6800, s8, s7, $0x38;
	[tilespmem:$0x19380] =	vst v63  }
0xe: {  	_ =	swait.ge [sflag:s10], $0xC380  }
0xf: {  	[sflag:s10] =	ssyncset.done $0x0  }
0x10: {  	[sflag:s10] =	ssyncadd.s32 $0xFFFF3C80  }
0x11: {  	s15 =	simm.s32 $0x0;
	_ =	swait.ge [sflag:s11], $0x6800  }
0x12: {  	s26 =	sand.u32 $0x3C00, s3;
	s16 =	sand.u32 $0x40, s15;
	[sflag:s11] =	ssyncset.done $0x0  }
0x13: {  	s18 =	sor.u32 s16, s26;
	[sflag:s11] =	ssyncadd.s32 $0xFFFF9800  }
0x14: {  	v3 =	vld [tilespmem:s18+$0xC380]  }
0x15: {  	s28 =	simm.s32 $0x40;
	s19 =	simm.s32 $0x200;
	v4 =	vld [tilespmem:s18+$0xC3A0]  }
0x16: {  	s17 =	sand.u32 $0x40, s28;
	s29 =	sand.u32 $0x3C00, s19;
	v5 =	vld [tilespmem:s18+$0xC390]  }
0x17: {  	s20 =	sor.u32 s17, s29;
	v6 =	vld [tilespmem:s18+$0xC3B0]  }
0x18: {  	v7 =	vld [tilespmem:s20+$0xC380]  }
0x19: {  	s21 =	simm.s32 $0x80;
	s22 =	simm.s32 $0x400;
	v0 =	vld [tilespmem:s20+$0xC390]  }
0x1a: {  	s30 =	sand.u32 $0x40, s21;
	s31 =	sand.u32 $0x3C00, s22;
	v2 =	vld [tilespmem:s20+$0xC3A0]  }
0x1b: {  	s19 =	sor.u32 s30, s31;
	v1 =	vld [tilespmem:s20+$0xC3B0]  }
0x1c: {  	v8 =	vld [tilespmem:s19+$0xC380]  }
0x1d: {  	v3 =	vld.idx.msk [tilespmem:v3+s3+$0x0], $0xffff  }
0x1e: {  	v9 =	vld.idx.msk [tilespmem:v4+s3+$0x0], $0xffff  }
0x1f: {  	v10 =	vld.idx.msk [tilespmem:v5+s3+$0x0], $0xffff  }
0x20: {  	v6 =	vld.idx.msk [tilespmem:v6+s3+$0x0], $0xffff  }
0x21: {  	v4 =	vld [tilespmem:s19+$0xC390]  }
0x22: {  	v5 =	vld [tilespmem:s19+$0xC3A0];
	[tilespmem:s18+$0x12B80] =	vst v3  }
0x23: {  	v3 =	vld [tilespmem:s19+$0xC3B0];
	[tilespmem:s18+$0x12BA0] =	vst v9  }
0x24: {  	s15 =	simm.s32 $0x0;
	v7 =	vld.idx.msk [tilespmem:v7+s3+$0x0], $0xffff;
	[tilespmem:s18+$0x12B90] =	vst v10  }
.LBB2_2:
0x25: {  	s21 =	sadd.s32 $0x40, s21;
	s22 =	sadd.s32 $0x200, s22;
	v9 =	vld.idx.msk [tilespmem:v2+s15+$0x0], $0xffff;
	[tilespmem:s18+$0x12BB0] =	vst v6;
	v10 =	vmov v8;
	s18 =	smov.u32 s20  }
0x26: {  	s23 =	sand.u32 $0x40, s21;
	s24 =	sand.u32 $0x3C00, s22;
	p0 =	slt.u32 s21, $0x640;
	v11 =	vld.idx.msk [tilespmem:v0+s15+$0x0], $0xffff;
	v0 =	vmov v4  }
0x27: {  	s20 =	smov.u32 s19;
	v6 =	vld.idx.msk [tilespmem:v1+s15+$0x0], $0xffff;
	v2 =	vmov v5;
	s19 =	sor.u32 s23, s24  }
.Ltmp0:
0x28: {  	v8 =	vld [tilespmem:s19+$0xC380];
	v1 =	vmov v3;
	(pc) =	sbr.rel @p0 .LBB2_2-.Ltmp0, $4  }
0x29: {  	v4 =	vld [tilespmem:s19+$0xC390]  }
0x2a: {  	v5 =	vld [tilespmem:s19+$0xC3A0];
	[tilespmem:s18+$0x12B80] =	vst v7  }
0x2b: {  	s15 =	simm.s32 $0x0;
	v3 =	vld [tilespmem:s19+$0xC3B0];
	[tilespmem:s18+$0x12BA0] =	vst v9  }
0x2c: {  	v7 =	vld.idx.msk [tilespmem:v10+s15+$0x0], $0xffff;
	[tilespmem:s18+$0x12B90] =	vst v11  }
0x2d: {  	_ =	sdelay $0x3  }
0x2e: {  	v2 =	vld.idx.msk [tilespmem:v2+s15+$0x0], $0xffff  }
0x2f: {  	v0 =	vld.idx.msk [tilespmem:v0+s15+$0x0], $0xffff  }
0x30: {  	v1 =	vld.idx.msk [tilespmem:v1+s15+$0x0], $0xffff  }
0x31: {  	[tilespmem:s18+$0x12BB0] =	vst v6;
	v6 =	vld.idx.msk [tilespmem:v8+s15+$0x0], $0xffff  }
0x32: {  	v5 =	vld.idx.msk [tilespmem:v5+s15+$0x0], $0xffff;
	[tilespmem:s20+$0x12B80] =	vst v7  }
0x33: {  	[tilespmem:s20+$0x12BA0] =	vst v2;
	v2 =	vld.idx.msk [tilespmem:v4+s15+$0x0], $0xffff  }
0x34: {  	[tilespmem:s20+$0x12B90] =	vst v0;
	v0 =	vld.idx.msk [tilespmem:v3+s15+$0x0], $0xffff  }
0x35: {  	[tilespmem:s20+$0x12BB0] =	vst v1  }
0x36: {  	[tilespmem:s19+$0x12B80] =	vst v6  }
0x37: {  	[tilespmem:s19+$0x12BA0] =	vst v5  }
0x38: {  	s18 =	sand.u32 $0x3C00, s15;
	[tilespmem:s19+$0x12B90] =	vst v2  }
0x39: {  	s20 =	sor.u32 s16, s18;
	[tilespmem:s19+$0x12BB0] =	vst v0  }
0x3a: {  	v2 =	vld [tilespmem:s20+$0xC420]  }
0x3b: {  	s30 =	simm.s32 $0x200;
	v3 =	vld [tilespmem:s20+$0xC430]  }
0x3c: {  	s16 =	sand.u32 $0x3C00, s30;
	v4 =	vld [tilespmem:s20+$0xC400]  }
0x3d: {  	s17 =	sor.u32 s17, s16;
	v5 =	vld [tilespmem:s20+$0xC410]  }
0x3e: {  	v0 =	vld [tilespmem:s17+$0xC400]  }
0x3f: {  	s21 =	simm.s32 $0x80;
	s22 =	simm.s32 $0x400;
	v1 =	vld [tilespmem:s17+$0xC410]  }
0x40: {  	s31 =	sand.u32 $0x40, s21;
	s23 =	sand.u32 $0x3C00, s22;
	v6 =	vld [tilespmem:s17+$0xC420]  }
0x41: {  	s19 =	sor.u32 s31, s23;
	v7 =	vld [tilespmem:s17+$0xC430]  }
0x42: {  	v8 =	vld [tilespmem:s19+$0xC420]  }
0x43: {  	v9 =	vld.idx.msk [tilespmem:v2+s15+$0x0], $0xffff  }
0x44: {  	v10 =	vld.idx.msk [tilespmem:v3+s15+$0x0], $0xffff  }
0x45: {  	v11 =	vld.idx.msk [tilespmem:v4+s15+$0x0], $0xffff  }
0x46: {  	v4 =	vld.idx.msk [tilespmem:v5+s15+$0x0], $0xffff  }
0x47: {  	v3 =	vld [tilespmem:s19+$0xC400]  }
0x48: {  	v2 =	vld [tilespmem:s19+$0xC410];
	[tilespmem:s20+$0x12C20] =	vst v9  }
0x49: {  	v5 =	vld [tilespmem:s19+$0xC430];
	[tilespmem:s20+$0x12C30] =	vst v10  }
0x4a: {  	v6 =	vld.idx.msk [tilespmem:v6+s15+$0x0], $0xffff;
	[tilespmem:s20+$0x12C00] =	vst v11  }
.LBB2_4:
0x4b: {  	s21 =	sadd.s32 $0x40, s21;
	s22 =	sadd.s32 $0x200, s22;
	v9 =	vld.idx.msk [tilespmem:v7+s15+$0x0], $0xffff;
	[tilespmem:s20+$0x12C10] =	vst v4  }
0x4c: {  	s23 =	sand.u32 $0x40, s21;
	s24 =	sand.u32 $0x3C00, s22;
	p0 =	slt.u32 s21, $0x640;
	v10 =	vld.idx.msk [tilespmem:v0+s15+$0x0], $0xffff;
	v0 =	vmov v3  }
0x4d: {  	s20 =	smov.u32 s17;
	s17 =	smov.u32 s19;
	v4 =	vld.idx.msk [tilespmem:v1+s15+$0x0], $0xffff;
	v1 =	vmov v2;
	v11 =	vmov v8;
	s19 =	sor.u32 s23, s24  }
.Ltmp1:
0x4e: {  	v3 =	vld [tilespmem:s19+$0xC400];
	v7 =	vmov v5;
	(pc) =	sbr.rel @p0 .LBB2_4-.Ltmp1, $4  }
0x4f: {  	v2 =	vld [tilespmem:s19+$0xC410]  }
0x50: {  	v8 =	vld [tilespmem:s19+$0xC420];
	[tilespmem:s20+$0x12C20] =	vst v6  }
0x51: {  	v5 =	vld [tilespmem:s19+$0xC430];
	[tilespmem:s20+$0x12C30] =	vst v9  }
0x52: {  	v6 =	vld.idx.msk [tilespmem:v11+s15+$0x0], $0xffff;
	[tilespmem:s20+$0x12C00] =	vst v10  }
0x53: {  	_ =	sdelay $0x3  }
0x54: {  	v7 =	vld.idx.msk [tilespmem:v7+s15+$0x0], $0xffff  }
0x55: {  	v0 =	vld.idx.msk [tilespmem:v0+s15+$0x0], $0xffff  }
0x56: {  	v1 =	vld.idx.msk [tilespmem:v1+s15+$0x0], $0xffff  }
0x57: {  	[tilespmem:s20+$0x12C10] =	vst v4;
	v3 =	vld.idx.msk [tilespmem:v3+s15+$0x0], $0xffff  }
0x58: {  	v4 =	vld.idx.msk [tilespmem:v8+s15+$0x0], $0xffff;
	[tilespmem:s17+$0x12C20] =	vst v6  }
0x59: {  	v5 =	vld.idx.msk [tilespmem:v5+s15+$0x0], $0xffff;
	[tilespmem:s17+$0x12C30] =	vst v7  }
0x5a: {  	[tilespmem:s17+$0x12C00] =	vst v0;
	v0 =	vld.idx.msk [tilespmem:v2+s15+$0x0], $0xffff  }
0x5b: {  	[tilespmem:s17+$0x12C10] =	vst v1  }
0x5c: {  	[tilespmem:s19+$0x12C00] =	vst v3  }
0x5d: {  	s29 =	simm.s32 $0x0;
	[tilespmem:s19+$0x12C20] =	vst v4  }
0x5e: {  	s15 =	sand.u32 $0x40, s29;
	[tilespmem:s19+$0x12C30] =	vst v5  }
0x5f: {  	s18 =	sor.u32 s15, s18;
	[tilespmem:s19+$0x12C10] =	vst v0  }
0x60: {  	v3 =	vld [tilespmem:s18+$0xC480]  }
0x61: {  	s30 =	simm.s32 $0x40;
	v4 =	vld [tilespmem:s18+$0xC4A0]  }
0x62: {  	s17 =	sand.u32 $0x40, s30;
	v5 =	vld [tilespmem:s18+$0xC490]  }
0x63: {  	s20 =	sor.u32 s17, s16;
	v6 =	vld [tilespmem:s18+$0xC4B0]  }
0x64: {  	v7 =	vld [tilespmem:s20+$0xC480]  }
0x65: {  	s21 =	simm.s32 $0x80;
	s22 =	simm.s32 $0x400;
	v0 =	vld [tilespmem:s20+$0xC490]  }
0x66: {  	s31 =	sand.u32 $0x40, s21;
	s23 =	sand.u32 $0x3C00, s22;
	v2 =	vld [tilespmem:s20+$0xC4A0]  }
0x67: {  	s19 =	sor.u32 s31, s23;
	v1 =	vld [tilespmem:s20+$0xC4B0]  }
0x68: {  	s16 =	simm.s32 $0x0;
	v8 =	vld [tilespmem:s19+$0xC480]  }
0x69: {  	v3 =	vld.idx.msk [tilespmem:v3+s16+$0x0], $0xffff  }
0x6a: {  	v9 =	vld.idx.msk [tilespmem:v4+s16+$0x0], $0xffff  }
0x6b: {  	v10 =	vld.idx.msk [tilespmem:v5+s16+$0x0], $0xffff  }
0x6c: {  	v6 =	vld.idx.msk [tilespmem:v6+s16+$0x0], $0xffff  }
0x6d: {  	v4 =	vld [tilespmem:s19+$0xC490]  }
0x6e: {  	v5 =	vld [tilespmem:s19+$0xC4A0];
	[tilespmem:s18+$0x12C80] =	vst v3  }
0x6f: {  	v3 =	vld [tilespmem:s19+$0xC4B0];
	[tilespmem:s18+$0x12CA0] =	vst v9  }
0x70: {  	v7 =	vld.idx.msk [tilespmem:v7+s16+$0x0], $0xffff;
	[tilespmem:s18+$0x12C90] =	vst v10  }
.LBB2_6:
0x71: {  	s21 =	sadd.s32 $0x40, s21;
	s22 =	sadd.s32 $0x200, s22;
	v9 =	vld.idx.msk [tilespmem:v2+s16+$0x0], $0xffff;
	[tilespmem:s18+$0x12CB0] =	vst v6;
	v10 =	vmov v8;
	s18 =	smov.u32 s20  }
0x72: {  	s23 =	sand.u32 $0x40, s21;
	s24 =	sand.u32 $0x3C00, s22;
	p0 =	slt.u32 s21, $0x640;
	v11 =	vld.idx.msk [tilespmem:v0+s16+$0x0], $0xffff;
	v0 =	vmov v4  }
0x73: {  	s20 =	smov.u32 s19;
	v6 =	vld.idx.msk [tilespmem:v1+s16+$0x0], $0xffff;
	v2 =	vmov v5;
	s19 =	sor.u32 s23, s24  }
.Ltmp2:
0x74: {  	v8 =	vld [tilespmem:s19+$0xC480];
	v1 =	vmov v3;
	(pc) =	sbr.rel @p0 .LBB2_6-.Ltmp2, $4  }
0x75: {  	v4 =	vld [tilespmem:s19+$0xC490]  }
0x76: {  	v5 =	vld [tilespmem:s19+$0xC4A0];
	[tilespmem:s18+$0x12C80] =	vst v7  }
0x77: {  	v3 =	vld [tilespmem:s19+$0xC4B0];
	[tilespmem:s18+$0x12CA0] =	vst v9  }
0x78: {  	v7 =	vld.idx.msk [tilespmem:v10+s16+$0x0], $0xffff;
	[tilespmem:s18+$0x12C90] =	vst v11  }
0x79: {  	_ =	sdelay $0x3  }
0x7a: {  	v2 =	vld.idx.msk [tilespmem:v2+s16+$0x0], $0xffff  }
0x7b: {  	v0 =	vld.idx.msk [tilespmem:v0+s16+$0x0], $0xffff  }
0x7c: {  	v1 =	vld.idx.msk [tilespmem:v1+s16+$0x0], $0xffff;
	s16 =	simm.s32 $0x0  }
0x7d: {  	[tilespmem:s18+$0x12CB0] =	vst v6;
	v6 =	vld.idx.msk [tilespmem:v8+s16+$0x0], $0xffff  }
0x7e: {  	v5 =	vld.idx.msk [tilespmem:v5+s16+$0x0], $0xffff;
	[tilespmem:s20+$0x12C80] =	vst v7  }
0x7f: {  	[tilespmem:s20+$0x12CA0] =	vst v2;
	v2 =	vld.idx.msk [tilespmem:v4+s16+$0x0], $0xffff  }
0x80: {  	[tilespmem:s20+$0x12C90] =	vst v0;
	v0 =	vld.idx.msk [tilespmem:v3+s16+$0x0], $0xffff  }
0x81: {  	[tilespmem:s20+$0x12CB0] =	vst v1  }
0x82: {  	[tilespmem:s19+$0x12C80] =	vst v6  }
0x83: {  	[tilespmem:s19+$0x12CA0] =	vst v5  }
0x84: {  	s29 =	sand.u32 $0x3C00, s16;
	[tilespmem:s19+$0x12C90] =	vst v2  }
0x85: {  	[tilespmem:s19+$0x12CB0] =	vst v0;
	s19 =	sor.u32 s15, s29  }
0x86: {  	v3 =	vld [tilespmem:s19+$0xC520]  }
0x87: {  	s21 =	simm.s32 $0x400;
	s20 =	simm.s32 $0x80;
	v4 =	vld [tilespmem:s19+$0xC500]  }
0x88: {  	s22 =	sand.u32 $0x3C00, s21;
	s31 =	sand.u32 $0x40, s20;
	s15 =	simm.s32 $0x200;
	v5 =	vld [tilespmem:s19+$0xC530]  }
0x89: {  	s18 =	sor.u32 s31, s22;
	s30 =	sand.u32 $0x3C00, s15;
	v6 =	vld [tilespmem:s19+$0xC510]  }
0x8a: {  	v7 =	vld [tilespmem:s18+$0xC500];
	s17 =	sor.u32 s17, s30  }
0x8b: {  	v1 =	vld [tilespmem:s17+$0xC500]  }
0x8c: {  	v0 =	vld [tilespmem:s17+$0xC510]  }
0x8d: {  	v9 =	vld [tilespmem:s17+$0xC520]  }
0x8e: {  	v2 =	vld [tilespmem:s17+$0xC530]  }
0x8f: {  	v10 =	vld.idx.msk [tilespmem:v3+s16+$0x0], $0xffff  }
0x90: {  	v11 =	vld.idx.msk [tilespmem:v4+s16+$0x0], $0xffff  }
0x91: {  	v12 =	vld.idx.msk [tilespmem:v5+s16+$0x0], $0xffff  }
0x92: {  	v5 =	vld.idx.msk [tilespmem:v6+s16+$0x0], $0xffff  }
0x93: {  	v8 =	vld [tilespmem:s18+$0xC520]  }
0x94: {  	v3 =	vld [tilespmem:s18+$0xC510];
	[tilespmem:s19+$0x12D20] =	vst v10  }
0x95: {  	v4 =	vld [tilespmem:s18+$0xC530];
	[tilespmem:s19+$0x12D00] =	vst v11  }
0x96: {  	v6 =	vld.idx.msk [tilespmem:v9+s16+$0x0], $0xffff;
	[tilespmem:s19+$0x12D30] =	vst v12  }
.LBB2_8:
0x97: {  	s20 =	sadd.s32 $0x40, s20;
	s21 =	sadd.s32 $0x200, s21;
	v9 =	vld.idx.msk [tilespmem:v1+s16+$0x0], $0xffff;
	[tilespmem:s19+$0x12D10] =	vst v5;
	v1 =	vmov v7  }
0x98: {  	s22 =	sand.u32 $0x40, s20;
	s23 =	sand.u32 $0x3C00, s21;
	p0 =	slt.u32 s20, $0x640;
	v10 =	vld.idx.msk [tilespmem:v2+s16+$0x0], $0xffff  }
0x99: {  	s19 =	smov.u32 s17;
	s17 =	smov.u32 s18;
	v5 =	vld.idx.msk [tilespmem:v0+s16+$0x0], $0xffff;
	v0 =	vmov v3;
	v11 =	vmov v8;
	s18 =	sor.u32 s22, s23  }
.Ltmp3:
0x9a: {  	v7 =	vld [tilespmem:s18+$0xC500];
	v2 =	vmov v4;
	(pc) =	sbr.rel @p0 .LBB2_8-.Ltmp3, $4  }
0x9b: {  	v3 =	vld [tilespmem:s18+$0xC510]  }
0x9c: {  	v8 =	vld [tilespmem:s18+$0xC520];
	[tilespmem:s19+$0x12D20] =	vst v6  }
0x9d: {  	v4 =	vld [tilespmem:s18+$0xC530];
	[tilespmem:s19+$0x12D00] =	vst v9  }
0x9e: {  	v6 =	vld.idx.msk [tilespmem:v11+s16+$0x0], $0xffff;
	[tilespmem:s19+$0x12D30] =	vst v10  }
0x9f: {  	_ =	sdelay $0x3  }
0xa0: {  	v1 =	vld.idx.msk [tilespmem:v1+s16+$0x0], $0xffff  }
0xa1: {  	v2 =	vld.idx.msk [tilespmem:v2+s16+$0x0], $0xffff  }
0xa2: {  	v0 =	vld.idx.msk [tilespmem:v0+s16+$0x0], $0xffff  }
0xa3: {  	[tilespmem:s19+$0x12D10] =	vst v5;
	v5 =	vld.idx.msk [tilespmem:v8+s16+$0x0], $0xffff  }
0xa4: {  	[tilespmem:s17+$0x12D20] =	vst v6;
	v6 =	vld.idx.msk [tilespmem:v7+s16+$0x0], $0xffff  }
0xa5: {  	[tilespmem:s17+$0x12D00] =	vst v1;
	v1 =	vld.idx.msk [tilespmem:v4+s16+$0x0], $0xffff  }
0xa6: {  	[tilespmem:s17+$0x12D30] =	vst v2;
	v2 =	vld.idx.msk [tilespmem:v3+s16+$0x0], $0xffff  }
0xa7: {  	p0 =	por $0x0, $0x0;
	[tilespmem:s17+$0x12D10] =	vst v0;
	s16 =	simm.s32 $0x1  }
0xa8: {  	s16 =	simm.s32 @!p0 $0x0;
	[tilespmem:s18+$0x12D20] =	vst v5  }
0xa9: {  	s16 =	sshll.u32 s16, $0x6;
	[tilespmem:s18+$0x12D00] =	vst v6  }
0xaa: {  	s31 =	sadd.s32 $0x0, s16;
	[tilespmem:s18+$0x12D30] =	vst v1  }
0xab: {  	[tilespmem:s18+$0x12D10] =	vst v2;
	s18 =	sor.u32 $0x230, s31  }
0xac: {  	v0 =	vld [tilespmem:s18+$0xC380];
	_ =	sdelay $0x1  }
0xad: {  	s22 =	simm.s32 $0x1;
	p0 =	por !p0, !p0  }
0xae: {  	s22 =	simm.s32 @!p0 $0x0;
	s19 =	sor.u32 $0x200, s31  }
0xaf: {  	s17 =	sshll.u32 s22, $0x6;
	s20 =	sor.u32 $0x210, s31;
	v7 =	vld [tilespmem:s19+$0xC380]  }
0xb0: {  	s21 =	sor.u32 $0x220, s31;
	s24 =	sadd.s32 $0x200, s17;
	v1 =	vld [tilespmem:s20+$0xC380]  }
0xb1: {  	s22 =	sor.u32 $0x200, s24;
	v2 =	vld [tilespmem:s21+$0xC380]  }
0xb2: {  	s25 =	simm.s32 $0x0;
	v4 =	vld [tilespmem:s22+$0xC380]  }
0xb3: {  	s26 =	sor.u32 $0x230, s24;
	v3 =	vld.idx.msk [tilespmem:v0+s25+$0x0], $0xffff  }
0xb4: {  	s23 =	sor.u32 $0x210, s24;
	v0 =	vld [tilespmem:s26+$0xC380]  }
0xb5: {  	s24 =	sor.u32 $0x220, s24;
	v6 =	vld [tilespmem:s23+$0xC380]  }
0xb6: {  	v5 =	vld [tilespmem:s24+$0xC380]  }
0xb7: {  	s28 =	simm.s32 $0x40;
	p1 =	por !p0, !p0;
	v7 =	vld.idx.msk [tilespmem:v7+s25+$0x0], $0xffff  }
.LBB2_10:
0xb8: {  	s29 =	simm.s32 $0x1  }
0xb9: {  	s28 =	sadd.s32 $0x40, s28;
	v8 =	vld.idx.msk [tilespmem:v1+s25+$0x0], $0xffff;
	[tilespmem:s18+$0x12B80] =	vst v3;
	s18 =	smov.u32 s26;
	s29 =	simm.s32 @!p1 $0x0  }
0xba: {  	s15 =	sadd.s32 $0x200, s15;
	p2 =	slt.u32 s28, $0x640;
	v10 =	vmov v4;
	s26 =	sshll.u32 s29, $0x6;
	v9 =	vld.idx.msk [tilespmem:v2+s25+$0x0], $0xffff  }
0xbb: {  	v1 =	vmov v6;
	s29 =	sadd.s32 s26, s15  }
0xbc: {  	v2 =	vmov v5;
	s30 =	sor.u32 $0x200, s29;
	s31 =	sor.u32 $0x210, s29;
	s26 =	sor.u32 $0x230, s29;
	v3 =	vld.idx.msk [tilespmem:v0+s25+$0x0], $0xffff  }
.Ltmp4:
0xbd: {  	s29 =	sor.u32 $0x220, s29;
	v0 =	vld [tilespmem:s26+$0xC380];
	(pc) =	sbr.rel @p2 .LBB2_10-.Ltmp4, $4  }
0xbe: {  	v4 =	vld [tilespmem:s30+$0xC380];
	[tilespmem:s19+$0x12B80] =	vst v7;
	s19 =	smov.u32 s22;
	s22 =	smov.u32 s30  }
0xbf: {  	v6 =	vld [tilespmem:s31+$0xC380];
	[tilespmem:s20+$0x12B80] =	vst v8;
	s20 =	smov.u32 s23;
	s23 =	smov.u32 s31  }
0xc0: {  	v5 =	vld [tilespmem:s29+$0xC380];
	[tilespmem:s21+$0x12B80] =	vst v9;
	s21 =	smov.u32 s24;
	s24 =	smov.u32 s29  }
0xc1: {  	p1 =	por !p1, !p1;
	v7 =	vld.idx.msk [tilespmem:v10+s25+$0x0], $0xffff  }
0xc2: {  	_ =	sdelay $0x3  }
0xc3: {  	v1 =	vld.idx.msk [tilespmem:v1+s25+$0x0], $0xffff  }
0xc4: {  	v2 =	vld.idx.msk [tilespmem:v2+s25+$0x0], $0xffff;
	s15 =	simm.s32 $0x0  }
0xc5: {  	v0 =	vld.idx.msk [tilespmem:v0+s15+$0x0], $0xffff  }
0xc6: {  	[tilespmem:s18+$0x12B80] =	vst v3;
	v3 =	vld.idx.msk [tilespmem:v4+s15+$0x0], $0xffff  }
0xc7: {  	v4 =	vld.idx.msk [tilespmem:v6+s15+$0x0], $0xffff;
	[tilespmem:s19+$0x12B80] =	vst v7  }
0xc8: {  	[tilespmem:s20+$0x12B80] =	vst v1;
	v1 =	vld.idx.msk [tilespmem:v5+s15+$0x0], $0xffff  }
0xc9: {  	[tilespmem:s21+$0x12B80] =	vst v2  }
0xca: {  	[tilespmem:s26+$0x12B80] =	vst v0  }
0xcb: {  	[tilespmem:s22+$0x12B80] =	vst v3  }
0xcc: {  	s30 =	sadd.s32 $0x0, s16;
	[tilespmem:s23+$0x12B80] =	vst v4  }
0xcd: {  	s23 =	sor.u32 $0x2B0, s30;
	[tilespmem:s24+$0x12B80] =	vst v1  }
0xce: {  	v0 =	vld [tilespmem:s23+$0xC380];
	_ =	sdelay $0x2  }
0xcf: {  	s19 =	sor.u32 $0x280, s30  }
0xd0: {  	s16 =	sor.u32 $0x290, s30;
	v7 =	vld [tilespmem:s19+$0xC380]  }
0xd1: {  	s31 =	sadd.s32 $0x200, s17;
	s18 =	sor.u32 $0x2A0, s30;
	v1 =	vld [tilespmem:s16+$0xC380]  }
0xd2: {  	s17 =	sor.u32 $0x280, s31;
	v2 =	vld [tilespmem:s18+$0xC380]  }
0xd3: {  	v5 =	vld [tilespmem:s17+$0xC380]  }
0xd4: {  	s22 =	sor.u32 $0x2B0, s31;
	v3 =	vld.idx.msk [tilespmem:v0+s15+$0x0], $0xffff  }
0xd5: {  	s20 =	sor.u32 $0x290, s31;
	v0 =	vld [tilespmem:s22+$0xC380]  }
0xd6: {  	s21 =	sor.u32 $0x2A0, s31;
	v6 =	vld [tilespmem:s20+$0xC380]  }
0xd7: {  	v4 =	vld [tilespmem:s21+$0xC380]  }
0xd8: {  	s25 =	simm.s32 $0x200;
	p0 =	por !p0, !p0;
	s24 =	simm.s32 $0x40;
	v7 =	vld.idx.msk [tilespmem:v7+s15+$0x0], $0xffff  }
.LBB2_12:
0xd9: {  	s26 =	simm.s32 $0x1  }
0xda: {  	s24 =	sadd.s32 $0x40, s24;
	v8 =	vld.idx.msk [tilespmem:v1+s15+$0x0], $0xffff;
	[tilespmem:s23+$0x12B80] =	vst v3;
	s26 =	simm.s32 @!p0 $0x0  }
0xdb: {  	s25 =	sadd.s32 $0x200, s25;
	p1 =	slt.u32 s24, $0x640;
	v10 =	vmov v5;
	s23 =	sshll.u32 s26, $0x6;
	v9 =	vld.idx.msk [tilespmem:v2+s15+$0x0], $0xffff  }
0xdc: {  	v1 =	vmov v6;
	s26 =	sadd.s32 s23, s25;
	s23 =	smov.u32 s22  }
0xdd: {  	v2 =	vmov v4;
	s28 =	sor.u32 $0x280, s26;
	s29 =	sor.u32 $0x290, s26;
	s22 =	sor.u32 $0x2B0, s26;
	v3 =	vld.idx.msk [tilespmem:v0+s15+$0x0], $0xffff  }
.Ltmp5:
0xde: {  	s26 =	sor.u32 $0x2A0, s26;
	v0 =	vld [tilespmem:s22+$0xC380];
	(pc) =	sbr.rel @p1 .LBB2_12-.Ltmp5, $4  }
0xdf: {  	v5 =	vld [tilespmem:s28+$0xC380];
	[tilespmem:s19+$0x12B80] =	vst v7;
	s19 =	smov.u32 s17;
	s17 =	smov.u32 s28  }
0xe0: {  	v6 =	vld [tilespmem:s29+$0xC380];
	[tilespmem:s16+$0x12B80] =	vst v8;
	s16 =	smov.u32 s20;
	s20 =	smov.u32 s29  }
0xe1: {  	v4 =	vld [tilespmem:s26+$0xC380];
	[tilespmem:s18+$0x12B80] =	vst v9;
	s18 =	smov.u32 s21;
	s21 =	smov.u32 s26  }
0xe2: {  	p0 =	por !p0, !p0;
	v7 =	vld.idx.msk [tilespmem:v10+s15+$0x0], $0xffff  }
0xe3: {  	_ =	sdelay $0x3  }
0xe4: {  	v1 =	vld.idx.msk [tilespmem:v1+s15+$0x0], $0xffff  }
0xe5: {  	v2 =	vld.idx.msk [tilespmem:v2+s15+$0x0], $0xffff  }
0xe6: {  	v0 =	vld.idx.msk [tilespmem:v0+s15+$0x0], $0xffff  }
0xe7: {  	[tilespmem:s23+$0x12B80] =	vst v3;
	v3 =	vld.idx.msk [tilespmem:v5+s15+$0x0], $0xffff  }
0xe8: {  	v5 =	vld.idx.msk [tilespmem:v6+s15+$0x0], $0xffff;
	[tilespmem:s19+$0x12B80] =	vst v7  }
0xe9: {  	[tilespmem:s16+$0x12B80] =	vst v1;
	v1 =	vld.idx.msk [tilespmem:v4+s15+$0x0], $0xffff  }
0xea: {  	p0 =	por $0x0, $0x0;
	[tilespmem:s18+$0x12B80] =	vst v2;
	s15 =	simm.s32 $0x1  }
0xeb: {  	[tilespmem:s22+$0x12B80] =	vst v0;
	s15 =	simm.s32 @!p0 $0x0  }
0xec: {  	[tilespmem:s17+$0x12B80] =	vst v3;
	s16 =	sshll.u32 s15, $0x6  }
0xed: {  	[tilespmem:s20+$0x12B80] =	vst v5;
	s15 =	sadd.s32 $0x0, s16  }
0xee: {  	s18 =	sor.u32 $0x330, s15;
	[tilespmem:s21+$0x12B80] =	vst v1  }
0xef: {  	v0 =	vld [tilespmem:s18+$0xC380];
	_ =	sdelay $0x1  }
0xf0: {  	p0 =	por !p0, !p0;
	s17 =	simm.s32 $0x1  }
0xf1: {  	s17 =	simm.s32 @!p0 $0x0;
	s19 =	sor.u32 $0x300, s15  }
0xf2: {  	s17 =	sshll.u32 s17, $0x6;
	s20 =	sor.u32 $0x310, s15;
	v7 =	vld [tilespmem:s19+$0xC380]  }
0xf3: {  	s24 =	sadd.s32 $0x200, s17;
	s21 =	sor.u32 $0x320, s15;
	v1 =	vld [tilespmem:s20+$0xC380]  }
0xf4: {  	s22 =	sor.u32 $0x300, s24;
	v2 =	vld [tilespmem:s21+$0xC380]  }
0xf5: {  	s15 =	simm.s32 $0x0;
	v4 =	vld [tilespmem:s22+$0xC380]  }
0xf6: {  	s25 =	sor.u32 $0x330, s24;
	v3 =	vld.idx.msk [tilespmem:v0+s15+$0x0], $0xffff  }
0xf7: {  	s23 =	sor.u32 $0x310, s24;
	v0 =	vld [tilespmem:s25+$0xC380]  }
0xf8: {  	s24 =	sor.u32 $0x320, s24;
	v6 =	vld [tilespmem:s23+$0xC380]  }
0xf9: {  	v5 =	vld [tilespmem:s24+$0xC380]  }
0xfa: {  	s26 =	simm.s32 $0x40;
	s28 =	simm.s32 $0x200;
	p1 =	por !p0, !p0;
	v7 =	vld.idx.msk [tilespmem:v7+s15+$0x0], $0xffff  }
.LBB2_14:
0xfb: {  	s29 =	simm.s32 $0x1  }
0xfc: {  	s26 =	sadd.s32 $0x40, s26;
	v8 =	vld.idx.msk [tilespmem:v1+s15+$0x0], $0xffff;
	[tilespmem:s18+$0x12B80] =	vst v3;
	s18 =	smov.u32 s25;
	s29 =	simm.s32 @!p1 $0x0  }
0xfd: {  	s28 =	sadd.s32 $0x200, s28;
	p2 =	slt.u32 s26, $0x640;
	v10 =	vmov v4;
	s25 =	sshll.u32 s29, $0x6;
	v9 =	vld.idx.msk [tilespmem:v2+s15+$0x0], $0xffff  }
0xfe: {  	v1 =	vmov v6;
	s29 =	sadd.s32 s25, s28  }
0xff: {  	v2 =	vmov v5;
	s30 =	sor.u32 $0x300, s29;
	s31 =	sor.u32 $0x310, s29;
	s25 =	sor.u32 $0x330, s29;
	v3 =	vld.idx.msk [tilespmem:v0+s15+$0x0], $0xffff  }
.Ltmp6:
0x100: {  	s29 =	sor.u32 $0x320, s29;
	v0 =	vld [tilespmem:s25+$0xC380];
	(pc) =	sbr.rel @p2 .LBB2_14-.Ltmp6, $4  }
0x101: {  	v4 =	vld [tilespmem:s30+$0xC380];
	[tilespmem:s19+$0x12B80] =	vst v7;
	s19 =	smov.u32 s22;
	s22 =	smov.u32 s30  }
0x102: {  	v6 =	vld [tilespmem:s31+$0xC380];
	[tilespmem:s20+$0x12B80] =	vst v8;
	s20 =	smov.u32 s23;
	s23 =	smov.u32 s31  }
0x103: {  	v5 =	vld [tilespmem:s29+$0xC380];
	[tilespmem:s21+$0x12B80] =	vst v9;
	s21 =	smov.u32 s24;
	s24 =	smov.u32 s29  }
0x104: {  	p1 =	por !p1, !p1;
	v7 =	vld.idx.msk [tilespmem:v10+s15+$0x0], $0xffff  }
0x105: {  	_ =	sdelay $0x3  }
0x106: {  	v1 =	vld.idx.msk [tilespmem:v1+s15+$0x0], $0xffff  }
0x107: {  	v2 =	vld.idx.msk [tilespmem:v2+s15+$0x0], $0xffff;
	s15 =	simm.s32 $0x0  }
0x108: {  	v0 =	vld.idx.msk [tilespmem:v0+s15+$0x0], $0xffff  }
0x109: {  	[tilespmem:s18+$0x12B80] =	vst v3;
	v3 =	vld.idx.msk [tilespmem:v4+s15+$0x0], $0xffff  }
0x10a: {  	v4 =	vld.idx.msk [tilespmem:v6+s15+$0x0], $0xffff;
	[tilespmem:s19+$0x12B80] =	vst v7  }
0x10b: {  	[tilespmem:s20+$0x12B80] =	vst v1;
	v1 =	vld.idx.msk [tilespmem:v5+s15+$0x0], $0xffff  }
0x10c: {  	[tilespmem:s21+$0x12B80] =	vst v2  }
0x10d: {  	[tilespmem:s25+$0x12B80] =	vst v0  }
0x10e: {  	[tilespmem:s22+$0x12B80] =	vst v3  }
0x10f: {  	s31 =	sadd.s32 $0x0, s16;
	[tilespmem:s23+$0x12B80] =	vst v4  }
0x110: {  	s23 =	sor.u32 $0x3B0, s31;
	[tilespmem:s24+$0x12B80] =	vst v1  }
0x111: {  	v0 =	vld [tilespmem:s23+$0xC380];
	_ =	sdelay $0x2  }
0x112: {  	s19 =	sor.u32 $0x380, s31  }
0x113: {  	s16 =	sor.u32 $0x390, s31;
	v7 =	vld [tilespmem:s19+$0xC380]  }
0x114: {  	s17 =	sadd.s32 $0x200, s17;
	s18 =	sor.u32 $0x3A0, s31;
	v1 =	vld [tilespmem:s16+$0xC380]  }
0x115: {  	s20 =	sor.u32 $0x380, s17;
	v2 =	vld [tilespmem:s18+$0xC380]  }
0x116: {  	v5 =	vld [tilespmem:s20+$0xC380]  }
0x117: {  	s22 =	sor.u32 $0x3B0, s17;
	v3 =	vld.idx.msk [tilespmem:v0+s15+$0x0], $0xffff  }
0x118: {  	s21 =	sor.u32 $0x390, s17;
	v0 =	vld [tilespmem:s22+$0xC380]  }
0x119: {  	s17 =	sor.u32 $0x3A0, s17;
	v6 =	vld [tilespmem:s21+$0xC380]  }
0x11a: {  	v4 =	vld [tilespmem:s17+$0xC380]  }
0x11b: {  	p0 =	por !p0, !p0;
	s25 =	simm.s32 $0x200;
	s24 =	simm.s32 $0x40;
	v7 =	vld.idx.msk [tilespmem:v7+s15+$0x0], $0xffff  }
.LBB2_16:
0x11c: {  	s26 =	simm.s32 $0x1  }
0x11d: {  	s24 =	sadd.s32 $0x40, s24;
	v8 =	vld.idx.msk [tilespmem:v1+s15+$0x0], $0xffff;
	[tilespmem:s23+$0x12B80] =	vst v3;
	s26 =	simm.s32 @!p0 $0x0  }
0x11e: {  	s25 =	sadd.s32 $0x200, s25;
	p1 =	slt.u32 s24, $0x640;
	v10 =	vmov v5;
	s23 =	sshll.u32 s26, $0x6;
	v9 =	vld.idx.msk [tilespmem:v2+s15+$0x0], $0xffff  }
0x11f: {  	v1 =	vmov v6;
	s26 =	sadd.s32 s23, s25;
	s23 =	smov.u32 s22  }
0x120: {  	v2 =	vmov v4;
	s28 =	sor.u32 $0x380, s26;
	s29 =	sor.u32 $0x390, s26;
	s22 =	sor.u32 $0x3B0, s26;
	v3 =	vld.idx.msk [tilespmem:v0+s15+$0x0], $0xffff  }
.Ltmp7:
0x121: {  	s26 =	sor.u32 $0x3A0, s26;
	v0 =	vld [tilespmem:s22+$0xC380];
	(pc) =	sbr.rel @p1 .LBB2_16-.Ltmp7, $4  }
0x122: {  	v5 =	vld [tilespmem:s28+$0xC380];
	[tilespmem:s19+$0x12B80] =	vst v7;
	s19 =	smov.u32 s20;
	s20 =	smov.u32 s28  }
0x123: {  	v6 =	vld [tilespmem:s29+$0xC380];
	[tilespmem:s16+$0x12B80] =	vst v8;
	s16 =	smov.u32 s21;
	s21 =	smov.u32 s29  }
0x124: {  	v4 =	vld [tilespmem:s26+$0xC380];
	[tilespmem:s18+$0x12B80] =	vst v9;
	s18 =	smov.u32 s17;
	s17 =	smov.u32 s26  }
0x125: {  	p0 =	por !p0, !p0;
	v7 =	vld.idx.msk [tilespmem:v10+s15+$0x0], $0xffff  }
0x126: {  	_ =	sdelay $0x3  }
0x127: {  	v1 =	vld.idx.msk [tilespmem:v1+s15+$0x0], $0xffff  }
0x128: {  	v2 =	vld.idx.msk [tilespmem:v2+s15+$0x0], $0xffff  }
0x129: {  	v0 =	vld.idx.msk [tilespmem:v0+s15+$0x0], $0xffff  }
0x12a: {  	[tilespmem:s23+$0x12B80] =	vst v3;
	v3 =	vld.idx.msk [tilespmem:v5+s15+$0x0], $0xffff  }
0x12b: {  	v5 =	vld.idx.msk [tilespmem:v6+s15+$0x0], $0xffff;
	[tilespmem:s19+$0x12B80] =	vst v7  }
0x12c: {  	[tilespmem:s16+$0x12B80] =	vst v1;
	v1 =	vld.idx.msk [tilespmem:v4+s15+$0x0], $0xffff  }
0x12d: {  	[tilespmem:s18+$0x12B80] =	vst v2  }
0x12e: {  	[tilespmem:s22+$0x12B80] =	vst v0  }
0x12f: {  	s24 =	simm.s32 $0x0;
	[tilespmem:s20+$0x12B80] =	vst v3  }
0x130: {  	s25 =	sand.u32 $0x3C00, s15;
	s16 =	sand.u32 $0x40, s24;
	[tilespmem:s21+$0x12B80] =	vst v5  }
0x131: {  	s18 =	sor.u32 s16, s25;
	[tilespmem:s17+$0x12B80] =	vst v1  }
0x132: {  	v3 =	vld [tilespmem:s18+$0xF780]  }
0x133: {  	s26 =	simm.s32 $0x40;
	s22 =	simm.s32 $0x400;
	s21 =	simm.s32 $0x80;
	v4 =	vld [tilespmem:s18+$0xF7A0]  }
0x134: {  	s28 =	simm.s32 $0x200;
	s31 =	sand.u32 $0x3C00, s22;
	s30 =	sand.u32 $0x40, s21;
	v5 =	vld [tilespmem:s18+$0xF790]  }
0x135: {  	s29 =	sand.u32 $0x3C00, s28;
	s19 =	sor.u32 s30, s31;
	s17 =	sand.u32 $0x40, s26;
	v6 =	vld [tilespmem:s18+$0xF7B0]  }
0x136: {  	s20 =	sor.u32 s17, s29;
	v8 =	vld [tilespmem:s19+$0xF780]  }
0x137: {  	v7 =	vld [tilespmem:s20+$0xF780]  }
0x138: {  	v0 =	vld [tilespmem:s20+$0xF790]  }
0x139: {  	v2 =	vld [tilespmem:s20+$0xF7A0]  }
0x13a: {  	s15 =	simm.s32 $0x0;
	v1 =	vld [tilespmem:s20+$0xF7B0]  }
0x13b: {  	v3 =	vld.idx.msk [tilespmem:v3+s15+$0x0], $0xffff  }
0x13c: {  	v9 =	vld.idx.msk [tilespmem:v4+s15+$0x0], $0xffff  }
0x13d: {  	v10 =	vld.idx.msk [tilespmem:v5+s15+$0x0], $0xffff  }
0x13e: {  	v6 =	vld.idx.msk [tilespmem:v6+s15+$0x0], $0xffff  }
0x13f: {  	v4 =	vld [tilespmem:s19+$0xF790]  }
0x140: {  	v5 =	vld [tilespmem:s19+$0xF7A0];
	[tilespmem:s18+$0x15F80] =	vst v3  }
0x141: {  	v3 =	vld [tilespmem:s19+$0xF7B0];
	[tilespmem:s18+$0x15FA0] =	vst v9  }
0x142: {  	v7 =	vld.idx.msk [tilespmem:v7+s15+$0x0], $0xffff;
	[tilespmem:s18+$0x15F90] =	vst v10  }
.LBB2_18:
0x143: {  	s21 =	sadd.s32 $0x40, s21;
	s22 =	sadd.s32 $0x200, s22;
	v9 =	vld.idx.msk [tilespmem:v2+s15+$0x0], $0xffff;
	[tilespmem:s18+$0x15FB0] =	vst v6;
	v10 =	vmov v8;
	s18 =	smov.u32 s20  }
0x144: {  	s23 =	sand.u32 $0x40, s21;
	s24 =	sand.u32 $0x3C00, s22;
	p0 =	slt.u32 s21, $0x640;
	v11 =	vld.idx.msk [tilespmem:v0+s15+$0x0], $0xffff;
	v0 =	vmov v4  }
0x145: {  	s20 =	smov.u32 s19;
	v6 =	vld.idx.msk [tilespmem:v1+s15+$0x0], $0xffff;
	v2 =	vmov v5;
	s19 =	sor.u32 s23, s24  }
.Ltmp8:
0x146: {  	v8 =	vld [tilespmem:s19+$0xF780];
	v1 =	vmov v3;
	(pc) =	sbr.rel @p0 .LBB2_18-.Ltmp8, $4  }
0x147: {  	v4 =	vld [tilespmem:s19+$0xF790]  }
0x148: {  	v5 =	vld [tilespmem:s19+$0xF7A0];
	[tilespmem:s18+$0x15F80] =	vst v7  }
0x149: {  	v3 =	vld [tilespmem:s19+$0xF7B0];
	[tilespmem:s18+$0x15FA0] =	vst v9  }
0x14a: {  	v7 =	vld.idx.msk [tilespmem:v10+s15+$0x0], $0xffff;
	[tilespmem:s18+$0x15F90] =	vst v11  }
0x14b: {  	_ =	sdelay $0x3  }
0x14c: {  	v2 =	vld.idx.msk [tilespmem:v2+s15+$0x0], $0xffff  }
0x14d: {  	v0 =	vld.idx.msk [tilespmem:v0+s15+$0x0], $0xffff  }
0x14e: {  	v1 =	vld.idx.msk [tilespmem:v1+s15+$0x0], $0xffff;
	s15 =	simm.s32 $0x0  }
0x14f: {  	[tilespmem:s18+$0x15FB0] =	vst v6;
	v6 =	vld.idx.msk [tilespmem:v8+s15+$0x0], $0xffff  }
0x150: {  	v5 =	vld.idx.msk [tilespmem:v5+s15+$0x0], $0xffff;
	[tilespmem:s20+$0x15F80] =	vst v7  }
0x151: {  	[tilespmem:s20+$0x15FA0] =	vst v2;
	v2 =	vld.idx.msk [tilespmem:v4+s15+$0x0], $0xffff  }
0x152: {  	[tilespmem:s20+$0x15F90] =	vst v0;
	v0 =	vld.idx.msk [tilespmem:v3+s15+$0x0], $0xffff  }
0x153: {  	[tilespmem:s20+$0x15FB0] =	vst v1  }
0x154: {  	[tilespmem:s19+$0x15F80] =	vst v6  }
0x155: {  	[tilespmem:s19+$0x15FA0] =	vst v5  }
0x156: {  	s18 =	sand.u32 $0x3C00, s15;
	[tilespmem:s19+$0x15F90] =	vst v2  }
0x157: {  	s20 =	sor.u32 s16, s18;
	[tilespmem:s19+$0x15FB0] =	vst v0  }
0x158: {  	v2 =	vld [tilespmem:s20+$0xF820]  }
0x159: {  	s30 =	simm.s32 $0x200;
	v3 =	vld [tilespmem:s20+$0xF830]  }
0x15a: {  	s19 =	sand.u32 $0x3C00, s30;
	v4 =	vld [tilespmem:s20+$0xF800]  }
0x15b: {  	v5 =	vld [tilespmem:s20+$0xF810];
	s16 =	sor.u32 s17, s19  }
0x15c: {  	v0 =	vld [tilespmem:s16+$0xF800]  }
0x15d: {  	s21 =	simm.s32 $0x80;
	s22 =	simm.s32 $0x400;
	v1 =	vld [tilespmem:s16+$0xF810]  }
0x15e: {  	s31 =	sand.u32 $0x40, s21;
	s23 =	sand.u32 $0x3C00, s22;
	v6 =	vld [tilespmem:s16+$0xF820]  }
0x15f: {  	s17 =	sor.u32 s31, s23;
	v7 =	vld [tilespmem:s16+$0xF830]  }
0x160: {  	v8 =	vld [tilespmem:s17+$0xF820]  }
0x161: {  	v9 =	vld.idx.msk [tilespmem:v2+s15+$0x0], $0xffff  }
0x162: {  	v10 =	vld.idx.msk [tilespmem:v3+s15+$0x0], $0xffff  }
0x163: {  	v11 =	vld.idx.msk [tilespmem:v4+s15+$0x0], $0xffff  }
0x164: {  	v4 =	vld.idx.msk [tilespmem:v5+s15+$0x0], $0xffff  }
0x165: {  	v3 =	vld [tilespmem:s17+$0xF800]  }
0x166: {  	v2 =	vld [tilespmem:s17+$0xF810];
	[tilespmem:s20+$0x16020] =	vst v9  }
0x167: {  	v5 =	vld [tilespmem:s17+$0xF830];
	[tilespmem:s20+$0x16030] =	vst v10  }
0x168: {  	v6 =	vld.idx.msk [tilespmem:v6+s15+$0x0], $0xffff;
	[tilespmem:s20+$0x16000] =	vst v11  }
.LBB2_20:
0x169: {  	s21 =	sadd.s32 $0x40, s21;
	s22 =	sadd.s32 $0x200, s22;
	v9 =	vld.idx.msk [tilespmem:v7+s15+$0x0], $0xffff;
	[tilespmem:s20+$0x16010] =	vst v4  }
0x16a: {  	s23 =	sand.u32 $0x40, s21;
	s24 =	sand.u32 $0x3C00, s22;
	p0 =	slt.u32 s21, $0x640;
	v10 =	vld.idx.msk [tilespmem:v0+s15+$0x0], $0xffff;
	v0 =	vmov v3  }
0x16b: {  	s20 =	smov.u32 s16;
	s16 =	smov.u32 s17;
	v4 =	vld.idx.msk [tilespmem:v1+s15+$0x0], $0xffff;
	v1 =	vmov v2;
	v11 =	vmov v8;
	s17 =	sor.u32 s23, s24  }
.Ltmp9:
0x16c: {  	v3 =	vld [tilespmem:s17+$0xF800];
	v7 =	vmov v5;
	(pc) =	sbr.rel @p0 .LBB2_20-.Ltmp9, $4  }
0x16d: {  	v2 =	vld [tilespmem:s17+$0xF810]  }
0x16e: {  	v8 =	vld [tilespmem:s17+$0xF820];
	[tilespmem:s20+$0x16020] =	vst v6  }
0x16f: {  	v5 =	vld [tilespmem:s17+$0xF830];
	[tilespmem:s20+$0x16030] =	vst v9  }
0x170: {  	v6 =	vld.idx.msk [tilespmem:v11+s15+$0x0], $0xffff;
	[tilespmem:s20+$0x16000] =	vst v10  }
0x171: {  	_ =	sdelay $0x3  }
0x172: {  	v7 =	vld.idx.msk [tilespmem:v7+s15+$0x0], $0xffff  }
0x173: {  	v0 =	vld.idx.msk [tilespmem:v0+s15+$0x0], $0xffff  }
0x174: {  	v1 =	vld.idx.msk [tilespmem:v1+s15+$0x0], $0xffff  }
0x175: {  	[tilespmem:s20+$0x16010] =	vst v4;
	v3 =	vld.idx.msk [tilespmem:v3+s15+$0x0], $0xffff  }
0x176: {  	v4 =	vld.idx.msk [tilespmem:v8+s15+$0x0], $0xffff;
	[tilespmem:s16+$0x16020] =	vst v6  }
0x177: {  	v5 =	vld.idx.msk [tilespmem:v5+s15+$0x0], $0xffff;
	[tilespmem:s16+$0x16030] =	vst v7  }
0x178: {  	[tilespmem:s16+$0x16000] =	vst v0;
	v0 =	vld.idx.msk [tilespmem:v2+s15+$0x0], $0xffff  }
0x179: {  	[tilespmem:s16+$0x16010] =	vst v1  }
0x17a: {  	[tilespmem:s17+$0x16000] =	vst v3  }
0x17b: {  	s29 =	simm.s32 $0x0;
	[tilespmem:s17+$0x16020] =	vst v4  }
0x17c: {  	s16 =	sand.u32 $0x40, s29;
	[tilespmem:s17+$0x16030] =	vst v5  }
0x17d: {  	s18 =	sor.u32 s16, s18;
	[tilespmem:s17+$0x16010] =	vst v0  }
0x17e: {  	v3 =	vld [tilespmem:s18+$0xF880]  }
0x17f: {  	s30 =	simm.s32 $0x40;
	v4 =	vld [tilespmem:s18+$0xF8A0]  }
0x180: {  	s17 =	sand.u32 $0x40, s30;
	v5 =	vld [tilespmem:s18+$0xF890]  }
0x181: {  	v6 =	vld [tilespmem:s18+$0xF8B0];
	s20 =	sor.u32 s17, s19  }
0x182: {  	v7 =	vld [tilespmem:s20+$0xF880]  }
0x183: {  	s21 =	simm.s32 $0x80;
	s22 =	simm.s32 $0x400;
	v0 =	vld [tilespmem:s20+$0xF890]  }
0x184: {  	s31 =	sand.u32 $0x40, s21;
	s23 =	sand.u32 $0x3C00, s22;
	v2 =	vld [tilespmem:s20+$0xF8A0]  }
0x185: {  	s19 =	sor.u32 s31, s23;
	v1 =	vld [tilespmem:s20+$0xF8B0]  }
0x186: {  	s15 =	simm.s32 $0x0;
	v8 =	vld [tilespmem:s19+$0xF880]  }
0x187: {  	v3 =	vld.idx.msk [tilespmem:v3+s15+$0x0], $0xffff  }
0x188: {  	v9 =	vld.idx.msk [tilespmem:v4+s15+$0x0], $0xffff  }
0x189: {  	v10 =	vld.idx.msk [tilespmem:v5+s15+$0x0], $0xffff  }
0x18a: {  	v6 =	vld.idx.msk [tilespmem:v6+s15+$0x0], $0xffff  }
0x18b: {  	v4 =	vld [tilespmem:s19+$0xF890]  }
0x18c: {  	v5 =	vld [tilespmem:s19+$0xF8A0];
	[tilespmem:s18+$0x16080] =	vst v3  }
0x18d: {  	v3 =	vld [tilespmem:s19+$0xF8B0];
	[tilespmem:s18+$0x160A0] =	vst v9  }
0x18e: {  	v7 =	vld.idx.msk [tilespmem:v7+s15+$0x0], $0xffff;
	[tilespmem:s18+$0x16090] =	vst v10  }
.LBB2_22:
0x18f: {  	s21 =	sadd.s32 $0x40, s21;
	s22 =	sadd.s32 $0x200, s22;
	v9 =	vld.idx.msk [tilespmem:v2+s15+$0x0], $0xffff;
	[tilespmem:s18+$0x160B0] =	vst v6;
	v10 =	vmov v8;
	s18 =	smov.u32 s20  }
0x190: {  	s23 =	sand.u32 $0x40, s21;
	s24 =	sand.u32 $0x3C00, s22;
	p0 =	slt.u32 s21, $0x640;
	v11 =	vld.idx.msk [tilespmem:v0+s15+$0x0], $0xffff;
	v0 =	vmov v4  }
0x191: {  	s20 =	smov.u32 s19;
	v6 =	vld.idx.msk [tilespmem:v1+s15+$0x0], $0xffff;
	v2 =	vmov v5;
	s19 =	sor.u32 s23, s24  }
.Ltmp10:
0x192: {  	v8 =	vld [tilespmem:s19+$0xF880];
	v1 =	vmov v3;
	(pc) =	sbr.rel @p0 .LBB2_22-.Ltmp10, $4  }
0x193: {  	v4 =	vld [tilespmem:s19+$0xF890]  }
0x194: {  	v5 =	vld [tilespmem:s19+$0xF8A0];
	[tilespmem:s18+$0x16080] =	vst v7  }
0x195: {  	v3 =	vld [tilespmem:s19+$0xF8B0];
	[tilespmem:s18+$0x160A0] =	vst v9  }
0x196: {  	v7 =	vld.idx.msk [tilespmem:v10+s15+$0x0], $0xffff;
	[tilespmem:s18+$0x16090] =	vst v11  }
0x197: {  	_ =	sdelay $0x3  }
0x198: {  	v2 =	vld.idx.msk [tilespmem:v2+s15+$0x0], $0xffff  }
0x199: {  	v0 =	vld.idx.msk [tilespmem:v0+s15+$0x0], $0xffff  }
0x19a: {  	v1 =	vld.idx.msk [tilespmem:v1+s15+$0x0], $0xffff;
	s15 =	simm.s32 $0x0  }
0x19b: {  	[tilespmem:s18+$0x160B0] =	vst v6;
	v6 =	vld.idx.msk [tilespmem:v8+s15+$0x0], $0xffff  }
0x19c: {  	v5 =	vld.idx.msk [tilespmem:v5+s15+$0x0], $0xffff;
	[tilespmem:s20+$0x16080] =	vst v7  }
0x19d: {  	[tilespmem:s20+$0x160A0] =	vst v2;
	v2 =	vld.idx.msk [tilespmem:v4+s15+$0x0], $0xffff  }
0x19e: {  	[tilespmem:s20+$0x16090] =	vst v0;
	v0 =	vld.idx.msk [tilespmem:v3+s15+$0x0], $0xffff  }
0x19f: {  	[tilespmem:s20+$0x160B0] =	vst v1  }
0x1a0: {  	[tilespmem:s19+$0x16080] =	vst v6  }
0x1a1: {  	[tilespmem:s19+$0x160A0] =	vst v5  }
0x1a2: {  	s18 =	sand.u32 $0x3C00, s15;
	[tilespmem:s19+$0x16090] =	vst v2  }
0x1a3: {  	s20 =	sor.u32 s16, s18;
	[tilespmem:s19+$0x160B0] =	vst v0  }
0x1a4: {  	v2 =	vld [tilespmem:s20+$0xF920]  }
0x1a5: {  	s30 =	simm.s32 $0x200;
	v3 =	vld [tilespmem:s20+$0xF930]  }
0x1a6: {  	s19 =	sand.u32 $0x3C00, s30;
	v4 =	vld [tilespmem:s20+$0xF900]  }
0x1a7: {  	v5 =	vld [tilespmem:s20+$0xF910];
	s16 =	sor.u32 s17, s19  }
0x1a8: {  	v0 =	vld [tilespmem:s16+$0xF900]  }
0x1a9: {  	s21 =	simm.s32 $0x80;
	s22 =	simm.s32 $0x400;
	v1 =	vld [tilespmem:s16+$0xF910]  }
0x1aa: {  	s31 =	sand.u32 $0x40, s21;
	s23 =	sand.u32 $0x3C00, s22;
	v6 =	vld [tilespmem:s16+$0xF920]  }
0x1ab: {  	s17 =	sor.u32 s31, s23;
	v7 =	vld [tilespmem:s16+$0xF930]  }
0x1ac: {  	v8 =	vld [tilespmem:s17+$0xF920]  }
0x1ad: {  	v9 =	vld.idx.msk [tilespmem:v2+s15+$0x0], $0xffff  }
0x1ae: {  	v10 =	vld.idx.msk [tilespmem:v3+s15+$0x0], $0xffff  }
0x1af: {  	v11 =	vld.idx.msk [tilespmem:v4+s15+$0x0], $0xffff  }
0x1b0: {  	v4 =	vld.idx.msk [tilespmem:v5+s15+$0x0], $0xffff  }
0x1b1: {  	v3 =	vld [tilespmem:s17+$0xF900]  }
0x1b2: {  	v2 =	vld [tilespmem:s17+$0xF910];
	[tilespmem:s20+$0x16120] =	vst v9  }
0x1b3: {  	v5 =	vld [tilespmem:s17+$0xF930];
	[tilespmem:s20+$0x16130] =	vst v10  }
0x1b4: {  	v6 =	vld.idx.msk [tilespmem:v6+s15+$0x0], $0xffff;
	[tilespmem:s20+$0x16100] =	vst v11  }
.LBB2_24:
0x1b5: {  	s21 =	sadd.s32 $0x40, s21;
	s22 =	sadd.s32 $0x200, s22;
	v9 =	vld.idx.msk [tilespmem:v7+s15+$0x0], $0xffff;
	[tilespmem:s20+$0x16110] =	vst v4  }
0x1b6: {  	s23 =	sand.u32 $0x40, s21;
	s24 =	sand.u32 $0x3C00, s22;
	p0 =	slt.u32 s21, $0x640;
	v10 =	vld.idx.msk [tilespmem:v0+s15+$0x0], $0xffff;
	v0 =	vmov v3  }
0x1b7: {  	s20 =	smov.u32 s16;
	s16 =	smov.u32 s17;
	v4 =	vld.idx.msk [tilespmem:v1+s15+$0x0], $0xffff;
	v1 =	vmov v2;
	v11 =	vmov v8;
	s17 =	sor.u32 s23, s24  }
.Ltmp11:
0x1b8: {  	v3 =	vld [tilespmem:s17+$0xF900];
	v7 =	vmov v5;
	(pc) =	sbr.rel @p0 .LBB2_24-.Ltmp11, $4  }
0x1b9: {  	v2 =	vld [tilespmem:s17+$0xF910]  }
0x1ba: {  	v8 =	vld [tilespmem:s17+$0xF920];
	[tilespmem:s20+$0x16120] =	vst v6  }
0x1bb: {  	v5 =	vld [tilespmem:s17+$0xF930];
	[tilespmem:s20+$0x16130] =	vst v9  }
0x1bc: {  	v6 =	vld.idx.msk [tilespmem:v11+s15+$0x0], $0xffff;
	[tilespmem:s20+$0x16100] =	vst v10  }
0x1bd: {  	_ =	sdelay $0x3  }
0x1be: {  	v7 =	vld.idx.msk [tilespmem:v7+s15+$0x0], $0xffff  }
0x1bf: {  	v0 =	vld.idx.msk [tilespmem:v0+s15+$0x0], $0xffff  }
0x1c0: {  	v1 =	vld.idx.msk [tilespmem:v1+s15+$0x0], $0xffff  }
0x1c1: {  	[tilespmem:s20+$0x16110] =	vst v4;
	v3 =	vld.idx.msk [tilespmem:v3+s15+$0x0], $0xffff  }
0x1c2: {  	v4 =	vld.idx.msk [tilespmem:v8+s15+$0x0], $0xffff;
	[tilespmem:s16+$0x16120] =	vst v6  }
0x1c3: {  	v5 =	vld.idx.msk [tilespmem:v5+s15+$0x0], $0xffff;
	[tilespmem:s16+$0x16130] =	vst v7  }
0x1c4: {  	[tilespmem:s16+$0x16100] =	vst v0;
	v0 =	vld.idx.msk [tilespmem:v2+s15+$0x0], $0xffff  }
0x1c5: {  	[tilespmem:s16+$0x16110] =	vst v1  }
0x1c6: {  	[tilespmem:s17+$0x16100] =	vst v3  }
0x1c7: {  	s29 =	simm.s32 $0x0;
	[tilespmem:s17+$0x16120] =	vst v4  }
0x1c8: {  	s16 =	sand.u32 $0x40, s29;
	[tilespmem:s17+$0x16130] =	vst v5  }
0x1c9: {  	s18 =	sor.u32 s16, s18;
	[tilespmem:s17+$0x16110] =	vst v0  }
0x1ca: {  	v3 =	vld [tilespmem:s18+$0xF980]  }
0x1cb: {  	s30 =	simm.s32 $0x40;
	v4 =	vld [tilespmem:s18+$0xF9A0]  }
0x1cc: {  	s17 =	sand.u32 $0x40, s30;
	v5 =	vld [tilespmem:s18+$0xF990]  }
0x1cd: {  	v6 =	vld [tilespmem:s18+$0xF9B0];
	s20 =	sor.u32 s17, s19  }
0x1ce: {  	v7 =	vld [tilespmem:s20+$0xF980]  }
0x1cf: {  	s21 =	simm.s32 $0x80;
	s22 =	simm.s32 $0x400;
	v0 =	vld [tilespmem:s20+$0xF990]  }
0x1d0: {  	s31 =	sand.u32 $0x40, s21;
	s23 =	sand.u32 $0x3C00, s22;
	v2 =	vld [tilespmem:s20+$0xF9A0]  }
0x1d1: {  	s19 =	sor.u32 s31, s23;
	v1 =	vld [tilespmem:s20+$0xF9B0]  }
0x1d2: {  	s15 =	simm.s32 $0x0;
	v8 =	vld [tilespmem:s19+$0xF980]  }
0x1d3: {  	v3 =	vld.idx.msk [tilespmem:v3+s15+$0x0], $0xffff  }
0x1d4: {  	v9 =	vld.idx.msk [tilespmem:v4+s15+$0x0], $0xffff  }
0x1d5: {  	v10 =	vld.idx.msk [tilespmem:v5+s15+$0x0], $0xffff  }
0x1d6: {  	v6 =	vld.idx.msk [tilespmem:v6+s15+$0x0], $0xffff  }
0x1d7: {  	v4 =	vld [tilespmem:s19+$0xF990]  }
0x1d8: {  	v5 =	vld [tilespmem:s19+$0xF9A0];
	[tilespmem:s18+$0x16180] =	vst v3  }
0x1d9: {  	v3 =	vld [tilespmem:s19+$0xF9B0];
	[tilespmem:s18+$0x161A0] =	vst v9  }
0x1da: {  	v7 =	vld.idx.msk [tilespmem:v7+s15+$0x0], $0xffff;
	[tilespmem:s18+$0x16190] =	vst v10  }
.LBB2_26:
0x1db: {  	s21 =	sadd.s32 $0x40, s21;
	s22 =	sadd.s32 $0x200, s22;
	v9 =	vld.idx.msk [tilespmem:v2+s15+$0x0], $0xffff;
	[tilespmem:s18+$0x161B0] =	vst v6;
	v10 =	vmov v8;
	s18 =	smov.u32 s20  }
0x1dc: {  	s23 =	sand.u32 $0x40, s21;
	s24 =	sand.u32 $0x3C00, s22;
	p0 =	slt.u32 s21, $0x640;
	v11 =	vld.idx.msk [tilespmem:v0+s15+$0x0], $0xffff;
	v0 =	vmov v4  }
0x1dd: {  	s20 =	smov.u32 s19;
	v6 =	vld.idx.msk [tilespmem:v1+s15+$0x0], $0xffff;
	v2 =	vmov v5;
	s19 =	sor.u32 s23, s24  }
.Ltmp12:
0x1de: {  	v8 =	vld [tilespmem:s19+$0xF980];
	v1 =	vmov v3;
	(pc) =	sbr.rel @p0 .LBB2_26-.Ltmp12, $4  }
0x1df: {  	v4 =	vld [tilespmem:s19+$0xF990]  }
0x1e0: {  	v5 =	vld [tilespmem:s19+$0xF9A0];
	[tilespmem:s18+$0x16180] =	vst v7  }
0x1e1: {  	v3 =	vld [tilespmem:s19+$0xF9B0];
	[tilespmem:s18+$0x161A0] =	vst v9  }
0x1e2: {  	v7 =	vld.idx.msk [tilespmem:v10+s15+$0x0], $0xffff;
	[tilespmem:s18+$0x16190] =	vst v11  }
0x1e3: {  	_ =	sdelay $0x3  }
0x1e4: {  	v2 =	vld.idx.msk [tilespmem:v2+s15+$0x0], $0xffff  }
0x1e5: {  	v0 =	vld.idx.msk [tilespmem:v0+s15+$0x0], $0xffff  }
0x1e6: {  	v1 =	vld.idx.msk [tilespmem:v1+s15+$0x0], $0xffff;
	s15 =	simm.s32 $0x0  }
0x1e7: {  	[tilespmem:s18+$0x161B0] =	vst v6;
	v6 =	vld.idx.msk [tilespmem:v8+s15+$0x0], $0xffff  }
0x1e8: {  	v5 =	vld.idx.msk [tilespmem:v5+s15+$0x0], $0xffff;
	[tilespmem:s20+$0x16180] =	vst v7  }
0x1e9: {  	[tilespmem:s20+$0x161A0] =	vst v2;
	v2 =	vld.idx.msk [tilespmem:v4+s15+$0x0], $0xffff  }
0x1ea: {  	[tilespmem:s20+$0x16190] =	vst v0;
	v0 =	vld.idx.msk [tilespmem:v3+s15+$0x0], $0xffff  }
0x1eb: {  	[tilespmem:s20+$0x161B0] =	vst v1  }
0x1ec: {  	[tilespmem:s19+$0x16180] =	vst v6  }
0x1ed: {  	[tilespmem:s19+$0x161A0] =	vst v5  }
0x1ee: {  	s18 =	sand.u32 $0x3C00, s15;
	[tilespmem:s19+$0x16190] =	vst v2  }
0x1ef: {  	s20 =	sor.u32 s16, s18;
	[tilespmem:s19+$0x161B0] =	vst v0  }
0x1f0: {  	v2 =	vld [tilespmem:s20+$0xFA20]  }
0x1f1: {  	s30 =	simm.s32 $0x200;
	v3 =	vld [tilespmem:s20+$0xFA30]  }
0x1f2: {  	s19 =	sand.u32 $0x3C00, s30;
	v4 =	vld [tilespmem:s20+$0xFA00]  }
0x1f3: {  	v5 =	vld [tilespmem:s20+$0xFA10];
	s16 =	sor.u32 s17, s19  }
0x1f4: {  	v0 =	vld [tilespmem:s16+$0xFA00]  }
0x1f5: {  	s21 =	simm.s32 $0x80;
	s22 =	simm.s32 $0x400;
	v1 =	vld [tilespmem:s16+$0xFA10]  }
0x1f6: {  	s31 =	sand.u32 $0x40, s21;
	s23 =	sand.u32 $0x3C00, s22;
	v6 =	vld [tilespmem:s16+$0xFA20]  }
0x1f7: {  	s17 =	sor.u32 s31, s23;
	v7 =	vld [tilespmem:s16+$0xFA30]  }
0x1f8: {  	v8 =	vld [tilespmem:s17+$0xFA20]  }
0x1f9: {  	v9 =	vld.idx.msk [tilespmem:v2+s15+$0x0], $0xffff  }
0x1fa: {  	v10 =	vld.idx.msk [tilespmem:v3+s15+$0x0], $0xffff  }
0x1fb: {  	v11 =	vld.idx.msk [tilespmem:v4+s15+$0x0], $0xffff  }
0x1fc: {  	v4 =	vld.idx.msk [tilespmem:v5+s15+$0x0], $0xffff  }
0x1fd: {  	v3 =	vld [tilespmem:s17+$0xFA00]  }
0x1fe: {  	v2 =	vld [tilespmem:s17+$0xFA10];
	[tilespmem:s20+$0x16220] =	vst v9  }
0x1ff: {  	v5 =	vld [tilespmem:s17+$0xFA30];
	[tilespmem:s20+$0x16230] =	vst v10  }
0x200: {  	v6 =	vld.idx.msk [tilespmem:v6+s15+$0x0], $0xffff;
	[tilespmem:s20+$0x16200] =	vst v11  }
.LBB2_28:
0x201: {  	s21 =	sadd.s32 $0x40, s21;
	s22 =	sadd.s32 $0x200, s22;
	v9 =	vld.idx.msk [tilespmem:v7+s15+$0x0], $0xffff;
	[tilespmem:s20+$0x16210] =	vst v4  }
0x202: {  	s23 =	sand.u32 $0x40, s21;
	s24 =	sand.u32 $0x3C00, s22;
	p0 =	slt.u32 s21, $0x640;
	v10 =	vld.idx.msk [tilespmem:v0+s15+$0x0], $0xffff;
	v0 =	vmov v3  }
0x203: {  	s20 =	smov.u32 s16;
	s16 =	smov.u32 s17;
	v4 =	vld.idx.msk [tilespmem:v1+s15+$0x0], $0xffff;
	v1 =	vmov v2;
	v11 =	vmov v8;
	s17 =	sor.u32 s23, s24  }
.Ltmp13:
0x204: {  	v3 =	vld [tilespmem:s17+$0xFA00];
	v7 =	vmov v5;
	(pc) =	sbr.rel @p0 .LBB2_28-.Ltmp13, $4  }
0x205: {  	v2 =	vld [tilespmem:s17+$0xFA10]  }
0x206: {  	v8 =	vld [tilespmem:s17+$0xFA20];
	[tilespmem:s20+$0x16220] =	vst v6  }
0x207: {  	v5 =	vld [tilespmem:s17+$0xFA30];
	[tilespmem:s20+$0x16230] =	vst v9  }
0x208: {  	v6 =	vld.idx.msk [tilespmem:v11+s15+$0x0], $0xffff;
	[tilespmem:s20+$0x16200] =	vst v10  }
0x209: {  	_ =	sdelay $0x3  }
0x20a: {  	v7 =	vld.idx.msk [tilespmem:v7+s15+$0x0], $0xffff  }
0x20b: {  	v0 =	vld.idx.msk [tilespmem:v0+s15+$0x0], $0xffff  }
0x20c: {  	v1 =	vld.idx.msk [tilespmem:v1+s15+$0x0], $0xffff  }
0x20d: {  	[tilespmem:s20+$0x16210] =	vst v4;
	v3 =	vld.idx.msk [tilespmem:v3+s15+$0x0], $0xffff  }
0x20e: {  	v4 =	vld.idx.msk [tilespmem:v8+s15+$0x0], $0xffff;
	[tilespmem:s16+$0x16220] =	vst v6  }
0x20f: {  	v5 =	vld.idx.msk [tilespmem:v5+s15+$0x0], $0xffff;
	[tilespmem:s16+$0x16230] =	vst v7  }
0x210: {  	[tilespmem:s16+$0x16200] =	vst v0;
	v0 =	vld.idx.msk [tilespmem:v2+s15+$0x0], $0xffff  }
0x211: {  	[tilespmem:s16+$0x16210] =	vst v1  }
0x212: {  	[tilespmem:s17+$0x16200] =	vst v3  }
0x213: {  	s29 =	simm.s32 $0x0;
	[tilespmem:s17+$0x16220] =	vst v4  }
0x214: {  	s15 =	sand.u32 $0x40, s29;
	[tilespmem:s17+$0x16230] =	vst v5  }
0x215: {  	[tilespmem:s17+$0x16210] =	vst v0;
	s17 =	sor.u32 s15, s18  }
0x216: {  	v3 =	vld [tilespmem:s17+$0xFA80]  }
0x217: {  	s30 =	simm.s32 $0x40;
	v4 =	vld [tilespmem:s17+$0xFAA0]  }
0x218: {  	s16 =	sand.u32 $0x40, s30;
	v5 =	vld [tilespmem:s17+$0xFA90]  }
0x219: {  	s19 =	sor.u32 s16, s19;
	v6 =	vld [tilespmem:s17+$0xFAB0]  }
0x21a: {  	v7 =	vld [tilespmem:s19+$0xFA80]  }
0x21b: {  	s21 =	simm.s32 $0x80;
	s22 =	simm.s32 $0x400;
	v0 =	vld [tilespmem:s19+$0xFA90]  }
0x21c: {  	s31 =	sand.u32 $0x40, s21;
	s23 =	sand.u32 $0x3C00, s22;
	v2 =	vld [tilespmem:s19+$0xFAA0]  }
0x21d: {  	s18 =	sor.u32 s31, s23;
	v1 =	vld [tilespmem:s19+$0xFAB0]  }
0x21e: {  	s20 =	simm.s32 $0x0;
	v8 =	vld [tilespmem:s18+$0xFA80]  }
0x21f: {  	v3 =	vld.idx.msk [tilespmem:v3+s20+$0x0], $0xffff  }
0x220: {  	v9 =	vld.idx.msk [tilespmem:v4+s20+$0x0], $0xffff  }
0x221: {  	v10 =	vld.idx.msk [tilespmem:v5+s20+$0x0], $0xffff  }
0x222: {  	v6 =	vld.idx.msk [tilespmem:v6+s20+$0x0], $0xffff  }
0x223: {  	v4 =	vld [tilespmem:s18+$0xFA90]  }
0x224: {  	v5 =	vld [tilespmem:s18+$0xFAA0];
	[tilespmem:s17+$0x16280] =	vst v3  }
0x225: {  	v3 =	vld [tilespmem:s18+$0xFAB0];
	[tilespmem:s17+$0x162A0] =	vst v9  }
0x226: {  	v7 =	vld.idx.msk [tilespmem:v7+s20+$0x0], $0xffff;
	[tilespmem:s17+$0x16290] =	vst v10  }
.LBB2_30:
0x227: {  	s21 =	sadd.s32 $0x40, s21;
	s22 =	sadd.s32 $0x200, s22;
	v9 =	vld.idx.msk [tilespmem:v2+s20+$0x0], $0xffff;
	[tilespmem:s17+$0x162B0] =	vst v6;
	v10 =	vmov v8;
	s17 =	smov.u32 s19  }
0x228: {  	s23 =	sand.u32 $0x40, s21;
	s24 =	sand.u32 $0x3C00, s22;
	p0 =	slt.u32 s21, $0x640;
	v11 =	vld.idx.msk [tilespmem:v0+s20+$0x0], $0xffff;
	v0 =	vmov v4  }
0x229: {  	s19 =	smov.u32 s18;
	v6 =	vld.idx.msk [tilespmem:v1+s20+$0x0], $0xffff;
	v2 =	vmov v5;
	s18 =	sor.u32 s23, s24  }
.Ltmp14:
0x22a: {  	v8 =	vld [tilespmem:s18+$0xFA80];
	v1 =	vmov v3;
	(pc) =	sbr.rel @p0 .LBB2_30-.Ltmp14, $4  }
0x22b: {  	v4 =	vld [tilespmem:s18+$0xFA90]  }
0x22c: {  	v5 =	vld [tilespmem:s18+$0xFAA0];
	[tilespmem:s17+$0x16280] =	vst v7  }
0x22d: {  	v3 =	vld [tilespmem:s18+$0xFAB0];
	[tilespmem:s17+$0x162A0] =	vst v9  }
0x22e: {  	v7 =	vld.idx.msk [tilespmem:v10+s20+$0x0], $0xffff;
	[tilespmem:s17+$0x16290] =	vst v11  }
0x22f: {  	_ =	sdelay $0x3  }
0x230: {  	v2 =	vld.idx.msk [tilespmem:v2+s20+$0x0], $0xffff  }
0x231: {  	v0 =	vld.idx.msk [tilespmem:v0+s20+$0x0], $0xffff  }
0x232: {  	v1 =	vld.idx.msk [tilespmem:v1+s20+$0x0], $0xffff;
	s26 =	simm.s32 $0x0  }
0x233: {  	[tilespmem:s17+$0x162B0] =	vst v6;
	v6 =	vld.idx.msk [tilespmem:v8+s26+$0x0], $0xffff  }
0x234: {  	v5 =	vld.idx.msk [tilespmem:v5+s26+$0x0], $0xffff;
	[tilespmem:s19+$0x16280] =	vst v7  }
0x235: {  	[tilespmem:s19+$0x162A0] =	vst v2;
	v2 =	vld.idx.msk [tilespmem:v4+s26+$0x0], $0xffff  }
0x236: {  	[tilespmem:s19+$0x16290] =	vst v0;
	v0 =	vld.idx.msk [tilespmem:v3+s26+$0x0], $0xffff  }
0x237: {  	[tilespmem:s19+$0x162B0] =	vst v1  }
0x238: {  	[tilespmem:s18+$0x16280] =	vst v6  }
0x239: {  	[tilespmem:s18+$0x162A0] =	vst v5  }
0x23a: {  	s28 =	sand.u32 $0x3C00, s26;
	[tilespmem:s18+$0x16290] =	vst v2  }
0x23b: {  	s15 =	sor.u32 s15, s28;
	[tilespmem:s18+$0x162B0] =	vst v0  }
0x23c: {  	v2 =	vld [tilespmem:s15+$0xFB20]  }
0x23d: {  	s29 =	simm.s32 $0x200;
	v3 =	vld [tilespmem:s15+$0xFB30]  }
0x23e: {  	s17 =	sand.u32 $0x3C00, s29;
	v4 =	vld [tilespmem:s15+$0xFB00]  }
0x23f: {  	s17 =	sor.u32 s16, s17;
	v5 =	vld [tilespmem:s15+$0xFB10]  }
0x240: {  	v0 =	vld [tilespmem:s17+$0xFB00]  }
0x241: {  	s19 =	simm.s32 $0x400;
	s18 =	simm.s32 $0x80;
	v1 =	vld [tilespmem:s17+$0xFB10]  }
0x242: {  	s31 =	sand.u32 $0x3C00, s19;
	v6 =	vld [tilespmem:s17+$0xFB20];
	s30 =	sand.u32 $0x40, s18  }
0x243: {  	v7 =	vld [tilespmem:s17+$0xFB30];
	s16 =	sor.u32 s30, s31  }
0x244: {  	v8 =	vld [tilespmem:s16+$0xFB20]  }
0x245: {  	v9 =	vld.idx.msk [tilespmem:v2+s3+$0x0], $0xffff  }
0x246: {  	v10 =	vld.idx.msk [tilespmem:v3+s3+$0x0], $0xffff  }
0x247: {  	v11 =	vld.idx.msk [tilespmem:v4+s3+$0x0], $0xffff  }
0x248: {  	v4 =	vld.idx.msk [tilespmem:v5+s3+$0x0], $0xffff  }
0x249: {  	v3 =	vld [tilespmem:s16+$0xFB00]  }
0x24a: {  	v2 =	vld [tilespmem:s16+$0xFB10];
	[tilespmem:s15+$0x16320] =	vst v9  }
0x24b: {  	v5 =	vld [tilespmem:s16+$0xFB30];
	[tilespmem:s15+$0x16330] =	vst v10  }
0x24c: {  	v6 =	vld.idx.msk [tilespmem:v6+s3+$0x0], $0xffff;
	[tilespmem:s15+$0x16300] =	vst v11  }
.LBB2_32:
0x24d: {  	s18 =	sadd.s32 $0x40, s18;
	s19 =	sadd.s32 $0x200, s19;
	v9 =	vld.idx.msk [tilespmem:v7+s3+$0x0], $0xffff;
	[tilespmem:s15+$0x16310] =	vst v4;
	s15 =	smov.u32 s17  }
0x24e: {  	s20 =	sand.u32 $0x40, s18;
	s21 =	sand.u32 $0x3C00, s19;
	p0 =	slt.u32 s18, $0x640;
	v10 =	vld.idx.msk [tilespmem:v0+s3+$0x0], $0xffff;
	v0 =	vmov v3  }
0x24f: {  	s17 =	smov.u32 s16;
	v4 =	vld.idx.msk [tilespmem:v1+s3+$0x0], $0xffff;
	v1 =	vmov v2;
	v11 =	vmov v8;
	s16 =	sor.u32 s20, s21  }
.Ltmp15:
0x250: {  	v3 =	vld [tilespmem:s16+$0xFB00];
	v7 =	vmov v5;
	(pc) =	sbr.rel @p0 .LBB2_32-.Ltmp15, $4  }
0x251: {  	v2 =	vld [tilespmem:s16+$0xFB10]  }
0x252: {  	v8 =	vld [tilespmem:s16+$0xFB20];
	[tilespmem:s15+$0x16320] =	vst v6  }
0x253: {  	v5 =	vld [tilespmem:s16+$0xFB30];
	[tilespmem:s15+$0x16330] =	vst v9  }
0x254: {  	v6 =	vld.idx.msk [tilespmem:v11+s3+$0x0], $0xffff;
	[tilespmem:s15+$0x16300] =	vst v10  }
0x255: {  	_ =	sdelay $0x3  }
0x256: {  	v7 =	vld.idx.msk [tilespmem:v7+s3+$0x0], $0xffff  }
0x257: {  	v0 =	vld.idx.msk [tilespmem:v0+s3+$0x0], $0xffff  }
0x258: {  	v1 =	vld.idx.msk [tilespmem:v1+s3+$0x0], $0xffff  }
0x259: {  	[tilespmem:s15+$0x16310] =	vst v4;
	v3 =	vld.idx.msk [tilespmem:v3+s3+$0x0], $0xffff  }
0x25a: {  	v63 =	vld.idx.msk [tilespmem:v2+s3+$0x0], $0xffff;
	[tilespmem:s17+$0x16320] =	vst v6  }
0x25b: {  	v62 =	vld.idx.msk [tilespmem:v8+s3+$0x0], $0xffff;
	[tilespmem:s17+$0x16330] =	vst v7  }
0x25c: {  	v5 =	vld.idx.msk [tilespmem:v5+s3+$0x0], $0xffff;
	[tilespmem:s17+$0x16300] =	vst v0  }
0x25d: {  	[tilespmem:s17+$0x16310] =	vst v1  }
0x25e: {  	[tilespmem:s16+$0x16300] =	vst v3  }
0x25f: {  	s14 =	sadd.s32 $0x1, s14;
	[tilespmem:s16+$0x16310] =	vst v63  }
0x260: {  	p0 =	sne.s32 s14, s6;
	[tilespmem:s16+$0x16320] =	vst v62  }
.Ltmp16:
0x261: {  	[tilespmem:s16+$0x16330] =	vst v5;
	(pc) =	sbr.rel @p0 .LBB2_1-.Ltmp16, $4  }
0x262: {  	[hbm4b:s5+s7] =	stream.strided.scatter [tilespmem:s12], [sflag:$0x3], $0x6800, s8, s7, $0x38;
	[tilespmem:$0x19380] =	vst v63  }
0x263: {  	_ =	swait.ge [sflag:s13], $0x6800  }
0x264: {  	[sflag:s13] =	ssyncset.done $0x0  }
0x265: {  	[sflag:s13] =	ssyncadd.s32 $0xFFFF9800  }
0x266: {  	_ =	sfence.sel $0x180000  }
0x267: {  	[bflag:$0x0] =	sbarrier.arrive $0xFFFF  }
0x268: {  	p0 =	sne.s32 s0, $0x0;
	_ =	strace $0x9000004A  }
0x269: {  	s0 =	sadd.s32 @!p0 $0x100000, s1;
	[bflag:$0x2] =	sbarrier.arrive $0xFFFF  }
0x26a: {  	[sflag:s0] =	ssyncadd.tile.s32 @!p0 $0x1;
	_ =	shalt  }
.Lfunc_end2:
_tile_overlayer_lowered:
.L_overlay_start_2:
0x26b: {  	(tag) =	ssettag $0x2  }
0x26c: {  	s0 =	rddreg [dreg:$0x0];
	s2 =	stileid.u32  }
0x26d: {  	s1 =	rddreg [dreg:$0x1];
	p0 =	sne.s32 s2, $0x0  }
0x26e: {  	s3 =	rddreg [dreg:$0x2];
	[bflag:$0x3] =	sbarrier.arrive $0xFFFF;
	s2 =	simm.s32 @!p0 $0x1C03  }
0x26f: {  	[timem:s3], [sflag:s2] =	dma.local @!p0 [hbm:s0], s1  }
0x270: {  	s0 =	simm.s32 @!p0 $0x3  }
0x271: {  	_ =	swait.ge @!p0 [sflag:s0], s1  }
0x272: {  	s1 =	ssub.s32 @!p0 $0x0, s1;
	[sflag:s0] =	ssyncset.done @!p0 $0x0  }
0x273: {  	[sflag:s0] =	ssyncadd.s32 @!p0 s1  }
0x274: {  	[bflag:$0x3] =	sbarrier.arrive $0xFFFF  }
0x275: {  	_ =	shalt  }

// kernel: kernel.15.cloned.1.call-start
scs
__scs_entry_jumppad:
0x0: {  	(pc) =	sbr.rel $0x88, $3  }
0x1: {  	(tag) =	ssettag $0x0;
	lr =	simm.s32 $0x1  }
0x2: {  	[smem:$0x3F92] =	sst lr;
	_ =	strace $0xD0000000  }
0x3: {  	_ = 	snop  }
0x4: {  	_ = 	snop  }
0x5: {  	_ = 	snop  }
0x6: {  	_ = 	snop  }
0x7: {  	_ = 	snop  }
__scs_overlays_trampoline_lowered:
0x8: {  	[smem:$0x3FA1] =	sst s0  }
0x9: {  	[smem:$0x3FA2] =	sst s1  }
0xa: {  	[smem:$0x3FA3] =	sst s2  }
0xb: {  	[smem:$0x3FA4] =	sst s3  }
0xc: {  	[smem:$0x3FA5] =	sst s4  }
0xd: {  	[smem:$0x3FA6] =	sst s5  }
0xe: {  	[smem:$0x3FA7] =	sst s6  }
0xf: {  	[smem:$0x3FA8] =	sst s7  }
0x10: {  	[smem:$0x3FA9] =	sst s8  }
0x11: {  	[smem:$0x3FAA] =	sst s9;
	s0 =	simm.s32 @!p0 $0x0  }
0x12: {  	s1 =	sld [smem:$0x3F90];
	s0 =	simm.s32 @p0 $0x1  }
0x13: {  	[smem:$0x3FAB] =	sst s0;
	s0 =	simm.s32 @!p1 $0x0  }
0x14: {  	s2 =	sld [smem:$0x3F8F];
	s0 =	simm.s32 @p1 $0x1  }
0x15: {  	[smem:$0x3FAC] =	sst s0;
	s0 =	simm.s32 @!p2 $0x0  }
0x16: {  	s3 =	sld [smem:$0x3FDB];
	s0 =	simm.s32 @p2 $0x1  }
0x17: {  	s4 =	simm.s32 $0x1BF5;
	[smem:$0x3FAE] =	sst s0  }
0x18: {  	s0 =	sld [smem:$0x3F91];
	_ =	swait.ge [sflag:s4], $0x0  }
0x19: {  	s7 =	sld [smem:$0x3F92]  }
0x1a: {  	s8 =	sadd.s32 $0xFFFFE003, lr  }
0x1b: {  	s9 =	sadd.s32 $0xFFFFFEF7, lr;
	s5 =	simm.s32 $0xFFFFFFFF;
	p2 =	slt.u32 s8, $0xFFFFF086  }
0x1c: {  	p1 =	slt.u32 s9, $0xF7A;
	s5 =	simm.s32 @!p2 $0x0  }
0x1d: {  	s5 =	simm.s32 @p1 $0x1;
	p0 =	seq.s32 s7, s2  }
0x1e: {  	s7 =	smul.u32 @!p0 $0xF7A, s2;
	p2 =	seq.s32 @!p0 s5, $0x0  }
0x1f: {  	s9 =	smul.u32 $0xF7A, s1;
	s8 =	simm.s32 @!p0 $0x1BF5;
	p2 =	por !p2, p0  }
0x20: {  	[sflag:s8] =	ssyncset.s32 @!p0 $0xFFFFF086;
	s6 =	sadd.s32 @!p0 s3, s7;
	s7 =	simm.s32 @!p0 $0x108  }
0x21: {  	s3 =	sadd.s32 s3, s9;
	s6 =	sadd.s32 @!p0 $0x88, s6;
	s7 =	simm.s32 @p2 $0x1082  }
0x22: {  	[simem:s7], [sflag:s8] =	dma.local @!p0 [hbm:s6], $0xF7A  }
0x23: {  	s9 =	sor.u32 $0xD0000000, s2;
	s6 =	simm.s32 $0x108;
	_ =	swait.ge @!p0 [sflag:s8], $0x0  }
0x24: {  	s3 =	sadd.s32 $0x88, s3;
	s6 =	simm.s32 @!p1 $0x1082;
	[sflag:s4] =	ssyncset.s32 $0xFFFFF086  }
0x25: {  	[simem:s6], [sflag:s4] =	dma.local [hbm:s3], $0xF7A  }
0x26: {  	[smem:$0x3F92] =	sst s1;
	(tag) =	ssettag s2;
	_ =	strace s9  }
0x27: {  	s1 =	sld [smem:$0x3FA2]  }
0x28: {  	s2 =	sld [smem:$0x3FA3]  }
0x29: {  	s4 =	sld [smem:$0x3FA5]  }
0x2a: {  	p0 =	seq.s32 s5, $0x0;
	s5 =	sld [smem:$0x3FA6]  }
0x2b: {  	s6 =	sld [smem:$0x3FA7]  }
0x2c: {  	s7 =	sld [smem:$0x3FA8]  }
0x2d: {  	s3 =	simm.s32 $0x108;
	s8 =	sld [smem:$0x3FA9]  }
0x2e: {  	s3 =	simm.s32 @!p0 $0x1082;
	s9 =	sld [smem:$0x3FAA]  }
0x2f: {  	lr =	sadd.s32 s0, s3;
	s0 =	sld [smem:$0x3FA1]  }
0x30: {  	s3 =	sld [smem:$0x3FA4]  }
0x31: {  	[smem:$0x3FAD] =	sst s10  }
0x32: {  	s10 =	sld [smem:$0x3FAB];
	_ =	sdelay $0x3  }
0x33: {  	p0 =	seq.s32 s10, $0x1;
	s10 =	sld [smem:$0x3FAD];
	_ =	sdelay $0x3  }
0x34: {  	[smem:$0x3FAD] =	sst s10  }
0x35: {  	s10 =	sld [smem:$0x3FAC];
	_ =	sdelay $0x3  }
0x36: {  	p1 =	seq.s32 s10, $0x1;
	s10 =	sld [smem:$0x3FAD];
	_ =	sdelay $0x3  }
0x37: {  	[smem:$0x3FAD] =	sst s10  }
0x38: {  	s10 =	sld [smem:$0x3FAE]  }
0x39: {  	_ = 	snop;
	(pc) =	sbr.ind lr, $3  }
0x3a: {  	_ = 	snop  }
0x3b: {  	_ = 	snop  }
0x3c: {  	p2 =	seq.s32 s10, $0x1;
	s10 =	sld [smem:$0x3FAD]  }
0x3d: {  	_ =	shalt  }
0x3e: {  	_ =	shalt  }
0x3f: {  	_ =	shalt  }
0x40: {  	_ =	shalt  }
0x41: {  	_ =	shalt  }
0x42: {  	_ =	shalt  }
0x43: {  	_ =	shalt  }
0x44: {  	_ =	shalt  }
0x45: {  	_ =	shalt  }
0x46: {  	_ =	shalt  }
0x47: {  	_ =	shalt  }
0x48: {  	_ =	shalt  }
0x49: {  	_ =	shalt  }
0x4a: {  	_ =	shalt  }
0x4b: {  	_ =	shalt  }
0x4c: {  	_ =	shalt  }
0x4d: {  	_ =	shalt  }
0x4e: {  	_ =	shalt  }
0x4f: {  	_ =	shalt  }
0x50: {  	_ =	shalt  }
0x51: {  	_ =	shalt  }
0x52: {  	_ =	shalt  }
0x53: {  	_ =	shalt  }
0x54: {  	_ =	shalt  }
0x55: {  	_ =	shalt  }
0x56: {  	_ =	shalt  }
0x57: {  	_ =	shalt  }
0x58: {  	_ =	shalt  }
0x59: {  	_ =	shalt  }
0x5a: {  	_ =	shalt  }
0x5b: {  	_ =	shalt  }
0x5c: {  	_ =	shalt  }
0x5d: {  	_ =	shalt  }
0x5e: {  	_ =	shalt  }
0x5f: {  	_ =	shalt  }
0x60: {  	_ =	shalt  }
0x61: {  	_ =	shalt  }
0x62: {  	_ =	shalt  }
0x63: {  	_ =	shalt  }
0x64: {  	_ =	shalt  }
0x65: {  	_ =	shalt  }
0x66: {  	_ =	shalt  }
0x67: {  	_ =	shalt  }
0x68: {  	_ =	shalt  }
0x69: {  	_ =	shalt  }
0x6a: {  	_ =	shalt  }
0x6b: {  	_ =	shalt  }
0x6c: {  	_ =	shalt  }
0x6d: {  	_ =	shalt  }
0x6e: {  	_ =	shalt  }
0x6f: {  	_ =	shalt  }
0x70: {  	_ =	shalt  }
0x71: {  	_ =	shalt  }
0x72: {  	_ =	shalt  }
0x73: {  	_ =	shalt  }
0x74: {  	_ =	shalt  }
0x75: {  	_ =	shalt  }
0x76: {  	_ =	shalt  }
0x77: {  	_ =	shalt  }
0x78: {  	_ =	shalt  }
0x79: {  	_ =	shalt  }
0x7a: {  	_ =	shalt  }
0x7b: {  	_ =	shalt  }
0x7c: {  	_ =	shalt  }
0x7d: {  	_ =	shalt  }
0x7e: {  	_ =	shalt  }
0x7f: {  	_ =	shalt  }
0x80: {  	_ =	shalt  }
0x81: {  	_ =	shalt  }
0x82: {  	_ =	shalt  }
0x83: {  	_ =	shalt  }
0x84: {  	_ =	shalt  }
0x85: {  	_ =	shalt  }
0x86: {  	_ =	shalt  }
0x87: {  	_ =	shalt  }
.Lfunc_end0:
.L_simem_size_0:
called_computation.2_lowered:
.L_overlay_start_0:
0x88: {  	s2 =	sld [smem:$0x3FD9]  }
0x89: {  	s3 =	sld [smem:$0x3FFE];
	_ =	sdelay $0x1  }
0x8a: {  	s1 =	srdreg.scid  }
0x8b: {  	s0 =	sand.u32 $0x1, s1  }
0x8c: {  	s17 =	sshll.u32 s0, $0xA;
	s2 =	sadd.s32 s3, s2  }
0x8d: {  	s2 =	sadd.s32 s2, s17  }
0x8e: {  	[smem:$0x3FB9] =	sst s2  }
0x8f: {  	_ = 	snop  }
0x90: {  	s2 =	sld [smem:$0x3FD0];
	(tm) =	ssettm $0x1  }
0x91: {  	s18 =	sld [smem:$0x3FFB];
	_ =	sdelay $0x3  }
0x92: {  	_ =	strace s18  }
0x93: {  	s3 =	sld [smem:$0x3FFC];
	_ =	sdelay $0x3  }
0x94: {  	_ =	strace s3  }
0x95: {  	s3 =	sld [smem:$0x3FFD];
	_ =	sdelay $0x3  }
0x96: {  	_ =	strace s3  }
0x97: {  	_ =	strace $0x8FFFFFFF  }
0x98: {  	s19 =	sld [smem:$0x3FDB];
	_ =	sdelay $0x1  }
0x99: {  	s4 =	simm.s32 $_scs_section_size  }
0x9a: {  	s5 =	simm.s32 $_size__tile_overlayer_lowered;
	s6 =	simm.s32 $_tile_overlayer_lowered  }
0x9b: {  	s22 =	simm.s32 $0x1BFF;
	s21 =	sshll.u32 s6, $0x1;
	s3 =	sadd.s32 s4, s19  }
0x9c: {  	s7 =	simm.s32 $0x0;
	s20 =	sshll.u32 s5, $0x1;
	s5 =	sadd.s32 s21, s3  }
0x9d: {  	[timem:s7], [sflag:s22] =	dma.local [hbm:s5], s20  }
0x9e: {  	_ =	swait.ge [sflag:s22], s20  }
0x9f: {  	s4 =	ssub.s32 $0x0, s20;
	[sflag:s22] =	ssyncset.done $0x0  }
0xa0: {  	[sflag:s22] =	ssyncadd.s32 s4;
	_ =	sdelay $0x1  }
0xa1: {  	s23 =	simm.s32 $0x1B8B  }
0xa2: {  	_ =	swait.ge [sflag:s23], $0x1  }
0xa3: {  	[sflag:s23] =	ssyncset.done $0x0  }
0xa4: {  	s25 =	simm.s32 $0x1B8E;
	s24 =	sld [smem:$0x3FFE];
	[sflag:s23] =	ssyncadd.s32 $0xFFFFFFFF  }
0xa5: {  	s26 =	simm.s32 $execute0_lowered;
	[smem:$0x3FD2] =	sst s25  }
0xa6: {  	s5 =	sshll.u32 s26, $0x1;
	_ =	strace $0x8000004C;
	[dreg:$0x1] =	wrdreg $0xFFFFFFFF  }
0xa7: {  	s28 =	simm.s32 $_size_execute0_lowered;
	s3 =	sadd.s32 s3, s5;
	[dreg:$0x0] =	wrdreg $0x0  }
0xa8: {  	s5 =	sshll.u32 s28, $0x1;
	[dreg:$0x2] =	wrdreg s3  }
0xa9: {  	[dreg:$0x3] =	wrdreg s5  }
0xaa: {  	[dreg:$0x4] =	wrdreg $0xC0  }
0xab: {  	_ =	task [dreg:s7], $0x5FFFF  }
0xac: {  	[dreg:$0x1] =	wrdreg $0xFFFFFFFF  }
0xad: {  	[dreg:$0x0] =	wrdreg $0x60  }
0xae: {  	[dreg:$0x2] =	wrdreg s2  }
0xaf: {  	[dreg:$0x3] =	wrdreg s24  }
0xb0: {  	[dreg:$0x4] =	wrdreg $0x9  }
0xb1: {  	_ =	task.clear_ibuf [dreg:s7], $0x5FFFF;
	_ =	strace $0x9000004C  }
0xb2: {  	s29 =	simm.s32 $0x9;
	_ =	strace $0x8000004E  }
0xb3: {  	_ =	swait.ge [sflag:s29], $0x1  }
0xb4: {  	[sflag:s29] =	ssyncadd.s32 $0xFFFFFFFF  }
0xb5: {  	_ =	strace $0x9000004E  }
0xb6: {  	_ =	sfence  }
0xb7: {  	s30 =	sld [smem:$0x0];
	_ =	sdelay $0x2  }
0xb8: {  	s31 =	sshll.u32 s1, $0xD;
	s1 =	sshrl.u32 s1, $0x2  }
0xb9: {  	s3 =	sand.u32 $0x4000, s31;
	s1 =	sadd.s32 s1, s30  }
0xba: {  	s0 =	sor.u32 s3, s0;
	s1 =	sshll.u32 s1, $0x11  }
0xbb: {  	s0 =	sor.u32 s1, s0  }
0xbc: {  	s0 =	sadd.s32 $0x8F2B, s0  }
0xbd: {  	[sflag:s0] =	ssyncadd.remote.s32 $0x1  }
0xbe: {  	_ =	sfence.sel $0xFFFF  }
0xbf: {  	[dreg:$0x0] =	wrdreg $0xFFFFFFFF;
	(pc) =	sbr.abs _section_cstart, $3  }
0xc0: {  	[dreg:$0x1] =	wrdreg $0xFFFFFFFF  }
0xc1: {  	_ =	task.clear_ibuf [dreg:s7], $0x2FFFF;
	_ =	strace $0x9FFFFFFF  }
0xc2: {  	(tm) =	ssettm $0x7FFFFFFF  }
0xc3: {  	_ =	shalt  }
tec
execute0_lowered:
.L_overlay_start_1:
0x0: {  	(tag) =	ssettag $0x1  }
0x1: {  	s1 =	srdreg.scid  }
0x2: {  	s0 =	stileid.u32;
	s2 =	rddreg [dreg:$0x0]  }
0x3: {  	s5 =	rddreg [dreg:$0x1];
	s3 =	simm.s32 $0x0;
	s7 =	simm.s32 $0x3400  }
0x4: {  	s8 =	simm.s32 $0x68000;
	s9 =	simm.s32 $0xC380;
	s10 =	simm.s32 $0x1  }
0x5: {  	s11 =	simm.s32 $0x2;
	s4 =	sand.u32 $0x1, s1;
	s30 =	sshll.u32 s0, $0x1  }
0x6: {  	s12 =	simm.s32 $0x12B80;
	s13 =	simm.s32 $0x3;
	s6 =	sor.u32 s4, s30  }
0x7: {  	s1 =	rddreg [dreg:$0x2];
	s4 =	ssub.s32 $0x2, s4;
	s6 =	smul.u32 $0x680, s6  }
0x8: {  	s14 =	simm.s32 $0x0;
	[smem:$0x7FF] =	sst s3;
	s31 =	sshrl.u32 s4, $0x1  }
0x9: {  	_ =	strace $0x8000004D;
	s5 =	sadd.s32 s6, s5;
	s6 =	ssub.s32 s4, s31  }
0xa: {  	s4 =	sadd.s32 $0x3600, s5;
	s5 =	sadd.s32 $0x1D600, s5;
	s6 =	smax.u32 s6, $0x1  }
.LBB2_1:
0xb: {  	[tilespmem:s3], [sflag:$0x1] =	stream.linear.gather [hbm4b:s2+s3], $0xC380, $0x38;
	[tilespmem:$0x19380] =	vst v63  }
0xc: {  	_ = 	snop  }
0xd: {  	[tilespmem:s9], [sflag:$0x2] =	stream.strided.gather [hbm4b:s4+s7], $0x6800, s8, s7, $0x38;
	[tilespmem:$0x19380] =	vst v63  }
0xe: {  	_ =	swait.ge [sflag:s10], $0xC380  }
0xf: {  	[sflag:s10] =	ssyncset.done $0x0  }
0x10: {  	[sflag:s10] =	ssyncadd.s32 $0xFFFF3C80  }
0x11: {  	s15 =	simm.s32 $0x0;
	_ =	swait.ge [sflag:s11], $0x6800  }
0x12: {  	s26 =	sand.u32 $0x3C00, s3;
	s16 =	sand.u32 $0x40, s15;
	[sflag:s11] =	ssyncset.done $0x0  }
0x13: {  	s18 =	sor.u32 s16, s26;
	[sflag:s11] =	ssyncadd.s32 $0xFFFF9800  }
0x14: {  	v3 =	vld [tilespmem:s18+$0xC380]  }
0x15: {  	s28 =	simm.s32 $0x40;
	s19 =	simm.s32 $0x200;
	v4 =	vld [tilespmem:s18+$0xC3A0]  }
0x16: {  	s17 =	sand.u32 $0x40, s28;
	s29 =	sand.u32 $0x3C00, s19;
	v5 =	vld [tilespmem:s18+$0xC390]  }
0x17: {  	s20 =	sor.u32 s17, s29;
	v6 =	vld [tilespmem:s18+$0xC3B0]  }
0x18: {  	v7 =	vld [tilespmem:s20+$0xC380]  }
0x19: {  	s21 =	simm.s32 $0x80;
	s22 =	simm.s32 $0x400;
	v0 =	vld [tilespmem:s20+$0xC390]  }
0x1a: {  	s30 =	sand.u32 $0x40, s21;
	s31 =	sand.u32 $0x3C00, s22;
	v2 =	vld [tilespmem:s20+$0xC3A0]  }
0x1b: {  	s19 =	sor.u32 s30, s31;
	v1 =	vld [tilespmem:s20+$0xC3B0]  }
0x1c: {  	v8 =	vld [tilespmem:s19+$0xC380]  }
0x1d: {  	v3 =	vld.idx.msk [tilespmem:v3+s3+$0x0], $0xffff  }
0x1e: {  	v9 =	vld.idx.msk [tilespmem:v4+s3+$0x0], $0xffff  }
0x1f: {  	v10 =	vld.idx.msk [tilespmem:v5+s3+$0x0], $0xffff  }
0x20: {  	v6 =	vld.idx.msk [tilespmem:v6+s3+$0x0], $0xffff  }
0x21: {  	v4 =	vld [tilespmem:s19+$0xC390]  }
0x22: {  	v5 =	vld [tilespmem:s19+$0xC3A0];
	[tilespmem:s18+$0x12B80] =	vst v3  }
0x23: {  	v3 =	vld [tilespmem:s19+$0xC3B0];
	[tilespmem:s18+$0x12BA0] =	vst v9  }
0x24: {  	s15 =	simm.s32 $0x0;
	v7 =	vld.idx.msk [tilespmem:v7+s3+$0x0], $0xffff;
	[tilespmem:s18+$0x12B90] =	vst v10  }
.LBB2_2:
0x25: {  	s21 =	sadd.s32 $0x40, s21;
	s22 =	sadd.s32 $0x200, s22;
	v9 =	vld.idx.msk [tilespmem:v2+s15+$0x0], $0xffff;
	[tilespmem:s18+$0x12BB0] =	vst v6;
	v10 =	vmov v8;
	s18 =	smov.u32 s20  }
0x26: {  	s23 =	sand.u32 $0x40, s21;
	s24 =	sand.u32 $0x3C00, s22;
	p0 =	slt.u32 s21, $0x640;
	v11 =	vld.idx.msk [tilespmem:v0+s15+$0x0], $0xffff;
	v0 =	vmov v4  }
0x27: {  	s20 =	smov.u32 s19;
	v6 =	vld.idx.msk [tilespmem:v1+s15+$0x0], $0xffff;
	v2 =	vmov v5;
	s19 =	sor.u32 s23, s24  }
.Ltmp0:
0x28: {  	v8 =	vld [tilespmem:s19+$0xC380];
	v1 =	vmov v3;
	(pc) =	sbr.rel @p0 .LBB2_2-.Ltmp0, $4  }
0x29: {  	v4 =	vld [tilespmem:s19+$0xC390]  }
0x2a: {  	v5 =	vld [tilespmem:s19+$0xC3A0];
	[tilespmem:s18+$0x12B80] =	vst v7  }
0x2b: {  	s15 =	simm.s32 $0x0;
	v3 =	vld [tilespmem:s19+$0xC3B0];
	[tilespmem:s18+$0x12BA0] =	vst v9  }
0x2c: {  	v7 =	vld.idx.msk [tilespmem:v10+s15+$0x0], $0xffff;
	[tilespmem:s18+$0x12B90] =	vst v11  }
0x2d: {  	_ =	sdelay $0x3  }
0x2e: {  	v2 =	vld.idx.msk [tilespmem:v2+s15+$0x0], $0xffff  }
0x2f: {  	v0 =	vld.idx.msk [tilespmem:v0+s15+$0x0], $0xffff  }
0x30: {  	v1 =	vld.idx.msk [tilespmem:v1+s15+$0x0], $0xffff  }
0x31: {  	[tilespmem:s18+$0x12BB0] =	vst v6;
	v6 =	vld.idx.msk [tilespmem:v8+s15+$0x0], $0xffff  }
0x32: {  	v5 =	vld.idx.msk [tilespmem:v5+s15+$0x0], $0xffff;
	[tilespmem:s20+$0x12B80] =	vst v7  }
0x33: {  	[tilespmem:s20+$0x12BA0] =	vst v2;
	v2 =	vld.idx.msk [tilespmem:v4+s15+$0x0], $0xffff  }
0x34: {  	[tilespmem:s20+$0x12B90] =	vst v0;
	v0 =	vld.idx.msk [tilespmem:v3+s15+$0x0], $0xffff  }
0x35: {  	[tilespmem:s20+$0x12BB0] =	vst v1  }
0x36: {  	[tilespmem:s19+$0x12B80] =	vst v6  }
0x37: {  	[tilespmem:s19+$0x12BA0] =	vst v5  }
0x38: {  	s18 =	sand.u32 $0x3C00, s15;
	[tilespmem:s19+$0x12B90] =	vst v2  }
0x39: {  	s20 =	sor.u32 s16, s18;
	[tilespmem:s19+$0x12BB0] =	vst v0  }
0x3a: {  	v2 =	vld [tilespmem:s20+$0xC420]  }
0x3b: {  	s30 =	simm.s32 $0x200;
	v3 =	vld [tilespmem:s20+$0xC430]  }
0x3c: {  	s16 =	sand.u32 $0x3C00, s30;
	v4 =	vld [tilespmem:s20+$0xC400]  }
0x3d: {  	s17 =	sor.u32 s17, s16;
	v5 =	vld [tilespmem:s20+$0xC410]  }
0x3e: {  	v0 =	vld [tilespmem:s17+$0xC400]  }
0x3f: {  	s21 =	simm.s32 $0x80;
	s22 =	simm.s32 $0x400;
	v1 =	vld [tilespmem:s17+$0xC410]  }
0x40: {  	s31 =	sand.u32 $0x40, s21;
	s23 =	sand.u32 $0x3C00, s22;
	v6 =	vld [tilespmem:s17+$0xC420]  }
0x41: {  	s19 =	sor.u32 s31, s23;
	v7 =	vld [tilespmem:s17+$0xC430]  }
0x42: {  	v8 =	vld [tilespmem:s19+$0xC420]  }
0x43: {  	v9 =	vld.idx.msk [tilespmem:v2+s15+$0x0], $0xffff  }
0x44: {  	v10 =	vld.idx.msk [tilespmem:v3+s15+$0x0], $0xffff  }
0x45: {  	v11 =	vld.idx.msk [tilespmem:v4+s15+$0x0], $0xffff  }
0x46: {  	v4 =	vld.idx.msk [tilespmem:v5+s15+$0x0], $0xffff  }
0x47: {  	v3 =	vld [tilespmem:s19+$0xC400]  }
0x48: {  	v2 =	vld [tilespmem:s19+$0xC410];
	[tilespmem:s20+$0x12C20] =	vst v9  }
0x49: {  	v5 =	vld [tilespmem:s19+$0xC430];
	[tilespmem:s20+$0x12C30] =	vst v10  }
0x4a: {  	v6 =	vld.idx.msk [tilespmem:v6+s15+$0x0], $0xffff;
	[tilespmem:s20+$0x12C00] =	vst v11  }
.LBB2_4:
0x4b: {  	s21 =	sadd.s32 $0x40, s21;
	s22 =	sadd.s32 $0x200, s22;
	v9 =	vld.idx.msk [tilespmem:v7+s15+$0x0], $0xffff;
	[tilespmem:s20+$0x12C10] =	vst v4  }
0x4c: {  	s23 =	sand.u32 $0x40, s21;
	s24 =	sand.u32 $0x3C00, s22;
	p0 =	slt.u32 s21, $0x640;
	v10 =	vld.idx.msk [tilespmem:v0+s15+$0x0], $0xffff;
	v0 =	vmov v3  }
0x4d: {  	s20 =	smov.u32 s17;
	s17 =	smov.u32 s19;
	v4 =	vld.idx.msk [tilespmem:v1+s15+$0x0], $0xffff;
	v1 =	vmov v2;
	v11 =	vmov v8;
	s19 =	sor.u32 s23, s24  }
.Ltmp1:
0x4e: {  	v3 =	vld [tilespmem:s19+$0xC400];
	v7 =	vmov v5;
	(pc) =	sbr.rel @p0 .LBB2_4-.Ltmp1, $4  }
0x4f: {  	v2 =	vld [tilespmem:s19+$0xC410]  }
0x50: {  	v8 =	vld [tilespmem:s19+$0xC420];
	[tilespmem:s20+$0x12C20] =	vst v6  }
0x51: {  	v5 =	vld [tilespmem:s19+$0xC430];
	[tilespmem:s20+$0x12C30] =	vst v9  }
0x52: {  	v6 =	vld.idx.msk [tilespmem:v11+s15+$0x0], $0xffff;
	[tilespmem:s20+$0x12C00] =	vst v10  }
0x53: {  	_ =	sdelay $0x3  }
0x54: {  	v7 =	vld.idx.msk [tilespmem:v7+s15+$0x0], $0xffff  }
0x55: {  	v0 =	vld.idx.msk [tilespmem:v0+s15+$0x0], $0xffff  }
0x56: {  	v1 =	vld.idx.msk [tilespmem:v1+s15+$0x0], $0xffff  }
0x57: {  	[tilespmem:s20+$0x12C10] =	vst v4;
	v3 =	vld.idx.msk [tilespmem:v3+s15+$0x0], $0xffff  }
0x58: {  	v4 =	vld.idx.msk [tilespmem:v8+s15+$0x0], $0xffff;
	[tilespmem:s17+$0x12C20] =	vst v6  }
0x59: {  	v5 =	vld.idx.msk [tilespmem:v5+s15+$0x0], $0xffff;
	[tilespmem:s17+$0x12C30] =	vst v7  }
0x5a: {  	[tilespmem:s17+$0x12C00] =	vst v0;
	v0 =	vld.idx.msk [tilespmem:v2+s15+$0x0], $0xffff  }
0x5b: {  	[tilespmem:s17+$0x12C10] =	vst v1  }
0x5c: {  	[tilespmem:s19+$0x12C00] =	vst v3  }
0x5d: {  	s29 =	simm.s32 $0x0;
	[tilespmem:s19+$0x12C20] =	vst v4  }
0x5e: {  	s15 =	sand.u32 $0x40, s29;
	[tilespmem:s19+$0x12C30] =	vst v5  }
0x5f: {  	s18 =	sor.u32 s15, s18;
	[tilespmem:s19+$0x12C10] =	vst v0  }
0x60: {  	v3 =	vld [tilespmem:s18+$0xC480]  }
0x61: {  	s30 =	simm.s32 $0x40;
	v4 =	vld [tilespmem:s18+$0xC4A0]  }
0x62: {  	s17 =	sand.u32 $0x40, s30;
	v5 =	vld [tilespmem:s18+$0xC490]  }
0x63: {  	s20 =	sor.u32 s17, s16;
	v6 =	vld [tilespmem:s18+$0xC4B0]  }
0x64: {  	v7 =	vld [tilespmem:s20+$0xC480]  }
0x65: {  	s21 =	simm.s32 $0x80;
	s22 =	simm.s32 $0x400;
	v0 =	vld [tilespmem:s20+$0xC490]  }
0x66: {  	s31 =	sand.u32 $0x40, s21;
	s23 =	sand.u32 $0x3C00, s22;
	v2 =	vld [tilespmem:s20+$0xC4A0]  }
0x67: {  	s19 =	sor.u32 s31, s23;
	v1 =	vld [tilespmem:s20+$0xC4B0]  }
0x68: {  	s16 =	simm.s32 $0x0;
	v8 =	vld [tilespmem:s19+$0xC480]  }
0x69: {  	v3 =	vld.idx.msk [tilespmem:v3+s16+$0x0], $0xffff  }
0x6a: {  	v9 =	vld.idx.msk [tilespmem:v4+s16+$0x0], $0xffff  }
0x6b: {  	v10 =	vld.idx.msk [tilespmem:v5+s16+$0x0], $0xffff  }
0x6c: {  	v6 =	vld.idx.msk [tilespmem:v6+s16+$0x0], $0xffff  }
0x6d: {  	v4 =	vld [tilespmem:s19+$0xC490]  }
0x6e: {  	v5 =	vld [tilespmem:s19+$0xC4A0];
	[tilespmem:s18+$0x12C80] =	vst v3  }
0x6f: {  	v3 =	vld [tilespmem:s19+$0xC4B0];
	[tilespmem:s18+$0x12CA0] =	vst v9  }
0x70: {  	v7 =	vld.idx.msk [tilespmem:v7+s16+$0x0], $0xffff;
	[tilespmem:s18+$0x12C90] =	vst v10  }
.LBB2_6:
0x71: {  	s21 =	sadd.s32 $0x40, s21;
	s22 =	sadd.s32 $0x200, s22;
	v9 =	vld.idx.msk [tilespmem:v2+s16+$0x0], $0xffff;
	[tilespmem:s18+$0x12CB0] =	vst v6;
	v10 =	vmov v8;
	s18 =	smov.u32 s20  }
0x72: {  	s23 =	sand.u32 $0x40, s21;
	s24 =	sand.u32 $0x3C00, s22;
	p0 =	slt.u32 s21, $0x640;
	v11 =	vld.idx.msk [tilespmem:v0+s16+$0x0], $0xffff;
	v0 =	vmov v4  }
0x73: {  	s20 =	smov.u32 s19;
	v6 =	vld.idx.msk [tilespmem:v1+s16+$0x0], $0xffff;
	v2 =	vmov v5;
	s19 =	sor.u32 s23, s24  }
.Ltmp2:
0x74: {  	v8 =	vld [tilespmem:s19+$0xC480];
	v1 =	vmov v3;
	(pc) =	sbr.rel @p0 .LBB2_6-.Ltmp2, $4  }
0x75: {  	v4 =	vld [tilespmem:s19+$0xC490]  }
0x76: {  	v5 =	vld [tilespmem:s19+$0xC4A0];
	[tilespmem:s18+$0x12C80] =	vst v7  }
0x77: {  	v3 =	vld [tilespmem:s19+$0xC4B0];
	[tilespmem:s18+$0x12CA0] =	vst v9  }
0x78: {  	v7 =	vld.idx.msk [tilespmem:v10+s16+$0x0], $0xffff;
	[tilespmem:s18+$0x12C90] =	vst v11  }
0x79: {  	_ =	sdelay $0x3  }
0x7a: {  	v2 =	vld.idx.msk [tilespmem:v2+s16+$0x0], $0xffff  }
0x7b: {  	v0 =	vld.idx.msk [tilespmem:v0+s16+$0x0], $0xffff  }
0x7c: {  	v1 =	vld.idx.msk [tilespmem:v1+s16+$0x0], $0xffff;
	s16 =	simm.s32 $0x0  }
0x7d: {  	[tilespmem:s18+$0x12CB0] =	vst v6;
	v6 =	vld.idx.msk [tilespmem:v8+s16+$0x0], $0xffff  }
0x7e: {  	v5 =	vld.idx.msk [tilespmem:v5+s16+$0x0], $0xffff;
	[tilespmem:s20+$0x12C80] =	vst v7  }
0x7f: {  	[tilespmem:s20+$0x12CA0] =	vst v2;
	v2 =	vld.idx.msk [tilespmem:v4+s16+$0x0], $0xffff  }
0x80: {  	[tilespmem:s20+$0x12C90] =	vst v0;
	v0 =	vld.idx.msk [tilespmem:v3+s16+$0x0], $0xffff  }
0x81: {  	[tilespmem:s20+$0x12CB0] =	vst v1  }
0x82: {  	[tilespmem:s19+$0x12C80] =	vst v6  }
0x83: {  	[tilespmem:s19+$0x12CA0] =	vst v5  }
0x84: {  	s29 =	sand.u32 $0x3C00, s16;
	[tilespmem:s19+$0x12C90] =	vst v2  }
0x85: {  	[tilespmem:s19+$0x12CB0] =	vst v0;
	s19 =	sor.u32 s15, s29  }
0x86: {  	v3 =	vld [tilespmem:s19+$0xC520]  }
0x87: {  	s21 =	simm.s32 $0x400;
	s20 =	simm.s32 $0x80;
	v4 =	vld [tilespmem:s19+$0xC500]  }
0x88: {  	s22 =	sand.u32 $0x3C00, s21;
	s31 =	sand.u32 $0x40, s20;
	s15 =	simm.s32 $0x200;
	v5 =	vld [tilespmem:s19+$0xC530]  }
0x89: {  	s18 =	sor.u32 s31, s22;
	s30 =	sand.u32 $0x3C00, s15;
	v6 =	vld [tilespmem:s19+$0xC510]  }
0x8a: {  	v7 =	vld [tilespmem:s18+$0xC500];
	s17 =	sor.u32 s17, s30  }
0x8b: {  	v1 =	vld [tilespmem:s17+$0xC500]  }
0x8c: {  	v0 =	vld [tilespmem:s17+$0xC510]  }
0x8d: {  	v9 =	vld [tilespmem:s17+$0xC520]  }
0x8e: {  	v2 =	vld [tilespmem:s17+$0xC530]  }
0x8f: {  	v10 =	vld.idx.msk [tilespmem:v3+s16+$0x0], $0xffff  }
0x90: {  	v11 =	vld.idx.msk [tilespmem:v4+s16+$0x0], $0xffff  }
0x91: {  	v12 =	vld.idx.msk [tilespmem:v5+s16+$0x0], $0xffff  }
0x92: {  	v5 =	vld.idx.msk [tilespmem:v6+s16+$0x0], $0xffff  }
0x93: {  	v8 =	vld [tilespmem:s18+$0xC520]  }
0x94: {  	v3 =	vld [tilespmem:s18+$0xC510];
	[tilespmem:s19+$0x12D20] =	vst v10  }
0x95: {  	v4 =	vld [tilespmem:s18+$0xC530];
	[tilespmem:s19+$0x12D00] =	vst v11  }
0x96: {  	v6 =	vld.idx.msk [tilespmem:v9+s16+$0x0], $0xffff;
	[tilespmem:s19+$0x12D30] =	vst v12  }
.LBB2_8:
0x97: {  	s20 =	sadd.s32 $0x40, s20;
	s21 =	sadd.s32 $0x200, s21;
	v9 =	vld.idx.msk [tilespmem:v1+s16+$0x0], $0xffff;
	[tilespmem:s19+$0x12D10] =	vst v5;
	v1 =	vmov v7  }
0x98: {  	s22 =	sand.u32 $0x40, s20;
	s23 =	sand.u32 $0x3C00, s21;
	p0 =	slt.u32 s20, $0x640;
	v10 =	vld.idx.msk [tilespmem:v2+s16+$0x0], $0xffff  }
0x99: {  	s19 =	smov.u32 s17;
	s17 =	smov.u32 s18;
	v5 =	vld.idx.msk [tilespmem:v0+s16+$0x0], $0xffff;
	v0 =	vmov v3;
	v11 =	vmov v8;
	s18 =	sor.u32 s22, s23  }
.Ltmp3:
0x9a: {  	v7 =	vld [tilespmem:s18+$0xC500];
	v2 =	vmov v4;
	(pc) =	sbr.rel @p0 .LBB2_8-.Ltmp3, $4  }
0x9b: {  	v3 =	vld [tilespmem:s18+$0xC510]  }
0x9c: {  	v8 =	vld [tilespmem:s18+$0xC520];
	[tilespmem:s19+$0x12D20] =	vst v6  }
0x9d: {  	v4 =	vld [tilespmem:s18+$0xC530];
	[tilespmem:s19+$0x12D00] =	vst v9  }
0x9e: {  	v6 =	vld.idx.msk [tilespmem:v11+s16+$0x0], $0xffff;
	[tilespmem:s19+$0x12D30] =	vst v10  }
0x9f: {  	_ =	sdelay $0x3  }
0xa0: {  	v1 =	vld.idx.msk [tilespmem:v1+s16+$0x0], $0xffff  }
0xa1: {  	v2 =	vld.idx.msk [tilespmem:v2+s16+$0x0], $0xffff  }
0xa2: {  	v0 =	vld.idx.msk [tilespmem:v0+s16+$0x0], $0xffff  }
0xa3: {  	[tilespmem:s19+$0x12D10] =	vst v5;
	v5 =	vld.idx.msk [tilespmem:v8+s16+$0x0], $0xffff  }
0xa4: {  	[tilespmem:s17+$0x12D20] =	vst v6;
	v6 =	vld.idx.msk [tilespmem:v7+s16+$0x0], $0xffff  }
0xa5: {  	[tilespmem:s17+$0x12D00] =	vst v1;
	v1 =	vld.idx.msk [tilespmem:v4+s16+$0x0], $0xffff  }
0xa6: {  	[tilespmem:s17+$0x12D30] =	vst v2;
	v2 =	vld.idx.msk [tilespmem:v3+s16+$0x0], $0xffff  }
0xa7: {  	p0 =	por $0x0, $0x0;
	[tilespmem:s17+$0x12D10] =	vst v0;
	s16 =	simm.s32 $0x1  }
0xa8: {  	s16 =	simm.s32 @!p0 $0x0;
	[tilespmem:s18+$0x12D20] =	vst v5  }
0xa9: {  	s16 =	sshll.u32 s16, $0x6;
	[tilespmem:s18+$0x12D00] =	vst v6  }
0xaa: {  	s31 =	sadd.s32 $0x0, s16;
	[tilespmem:s18+$0x12D30] =	vst v1  }
0xab: {  	[tilespmem:s18+$0x12D10] =	vst v2;
	s18 =	sor.u32 $0x230, s31  }
0xac: {  	v0 =	vld [tilespmem:s18+$0xC380];
	_ =	sdelay $0x1  }
0xad: {  	s22 =	simm.s32 $0x1;
	p0 =	por !p0, !p0  }
0xae: {  	s22 =	simm.s32 @!p0 $0x0;
	s19 =	sor.u32 $0x200, s31  }
0xaf: {  	s17 =	sshll.u32 s22, $0x6;
	s20 =	sor.u32 $0x210, s31;
	v7 =	vld [tilespmem:s19+$0xC380]  }
0xb0: {  	s21 =	sor.u32 $0x220, s31;
	s24 =	sadd.s32 $0x200, s17;
	v1 =	vld [tilespmem:s20+$0xC380]  }
0xb1: {  	s22 =	sor.u32 $0x200, s24;
	v2 =	vld [tilespmem:s21+$0xC380]  }
0xb2: {  	s25 =	simm.s32 $0x0;
	v4 =	vld [tilespmem:s22+$0xC380]  }
0xb3: {  	s26 =	sor.u32 $0x230, s24;
	v3 =	vld.idx.msk [tilespmem:v0+s25+$0x0], $0xffff  }
0xb4: {  	s23 =	sor.u32 $0x210, s24;
	v0 =	vld [tilespmem:s26+$0xC380]  }
0xb5: {  	s24 =	sor.u32 $0x220, s24;
	v6 =	vld [tilespmem:s23+$0xC380]  }
0xb6: {  	v5 =	vld [tilespmem:s24+$0xC380]  }
0xb7: {  	s28 =	simm.s32 $0x40;
	p1 =	por !p0, !p0;
	v7 =	vld.idx.msk [tilespmem:v7+s25+$0x0], $0xffff  }
.LBB2_10:
0xb8: {  	s29 =	simm.s32 $0x1  }
0xb9: {  	s28 =	sadd.s32 $0x40, s28;
	v8 =	vld.idx.msk [tilespmem:v1+s25+$0x0], $0xffff;
	[tilespmem:s18+$0x12B80] =	vst v3;
	s18 =	smov.u32 s26;
	s29 =	simm.s32 @!p1 $0x0  }
0xba: {  	s15 =	sadd.s32 $0x200, s15;
	p2 =	slt.u32 s28, $0x640;
	v10 =	vmov v4;
	s26 =	sshll.u32 s29, $0x6;
	v9 =	vld.idx.msk [tilespmem:v2+s25+$0x0], $0xffff  }
0xbb: {  	v1 =	vmov v6;
	s29 =	sadd.s32 s26, s15  }
0xbc: {  	v2 =	vmov v5;
	s30 =	sor.u32 $0x200, s29;
	s31 =	sor.u32 $0x210, s29;
	s26 =	sor.u32 $0x230, s29;
	v3 =	vld.idx.msk [tilespmem:v0+s25+$0x0], $0xffff  }
.Ltmp4:
0xbd: {  	s29 =	sor.u32 $0x220, s29;
	v0 =	vld [tilespmem:s26+$0xC380];
	(pc) =	sbr.rel @p2 .LBB2_10-.Ltmp4, $4  }
0xbe: {  	v4 =	vld [tilespmem:s30+$0xC380];
	[tilespmem:s19+$0x12B80] =	vst v7;
	s19 =	smov.u32 s22;
	s22 =	smov.u32 s30  }
0xbf: {  	v6 =	vld [tilespmem:s31+$0xC380];
	[tilespmem:s20+$0x12B80] =	vst v8;
	s20 =	smov.u32 s23;
	s23 =	smov.u32 s31  }
0xc0: {  	v5 =	vld [tilespmem:s29+$0xC380];
	[tilespmem:s21+$0x12B80] =	vst v9;
	s21 =	smov.u32 s24;
	s24 =	smov.u32 s29  }
0xc1: {  	p1 =	por !p1, !p1;
	v7 =	vld.idx.msk [tilespmem:v10+s25+$0x0], $0xffff  }
0xc2: {  	_ =	sdelay $0x3  }
0xc3: {  	v1 =	vld.idx.msk [tilespmem:v1+s25+$0x0], $0xffff  }
0xc4: {  	v2 =	vld.idx.msk [tilespmem:v2+s25+$0x0], $0xffff;
	s15 =	simm.s32 $0x0  }
0xc5: {  	v0 =	vld.idx.msk [tilespmem:v0+s15+$0x0], $0xffff  }
0xc6: {  	[tilespmem:s18+$0x12B80] =	vst v3;
	v3 =	vld.idx.msk [tilespmem:v4+s15+$0x0], $0xffff  }
0xc7: {  	v4 =	vld.idx.msk [tilespmem:v6+s15+$0x0], $0xffff;
	[tilespmem:s19+$0x12B80] =	vst v7  }
0xc8: {  	[tilespmem:s20+$0x12B80] =	vst v1;
	v1 =	vld.idx.msk [tilespmem:v5+s15+$0x0], $0xffff  }
0xc9: {  	[tilespmem:s21+$0x12B80] =	vst v2  }
0xca: {  	[tilespmem:s26+$0x12B80] =	vst v0  }
0xcb: {  	[tilespmem:s22+$0x12B80] =	vst v3  }
0xcc: {  	s30 =	sadd.s32 $0x0, s16;
	[tilespmem:s23+$0x12B80] =	vst v4  }
0xcd: {  	s23 =	sor.u32 $0x2B0, s30;
	[tilespmem:s24+$0x12B80] =	vst v1  }
0xce: {  	v0 =	vld [tilespmem:s23+$0xC380];
	_ =	sdelay $0x2  }
0xcf: {  	s19 =	sor.u32 $0x280, s30  }
0xd0: {  	s16 =	sor.u32 $0x290, s30;
	v7 =	vld [tilespmem:s19+$0xC380]  }
0xd1: {  	s31 =	sadd.s32 $0x200, s17;
	s18 =	sor.u32 $0x2A0, s30;
	v1 =	vld [tilespmem:s16+$0xC380]  }
0xd2: {  	s17 =	sor.u32 $0x280, s31;
	v2 =	vld [tilespmem:s18+$0xC380]  }
0xd3: {  	v5 =	vld [tilespmem:s17+$0xC380]  }
0xd4: {  	s22 =	sor.u32 $0x2B0, s31;
	v3 =	vld.idx.msk [tilespmem:v0+s15+$0x0], $0xffff  }
0xd5: {  	s20 =	sor.u32 $0x290, s31;
	v0 =	vld [tilespmem:s22+$0xC380]  }
0xd6: {  	s21 =	sor.u32 $0x2A0, s31;
	v6 =	vld [tilespmem:s20+$0xC380]  }
0xd7: {  	v4 =	vld [tilespmem:s21+$0xC380]  }
0xd8: {  	s25 =	simm.s32 $0x200;
	p0 =	por !p0, !p0;
	s24 =	simm.s32 $0x40;
	v7 =	vld.idx.msk [tilespmem:v7+s15+$0x0], $0xffff  }
.LBB2_12:
0xd9: {  	s26 =	simm.s32 $0x1  }
0xda: {  	s24 =	sadd.s32 $0x40, s24;
	v8 =	vld.idx.msk [tilespmem:v1+s15+$0x0], $0xffff;
	[tilespmem:s23+$0x12B80] =	vst v3;
	s26 =	simm.s32 @!p0 $0x0  }
0xdb: {  	s25 =	sadd.s32 $0x200, s25;
	p1 =	slt.u32 s24, $0x640;
	v10 =	vmov v5;
	s23 =	sshll.u32 s26, $0x6;
	v9 =	vld.idx.msk [tilespmem:v2+s15+$0x0], $0xffff  }
0xdc: {  	v1 =	vmov v6;
	s26 =	sadd.s32 s23, s25;
	s23 =	smov.u32 s22  }
0xdd: {  	v2 =	vmov v4;
	s28 =	sor.u32 $0x280, s26;
	s29 =	sor.u32 $0x290, s26;
	s22 =	sor.u32 $0x2B0, s26;
	v3 =	vld.idx.msk [tilespmem:v0+s15+$0x0], $0xffff  }
.Ltmp5:
0xde: {  	s26 =	sor.u32 $0x2A0, s26;
	v0 =	vld [tilespmem:s22+$0xC380];
	(pc) =	sbr.rel @p1 .LBB2_12-.Ltmp5, $4  }
0xdf: {  	v5 =	vld [tilespmem:s28+$0xC380];
	[tilespmem:s19+$0x12B80] =	vst v7;
	s19 =	smov.u32 s17;
	s17 =	smov.u32 s28  }
0xe0: {  	v6 =	vld [tilespmem:s29+$0xC380];
	[tilespmem:s16+$0x12B80] =	vst v8;
	s16 =	smov.u32 s20;
	s20 =	smov.u32 s29  }
0xe1: {  	v4 =	vld [tilespmem:s26+$0xC380];
	[tilespmem:s18+$0x12B80] =	vst v9;
	s18 =	smov.u32 s21;
	s21 =	smov.u32 s26  }
0xe2: {  	p0 =	por !p0, !p0;
	v7 =	vld.idx.msk [tilespmem:v10+s15+$0x0], $0xffff  }
0xe3: {  	_ =	sdelay $0x3  }
0xe4: {  	v1 =	vld.idx.msk [tilespmem:v1+s15+$0x0], $0xffff  }
0xe5: {  	v2 =	vld.idx.msk [tilespmem:v2+s15+$0x0], $0xffff  }
0xe6: {  	v0 =	vld.idx.msk [tilespmem:v0+s15+$0x0], $0xffff  }
0xe7: {  	[tilespmem:s23+$0x12B80] =	vst v3;
	v3 =	vld.idx.msk [tilespmem:v5+s15+$0x0], $0xffff  }
0xe8: {  	v5 =	vld.idx.msk [tilespmem:v6+s15+$0x0], $0xffff;
	[tilespmem:s19+$0x12B80] =	vst v7  }
0xe9: {  	[tilespmem:s16+$0x12B80] =	vst v1;
	v1 =	vld.idx.msk [tilespmem:v4+s15+$0x0], $0xffff  }
0xea: {  	p0 =	por $0x0, $0x0;
	[tilespmem:s18+$0x12B80] =	vst v2;
	s15 =	simm.s32 $0x1  }
0xeb: {  	[tilespmem:s22+$0x12B80] =	vst v0;
	s15 =	simm.s32 @!p0 $0x0  }
0xec: {  	[tilespmem:s17+$0x12B80] =	vst v3;
	s16 =	sshll.u32 s15, $0x6  }
0xed: {  	[tilespmem:s20+$0x12B80] =	vst v5;
	s15 =	sadd.s32 $0x0, s16  }
0xee: {  	s18 =	sor.u32 $0x330, s15;
	[tilespmem:s21+$0x12B80] =	vst v1  }
0xef: {  	v0 =	vld [tilespmem:s18+$0xC380];
	_ =	sdelay $0x1  }
0xf0: {  	p0 =	por !p0, !p0;
	s17 =	simm.s32 $0x1  }
0xf1: {  	s17 =	simm.s32 @!p0 $0x0;
	s19 =	sor.u32 $0x300, s15  }
0xf2: {  	s17 =	sshll.u32 s17, $0x6;
	s20 =	sor.u32 $0x310, s15;
	v7 =	vld [tilespmem:s19+$0xC380]  }
0xf3: {  	s24 =	sadd.s32 $0x200, s17;
	s21 =	sor.u32 $0x320, s15;
	v1 =	vld [tilespmem:s20+$0xC380]  }
0xf4: {  	s22 =	sor.u32 $0x300, s24;
	v2 =	vld [tilespmem:s21+$0xC380]  }
0xf5: {  	s15 =	simm.s32 $0x0;
	v4 =	vld [tilespmem:s22+$0xC380]  }
0xf6: {  	s25 =	sor.u32 $0x330, s24;
	v3 =	vld.idx.msk [tilespmem:v0+s15+$0x0], $0xffff  }
0xf7: {  	s23 =	sor.u32 $0x310, s24;
	v0 =	vld [tilespmem:s25+$0xC380]  }
0xf8: {  	s24 =	sor.u32 $0x320, s24;
	v6 =	vld [tilespmem:s23+$0xC380]  }
0xf9: {  	v5 =	vld [tilespmem:s24+$0xC380]  }
0xfa: {  	s26 =	simm.s32 $0x40;
	s28 =	simm.s32 $0x200;
	p1 =	por !p0, !p0;
	v7 =	vld.idx.msk [tilespmem:v7+s15+$0x0], $0xffff  }
.LBB2_14:
0xfb: {  	s29 =	simm.s32 $0x1  }
0xfc: {  	s26 =	sadd.s32 $0x40, s26;
	v8 =	vld.idx.msk [tilespmem:v1+s15+$0x0], $0xffff;
	[tilespmem:s18+$0x12B80] =	vst v3;
	s18 =	smov.u32 s25;
	s29 =	simm.s32 @!p1 $0x0  }
0xfd: {  	s28 =	sadd.s32 $0x200, s28;
	p2 =	slt.u32 s26, $0x640;
	v10 =	vmov v4;
	s25 =	sshll.u32 s29, $0x6;
	v9 =	vld.idx.msk [tilespmem:v2+s15+$0x0], $0xffff  }
0xfe: {  	v1 =	vmov v6;
	s29 =	sadd.s32 s25, s28  }
0xff: {  	v2 =	vmov v5;
	s30 =	sor.u32 $0x300, s29;
	s31 =	sor.u32 $0x310, s29;
	s25 =	sor.u32 $0x330, s29;
	v3 =	vld.idx.msk [tilespmem:v0+s15+$0x0], $0xffff  }
.Ltmp6:
0x100: {  	s29 =	sor.u32 $0x320, s29;
	v0 =	vld [tilespmem:s25+$0xC380];
	(pc) =	sbr.rel @p2 .LBB2_14-.Ltmp6, $4  }
0x101: {  	v4 =	vld [tilespmem:s30+$0xC380];
	[tilespmem:s19+$0x12B80] =	vst v7;
	s19 =	smov.u32 s22;
	s22 =	smov.u32 s30  }
0x102: {  	v6 =	vld [tilespmem:s31+$0xC380];
	[tilespmem:s20+$0x12B80] =	vst v8;
	s20 =	smov.u32 s23;
	s23 =	smov.u32 s31  }
0x103: {  	v5 =	vld [tilespmem:s29+$0xC380];
	[tilespmem:s21+$0x12B80] =	vst v9;
	s21 =	smov.u32 s24;
	s24 =	smov.u32 s29  }
0x104: {  	p1 =	por !p1, !p1;
	v7 =	vld.idx.msk [tilespmem:v10+s15+$0x0], $0xffff  }
0x105: {  	_ =	sdelay $0x3  }
0x106: {  	v1 =	vld.idx.msk [tilespmem:v1+s15+$0x0], $0xffff  }
0x107: {  	v2 =	vld.idx.msk [tilespmem:v2+s15+$0x0], $0xffff;
	s15 =	simm.s32 $0x0  }
0x108: {  	v0 =	vld.idx.msk [tilespmem:v0+s15+$0x0], $0xffff  }
0x109: {  	[tilespmem:s18+$0x12B80] =	vst v3;
	v3 =	vld.idx.msk [tilespmem:v4+s15+$0x0], $0xffff  }
0x10a: {  	v4 =	vld.idx.msk [tilespmem:v6+s15+$0x0], $0xffff;
	[tilespmem:s19+$0x12B80] =	vst v7  }
0x10b: {  	[tilespmem:s20+$0x12B80] =	vst v1;
	v1 =	vld.idx.msk [tilespmem:v5+s15+$0x0], $0xffff  }
0x10c: {  	[tilespmem:s21+$0x12B80] =	vst v2  }
0x10d: {  	[tilespmem:s25+$0x12B80] =	vst v0  }
0x10e: {  	[tilespmem:s22+$0x12B80] =	vst v3  }
0x10f: {  	s31 =	sadd.s32 $0x0, s16;
	[tilespmem:s23+$0x12B80] =	vst v4  }
0x110: {  	s23 =	sor.u32 $0x3B0, s31;
	[tilespmem:s24+$0x12B80] =	vst v1  }
0x111: {  	v0 =	vld [tilespmem:s23+$0xC380];
	_ =	sdelay $0x2  }
0x112: {  	s19 =	sor.u32 $0x380, s31  }
0x113: {  	s16 =	sor.u32 $0x390, s31;
	v7 =	vld [tilespmem:s19+$0xC380]  }
0x114: {  	s17 =	sadd.s32 $0x200, s17;
	s18 =	sor.u32 $0x3A0, s31;
	v1 =	vld [tilespmem:s16+$0xC380]  }
0x115: {  	s20 =	sor.u32 $0x380, s17;
	v2 =	vld [tilespmem:s18+$0xC380]  }
0x116: {  	v5 =	vld [tilespmem:s20+$0xC380]  }
0x117: {  	s22 =	sor.u32 $0x3B0, s17;
	v3 =	vld.idx.msk [tilespmem:v0+s15+$0x0], $0xffff  }
0x118: {  	s21 =	sor.u32 $0x390, s17;
	v0 =	vld [tilespmem:s22+$0xC380]  }
0x119: {  	s17 =	sor.u32 $0x3A0, s17;
	v6 =	vld [tilespmem:s21+$0xC380]  }
0x11a: {  	v4 =	vld [tilespmem:s17+$0xC380]  }
0x11b: {  	p0 =	por !p0, !p0;
	s25 =	simm.s32 $0x200;
	s24 =	simm.s32 $0x40;
	v7 =	vld.idx.msk [tilespmem:v7+s15+$0x0], $0xffff  }
.LBB2_16:
0x11c: {  	s26 =	simm.s32 $0x1  }
0x11d: {  	s24 =	sadd.s32 $0x40, s24;
	v8 =	vld.idx.msk [tilespmem:v1+s15+$0x0], $0xffff;
	[tilespmem:s23+$0x12B80] =	vst v3;
	s26 =	simm.s32 @!p0 $0x0  }
0x11e: {  	s25 =	sadd.s32 $0x200, s25;
	p1 =	slt.u32 s24, $0x640;
	v10 =	vmov v5;
	s23 =	sshll.u32 s26, $0x6;
	v9 =	vld.idx.msk [tilespmem:v2+s15+$0x0], $0xffff  }
0x11f: {  	v1 =	vmov v6;
	s26 =	sadd.s32 s23, s25;
	s23 =	smov.u32 s22  }
0x120: {  	v2 =	vmov v4;
	s28 =	sor.u32 $0x380, s26;
	s29 =	sor.u32 $0x390, s26;
	s22 =	sor.u32 $0x3B0, s26;
	v3 =	vld.idx.msk [tilespmem:v0+s15+$0x0], $0xffff  }
.Ltmp7:
0x121: {  	s26 =	sor.u32 $0x3A0, s26;
	v0 =	vld [tilespmem:s22+$0xC380];
	(pc) =	sbr.rel @p1 .LBB2_16-.Ltmp7, $4  }
0x122: {  	v5 =	vld [tilespmem:s28+$0xC380];
	[tilespmem:s19+$0x12B80] =	vst v7;
	s19 =	smov.u32 s20;
	s20 =	smov.u32 s28  }
0x123: {  	v6 =	vld [tilespmem:s29+$0xC380];
	[tilespmem:s16+$0x12B80] =	vst v8;
	s16 =	smov.u32 s21;
	s21 =	smov.u32 s29  }
0x124: {  	v4 =	vld [tilespmem:s26+$0xC380];
	[tilespmem:s18+$0x12B80] =	vst v9;
	s18 =	smov.u32 s17;
	s17 =	smov.u32 s26  }
0x125: {  	p0 =	por !p0, !p0;
	v7 =	vld.idx.msk [tilespmem:v10+s15+$0x0], $0xffff  }
0x126: {  	_ =	sdelay $0x3  }
0x127: {  	v1 =	vld.idx.msk [tilespmem:v1+s15+$0x0], $0xffff  }
0x128: {  	v2 =	vld.idx.msk [tilespmem:v2+s15+$0x0], $0xffff  }
0x129: {  	v0 =	vld.idx.msk [tilespmem:v0+s15+$0x0], $0xffff  }
0x12a: {  	[tilespmem:s23+$0x12B80] =	vst v3;
	v3 =	vld.idx.msk [tilespmem:v5+s15+$0x0], $0xffff  }
0x12b: {  	v5 =	vld.idx.msk [tilespmem:v6+s15+$0x0], $0xffff;
	[tilespmem:s19+$0x12B80] =	vst v7  }
0x12c: {  	[tilespmem:s16+$0x12B80] =	vst v1;
	v1 =	vld.idx.msk [tilespmem:v4+s15+$0x0], $0xffff  }
0x12d: {  	[tilespmem:s18+$0x12B80] =	vst v2  }
0x12e: {  	[tilespmem:s22+$0x12B80] =	vst v0  }
0x12f: {  	s24 =	simm.s32 $0x0;
	[tilespmem:s20+$0x12B80] =	vst v3  }
0x130: {  	s25 =	sand.u32 $0x3C00, s15;
	s16 =	sand.u32 $0x40, s24;
	[tilespmem:s21+$0x12B80] =	vst v5  }
0x131: {  	s18 =	sor.u32 s16, s25;
	[tilespmem:s17+$0x12B80] =	vst v1  }
0x132: {  	v3 =	vld [tilespmem:s18+$0xF780]  }
0x133: {  	s26 =	simm.s32 $0x40;
	s22 =	simm.s32 $0x400;
	s21 =	simm.s32 $0x80;
	v4 =	vld [tilespmem:s18+$0xF7A0]  }
0x134: {  	s28 =	simm.s32 $0x200;
	s31 =	sand.u32 $0x3C00, s22;
	s30 =	sand.u32 $0x40, s21;
	v5 =	vld [tilespmem:s18+$0xF790]  }
0x135: {  	s29 =	sand.u32 $0x3C00, s28;
	s19 =	sor.u32 s30, s31;
	s17 =	sand.u32 $0x40, s26;
	v6 =	vld [tilespmem:s18+$0xF7B0]  }
0x136: {  	s20 =	sor.u32 s17, s29;
	v8 =	vld [tilespmem:s19+$0xF780]  }
0x137: {  	v7 =	vld [tilespmem:s20+$0xF780]  }
0x138: {  	v0 =	vld [tilespmem:s20+$0xF790]  }
0x139: {  	v2 =	vld [tilespmem:s20+$0xF7A0]  }
0x13a: {  	s15 =	simm.s32 $0x0;
	v1 =	vld [tilespmem:s20+$0xF7B0]  }
0x13b: {  	v3 =	vld.idx.msk [tilespmem:v3+s15+$0x0], $0xffff  }
0x13c: {  	v9 =	vld.idx.msk [tilespmem:v4+s15+$0x0], $0xffff  }
0x13d: {  	v10 =	vld.idx.msk [tilespmem:v5+s15+$0x0], $0xffff  }
0x13e: {  	v6 =	vld.idx.msk [tilespmem:v6+s15+$0x0], $0xffff  }
0x13f: {  	v4 =	vld [tilespmem:s19+$0xF790]  }
0x140: {  	v5 =	vld [tilespmem:s19+$0xF7A0];
	[tilespmem:s18+$0x15F80] =	vst v3  }
0x141: {  	v3 =	vld [tilespmem:s19+$0xF7B0];
	[tilespmem:s18+$0x15FA0] =	vst v9  }
0x142: {  	v7 =	vld.idx.msk [tilespmem:v7+s15+$0x0], $0xffff;
	[tilespmem:s18+$0x15F90] =	vst v10  }
.LBB2_18:
0x143: {  	s21 =	sadd.s32 $0x40, s21;
	s22 =	sadd.s32 $0x200, s22;
	v9 =	vld.idx.msk [tilespmem:v2+s15+$0x0], $0xffff;
	[tilespmem:s18+$0x15FB0] =	vst v6;
	v10 =	vmov v8;
	s18 =	smov.u32 s20  }
0x144: {  	s23 =	sand.u32 $0x40, s21;
	s24 =	sand.u32 $0x3C00, s22;
	p0 =	slt.u32 s21, $0x640;
	v11 =	vld.idx.msk [tilespmem:v0+s15+$0x0], $0xffff;
	v0 =	vmov v4  }
0x145: {  	s20 =	smov.u32 s19;
	v6 =	vld.idx.msk [tilespmem:v1+s15+$0x0], $0xffff;
	v2 =	vmov v5;
	s19 =	sor.u32 s23, s24  }
.Ltmp8:
0x146: {  	v8 =	vld [tilespmem:s19+$0xF780];
	v1 =	vmov v3;
	(pc) =	sbr.rel @p0 .LBB2_18-.Ltmp8, $4  }
0x147: {  	v4 =	vld [tilespmem:s19+$0xF790]  }
0x148: {  	v5 =	vld [tilespmem:s19+$0xF7A0];
	[tilespmem:s18+$0x15F80] =	vst v7  }
0x149: {  	v3 =	vld [tilespmem:s19+$0xF7B0];
	[tilespmem:s18+$0x15FA0] =	vst v9  }
0x14a: {  	v7 =	vld.idx.msk [tilespmem:v10+s15+$0x0], $0xffff;
	[tilespmem:s18+$0x15F90] =	vst v11  }
0x14b: {  	_ =	sdelay $0x3  }
0x14c: {  	v2 =	vld.idx.msk [tilespmem:v2+s15+$0x0], $0xffff  }
0x14d: {  	v0 =	vld.idx.msk [tilespmem:v0+s15+$0x0], $0xffff  }
0x14e: {  	v1 =	vld.idx.msk [tilespmem:v1+s15+$0x0], $0xffff;
	s15 =	simm.s32 $0x0  }
0x14f: {  	[tilespmem:s18+$0x15FB0] =	vst v6;
	v6 =	vld.idx.msk [tilespmem:v8+s15+$0x0], $0xffff  }
0x150: {  	v5 =	vld.idx.msk [tilespmem:v5+s15+$0x0], $0xffff;
	[tilespmem:s20+$0x15F80] =	vst v7  }
0x151: {  	[tilespmem:s20+$0x15FA0] =	vst v2;
	v2 =	vld.idx.msk [tilespmem:v4+s15+$0x0], $0xffff  }
0x152: {  	[tilespmem:s20+$0x15F90] =	vst v0;
	v0 =	vld.idx.msk [tilespmem:v3+s15+$0x0], $0xffff  }
0x153: {  	[tilespmem:s20+$0x15FB0] =	vst v1  }
0x154: {  	[tilespmem:s19+$0x15F80] =	vst v6  }
0x155: {  	[tilespmem:s19+$0x15FA0] =	vst v5  }
0x156: {  	s18 =	sand.u32 $0x3C00, s15;
	[tilespmem:s19+$0x15F90] =	vst v2  }
0x157: {  	s20 =	sor.u32 s16, s18;
	[tilespmem:s19+$0x15FB0] =	vst v0  }
0x158: {  	v2 =	vld [tilespmem:s20+$0xF820]  }
0x159: {  	s30 =	simm.s32 $0x200;
	v3 =	vld [tilespmem:s20+$0xF830]  }
0x15a: {  	s19 =	sand.u32 $0x3C00, s30;
	v4 =	vld [tilespmem:s20+$0xF800]  }
0x15b: {  	v5 =	vld [tilespmem:s20+$0xF810];
	s16 =	sor.u32 s17, s19  }
0x15c: {  	v0 =	vld [tilespmem:s16+$0xF800]  }
0x15d: {  	s21 =	simm.s32 $0x80;
	s22 =	simm.s32 $0x400;
	v1 =	vld [tilespmem:s16+$0xF810]  }
0x15e: {  	s31 =	sand.u32 $0x40, s21;
	s23 =	sand.u32 $0x3C00, s22;
	v6 =	vld [tilespmem:s16+$0xF820]  }
0x15f: {  	s17 =	sor.u32 s31, s23;
	v7 =	vld [tilespmem:s16+$0xF830]  }
0x160: {  	v8 =	vld [tilespmem:s17+$0xF820]  }
0x161: {  	v9 =	vld.idx.msk [tilespmem:v2+s15+$0x0], $0xffff  }
0x162: {  	v10 =	vld.idx.msk [tilespmem:v3+s15+$0x0], $0xffff  }
0x163: {  	v11 =	vld.idx.msk [tilespmem:v4+s15+$0x0], $0xffff  }
0x164: {  	v4 =	vld.idx.msk [tilespmem:v5+s15+$0x0], $0xffff  }
0x165: {  	v3 =	vld [tilespmem:s17+$0xF800]  }
0x166: {  	v2 =	vld [tilespmem:s17+$0xF810];
	[tilespmem:s20+$0x16020] =	vst v9  }
0x167: {  	v5 =	vld [tilespmem:s17+$0xF830];
	[tilespmem:s20+$0x16030] =	vst v10  }
0x168: {  	v6 =	vld.idx.msk [tilespmem:v6+s15+$0x0], $0xffff;
	[tilespmem:s20+$0x16000] =	vst v11  }
.LBB2_20:
0x169: {  	s21 =	sadd.s32 $0x40, s21;
	s22 =	sadd.s32 $0x200, s22;
	v9 =	vld.idx.msk [tilespmem:v7+s15+$0x0], $0xffff;
	[tilespmem:s20+$0x16010] =	vst v4  }
0x16a: {  	s23 =	sand.u32 $0x40, s21;
	s24 =	sand.u32 $0x3C00, s22;
	p0 =	slt.u32 s21, $0x640;
	v10 =	vld.idx.msk [tilespmem:v0+s15+$0x0], $0xffff;
	v0 =	vmov v3  }
0x16b: {  	s20 =	smov.u32 s16;
	s16 =	smov.u32 s17;
	v4 =	vld.idx.msk [tilespmem:v1+s15+$0x0], $0xffff;
	v1 =	vmov v2;
	v11 =	vmov v8;
	s17 =	sor.u32 s23, s24  }
.Ltmp9:
0x16c: {  	v3 =	vld [tilespmem:s17+$0xF800];
	v7 =	vmov v5;
	(pc) =	sbr.rel @p0 .LBB2_20-.Ltmp9, $4  }
0x16d: {  	v2 =	vld [tilespmem:s17+$0xF810]  }
0x16e: {  	v8 =	vld [tilespmem:s17+$0xF820];
	[tilespmem:s20+$0x16020] =	vst v6  }
0x16f: {  	v5 =	vld [tilespmem:s17+$0xF830];
	[tilespmem:s20+$0x16030] =	vst v9  }
0x170: {  	v6 =	vld.idx.msk [tilespmem:v11+s15+$0x0], $0xffff;
	[tilespmem:s20+$0x16000] =	vst v10  }
0x171: {  	_ =	sdelay $0x3  }
0x172: {  	v7 =	vld.idx.msk [tilespmem:v7+s15+$0x0], $0xffff  }
0x173: {  	v0 =	vld.idx.msk [tilespmem:v0+s15+$0x0], $0xffff  }
0x174: {  	v1 =	vld.idx.msk [tilespmem:v1+s15+$0x0], $0xffff  }
0x175: {  	[tilespmem:s20+$0x16010] =	vst v4;
	v3 =	vld.idx.msk [tilespmem:v3+s15+$0x0], $0xffff  }
0x176: {  	v4 =	vld.idx.msk [tilespmem:v8+s15+$0x0], $0xffff;
	[tilespmem:s16+$0x16020] =	vst v6  }
0x177: {  	v5 =	vld.idx.msk [tilespmem:v5+s15+$0x0], $0xffff;
	[tilespmem:s16+$0x16030] =	vst v7  }
0x178: {  	[tilespmem:s16+$0x16000] =	vst v0;
	v0 =	vld.idx.msk [tilespmem:v2+s15+$0x0], $0xffff  }
0x179: {  	[tilespmem:s16+$0x16010] =	vst v1  }
0x17a: {  	[tilespmem:s17+$0x16000] =	vst v3  }
0x17b: {  	s29 =	simm.s32 $0x0;
	[tilespmem:s17+$0x16020] =	vst v4  }
0x17c: {  	s16 =	sand.u32 $0x40, s29;
	[tilespmem:s17+$0x16030] =	vst v5  }
0x17d: {  	s18 =	sor.u32 s16, s18;
	[tilespmem:s17+$0x16010] =	vst v0  }
0x17e: {  	v3 =	vld [tilespmem:s18+$0xF880]  }
0x17f: {  	s30 =	simm.s32 $0x40;
	v4 =	vld [tilespmem:s18+$0xF8A0]  }
0x180: {  	s17 =	sand.u32 $0x40, s30;
	v5 =	vld [tilespmem:s18+$0xF890]  }
0x181: {  	v6 =	vld [tilespmem:s18+$0xF8B0];
	s20 =	sor.u32 s17, s19  }
0x182: {  	v7 =	vld [tilespmem:s20+$0xF880]  }
0x183: {  	s21 =	simm.s32 $0x80;
	s22 =	simm.s32 $0x400;
	v0 =	vld [tilespmem:s20+$0xF890]  }
0x184: {  	s31 =	sand.u32 $0x40, s21;
	s23 =	sand.u32 $0x3C00, s22;
	v2 =	vld [tilespmem:s20+$0xF8A0]  }
0x185: {  	s19 =	sor.u32 s31, s23;
	v1 =	vld [tilespmem:s20+$0xF8B0]  }
0x186: {  	s15 =	simm.s32 $0x0;
	v8 =	vld [tilespmem:s19+$0xF880]  }
0x187: {  	v3 =	vld.idx.msk [tilespmem:v3+s15+$0x0], $0xffff  }
0x188: {  	v9 =	vld.idx.msk [tilespmem:v4+s15+$0x0], $0xffff  }
0x189: {  	v10 =	vld.idx.msk [tilespmem:v5+s15+$0x0], $0xffff  }
0x18a: {  	v6 =	vld.idx.msk [tilespmem:v6+s15+$0x0], $0xffff  }
0x18b: {  	v4 =	vld [tilespmem:s19+$0xF890]  }
0x18c: {  	v5 =	vld [tilespmem:s19+$0xF8A0];
	[tilespmem:s18+$0x16080] =	vst v3  }
0x18d: {  	v3 =	vld [tilespmem:s19+$0xF8B0];
	[tilespmem:s18+$0x160A0] =	vst v9  }
0x18e: {  	v7 =	vld.idx.msk [tilespmem:v7+s15+$0x0], $0xffff;
	[tilespmem:s18+$0x16090] =	vst v10  }
.LBB2_22:
0x18f: {  	s21 =	sadd.s32 $0x40, s21;
	s22 =	sadd.s32 $0x200, s22;
	v9 =	vld.idx.msk [tilespmem:v2+s15+$0x0], $0xffff;
	[tilespmem:s18+$0x160B0] =	vst v6;
	v10 =	vmov v8;
	s18 =	smov.u32 s20  }
0x190: {  	s23 =	sand.u32 $0x40, s21;
	s24 =	sand.u32 $0x3C00, s22;
	p0 =	slt.u32 s21, $0x640;
	v11 =	vld.idx.msk [tilespmem:v0+s15+$0x0], $0xffff;
	v0 =	vmov v4  }
0x191: {  	s20 =	smov.u32 s19;
	v6 =	vld.idx.msk [tilespmem:v1+s15+$0x0], $0xffff;
	v2 =	vmov v5;
	s19 =	sor.u32 s23, s24  }
.Ltmp10:
0x192: {  	v8 =	vld [tilespmem:s19+$0xF880];
	v1 =	vmov v3;
	(pc) =	sbr.rel @p0 .LBB2_22-.Ltmp10, $4  }
0x193: {  	v4 =	vld [tilespmem:s19+$0xF890]  }
0x194: {  	v5 =	vld [tilespmem:s19+$0xF8A0];
	[tilespmem:s18+$0x16080] =	vst v7  }
0x195: {  	v3 =	vld [tilespmem:s19+$0xF8B0];
	[tilespmem:s18+$0x160A0] =	vst v9  }
0x196: {  	v7 =	vld.idx.msk [tilespmem:v10+s15+$0x0], $0xffff;
	[tilespmem:s18+$0x16090] =	vst v11  }
0x197: {  	_ =	sdelay $0x3  }
0x198: {  	v2 =	vld.idx.msk [tilespmem:v2+s15+$0x0], $0xffff  }
0x199: {  	v0 =	vld.idx.msk [tilespmem:v0+s15+$0x0], $0xffff  }
0x19a: {  	v1 =	vld.idx.msk [tilespmem:v1+s15+$0x0], $0xffff;
	s15 =	simm.s32 $0x0  }
0x19b: {  	[tilespmem:s18+$0x160B0] =	vst v6;
	v6 =	vld.idx.msk [tilespmem:v8+s15+$0x0], $0xffff  }
0x19c: {  	v5 =	vld.idx.msk [tilespmem:v5+s15+$0x0], $0xffff;
	[tilespmem:s20+$0x16080] =	vst v7  }
0x19d: {  	[tilespmem:s20+$0x160A0] =	vst v2;
	v2 =	vld.idx.msk [tilespmem:v4+s15+$0x0], $0xffff  }
0x19e: {  	[tilespmem:s20+$0x16090] =	vst v0;
	v0 =	vld.idx.msk [tilespmem:v3+s15+$0x0], $0xffff  }
0x19f: {  	[tilespmem:s20+$0x160B0] =	vst v1  }
0x1a0: {  	[tilespmem:s19+$0x16080] =	vst v6  }
0x1a1: {  	[tilespmem:s19+$0x160A0] =	vst v5  }
0x1a2: {  	s18 =	sand.u32 $0x3C00, s15;
	[tilespmem:s19+$0x16090] =	vst v2  }
0x1a3: {  	s20 =	sor.u32 s16, s18;
	[tilespmem:s19+$0x160B0] =	vst v0  }
0x1a4: {  	v2 =	vld [tilespmem:s20+$0xF920]  }
0x1a5: {  	s30 =	simm.s32 $0x200;
	v3 =	vld [tilespmem:s20+$0xF930]  }
0x1a6: {  	s19 =	sand.u32 $0x3C00, s30;
	v4 =	vld [tilespmem:s20+$0xF900]  }
0x1a7: {  	v5 =	vld [tilespmem:s20+$0xF910];
	s16 =	sor.u32 s17, s19  }
0x1a8: {  	v0 =	vld [tilespmem:s16+$0xF900]  }
0x1a9: {  	s21 =	simm.s32 $0x80;
	s22 =	simm.s32 $0x400;
	v1 =	vld [tilespmem:s16+$0xF910]  }
0x1aa: {  	s31 =	sand.u32 $0x40, s21;
	s23 =	sand.u32 $0x3C00, s22;
	v6 =	vld [tilespmem:s16+$0xF920]  }
0x1ab: {  	s17 =	sor.u32 s31, s23;
	v7 =	vld [tilespmem:s16+$0xF930]  }
0x1ac: {  	v8 =	vld [tilespmem:s17+$0xF920]  }
0x1ad: {  	v9 =	vld.idx.msk [tilespmem:v2+s15+$0x0], $0xffff  }
0x1ae: {  	v10 =	vld.idx.msk [tilespmem:v3+s15+$0x0], $0xffff  }
0x1af: {  	v11 =	vld.idx.msk [tilespmem:v4+s15+$0x0], $0xffff  }
0x1b0: {  	v4 =	vld.idx.msk [tilespmem:v5+s15+$0x0], $0xffff  }
0x1b1: {  	v3 =	vld [tilespmem:s17+$0xF900]  }
0x1b2: {  	v2 =	vld [tilespmem:s17+$0xF910];
	[tilespmem:s20+$0x16120] =	vst v9  }
0x1b3: {  	v5 =	vld [tilespmem:s17+$0xF930];
	[tilespmem:s20+$0x16130] =	vst v10  }
0x1b4: {  	v6 =	vld.idx.msk [tilespmem:v6+s15+$0x0], $0xffff;
	[tilespmem:s20+$0x16100] =	vst v11  }
.LBB2_24:
0x1b5: {  	s21 =	sadd.s32 $0x40, s21;
	s22 =	sadd.s32 $0x200, s22;
	v9 =	vld.idx.msk [tilespmem:v7+s15+$0x0], $0xffff;
	[tilespmem:s20+$0x16110] =	vst v4  }
0x1b6: {  	s23 =	sand.u32 $0x40, s21;
	s24 =	sand.u32 $0x3C00, s22;
	p0 =	slt.u32 s21, $0x640;
	v10 =	vld.idx.msk [tilespmem:v0+s15+$0x0], $0xffff;
	v0 =	vmov v3  }
0x1b7: {  	s20 =	smov.u32 s16;
	s16 =	smov.u32 s17;
	v4 =	vld.idx.msk [tilespmem:v1+s15+$0x0], $0xffff;
	v1 =	vmov v2;
	v11 =	vmov v8;
	s17 =	sor.u32 s23, s24  }
.Ltmp11:
0x1b8: {  	v3 =	vld [tilespmem:s17+$0xF900];
	v7 =	vmov v5;
	(pc) =	sbr.rel @p0 .LBB2_24-.Ltmp11, $4  }
0x1b9: {  	v2 =	vld [tilespmem:s17+$0xF910]  }
0x1ba: {  	v8 =	vld [tilespmem:s17+$0xF920];
	[tilespmem:s20+$0x16120] =	vst v6  }
0x1bb: {  	v5 =	vld [tilespmem:s17+$0xF930];
	[tilespmem:s20+$0x16130] =	vst v9  }
0x1bc: {  	v6 =	vld.idx.msk [tilespmem:v11+s15+$0x0], $0xffff;
	[tilespmem:s20+$0x16100] =	vst v10  }
0x1bd: {  	_ =	sdelay $0x3  }
0x1be: {  	v7 =	vld.idx.msk [tilespmem:v7+s15+$0x0], $0xffff  }
0x1bf: {  	v0 =	vld.idx.msk [tilespmem:v0+s15+$0x0], $0xffff  }
0x1c0: {  	v1 =	vld.idx.msk [tilespmem:v1+s15+$0x0], $0xffff  }
0x1c1: {  	[tilespmem:s20+$0x16110] =	vst v4;
	v3 =	vld.idx.msk [tilespmem:v3+s15+$0x0], $0xffff  }
0x1c2: {  	v4 =	vld.idx.msk [tilespmem:v8+s15+$0x0], $0xffff;
	[tilespmem:s16+$0x16120] =	vst v6  }
0x1c3: {  	v5 =	vld.idx.msk [tilespmem:v5+s15+$0x0], $0xffff;
	[tilespmem:s16+$0x16130] =	vst v7  }
0x1c4: {  	[tilespmem:s16+$0x16100] =	vst v0;
	v0 =	vld.idx.msk [tilespmem:v2+s15+$0x0], $0xffff  }
0x1c5: {  	[tilespmem:s16+$0x16110] =	vst v1  }
0x1c6: {  	[tilespmem:s17+$0x16100] =	vst v3  }
0x1c7: {  	s29 =	simm.s32 $0x0;
	[tilespmem:s17+$0x16120] =	vst v4  }
0x1c8: {  	s16 =	sand.u32 $0x40, s29;
	[tilespmem:s17+$0x16130] =	vst v5  }
0x1c9: {  	s18 =	sor.u32 s16, s18;
	[tilespmem:s17+$0x16110] =	vst v0  }
0x1ca: {  	v3 =	vld [tilespmem:s18+$0xF980]  }
0x1cb: {  	s30 =	simm.s32 $0x40;
	v4 =	vld [tilespmem:s18+$0xF9A0]  }
0x1cc: {  	s17 =	sand.u32 $0x40, s30;
	v5 =	vld [tilespmem:s18+$0xF990]  }
0x1cd: {  	v6 =	vld [tilespmem:s18+$0xF9B0];
	s20 =	sor.u32 s17, s19  }
0x1ce: {  	v7 =	vld [tilespmem:s20+$0xF980]  }
0x1cf: {  	s21 =	simm.s32 $0x80;
	s22 =	simm.s32 $0x400;
	v0 =	vld [tilespmem:s20+$0xF990]  }
0x1d0: {  	s31 =	sand.u32 $0x40, s21;
	s23 =	sand.u32 $0x3C00, s22;
	v2 =	vld [tilespmem:s20+$0xF9A0]  }
0x1d1: {  	s19 =	sor.u32 s31, s23;
	v1 =	vld [tilespmem:s20+$0xF9B0]  }
0x1d2: {  	s15 =	simm.s32 $0x0;
	v8 =	vld [tilespmem:s19+$0xF980]  }
0x1d3: {  	v3 =	vld.idx.msk [tilespmem:v3+s15+$0x0], $0xffff  }
0x1d4: {  	v9 =	vld.idx.msk [tilespmem:v4+s15+$0x0], $0xffff  }
0x1d5: {  	v10 =	vld.idx.msk [tilespmem:v5+s15+$0x0], $0xffff  }
0x1d6: {  	v6 =	vld.idx.msk [tilespmem:v6+s15+$0x0], $0xffff  }
0x1d7: {  	v4 =	vld [tilespmem:s19+$0xF990]  }
0x1d8: {  	v5 =	vld [tilespmem:s19+$0xF9A0];
	[tilespmem:s18+$0x16180] =	vst v3  }
0x1d9: {  	v3 =	vld [tilespmem:s19+$0xF9B0];
	[tilespmem:s18+$0x161A0] =	vst v9  }
0x1da: {  	v7 =	vld.idx.msk [tilespmem:v7+s15+$0x0], $0xffff;
	[tilespmem:s18+$0x16190] =	vst v10  }
.LBB2_26:
0x1db: {  	s21 =	sadd.s32 $0x40, s21;
	s22 =	sadd.s32 $0x200, s22;
	v9 =	vld.idx.msk [tilespmem:v2+s15+$0x0], $0xffff;
	[tilespmem:s18+$0x161B0] =	vst v6;
	v10 =	vmov v8;
	s18 =	smov.u32 s20  }
0x1dc: {  	s23 =	sand.u32 $0x40, s21;
	s24 =	sand.u32 $0x3C00, s22;
	p0 =	slt.u32 s21, $0x640;
	v11 =	vld.idx.msk [tilespmem:v0+s15+$0x0], $0xffff;
	v0 =	vmov v4  }
0x1dd: {  	s20 =	smov.u32 s19;
	v6 =	vld.idx.msk [tilespmem:v1+s15+$0x0], $0xffff;
	v2 =	vmov v5;
	s19 =	sor.u32 s23, s24  }
.Ltmp12:
0x1de: {  	v8 =	vld [tilespmem:s19+$0xF980];
	v1 =	vmov v3;
	(pc) =	sbr.rel @p0 .LBB2_26-.Ltmp12, $4  }
0x1df: {  	v4 =	vld [tilespmem:s19+$0xF990]  }
0x1e0: {  	v5 =	vld [tilespmem:s19+$0xF9A0];
	[tilespmem:s18+$0x16180] =	vst v7  }
0x1e1: {  	v3 =	vld [tilespmem:s19+$0xF9B0];
	[tilespmem:s18+$0x161A0] =	vst v9  }
0x1e2: {  	v7 =	vld.idx.msk [tilespmem:v10+s15+$0x0], $0xffff;
	[tilespmem:s18+$0x16190] =	vst v11  }
0x1e3: {  	_ =	sdelay $0x3  }
0x1e4: {  	v2 =	vld.idx.msk [tilespmem:v2+s15+$0x0], $0xffff  }
0x1e5: {  	v0 =	vld.idx.msk [tilespmem:v0+s15+$0x0], $0xffff  }
0x1e6: {  	v1 =	vld.idx.msk [tilespmem:v1+s15+$0x0], $0xffff;
	s15 =	simm.s32 $0x0  }
0x1e7: {  	[tilespmem:s18+$0x161B0] =	vst v6;
	v6 =	vld.idx.msk [tilespmem:v8+s15+$0x0], $0xffff  }
0x1e8: {  	v5 =	vld.idx.msk [tilespmem:v5+s15+$0x0], $0xffff;
	[tilespmem:s20+$0x16180] =	vst v7  }
0x1e9: {  	[tilespmem:s20+$0x161A0] =	vst v2;
	v2 =	vld.idx.msk [tilespmem:v4+s15+$0x0], $0xffff  }
0x1ea: {  	[tilespmem:s20+$0x16190] =	vst v0;
	v0 =	vld.idx.msk [tilespmem:v3+s15+$0x0], $0xffff  }
0x1eb: {  	[tilespmem:s20+$0x161B0] =	vst v1  }
0x1ec: {  	[tilespmem:s19+$0x16180] =	vst v6  }
0x1ed: {  	[tilespmem:s19+$0x161A0] =	vst v5  }
0x1ee: {  	s18 =	sand.u32 $0x3C00, s15;
	[tilespmem:s19+$0x16190] =	vst v2  }
0x1ef: {  	s20 =	sor.u32 s16, s18;
	[tilespmem:s19+$0x161B0] =	vst v0  }
0x1f0: {  	v2 =	vld [tilespmem:s20+$0xFA20]  }
0x1f1: {  	s30 =	simm.s32 $0x200;
	v3 =	vld [tilespmem:s20+$0xFA30]  }
0x1f2: {  	s19 =	sand.u32 $0x3C00, s30;
	v4 =	vld [tilespmem:s20+$0xFA00]  }
0x1f3: {  	v5 =	vld [tilespmem:s20+$0xFA10];
	s16 =	sor.u32 s17, s19  }
0x1f4: {  	v0 =	vld [tilespmem:s16+$0xFA00]  }
0x1f5: {  	s21 =	simm.s32 $0x80;
	s22 =	simm.s32 $0x400;
	v1 =	vld [tilespmem:s16+$0xFA10]  }
0x1f6: {  	s31 =	sand.u32 $0x40, s21;
	s23 =	sand.u32 $0x3C00, s22;
	v6 =	vld [tilespmem:s16+$0xFA20]  }
0x1f7: {  	s17 =	sor.u32 s31, s23;
	v7 =	vld [tilespmem:s16+$0xFA30]  }
0x1f8: {  	v8 =	vld [tilespmem:s17+$0xFA20]  }
0x1f9: {  	v9 =	vld.idx.msk [tilespmem:v2+s15+$0x0], $0xffff  }
0x1fa: {  	v10 =	vld.idx.msk [tilespmem:v3+s15+$0x0], $0xffff  }
0x1fb: {  	v11 =	vld.idx.msk [tilespmem:v4+s15+$0x0], $0xffff  }
0x1fc: {  	v4 =	vld.idx.msk [tilespmem:v5+s15+$0x0], $0xffff  }
0x1fd: {  	v3 =	vld [tilespmem:s17+$0xFA00]  }
0x1fe: {  	v2 =	vld [tilespmem:s17+$0xFA10];
	[tilespmem:s20+$0x16220] =	vst v9  }
0x1ff: {  	v5 =	vld [tilespmem:s17+$0xFA30];
	[tilespmem:s20+$0x16230] =	vst v10  }
0x200: {  	v6 =	vld.idx.msk [tilespmem:v6+s15+$0x0], $0xffff;
	[tilespmem:s20+$0x16200] =	vst v11  }
.LBB2_28:
0x201: {  	s21 =	sadd.s32 $0x40, s21;
	s22 =	sadd.s32 $0x200, s22;
	v9 =	vld.idx.msk [tilespmem:v7+s15+$0x0], $0xffff;
	[tilespmem:s20+$0x16210] =	vst v4  }
0x202: {  	s23 =	sand.u32 $0x40, s21;
	s24 =	sand.u32 $0x3C00, s22;
	p0 =	slt.u32 s21, $0x640;
	v10 =	vld.idx.msk [tilespmem:v0+s15+$0x0], $0xffff;
	v0 =	vmov v3  }
0x203: {  	s20 =	smov.u32 s16;
	s16 =	smov.u32 s17;
	v4 =	vld.idx.msk [tilespmem:v1+s15+$0x0], $0xffff;
	v1 =	vmov v2;
	v11 =	vmov v8;
	s17 =	sor.u32 s23, s24  }
.Ltmp13:
0x204: {  	v3 =	vld [tilespmem:s17+$0xFA00];
	v7 =	vmov v5;
	(pc) =	sbr.rel @p0 .LBB2_28-.Ltmp13, $4  }
0x205: {  	v2 =	vld [tilespmem:s17+$0xFA10]  }
0x206: {  	v8 =	vld [tilespmem:s17+$0xFA20];
	[tilespmem:s20+$0x16220] =	vst v6  }
0x207: {  	v5 =	vld [tilespmem:s17+$0xFA30];
	[tilespmem:s20+$0x16230] =	vst v9  }
0x208: {  	v6 =	vld.idx.msk [tilespmem:v11+s15+$0x0], $0xffff;
	[tilespmem:s20+$0x16200] =	vst v10  }
0x209: {  	_ =	sdelay $0x3  }
0x20a: {  	v7 =	vld.idx.msk [tilespmem:v7+s15+$0x0], $0xffff  }
0x20b: {  	v0 =	vld.idx.msk [tilespmem:v0+s15+$0x0], $0xffff  }
0x20c: {  	v1 =	vld.idx.msk [tilespmem:v1+s15+$0x0], $0xffff  }
0x20d: {  	[tilespmem:s20+$0x16210] =	vst v4;
	v3 =	vld.idx.msk [tilespmem:v3+s15+$0x0], $0xffff  }
0x20e: {  	v4 =	vld.idx.msk [tilespmem:v8+s15+$0x0], $0xffff;
	[tilespmem:s16+$0x16220] =	vst v6  }
0x20f: {  	v5 =	vld.idx.msk [tilespmem:v5+s15+$0x0], $0xffff;
	[tilespmem:s16+$0x16230] =	vst v7  }
0x210: {  	[tilespmem:s16+$0x16200] =	vst v0;
	v0 =	vld.idx.msk [tilespmem:v2+s15+$0x0], $0xffff  }
0x211: {  	[tilespmem:s16+$0x16210] =	vst v1  }
0x212: {  	[tilespmem:s17+$0x16200] =	vst v3  }
0x213: {  	s29 =	simm.s32 $0x0;
	[tilespmem:s17+$0x16220] =	vst v4  }
0x214: {  	s15 =	sand.u32 $0x40, s29;
	[tilespmem:s17+$0x16230] =	vst v5  }
0x215: {  	[tilespmem:s17+$0x16210] =	vst v0;
	s17 =	sor.u32 s15, s18  }
0x216: {  	v3 =	vld [tilespmem:s17+$0xFA80]  }
0x217: {  	s30 =	simm.s32 $0x40;
	v4 =	vld [tilespmem:s17+$0xFAA0]  }
0x218: {  	s16 =	sand.u32 $0x40, s30;
	v5 =	vld [tilespmem:s17+$0xFA90]  }
0x219: {  	s19 =	sor.u32 s16, s19;
	v6 =	vld [tilespmem:s17+$0xFAB0]  }
0x21a: {  	v7 =	vld [tilespmem:s19+$0xFA80]  }
0x21b: {  	s21 =	simm.s32 $0x80;
	s22 =	simm.s32 $0x400;
	v0 =	vld [tilespmem:s19+$0xFA90]  }
0x21c: {  	s31 =	sand.u32 $0x40, s21;
	s23 =	sand.u32 $0x3C00, s22;
	v2 =	vld [tilespmem:s19+$0xFAA0]  }
0x21d: {  	s18 =	sor.u32 s31, s23;
	v1 =	vld [tilespmem:s19+$0xFAB0]  }
0x21e: {  	s20 =	simm.s32 $0x0;
	v8 =	vld [tilespmem:s18+$0xFA80]  }
0x21f: {  	v3 =	vld.idx.msk [tilespmem:v3+s20+$0x0], $0xffff  }
0x220: {  	v9 =	vld.idx.msk [tilespmem:v4+s20+$0x0], $0xffff  }
0x221: {  	v10 =	vld.idx.msk [tilespmem:v5+s20+$0x0], $0xffff  }
0x222: {  	v6 =	vld.idx.msk [tilespmem:v6+s20+$0x0], $0xffff  }
0x223: {  	v4 =	vld [tilespmem:s18+$0xFA90]  }
0x224: {  	v5 =	vld [tilespmem:s18+$0xFAA0];
	[tilespmem:s17+$0x16280] =	vst v3  }
0x225: {  	v3 =	vld [tilespmem:s18+$0xFAB0];
	[tilespmem:s17+$0x162A0] =	vst v9  }
0x226: {  	v7 =	vld.idx.msk [tilespmem:v7+s20+$0x0], $0xffff;
	[tilespmem:s17+$0x16290] =	vst v10  }
.LBB2_30:
0x227: {  	s21 =	sadd.s32 $0x40, s21;
	s22 =	sadd.s32 $0x200, s22;
	v9 =	vld.idx.msk [tilespmem:v2+s20+$0x0], $0xffff;
	[tilespmem:s17+$0x162B0] =	vst v6;
	v10 =	vmov v8;
	s17 =	smov.u32 s19  }
0x228: {  	s23 =	sand.u32 $0x40, s21;
	s24 =	sand.u32 $0x3C00, s22;
	p0 =	slt.u32 s21, $0x640;
	v11 =	vld.idx.msk [tilespmem:v0+s20+$0x0], $0xffff;
	v0 =	vmov v4  }
0x229: {  	s19 =	smov.u32 s18;
	v6 =	vld.idx.msk [tilespmem:v1+s20+$0x0], $0xffff;
	v2 =	vmov v5;
	s18 =	sor.u32 s23, s24  }
.Ltmp14:
0x22a: {  	v8 =	vld [tilespmem:s18+$0xFA80];
	v1 =	vmov v3;
	(pc) =	sbr.rel @p0 .LBB2_30-.Ltmp14, $4  }
0x22b: {  	v4 =	vld [tilespmem:s18+$0xFA90]  }
0x22c: {  	v5 =	vld [tilespmem:s18+$0xFAA0];
	[tilespmem:s17+$0x16280] =	vst v7  }
0x22d: {  	v3 =	vld [tilespmem:s18+$0xFAB0];
	[tilespmem:s17+$0x162A0] =	vst v9  }
0x22e: {  	v7 =	vld.idx.msk [tilespmem:v10+s20+$0x0], $0xffff;
	[tilespmem:s17+$0x16290] =	vst v11  }
0x22f: {  	_ =	sdelay $0x3  }
0x230: {  	v2 =	vld.idx.msk [tilespmem:v2+s20+$0x0], $0xffff  }
0x231: {  	v0 =	vld.idx.msk [tilespmem:v0+s20+$0x0], $0xffff  }
0x232: {  	v1 =	vld.idx.msk [tilespmem:v1+s20+$0x0], $0xffff;
	s26 =	simm.s32 $0x0  }
0x233: {  	[tilespmem:s17+$0x162B0] =	vst v6;
	v6 =	vld.idx.msk [tilespmem:v8+s26+$0x0], $0xffff  }
0x234: {  	v5 =	vld.idx.msk [tilespmem:v5+s26+$0x0], $0xffff;
	[tilespmem:s19+$0x16280] =	vst v7  }
0x235: {  	[tilespmem:s19+$0x162A0] =	vst v2;
	v2 =	vld.idx.msk [tilespmem:v4+s26+$0x0], $0xffff  }
0x236: {  	[tilespmem:s19+$0x16290] =	vst v0;
	v0 =	vld.idx.msk [tilespmem:v3+s26+$0x0], $0xffff  }
0x237: {  	[tilespmem:s19+$0x162B0] =	vst v1  }
0x238: {  	[tilespmem:s18+$0x16280] =	vst v6  }
0x239: {  	[tilespmem:s18+$0x162A0] =	vst v5  }
0x23a: {  	s28 =	sand.u32 $0x3C00, s26;
	[tilespmem:s18+$0x16290] =	vst v2  }
0x23b: {  	s15 =	sor.u32 s15, s28;
	[tilespmem:s18+$0x162B0] =	vst v0  }
0x23c: {  	v2 =	vld [tilespmem:s15+$0xFB20]  }
0x23d: {  	s29 =	simm.s32 $0x200;
	v3 =	vld [tilespmem:s15+$0xFB30]  }
0x23e: {  	s17 =	sand.u32 $0x3C00, s29;
	v4 =	vld [tilespmem:s15+$0xFB00]  }
0x23f: {  	s17 =	sor.u32 s16, s17;
	v5 =	vld [tilespmem:s15+$0xFB10]  }
0x240: {  	v0 =	vld [tilespmem:s17+$0xFB00]  }
0x241: {  	s19 =	simm.s32 $0x400;
	s18 =	simm.s32 $0x80;
	v1 =	vld [tilespmem:s17+$0xFB10]  }
0x242: {  	s31 =	sand.u32 $0x3C00, s19;
	v6 =	vld [tilespmem:s17+$0xFB20];
	s30 =	sand.u32 $0x40, s18  }
0x243: {  	v7 =	vld [tilespmem:s17+$0xFB30];
	s16 =	sor.u32 s30, s31  }
0x244: {  	v8 =	vld [tilespmem:s16+$0xFB20]  }
0x245: {  	v9 =	vld.idx.msk [tilespmem:v2+s3+$0x0], $0xffff  }
0x246: {  	v10 =	vld.idx.msk [tilespmem:v3+s3+$0x0], $0xffff  }
0x247: {  	v11 =	vld.idx.msk [tilespmem:v4+s3+$0x0], $0xffff  }
0x248: {  	v4 =	vld.idx.msk [tilespmem:v5+s3+$0x0], $0xffff  }
0x249: {  	v3 =	vld [tilespmem:s16+$0xFB00]  }
0x24a: {  	v2 =	vld [tilespmem:s16+$0xFB10];
	[tilespmem:s15+$0x16320] =	vst v9  }
0x24b: {  	v5 =	vld [tilespmem:s16+$0xFB30];
	[tilespmem:s15+$0x16330] =	vst v10  }
0x24c: {  	v6 =	vld.idx.msk [tilespmem:v6+s3+$0x0], $0xffff;
	[tilespmem:s15+$0x16300] =	vst v11  }
.LBB2_32:
0x24d: {  	s18 =	sadd.s32 $0x40, s18;
	s19 =	sadd.s32 $0x200, s19;
	v9 =	vld.idx.msk [tilespmem:v7+s3+$0x0], $0xffff;
	[tilespmem:s15+$0x16310] =	vst v4;
	s15 =	smov.u32 s17  }
0x24e: {  	s20 =	sand.u32 $0x40, s18;
	s21 =	sand.u32 $0x3C00, s19;
	p0 =	slt.u32 s18, $0x640;
	v10 =	vld.idx.msk [tilespmem:v0+s3+$0x0], $0xffff;
	v0 =	vmov v3  }
0x24f: {  	s17 =	smov.u32 s16;
	v4 =	vld.idx.msk [tilespmem:v1+s3+$0x0], $0xffff;
	v1 =	vmov v2;
	v11 =	vmov v8;
	s16 =	sor.u32 s20, s21  }
.Ltmp15:
0x250: {  	v3 =	vld [tilespmem:s16+$0xFB00];
	v7 =	vmov v5;
	(pc) =	sbr.rel @p0 .LBB2_32-.Ltmp15, $4  }
0x251: {  	v2 =	vld [tilespmem:s16+$0xFB10]  }
0x252: {  	v8 =	vld [tilespmem:s16+$0xFB20];
	[tilespmem:s15+$0x16320] =	vst v6  }
0x253: {  	v5 =	vld [tilespmem:s16+$0xFB30];
	[tilespmem:s15+$0x16330] =	vst v9  }
0x254: {  	v6 =	vld.idx.msk [tilespmem:v11+s3+$0x0], $0xffff;
	[tilespmem:s15+$0x16300] =	vst v10  }
0x255: {  	_ =	sdelay $0x3  }
0x256: {  	v7 =	vld.idx.msk [tilespmem:v7+s3+$0x0], $0xffff  }
0x257: {  	v0 =	vld.idx.msk [tilespmem:v0+s3+$0x0], $0xffff  }
0x258: {  	v1 =	vld.idx.msk [tilespmem:v1+s3+$0x0], $0xffff  }
0x259: {  	[tilespmem:s15+$0x16310] =	vst v4;
	v3 =	vld.idx.msk [tilespmem:v3+s3+$0x0], $0xffff  }
0x25a: {  	v63 =	vld.idx.msk [tilespmem:v2+s3+$0x0], $0xffff;
	[tilespmem:s17+$0x16320] =	vst v6  }
0x25b: {  	v62 =	vld.idx.msk [tilespmem:v8+s3+$0x0], $0xffff;
	[tilespmem:s17+$0x16330] =	vst v7  }
0x25c: {  	v5 =	vld.idx.msk [tilespmem:v5+s3+$0x0], $0xffff;
	[tilespmem:s17+$0x16300] =	vst v0  }
0x25d: {  	[tilespmem:s17+$0x16310] =	vst v1  }
0x25e: {  	[tilespmem:s16+$0x16300] =	vst v3  }
0x25f: {  	s14 =	sadd.s32 $0x1, s14;
	[tilespmem:s16+$0x16310] =	vst v63  }
0x260: {  	p0 =	sne.s32 s14, s6;
	[tilespmem:s16+$0x16320] =	vst v62  }
.Ltmp16:
0x261: {  	[tilespmem:s16+$0x16330] =	vst v5;
	(pc) =	sbr.rel @p0 .LBB2_1-.Ltmp16, $4  }
0x262: {  	[hbm4b:s5+s7] =	stream.strided.scatter [tilespmem:s12], [sflag:$0x3], $0x6800, s8, s7, $0x38;
	[tilespmem:$0x19380] =	vst v63  }
0x263: {  	_ =	swait.ge [sflag:s13], $0x6800  }
0x264: {  	[sflag:s13] =	ssyncset.done $0x0  }
0x265: {  	[sflag:s13] =	ssyncadd.s32 $0xFFFF9800  }
0x266: {  	_ =	sfence.sel $0x180000  }
0x267: {  	[bflag:$0x0] =	sbarrier.arrive $0xFFFF  }
0x268: {  	p0 =	sne.s32 s0, $0x0;
	_ =	strace $0x9000004D  }
0x269: {  	s0 =	sadd.s32 @!p0 $0x100000, s1;
	[bflag:$0x2] =	sbarrier.arrive $0xFFFF  }
0x26a: {  	[sflag:s0] =	ssyncadd.tile.s32 @!p0 $0x1;
	_ =	shalt  }
.Lfunc_end2:
_tile_overlayer_lowered:
.L_overlay_start_2:
0x26b: {  	(tag) =	ssettag $0x2  }
0x26c: {  	s0 =	rddreg [dreg:$0x0];
	s2 =	stileid.u32  }
0x26d: {  	s1 =	rddreg [dreg:$0x1];
	p0 =	sne.s32 s2, $0x0  }
0x26e: {  	s3 =	rddreg [dreg:$0x2];
	[bflag:$0x3] =	sbarrier.arrive $0xFFFF;
	s2 =	simm.s32 @!p0 $0x1C03  }
0x26f: {  	[timem:s3], [sflag:s2] =	dma.local @!p0 [hbm:s0], s1  }
0x270: {  	s0 =	simm.s32 @!p0 $0x3  }
0x271: {  	_ =	swait.ge @!p0 [sflag:s0], s1  }
0x272: {  	s1 =	ssub.s32 @!p0 $0x0, s1;
	[sflag:s0] =	ssyncset.done @!p0 $0x0  }
0x273: {  	[sflag:s0] =	ssyncadd.s32 @!p0 s1  }
0x274: {  	[bflag:$0x3] =	sbarrier.arrive $0xFFFF  }
0x275: {  	_ =	shalt  }

// kernel: kernel.9.cloned.1.call-start
scs
__scs_entry_jumppad:
0x0: {  	(pc) =	sbr.rel $0x88, $3  }
0x1: {  	(tag) =	ssettag $0x0;
	lr =	simm.s32 $0x1  }
0x2: {  	[smem:$0x3F92] =	sst lr;
	_ =	strace $0xD0000000  }
0x3: {  	_ = 	snop  }
0x4: {  	_ = 	snop  }
0x5: {  	_ = 	snop  }
0x6: {  	_ = 	snop  }
0x7: {  	_ = 	snop  }
__scs_overlays_trampoline_lowered:
0x8: {  	[smem:$0x3FA1] =	sst s0  }
0x9: {  	[smem:$0x3FA2] =	sst s1  }
0xa: {  	[smem:$0x3FA3] =	sst s2  }
0xb: {  	[smem:$0x3FA4] =	sst s3  }
0xc: {  	[smem:$0x3FA5] =	sst s4  }
0xd: {  	[smem:$0x3FA6] =	sst s5  }
0xe: {  	[smem:$0x3FA7] =	sst s6  }
0xf: {  	[smem:$0x3FA8] =	sst s7  }
0x10: {  	[smem:$0x3FA9] =	sst s8  }
0x11: {  	[smem:$0x3FAA] =	sst s9;
	s0 =	simm.s32 @!p0 $0x0  }
0x12: {  	s1 =	sld [smem:$0x3F90];
	s0 =	simm.s32 @p0 $0x1  }
0x13: {  	[smem:$0x3FAB] =	sst s0;
	s0 =	simm.s32 @!p1 $0x0  }
0x14: {  	s2 =	sld [smem:$0x3F8F];
	s0 =	simm.s32 @p1 $0x1  }
0x15: {  	[smem:$0x3FAC] =	sst s0;
	s0 =	simm.s32 @!p2 $0x0  }
0x16: {  	s3 =	sld [smem:$0x3FDB];
	s0 =	simm.s32 @p2 $0x1  }
0x17: {  	s4 =	simm.s32 $0x1BF5;
	[smem:$0x3FAE] =	sst s0  }
0x18: {  	s0 =	sld [smem:$0x3F91];
	_ =	swait.ge [sflag:s4], $0x0  }
0x19: {  	s7 =	sld [smem:$0x3F92]  }
0x1a: {  	s8 =	sadd.s32 $0xFFFFE003, lr  }
0x1b: {  	s9 =	sadd.s32 $0xFFFFFEF7, lr;
	s5 =	simm.s32 $0xFFFFFFFF;
	p2 =	slt.u32 s8, $0xFFFFF086  }
0x1c: {  	p1 =	slt.u32 s9, $0xF7A;
	s5 =	simm.s32 @!p2 $0x0  }
0x1d: {  	s5 =	simm.s32 @p1 $0x1;
	p0 =	seq.s32 s7, s2  }
0x1e: {  	s7 =	smul.u32 @!p0 $0xF7A, s2;
	p2 =	seq.s32 @!p0 s5, $0x0  }
0x1f: {  	s9 =	smul.u32 $0xF7A, s1;
	s8 =	simm.s32 @!p0 $0x1BF5;
	p2 =	por !p2, p0  }
0x20: {  	[sflag:s8] =	ssyncset.s32 @!p0 $0xFFFFF086;
	s6 =	sadd.s32 @!p0 s3, s7;
	s7 =	simm.s32 @!p0 $0x108  }
0x21: {  	s3 =	sadd.s32 s3, s9;
	s6 =	sadd.s32 @!p0 $0x88, s6;
	s7 =	simm.s32 @p2 $0x1082  }
0x22: {  	[simem:s7], [sflag:s8] =	dma.local @!p0 [hbm:s6], $0xF7A  }
0x23: {  	s9 =	sor.u32 $0xD0000000, s2;
	s6 =	simm.s32 $0x108;
	_ =	swait.ge @!p0 [sflag:s8], $0x0  }
0x24: {  	s3 =	sadd.s32 $0x88, s3;
	s6 =	simm.s32 @!p1 $0x1082;
	[sflag:s4] =	ssyncset.s32 $0xFFFFF086  }
0x25: {  	[simem:s6], [sflag:s4] =	dma.local [hbm:s3], $0xF7A  }
0x26: {  	[smem:$0x3F92] =	sst s1;
	(tag) =	ssettag s2;
	_ =	strace s9  }
0x27: {  	s1 =	sld [smem:$0x3FA2]  }
0x28: {  	s2 =	sld [smem:$0x3FA3]  }
0x29: {  	s4 =	sld [smem:$0x3FA5]  }
0x2a: {  	p0 =	seq.s32 s5, $0x0;
	s5 =	sld [smem:$0x3FA6]  }
0x2b: {  	s6 =	sld [smem:$0x3FA7]  }
0x2c: {  	s7 =	sld [smem:$0x3FA8]  }
0x2d: {  	s3 =	simm.s32 $0x108;
	s8 =	sld [smem:$0x3FA9]  }
0x2e: {  	s3 =	simm.s32 @!p0 $0x1082;
	s9 =	sld [smem:$0x3FAA]  }
0x2f: {  	lr =	sadd.s32 s0, s3;
	s0 =	sld [smem:$0x3FA1]  }
0x30: {  	s3 =	sld [smem:$0x3FA4]  }
0x31: {  	[smem:$0x3FAD] =	sst s10  }
0x32: {  	s10 =	sld [smem:$0x3FAB];
	_ =	sdelay $0x3  }
0x33: {  	p0 =	seq.s32 s10, $0x1;
	s10 =	sld [smem:$0x3FAD];
	_ =	sdelay $0x3  }
0x34: {  	[smem:$0x3FAD] =	sst s10  }
0x35: {  	s10 =	sld [smem:$0x3FAC];
	_ =	sdelay $0x3  }
0x36: {  	p1 =	seq.s32 s10, $0x1;
	s10 =	sld [smem:$0x3FAD];
	_ =	sdelay $0x3  }
0x37: {  	[smem:$0x3FAD] =	sst s10  }
0x38: {  	s10 =	sld [smem:$0x3FAE]  }
0x39: {  	_ = 	snop;
	(pc) =	sbr.ind lr, $3  }
0x3a: {  	_ = 	snop  }
0x3b: {  	_ = 	snop  }
0x3c: {  	p2 =	seq.s32 s10, $0x1;
	s10 =	sld [smem:$0x3FAD]  }
0x3d: {  	_ =	shalt  }
0x3e: {  	_ =	shalt  }
0x3f: {  	_ =	shalt  }
0x40: {  	_ =	shalt  }
0x41: {  	_ =	shalt  }
0x42: {  	_ =	shalt  }
0x43: {  	_ =	shalt  }
0x44: {  	_ =	shalt  }
0x45: {  	_ =	shalt  }
0x46: {  	_ =	shalt  }
0x47: {  	_ =	shalt  }
0x48: {  	_ =	shalt  }
0x49: {  	_ =	shalt  }
0x4a: {  	_ =	shalt  }
0x4b: {  	_ =	shalt  }
0x4c: {  	_ =	shalt  }
0x4d: {  	_ =	shalt  }
0x4e: {  	_ =	shalt  }
0x4f: {  	_ =	shalt  }
0x50: {  	_ =	shalt  }
0x51: {  	_ =	shalt  }
0x52: {  	_ =	shalt  }
0x53: {  	_ =	shalt  }
0x54: {  	_ =	shalt  }
0x55: {  	_ =	shalt  }
0x56: {  	_ =	shalt  }
0x57: {  	_ =	shalt  }
0x58: {  	_ =	shalt  }
0x59: {  	_ =	shalt  }
0x5a: {  	_ =	shalt  }
0x5b: {  	_ =	shalt  }
0x5c: {  	_ =	shalt  }
0x5d: {  	_ =	shalt  }
0x5e: {  	_ =	shalt  }
0x5f: {  	_ =	shalt  }
0x60: {  	_ =	shalt  }
0x61: {  	_ =	shalt  }
0x62: {  	_ =	shalt  }
0x63: {  	_ =	shalt  }
0x64: {  	_ =	shalt  }
0x65: {  	_ =	shalt  }
0x66: {  	_ =	shalt  }
0x67: {  	_ =	shalt  }
0x68: {  	_ =	shalt  }
0x69: {  	_ =	shalt  }
0x6a: {  	_ =	shalt  }
0x6b: {  	_ =	shalt  }
0x6c: {  	_ =	shalt  }
0x6d: {  	_ =	shalt  }
0x6e: {  	_ =	shalt  }
0x6f: {  	_ =	shalt  }
0x70: {  	_ =	shalt  }
0x71: {  	_ =	shalt  }
0x72: {  	_ =	shalt  }
0x73: {  	_ =	shalt  }
0x74: {  	_ =	shalt  }
0x75: {  	_ =	shalt  }
0x76: {  	_ =	shalt  }
0x77: {  	_ =	shalt  }
0x78: {  	_ =	shalt  }
0x79: {  	_ =	shalt  }
0x7a: {  	_ =	shalt  }
0x7b: {  	_ =	shalt  }
0x7c: {  	_ =	shalt  }
0x7d: {  	_ =	shalt  }
0x7e: {  	_ =	shalt  }
0x7f: {  	_ =	shalt  }
0x80: {  	_ =	shalt  }
0x81: {  	_ =	shalt  }
0x82: {  	_ =	shalt  }
0x83: {  	_ =	shalt  }
0x84: {  	_ =	shalt  }
0x85: {  	_ =	shalt  }
0x86: {  	_ =	shalt  }
0x87: {  	_ =	shalt  }
.Lfunc_end0:
.L_simem_size_0:
called_computation_lowered:
.L_overlay_start_0:
0x88: {  	s2 =	sld [smem:$0x3FD9]  }
0x89: {  	s3 =	sld [smem:$0x3FFE];
	_ =	sdelay $0x1  }
0x8a: {  	s1 =	srdreg.scid  }
0x8b: {  	s0 =	sand.u32 $0x1, s1  }
0x8c: {  	s17 =	sshll.u32 s0, $0xA;
	s2 =	sadd.s32 s3, s2  }
0x8d: {  	s2 =	sadd.s32 s2, s17  }
0x8e: {  	[smem:$0x3FB9] =	sst s2  }
0x8f: {  	_ = 	snop  }
0x90: {  	s2 =	sld [smem:$0x3FD0];
	(tm) =	ssettm $0x1  }
0x91: {  	s18 =	sld [smem:$0x3FFB];
	_ =	sdelay $0x3  }
0x92: {  	_ =	strace s18  }
0x93: {  	s3 =	sld [smem:$0x3FFC];
	_ =	sdelay $0x3  }
0x94: {  	_ =	strace s3  }
0x95: {  	s3 =	sld [smem:$0x3FFD];
	_ =	sdelay $0x3  }
0x96: {  	_ =	strace s3  }
0x97: {  	_ =	strace $0x8FFFFFFF  }
0x98: {  	s19 =	sld [smem:$0x3FDB];
	_ =	sdelay $0x1  }
0x99: {  	s4 =	simm.s32 $_scs_section_size  }
0x9a: {  	s5 =	simm.s32 $_size__tile_overlayer_lowered;
	s6 =	simm.s32 $_tile_overlayer_lowered  }
0x9b: {  	s22 =	simm.s32 $0x1BFF;
	s21 =	sshll.u32 s6, $0x1;
	s3 =	sadd.s32 s4, s19  }
0x9c: {  	s7 =	simm.s32 $0x0;
	s20 =	sshll.u32 s5, $0x1;
	s5 =	sadd.s32 s21, s3  }
0x9d: {  	[timem:s7], [sflag:s22] =	dma.local [hbm:s5], s20  }
0x9e: {  	_ =	swait.ge [sflag:s22], s20  }
0x9f: {  	s4 =	ssub.s32 $0x0, s20;
	[sflag:s22] =	ssyncset.done $0x0  }
0xa0: {  	[sflag:s22] =	ssyncadd.s32 s4;
	_ =	sdelay $0x1  }
0xa1: {  	s23 =	simm.s32 $0x1B8B  }
0xa2: {  	_ =	swait.ge [sflag:s23], $0x1  }
0xa3: {  	[sflag:s23] =	ssyncset.done $0x0  }
0xa4: {  	s25 =	simm.s32 $0x1B8E;
	s24 =	sld [smem:$0x3FFE];
	[sflag:s23] =	ssyncadd.s32 $0xFFFFFFFF  }
0xa5: {  	s26 =	simm.s32 $execute0_lowered;
	[smem:$0x3FD2] =	sst s25  }
0xa6: {  	s5 =	sshll.u32 s26, $0x1;
	_ =	strace $0x80000046;
	[dreg:$0x1] =	wrdreg $0xFFFFFFFF  }
0xa7: {  	s28 =	simm.s32 $_size_execute0_lowered;
	s3 =	sadd.s32 s3, s5;
	[dreg:$0x0] =	wrdreg $0x0  }
0xa8: {  	s5 =	sshll.u32 s28, $0x1;
	[dreg:$0x2] =	wrdreg s3  }
0xa9: {  	[dreg:$0x3] =	wrdreg s5  }
0xaa: {  	[dreg:$0x4] =	wrdreg $0xC0  }
0xab: {  	_ =	task [dreg:s7], $0x5FFFF  }
0xac: {  	[dreg:$0x1] =	wrdreg $0xFFFFFFFF  }
0xad: {  	[dreg:$0x0] =	wrdreg $0x60  }
0xae: {  	[dreg:$0x2] =	wrdreg s2  }
0xaf: {  	[dreg:$0x3] =	wrdreg s24  }
0xb0: {  	[dreg:$0x4] =	wrdreg $0x9  }
0xb1: {  	_ =	task.clear_ibuf [dreg:s7], $0x5FFFF;
	_ =	strace $0x90000046  }
0xb2: {  	s29 =	simm.s32 $0x9;
	_ =	strace $0x80000048  }
0xb3: {  	_ =	swait.ge [sflag:s29], $0x1  }
0xb4: {  	[sflag:s29] =	ssyncadd.s32 $0xFFFFFFFF  }
0xb5: {  	_ =	strace $0x90000048  }
0xb6: {  	_ =	sfence  }
0xb7: {  	s30 =	sld [smem:$0x0];
	_ =	sdelay $0x2  }
0xb8: {  	s31 =	sshll.u32 s1, $0xD;
	s1 =	sshrl.u32 s1, $0x2  }
0xb9: {  	s3 =	sand.u32 $0x4000, s31;
	s1 =	sadd.s32 s1, s30  }
0xba: {  	s0 =	sor.u32 s3, s0;
	s1 =	sshll.u32 s1, $0x11  }
0xbb: {  	s0 =	sor.u32 s1, s0  }
0xbc: {  	s0 =	sadd.s32 $0x8F2B, s0  }
0xbd: {  	[sflag:s0] =	ssyncadd.remote.s32 $0x1  }
0xbe: {  	_ =	sfence.sel $0xFFFF  }
0xbf: {  	[dreg:$0x0] =	wrdreg $0xFFFFFFFF;
	(pc) =	sbr.abs _section_cstart, $3  }
0xc0: {  	[dreg:$0x1] =	wrdreg $0xFFFFFFFF  }
0xc1: {  	_ =	task.clear_ibuf [dreg:s7], $0x2FFFF;
	_ =	strace $0x9FFFFFFF  }
0xc2: {  	(tm) =	ssettm $0x7FFFFFFF  }
0xc3: {  	_ =	shalt  }
tec
execute0_lowered:
.L_overlay_start_1:
0x0: {  	(tag) =	ssettag $0x1  }
0x1: {  	s1 =	srdreg.scid  }
0x2: {  	s0 =	stileid.u32;
	s2 =	rddreg [dreg:$0x0]  }
0x3: {  	s5 =	rddreg [dreg:$0x1];
	s3 =	simm.s32 $0x0;
	s7 =	simm.s32 $0x3400  }
0x4: {  	s8 =	simm.s32 $0x68000;
	s9 =	simm.s32 $0xC380;
	s10 =	simm.s32 $0x1  }
0x5: {  	s11 =	simm.s32 $0x2;
	s4 =	sand.u32 $0x1, s1;
	s30 =	sshll.u32 s0, $0x1  }
0x6: {  	s12 =	simm.s32 $0x12B80;
	s13 =	simm.s32 $0x3;
	s6 =	sor.u32 s4, s30  }
0x7: {  	s1 =	rddreg [dreg:$0x2];
	s4 =	ssub.s32 $0x2, s4;
	s6 =	smul.u32 $0x680, s6  }
0x8: {  	s14 =	simm.s32 $0x0;
	[smem:$0x7FF] =	sst s3;
	s31 =	sshrl.u32 s4, $0x1  }
0x9: {  	_ =	strace $0x80000047;
	s5 =	sadd.s32 s6, s5;
	s6 =	ssub.s32 s4, s31  }
0xa: {  	s4 =	sadd.s32 $0x3600, s5;
	s5 =	sadd.s32 $0x1D600, s5;
	s6 =	smax.u32 s6, $0x1  }
.LBB2_1:
0xb: {  	[tilespmem:s3], [sflag:$0x1] =	stream.linear.gather [hbm4b:s2+s3], $0xC380, $0x38;
	[tilespmem:$0x19380] =	vst v63  }
0xc: {  	_ = 	snop  }
0xd: {  	[tilespmem:s9], [sflag:$0x2] =	stream.strided.gather [hbm4b:s4+s7], $0x6800, s8, s7, $0x38;
	[tilespmem:$0x19380] =	vst v63  }
0xe: {  	_ =	swait.ge [sflag:s10], $0xC380  }
0xf: {  	[sflag:s10] =	ssyncset.done $0x0  }
0x10: {  	[sflag:s10] =	ssyncadd.s32 $0xFFFF3C80  }
0x11: {  	s15 =	simm.s32 $0x0;
	_ =	swait.ge [sflag:s11], $0x6800  }
0x12: {  	s26 =	sand.u32 $0x3C00, s3;
	s16 =	sand.u32 $0x40, s15;
	[sflag:s11] =	ssyncset.done $0x0  }
0x13: {  	s18 =	sor.u32 s16, s26;
	[sflag:s11] =	ssyncadd.s32 $0xFFFF9800  }
0x14: {  	v3 =	vld [tilespmem:s18+$0xC380]  }
0x15: {  	s28 =	simm.s32 $0x40;
	s19 =	simm.s32 $0x200;
	v4 =	vld [tilespmem:s18+$0xC3A0]  }
0x16: {  	s17 =	sand.u32 $0x40, s28;
	s29 =	sand.u32 $0x3C00, s19;
	v5 =	vld [tilespmem:s18+$0xC390]  }
0x17: {  	s20 =	sor.u32 s17, s29;
	v6 =	vld [tilespmem:s18+$0xC3B0]  }
0x18: {  	v7 =	vld [tilespmem:s20+$0xC380]  }
0x19: {  	s21 =	simm.s32 $0x80;
	s22 =	simm.s32 $0x400;
	v0 =	vld [tilespmem:s20+$0xC390]  }
0x1a: {  	s30 =	sand.u32 $0x40, s21;
	s31 =	sand.u32 $0x3C00, s22;
	v2 =	vld [tilespmem:s20+$0xC3A0]  }
0x1b: {  	s19 =	sor.u32 s30, s31;
	v1 =	vld [tilespmem:s20+$0xC3B0]  }
0x1c: {  	v8 =	vld [tilespmem:s19+$0xC380]  }
0x1d: {  	v3 =	vld.idx.msk [tilespmem:v3+s3+$0x0], $0xffff  }
0x1e: {  	v9 =	vld.idx.msk [tilespmem:v4+s3+$0x0], $0xffff  }
0x1f: {  	v10 =	vld.idx.msk [tilespmem:v5+s3+$0x0], $0xffff  }
0x20: {  	v6 =	vld.idx.msk [tilespmem:v6+s3+$0x0], $0xffff  }
0x21: {  	v4 =	vld [tilespmem:s19+$0xC390]  }
0x22: {  	v5 =	vld [tilespmem:s19+$0xC3A0];
	[tilespmem:s18+$0x12B80] =	vst v3  }
0x23: {  	v3 =	vld [tilespmem:s19+$0xC3B0];
	[tilespmem:s18+$0x12BA0] =	vst v9  }
0x24: {  	s15 =	simm.s32 $0x0;
	v7 =	vld.idx.msk [tilespmem:v7+s3+$0x0], $0xffff;
	[tilespmem:s18+$0x12B90] =	vst v10  }
.LBB2_2:
0x25: {  	s21 =	sadd.s32 $0x40, s21;
	s22 =	sadd.s32 $0x200, s22;
	v9 =	vld.idx.msk [tilespmem:v2+s15+$0x0], $0xffff;
	[tilespmem:s18+$0x12BB0] =	vst v6;
	v10 =	vmov v8;
	s18 =	smov.u32 s20  }
0x26: {  	s23 =	sand.u32 $0x40, s21;
	s24 =	sand.u32 $0x3C00, s22;
	p0 =	slt.u32 s21, $0x640;
	v11 =	vld.idx.msk [tilespmem:v0+s15+$0x0], $0xffff;
	v0 =	vmov v4  }
0x27: {  	s20 =	smov.u32 s19;
	v6 =	vld.idx.msk [tilespmem:v1+s15+$0x0], $0xffff;
	v2 =	vmov v5;
	s19 =	sor.u32 s23, s24  }
.Ltmp0:
0x28: {  	v8 =	vld [tilespmem:s19+$0xC380];
	v1 =	vmov v3;
	(pc) =	sbr.rel @p0 .LBB2_2-.Ltmp0, $4  }
0x29: {  	v4 =	vld [tilespmem:s19+$0xC390]  }
0x2a: {  	v5 =	vld [tilespmem:s19+$0xC3A0];
	[tilespmem:s18+$0x12B80] =	vst v7  }
0x2b: {  	s15 =	simm.s32 $0x0;
	v3 =	vld [tilespmem:s19+$0xC3B0];
	[tilespmem:s18+$0x12BA0] =	vst v9  }
0x2c: {  	v7 =	vld.idx.msk [tilespmem:v10+s15+$0x0], $0xffff;
	[tilespmem:s18+$0x12B90] =	vst v11  }
0x2d: {  	_ =	sdelay $0x3  }
0x2e: {  	v2 =	vld.idx.msk [tilespmem:v2+s15+$0x0], $0xffff  }
0x2f: {  	v0 =	vld.idx.msk [tilespmem:v0+s15+$0x0], $0xffff  }
0x30: {  	v1 =	vld.idx.msk [tilespmem:v1+s15+$0x0], $0xffff  }
0x31: {  	[tilespmem:s18+$0x12BB0] =	vst v6;
	v6 =	vld.idx.msk [tilespmem:v8+s15+$0x0], $0xffff  }
0x32: {  	v5 =	vld.idx.msk [tilespmem:v5+s15+$0x0], $0xffff;
	[tilespmem:s20+$0x12B80] =	vst v7  }
0x33: {  	[tilespmem:s20+$0x12BA0] =	vst v2;
	v2 =	vld.idx.msk [tilespmem:v4+s15+$0x0], $0xffff  }
0x34: {  	[tilespmem:s20+$0x12B90] =	vst v0;
	v0 =	vld.idx.msk [tilespmem:v3+s15+$0x0], $0xffff  }
0x35: {  	[tilespmem:s20+$0x12BB0] =	vst v1  }
0x36: {  	[tilespmem:s19+$0x12B80] =	vst v6  }
0x37: {  	[tilespmem:s19+$0x12BA0] =	vst v5  }
0x38: {  	s18 =	sand.u32 $0x3C00, s15;
	[tilespmem:s19+$0x12B90] =	vst v2  }
0x39: {  	s20 =	sor.u32 s16, s18;
	[tilespmem:s19+$0x12BB0] =	vst v0  }
0x3a: {  	v2 =	vld [tilespmem:s20+$0xC420]  }
0x3b: {  	s30 =	simm.s32 $0x200;
	v3 =	vld [tilespmem:s20+$0xC430]  }
0x3c: {  	s16 =	sand.u32 $0x3C00, s30;
	v4 =	vld [tilespmem:s20+$0xC400]  }
0x3d: {  	s17 =	sor.u32 s17, s16;
	v5 =	vld [tilespmem:s20+$0xC410]  }
0x3e: {  	v0 =	vld [tilespmem:s17+$0xC400]  }
0x3f: {  	s21 =	simm.s32 $0x80;
	s22 =	simm.s32 $0x400;
	v1 =	vld [tilespmem:s17+$0xC410]  }
0x40: {  	s31 =	sand.u32 $0x40, s21;
	s23 =	sand.u32 $0x3C00, s22;
	v6 =	vld [tilespmem:s17+$0xC420]  }
0x41: {  	s19 =	sor.u32 s31, s23;
	v7 =	vld [tilespmem:s17+$0xC430]  }
0x42: {  	v8 =	vld [tilespmem:s19+$0xC420]  }
0x43: {  	v9 =	vld.idx.msk [tilespmem:v2+s15+$0x0], $0xffff  }
0x44: {  	v10 =	vld.idx.msk [tilespmem:v3+s15+$0x0], $0xffff  }
0x45: {  	v11 =	vld.idx.msk [tilespmem:v4+s15+$0x0], $0xffff  }
0x46: {  	v4 =	vld.idx.msk [tilespmem:v5+s15+$0x0], $0xffff  }
0x47: {  	v3 =	vld [tilespmem:s19+$0xC400]  }
0x48: {  	v2 =	vld [tilespmem:s19+$0xC410];
	[tilespmem:s20+$0x12C20] =	vst v9  }
0x49: {  	v5 =	vld [tilespmem:s19+$0xC430];
	[tilespmem:s20+$0x12C30] =	vst v10  }
0x4a: {  	v6 =	vld.idx.msk [tilespmem:v6+s15+$0x0], $0xffff;
	[tilespmem:s20+$0x12C00] =	vst v11  }
.LBB2_4:
0x4b: {  	s21 =	sadd.s32 $0x40, s21;
	s22 =	sadd.s32 $0x200, s22;
	v9 =	vld.idx.msk [tilespmem:v7+s15+$0x0], $0xffff;
	[tilespmem:s20+$0x12C10] =	vst v4  }
0x4c: {  	s23 =	sand.u32 $0x40, s21;
	s24 =	sand.u32 $0x3C00, s22;
	p0 =	slt.u32 s21, $0x640;
	v10 =	vld.idx.msk [tilespmem:v0+s15+$0x0], $0xffff;
	v0 =	vmov v3  }
0x4d: {  	s20 =	smov.u32 s17;
	s17 =	smov.u32 s19;
	v4 =	vld.idx.msk [tilespmem:v1+s15+$0x0], $0xffff;
	v1 =	vmov v2;
	v11 =	vmov v8;
	s19 =	sor.u32 s23, s24  }
.Ltmp1:
0x4e: {  	v3 =	vld [tilespmem:s19+$0xC400];
	v7 =	vmov v5;
	(pc) =	sbr.rel @p0 .LBB2_4-.Ltmp1, $4  }
0x4f: {  	v2 =	vld [tilespmem:s19+$0xC410]  }
0x50: {  	v8 =	vld [tilespmem:s19+$0xC420];
	[tilespmem:s20+$0x12C20] =	vst v6  }
0x51: {  	v5 =	vld [tilespmem:s19+$0xC430];
	[tilespmem:s20+$0x12C30] =	vst v9  }
0x52: {  	v6 =	vld.idx.msk [tilespmem:v11+s15+$0x0], $0xffff;
	[tilespmem:s20+$0x12C00] =	vst v10  }
0x53: {  	_ =	sdelay $0x3  }
0x54: {  	v7 =	vld.idx.msk [tilespmem:v7+s15+$0x0], $0xffff  }
0x55: {  	v0 =	vld.idx.msk [tilespmem:v0+s15+$0x0], $0xffff  }
0x56: {  	v1 =	vld.idx.msk [tilespmem:v1+s15+$0x0], $0xffff  }
0x57: {  	[tilespmem:s20+$0x12C10] =	vst v4;
	v3 =	vld.idx.msk [tilespmem:v3+s15+$0x0], $0xffff  }
0x58: {  	v4 =	vld.idx.msk [tilespmem:v8+s15+$0x0], $0xffff;
	[tilespmem:s17+$0x12C20] =	vst v6  }
0x59: {  	v5 =	vld.idx.msk [tilespmem:v5+s15+$0x0], $0xffff;
	[tilespmem:s17+$0x12C30] =	vst v7  }
0x5a: {  	[tilespmem:s17+$0x12C00] =	vst v0;
	v0 =	vld.idx.msk [tilespmem:v2+s15+$0x0], $0xffff  }
0x5b: {  	[tilespmem:s17+$0x12C10] =	vst v1  }
0x5c: {  	[tilespmem:s19+$0x12C00] =	vst v3  }
0x5d: {  	s29 =	simm.s32 $0x0;
	[tilespmem:s19+$0x12C20] =	vst v4  }
0x5e: {  	s15 =	sand.u32 $0x40, s29;
	[tilespmem:s19+$0x12C30] =	vst v5  }
0x5f: {  	s18 =	sor.u32 s15, s18;
	[tilespmem:s19+$0x12C10] =	vst v0  }
0x60: {  	v3 =	vld [tilespmem:s18+$0xC480]  }
0x61: {  	s30 =	simm.s32 $0x40;
	v4 =	vld [tilespmem:s18+$0xC4A0]  }
0x62: {  	s17 =	sand.u32 $0x40, s30;
	v5 =	vld [tilespmem:s18+$0xC490]  }
0x63: {  	s20 =	sor.u32 s17, s16;
	v6 =	vld [tilespmem:s18+$0xC4B0]  }
0x64: {  	v7 =	vld [tilespmem:s20+$0xC480]  }
0x65: {  	s21 =	simm.s32 $0x80;
	s22 =	simm.s32 $0x400;
	v0 =	vld [tilespmem:s20+$0xC490]  }
0x66: {  	s31 =	sand.u32 $0x40, s21;
	s23 =	sand.u32 $0x3C00, s22;
	v2 =	vld [tilespmem:s20+$0xC4A0]  }
0x67: {  	s19 =	sor.u32 s31, s23;
	v1 =	vld [tilespmem:s20+$0xC4B0]  }
0x68: {  	s16 =	simm.s32 $0x0;
	v8 =	vld [tilespmem:s19+$0xC480]  }
0x69: {  	v3 =	vld.idx.msk [tilespmem:v3+s16+$0x0], $0xffff  }
0x6a: {  	v9 =	vld.idx.msk [tilespmem:v4+s16+$0x0], $0xffff  }
0x6b: {  	v10 =	vld.idx.msk [tilespmem:v5+s16+$0x0], $0xffff  }
0x6c: {  	v6 =	vld.idx.msk [tilespmem:v6+s16+$0x0], $0xffff  }
0x6d: {  	v4 =	vld [tilespmem:s19+$0xC490]  }
0x6e: {  	v5 =	vld [tilespmem:s19+$0xC4A0];
	[tilespmem:s18+$0x12C80] =	vst v3  }
0x6f: {  	v3 =	vld [tilespmem:s19+$0xC4B0];
	[tilespmem:s18+$0x12CA0] =	vst v9  }
0x70: {  	v7 =	vld.idx.msk [tilespmem:v7+s16+$0x0], $0xffff;
	[tilespmem:s18+$0x12C90] =	vst v10  }
.LBB2_6:
0x71: {  	s21 =	sadd.s32 $0x40, s21;
	s22 =	sadd.s32 $0x200, s22;
	v9 =	vld.idx.msk [tilespmem:v2+s16+$0x0], $0xffff;
	[tilespmem:s18+$0x12CB0] =	vst v6;
	v10 =	vmov v8;
	s18 =	smov.u32 s20  }
0x72: {  	s23 =	sand.u32 $0x40, s21;
	s24 =	sand.u32 $0x3C00, s22;
	p0 =	slt.u32 s21, $0x640;
	v11 =	vld.idx.msk [tilespmem:v0+s16+$0x0], $0xffff;
	v0 =	vmov v4  }
0x73: {  	s20 =	smov.u32 s19;
	v6 =	vld.idx.msk [tilespmem:v1+s16+$0x0], $0xffff;
	v2 =	vmov v5;
	s19 =	sor.u32 s23, s24  }
.Ltmp2:
0x74: {  	v8 =	vld [tilespmem:s19+$0xC480];
	v1 =	vmov v3;
	(pc) =	sbr.rel @p0 .LBB2_6-.Ltmp2, $4  }
0x75: {  	v4 =	vld [tilespmem:s19+$0xC490]  }
0x76: {  	v5 =	vld [tilespmem:s19+$0xC4A0];
	[tilespmem:s18+$0x12C80] =	vst v7  }
0x77: {  	v3 =	vld [tilespmem:s19+$0xC4B0];
	[tilespmem:s18+$0x12CA0] =	vst v9  }
0x78: {  	v7 =	vld.idx.msk [tilespmem:v10+s16+$0x0], $0xffff;
	[tilespmem:s18+$0x12C90] =	vst v11  }
0x79: {  	_ =	sdelay $0x3  }
0x7a: {  	v2 =	vld.idx.msk [tilespmem:v2+s16+$0x0], $0xffff  }
0x7b: {  	v0 =	vld.idx.msk [tilespmem:v0+s16+$0x0], $0xffff  }
0x7c: {  	v1 =	vld.idx.msk [tilespmem:v1+s16+$0x0], $0xffff;
	s16 =	simm.s32 $0x0  }
0x7d: {  	[tilespmem:s18+$0x12CB0] =	vst v6;
	v6 =	vld.idx.msk [tilespmem:v8+s16+$0x0], $0xffff  }
0x7e: {  	v5 =	vld.idx.msk [tilespmem:v5+s16+$0x0], $0xffff;
	[tilespmem:s20+$0x12C80] =	vst v7  }
0x7f: {  	[tilespmem:s20+$0x12CA0] =	vst v2;
	v2 =	vld.idx.msk [tilespmem:v4+s16+$0x0], $0xffff  }
0x80: {  	[tilespmem:s20+$0x12C90] =	vst v0;
	v0 =	vld.idx.msk [tilespmem:v3+s16+$0x0], $0xffff  }
0x81: {  	[tilespmem:s20+$0x12CB0] =	vst v1  }
0x82: {  	[tilespmem:s19+$0x12C80] =	vst v6  }
0x83: {  	[tilespmem:s19+$0x12CA0] =	vst v5  }
0x84: {  	s29 =	sand.u32 $0x3C00, s16;
	[tilespmem:s19+$0x12C90] =	vst v2  }
0x85: {  	[tilespmem:s19+$0x12CB0] =	vst v0;
	s19 =	sor.u32 s15, s29  }
0x86: {  	v3 =	vld [tilespmem:s19+$0xC520]  }
0x87: {  	s21 =	simm.s32 $0x400;
	s20 =	simm.s32 $0x80;
	v4 =	vld [tilespmem:s19+$0xC500]  }
0x88: {  	s22 =	sand.u32 $0x3C00, s21;
	s31 =	sand.u32 $0x40, s20;
	s15 =	simm.s32 $0x200;
	v5 =	vld [tilespmem:s19+$0xC530]  }
0x89: {  	s18 =	sor.u32 s31, s22;
	s30 =	sand.u32 $0x3C00, s15;
	v6 =	vld [tilespmem:s19+$0xC510]  }
0x8a: {  	v7 =	vld [tilespmem:s18+$0xC500];
	s17 =	sor.u32 s17, s30  }
0x8b: {  	v1 =	vld [tilespmem:s17+$0xC500]  }
0x8c: {  	v0 =	vld [tilespmem:s17+$0xC510]  }
0x8d: {  	v9 =	vld [tilespmem:s17+$0xC520]  }
0x8e: {  	v2 =	vld [tilespmem:s17+$0xC530]  }
0x8f: {  	v10 =	vld.idx.msk [tilespmem:v3+s16+$0x0], $0xffff  }
0x90: {  	v11 =	vld.idx.msk [tilespmem:v4+s16+$0x0], $0xffff  }
0x91: {  	v12 =	vld.idx.msk [tilespmem:v5+s16+$0x0], $0xffff  }
0x92: {  	v5 =	vld.idx.msk [tilespmem:v6+s16+$0x0], $0xffff  }
0x93: {  	v8 =	vld [tilespmem:s18+$0xC520]  }
0x94: {  	v3 =	vld [tilespmem:s18+$0xC510];
	[tilespmem:s19+$0x12D20] =	vst v10  }
0x95: {  	v4 =	vld [tilespmem:s18+$0xC530];
	[tilespmem:s19+$0x12D00] =	vst v11  }
0x96: {  	v6 =	vld.idx.msk [tilespmem:v9+s16+$0x0], $0xffff;
	[tilespmem:s19+$0x12D30] =	vst v12  }
.LBB2_8:
0x97: {  	s20 =	sadd.s32 $0x40, s20;
	s21 =	sadd.s32 $0x200, s21;
	v9 =	vld.idx.msk [tilespmem:v1+s16+$0x0], $0xffff;
	[tilespmem:s19+$0x12D10] =	vst v5;
	v1 =	vmov v7  }
0x98: {  	s22 =	sand.u32 $0x40, s20;
	s23 =	sand.u32 $0x3C00, s21;
	p0 =	slt.u32 s20, $0x640;
	v10 =	vld.idx.msk [tilespmem:v2+s16+$0x0], $0xffff  }
0x99: {  	s19 =	smov.u32 s17;
	s17 =	smov.u32 s18;
	v5 =	vld.idx.msk [tilespmem:v0+s16+$0x0], $0xffff;
	v0 =	vmov v3;
	v11 =	vmov v8;
	s18 =	sor.u32 s22, s23  }
.Ltmp3:
0x9a: {  	v7 =	vld [tilespmem:s18+$0xC500];
	v2 =	vmov v4;
	(pc) =	sbr.rel @p0 .LBB2_8-.Ltmp3, $4  }
0x9b: {  	v3 =	vld [tilespmem:s18+$0xC510]  }
0x9c: {  	v8 =	vld [tilespmem:s18+$0xC520];
	[tilespmem:s19+$0x12D20] =	vst v6  }
0x9d: {  	v4 =	vld [tilespmem:s18+$0xC530];
	[tilespmem:s19+$0x12D00] =	vst v9  }
0x9e: {  	v6 =	vld.idx.msk [tilespmem:v11+s16+$0x0], $0xffff;
	[tilespmem:s19+$0x12D30] =	vst v10  }
0x9f: {  	_ =	sdelay $0x3  }
0xa0: {  	v1 =	vld.idx.msk [tilespmem:v1+s16+$0x0], $0xffff  }
0xa1: {  	v2 =	vld.idx.msk [tilespmem:v2+s16+$0x0], $0xffff  }
0xa2: {  	v0 =	vld.idx.msk [tilespmem:v0+s16+$0x0], $0xffff  }
0xa3: {  	[tilespmem:s19+$0x12D10] =	vst v5;
	v5 =	vld.idx.msk [tilespmem:v8+s16+$0x0], $0xffff  }
0xa4: {  	[tilespmem:s17+$0x12D20] =	vst v6;
	v6 =	vld.idx.msk [tilespmem:v7+s16+$0x0], $0xffff  }
0xa5: {  	[tilespmem:s17+$0x12D00] =	vst v1;
	v1 =	vld.idx.msk [tilespmem:v4+s16+$0x0], $0xffff  }
0xa6: {  	[tilespmem:s17+$0x12D30] =	vst v2;
	v2 =	vld.idx.msk [tilespmem:v3+s16+$0x0], $0xffff  }
0xa7: {  	p0 =	por $0x0, $0x0;
	[tilespmem:s17+$0x12D10] =	vst v0;
	s16 =	simm.s32 $0x1  }
0xa8: {  	s16 =	simm.s32 @!p0 $0x0;
	[tilespmem:s18+$0x12D20] =	vst v5  }
0xa9: {  	s16 =	sshll.u32 s16, $0x6;
	[tilespmem:s18+$0x12D00] =	vst v6  }
0xaa: {  	s31 =	sadd.s32 $0x0, s16;
	[tilespmem:s18+$0x12D30] =	vst v1  }
0xab: {  	[tilespmem:s18+$0x12D10] =	vst v2;
	s18 =	sor.u32 $0x230, s31  }
0xac: {  	v0 =	vld [tilespmem:s18+$0xC380];
	_ =	sdelay $0x1  }
0xad: {  	s22 =	simm.s32 $0x1;
	p0 =	por !p0, !p0  }
0xae: {  	s22 =	simm.s32 @!p0 $0x0;
	s19 =	sor.u32 $0x200, s31  }
0xaf: {  	s17 =	sshll.u32 s22, $0x6;
	s20 =	sor.u32 $0x210, s31;
	v7 =	vld [tilespmem:s19+$0xC380]  }
0xb0: {  	s21 =	sor.u32 $0x220, s31;
	s24 =	sadd.s32 $0x200, s17;
	v1 =	vld [tilespmem:s20+$0xC380]  }
0xb1: {  	s22 =	sor.u32 $0x200, s24;
	v2 =	vld [tilespmem:s21+$0xC380]  }
0xb2: {  	s25 =	simm.s32 $0x0;
	v4 =	vld [tilespmem:s22+$0xC380]  }
0xb3: {  	s26 =	sor.u32 $0x230, s24;
	v3 =	vld.idx.msk [tilespmem:v0+s25+$0x0], $0xffff  }
0xb4: {  	s23 =	sor.u32 $0x210, s24;
	v0 =	vld [tilespmem:s26+$0xC380]  }
0xb5: {  	s24 =	sor.u32 $0x220, s24;
	v6 =	vld [tilespmem:s23+$0xC380]  }
0xb6: {  	v5 =	vld [tilespmem:s24+$0xC380]  }
0xb7: {  	s28 =	simm.s32 $0x40;
	p1 =	por !p0, !p0;
	v7 =	vld.idx.msk [tilespmem:v7+s25+$0x0], $0xffff  }
.LBB2_10:
0xb8: {  	s29 =	simm.s32 $0x1  }
0xb9: {  	s28 =	sadd.s32 $0x40, s28;
	v8 =	vld.idx.msk [tilespmem:v1+s25+$0x0], $0xffff;
	[tilespmem:s18+$0x12B80] =	vst v3;
	s18 =	smov.u32 s26;
	s29 =	simm.s32 @!p1 $0x0  }
0xba: {  	s15 =	sadd.s32 $0x200, s15;
	p2 =	slt.u32 s28, $0x640;
	v10 =	vmov v4;
	s26 =	sshll.u32 s29, $0x6;
	v9 =	vld.idx.msk [tilespmem:v2+s25+$0x0], $0xffff  }
0xbb: {  	v1 =	vmov v6;
	s29 =	sadd.s32 s26, s15  }
0xbc: {  	v2 =	vmov v5;
	s30 =	sor.u32 $0x200, s29;
	s31 =	sor.u32 $0x210, s29;
	s26 =	sor.u32 $0x230, s29;
	v3 =	vld.idx.msk [tilespmem:v0+s25+$0x0], $0xffff  }
.Ltmp4:
0xbd: {  	s29 =	sor.u32 $0x220, s29;
	v0 =	vld [tilespmem:s26+$0xC380];
	(pc) =	sbr.rel @p2 .LBB2_10-.Ltmp4, $4  }
0xbe: {  	v4 =	vld [tilespmem:s30+$0xC380];
	[tilespmem:s19+$0x12B80] =	vst v7;
	s19 =	smov.u32 s22;
	s22 =	smov.u32 s30  }
0xbf: {  	v6 =	vld [tilespmem:s31+$0xC380];
	[tilespmem:s20+$0x12B80] =	vst v8;
	s20 =	smov.u32 s23;
	s23 =	smov.u32 s31  }
0xc0: {  	v5 =	vld [tilespmem:s29+$0xC380];
	[tilespmem:s21+$0x12B80] =	vst v9;
	s21 =	smov.u32 s24;
	s24 =	smov.u32 s29  }
0xc1: {  	p1 =	por !p1, !p1;
	v7 =	vld.idx.msk [tilespmem:v10+s25+$0x0], $0xffff  }
0xc2: {  	_ =	sdelay $0x3  }
0xc3: {  	v1 =	vld.idx.msk [tilespmem:v1+s25+$0x0], $0xffff  }
0xc4: {  	v2 =	vld.idx.msk [tilespmem:v2+s25+$0x0], $0xffff;
	s15 =	simm.s32 $0x0  }
0xc5: {  	v0 =	vld.idx.msk [tilespmem:v0+s15+$0x0], $0xffff  }
0xc6: {  	[tilespmem:s18+$0x12B80] =	vst v3;
	v3 =	vld.idx.msk [tilespmem:v4+s15+$0x0], $0xffff  }
0xc7: {  	v4 =	vld.idx.msk [tilespmem:v6+s15+$0x0], $0xffff;
	[tilespmem:s19+$0x12B80] =	vst v7  }
0xc8: {  	[tilespmem:s20+$0x12B80] =	vst v1;
	v1 =	vld.idx.msk [tilespmem:v5+s15+$0x0], $0xffff  }
0xc9: {  	[tilespmem:s21+$0x12B80] =	vst v2  }
0xca: {  	[tilespmem:s26+$0x12B80] =	vst v0  }
0xcb: {  	[tilespmem:s22+$0x12B80] =	vst v3  }
0xcc: {  	s30 =	sadd.s32 $0x0, s16;
	[tilespmem:s23+$0x12B80] =	vst v4  }
0xcd: {  	s23 =	sor.u32 $0x2B0, s30;
	[tilespmem:s24+$0x12B80] =	vst v1  }
0xce: {  	v0 =	vld [tilespmem:s23+$0xC380];
	_ =	sdelay $0x2  }
0xcf: {  	s19 =	sor.u32 $0x280, s30  }
0xd0: {  	s16 =	sor.u32 $0x290, s30;
	v7 =	vld [tilespmem:s19+$0xC380]  }
0xd1: {  	s31 =	sadd.s32 $0x200, s17;
	s18 =	sor.u32 $0x2A0, s30;
	v1 =	vld [tilespmem:s16+$0xC380]  }
0xd2: {  	s17 =	sor.u32 $0x280, s31;
	v2 =	vld [tilespmem:s18+$0xC380]  }
0xd3: {  	v5 =	vld [tilespmem:s17+$0xC380]  }
0xd4: {  	s22 =	sor.u32 $0x2B0, s31;
	v3 =	vld.idx.msk [tilespmem:v0+s15+$0x0], $0xffff  }
0xd5: {  	s20 =	sor.u32 $0x290, s31;
	v0 =	vld [tilespmem:s22+$0xC380]  }
0xd6: {  	s21 =	sor.u32 $0x2A0, s31;
	v6 =	vld [tilespmem:s20+$0xC380]  }
0xd7: {  	v4 =	vld [tilespmem:s21+$0xC380]  }
0xd8: {  	s25 =	simm.s32 $0x200;
	p0 =	por !p0, !p0;
	s24 =	simm.s32 $0x40;
	v7 =	vld.idx.msk [tilespmem:v7+s15+$0x0], $0xffff  }
.LBB2_12:
0xd9: {  	s26 =	simm.s32 $0x1  }
0xda: {  	s24 =	sadd.s32 $0x40, s24;
	v8 =	vld.idx.msk [tilespmem:v1+s15+$0x0], $0xffff;
	[tilespmem:s23+$0x12B80] =	vst v3;
	s26 =	simm.s32 @!p0 $0x0  }
0xdb: {  	s25 =	sadd.s32 $0x200, s25;
	p1 =	slt.u32 s24, $0x640;
	v10 =	vmov v5;
	s23 =	sshll.u32 s26, $0x6;
	v9 =	vld.idx.msk [tilespmem:v2+s15+$0x0], $0xffff  }
0xdc: {  	v1 =	vmov v6;
	s26 =	sadd.s32 s23, s25;
	s23 =	smov.u32 s22  }
0xdd: {  	v2 =	vmov v4;
	s28 =	sor.u32 $0x280, s26;
	s29 =	sor.u32 $0x290, s26;
	s22 =	sor.u32 $0x2B0, s26;
	v3 =	vld.idx.msk [tilespmem:v0+s15+$0x0], $0xffff  }
.Ltmp5:
0xde: {  	s26 =	sor.u32 $0x2A0, s26;
	v0 =	vld [tilespmem:s22+$0xC380];
	(pc) =	sbr.rel @p1 .LBB2_12-.Ltmp5, $4  }
0xdf: {  	v5 =	vld [tilespmem:s28+$0xC380];
	[tilespmem:s19+$0x12B80] =	vst v7;
	s19 =	smov.u32 s17;
	s17 =	smov.u32 s28  }
0xe0: {  	v6 =	vld [tilespmem:s29+$0xC380];
	[tilespmem:s16+$0x12B80] =	vst v8;
	s16 =	smov.u32 s20;
	s20 =	smov.u32 s29  }
0xe1: {  	v4 =	vld [tilespmem:s26+$0xC380];
	[tilespmem:s18+$0x12B80] =	vst v9;
	s18 =	smov.u32 s21;
	s21 =	smov.u32 s26  }
0xe2: {  	p0 =	por !p0, !p0;
	v7 =	vld.idx.msk [tilespmem:v10+s15+$0x0], $0xffff  }
0xe3: {  	_ =	sdelay $0x3  }
0xe4: {  	v1 =	vld.idx.msk [tilespmem:v1+s15+$0x0], $0xffff  }
0xe5: {  	v2 =	vld.idx.msk [tilespmem:v2+s15+$0x0], $0xffff  }
0xe6: {  	v0 =	vld.idx.msk [tilespmem:v0+s15+$0x0], $0xffff  }
0xe7: {  	[tilespmem:s23+$0x12B80] =	vst v3;
	v3 =	vld.idx.msk [tilespmem:v5+s15+$0x0], $0xffff  }
0xe8: {  	v5 =	vld.idx.msk [tilespmem:v6+s15+$0x0], $0xffff;
	[tilespmem:s19+$0x12B80] =	vst v7  }
0xe9: {  	[tilespmem:s16+$0x12B80] =	vst v1;
	v1 =	vld.idx.msk [tilespmem:v4+s15+$0x0], $0xffff  }
0xea: {  	p0 =	por $0x0, $0x0;
	[tilespmem:s18+$0x12B80] =	vst v2;
	s15 =	simm.s32 $0x1  }
0xeb: {  	[tilespmem:s22+$0x12B80] =	vst v0;
	s15 =	simm.s32 @!p0 $0x0  }
0xec: {  	[tilespmem:s17+$0x12B80] =	vst v3;
	s16 =	sshll.u32 s15, $0x6  }
0xed: {  	[tilespmem:s20+$0x12B80] =	vst v5;
	s15 =	sadd.s32 $0x0, s16  }
0xee: {  	s18 =	sor.u32 $0x330, s15;
	[tilespmem:s21+$0x12B80] =	vst v1  }
0xef: {  	v0 =	vld [tilespmem:s18+$0xC380];
	_ =	sdelay $0x1  }
0xf0: {  	p0 =	por !p0, !p0;
	s17 =	simm.s32 $0x1  }
0xf1: {  	s17 =	simm.s32 @!p0 $0x0;
	s19 =	sor.u32 $0x300, s15  }
0xf2: {  	s17 =	sshll.u32 s17, $0x6;
	s20 =	sor.u32 $0x310, s15;
	v7 =	vld [tilespmem:s19+$0xC380]  }
0xf3: {  	s24 =	sadd.s32 $0x200, s17;
	s21 =	sor.u32 $0x320, s15;
	v1 =	vld [tilespmem:s20+$0xC380]  }
0xf4: {  	s22 =	sor.u32 $0x300, s24;
	v2 =	vld [tilespmem:s21+$0xC380]  }
0xf5: {  	s15 =	simm.s32 $0x0;
	v4 =	vld [tilespmem:s22+$0xC380]  }
0xf6: {  	s25 =	sor.u32 $0x330, s24;
	v3 =	vld.idx.msk [tilespmem:v0+s15+$0x0], $0xffff  }
0xf7: {  	s23 =	sor.u32 $0x310, s24;
	v0 =	vld [tilespmem:s25+$0xC380]  }
0xf8: {  	s24 =	sor.u32 $0x320, s24;
	v6 =	vld [tilespmem:s23+$0xC380]  }
0xf9: {  	v5 =	vld [tilespmem:s24+$0xC380]  }
0xfa: {  	s26 =	simm.s32 $0x40;
	s28 =	simm.s32 $0x200;
	p1 =	por !p0, !p0;
	v7 =	vld.idx.msk [tilespmem:v7+s15+$0x0], $0xffff  }
.LBB2_14:
0xfb: {  	s29 =	simm.s32 $0x1  }
0xfc: {  	s26 =	sadd.s32 $0x40, s26;
	v8 =	vld.idx.msk [tilespmem:v1+s15+$0x0], $0xffff;
	[tilespmem:s18+$0x12B80] =	vst v3;
	s18 =	smov.u32 s25;
	s29 =	simm.s32 @!p1 $0x0  }
0xfd: {  	s28 =	sadd.s32 $0x200, s28;
	p2 =	slt.u32 s26, $0x640;
	v10 =	vmov v4;
	s25 =	sshll.u32 s29, $0x6;
	v9 =	vld.idx.msk [tilespmem:v2+s15+$0x0], $0xffff  }
0xfe: {  	v1 =	vmov v6;
	s29 =	sadd.s32 s25, s28  }
0xff: {  	v2 =	vmov v5;
	s30 =	sor.u32 $0x300, s29;
	s31 =	sor.u32 $0x310, s29;
	s25 =	sor.u32 $0x330, s29;
	v3 =	vld.idx.msk [tilespmem:v0+s15+$0x0], $0xffff  }
.Ltmp6:
0x100: {  	s29 =	sor.u32 $0x320, s29;
	v0 =	vld [tilespmem:s25+$0xC380];
	(pc) =	sbr.rel @p2 .LBB2_14-.Ltmp6, $4  }
0x101: {  	v4 =	vld [tilespmem:s30+$0xC380];
	[tilespmem:s19+$0x12B80] =	vst v7;
	s19 =	smov.u32 s22;
	s22 =	smov.u32 s30  }
0x102: {  	v6 =	vld [tilespmem:s31+$0xC380];
	[tilespmem:s20+$0x12B80] =	vst v8;
	s20 =	smov.u32 s23;
	s23 =	smov.u32 s31  }
0x103: {  	v5 =	vld [tilespmem:s29+$0xC380];
	[tilespmem:s21+$0x12B80] =	vst v9;
	s21 =	smov.u32 s24;
	s24 =	smov.u32 s29  }
0x104: {  	p1 =	por !p1, !p1;
	v7 =	vld.idx.msk [tilespmem:v10+s15+$0x0], $0xffff  }
0x105: {  	_ =	sdelay $0x3  }
0x106: {  	v1 =	vld.idx.msk [tilespmem:v1+s15+$0x0], $0xffff  }
0x107: {  	v2 =	vld.idx.msk [tilespmem:v2+s15+$0x0], $0xffff;
	s15 =	simm.s32 $0x0  }
0x108: {  	v0 =	vld.idx.msk [tilespmem:v0+s15+$0x0], $0xffff  }
0x109: {  	[tilespmem:s18+$0x12B80] =	vst v3;
	v3 =	vld.idx.msk [tilespmem:v4+s15+$0x0], $0xffff  }
0x10a: {  	v4 =	vld.idx.msk [tilespmem:v6+s15+$0x0], $0xffff;
	[tilespmem:s19+$0x12B80] =	vst v7  }
0x10b: {  	[tilespmem:s20+$0x12B80] =	vst v1;
	v1 =	vld.idx.msk [tilespmem:v5+s15+$0x0], $0xffff  }
0x10c: {  	[tilespmem:s21+$0x12B80] =	vst v2  }
0x10d: {  	[tilespmem:s25+$0x12B80] =	vst v0  }
0x10e: {  	[tilespmem:s22+$0x12B80] =	vst v3  }
0x10f: {  	s31 =	sadd.s32 $0x0, s16;
	[tilespmem:s23+$0x12B80] =	vst v4  }
0x110: {  	s23 =	sor.u32 $0x3B0, s31;
	[tilespmem:s24+$0x12B80] =	vst v1  }
0x111: {  	v0 =	vld [tilespmem:s23+$0xC380];
	_ =	sdelay $0x2  }
0x112: {  	s19 =	sor.u32 $0x380, s31  }
0x113: {  	s16 =	sor.u32 $0x390, s31;
	v7 =	vld [tilespmem:s19+$0xC380]  }
0x114: {  	s17 =	sadd.s32 $0x200, s17;
	s18 =	sor.u32 $0x3A0, s31;
	v1 =	vld [tilespmem:s16+$0xC380]  }
0x115: {  	s20 =	sor.u32 $0x380, s17;
	v2 =	vld [tilespmem:s18+$0xC380]  }
0x116: {  	v5 =	vld [tilespmem:s20+$0xC380]  }
0x117: {  	s22 =	sor.u32 $0x3B0, s17;
	v3 =	vld.idx.msk [tilespmem:v0+s15+$0x0], $0xffff  }
0x118: {  	s21 =	sor.u32 $0x390, s17;
	v0 =	vld [tilespmem:s22+$0xC380]  }
0x119: {  	s17 =	sor.u32 $0x3A0, s17;
	v6 =	vld [tilespmem:s21+$0xC380]  }
0x11a: {  	v4 =	vld [tilespmem:s17+$0xC380]  }
0x11b: {  	p0 =	por !p0, !p0;
	s25 =	simm.s32 $0x200;
	s24 =	simm.s32 $0x40;
	v7 =	vld.idx.msk [tilespmem:v7+s15+$0x0], $0xffff  }
.LBB2_16:
0x11c: {  	s26 =	simm.s32 $0x1  }
0x11d: {  	s24 =	sadd.s32 $0x40, s24;
	v8 =	vld.idx.msk [tilespmem:v1+s15+$0x0], $0xffff;
	[tilespmem:s23+$0x12B80] =	vst v3;
	s26 =	simm.s32 @!p0 $0x0  }
0x11e: {  	s25 =	sadd.s32 $0x200, s25;
	p1 =	slt.u32 s24, $0x640;
	v10 =	vmov v5;
	s23 =	sshll.u32 s26, $0x6;
	v9 =	vld.idx.msk [tilespmem:v2+s15+$0x0], $0xffff  }
0x11f: {  	v1 =	vmov v6;
	s26 =	sadd.s32 s23, s25;
	s23 =	smov.u32 s22  }
0x120: {  	v2 =	vmov v4;
	s28 =	sor.u32 $0x380, s26;
	s29 =	sor.u32 $0x390, s26;
	s22 =	sor.u32 $0x3B0, s26;
	v3 =	vld.idx.msk [tilespmem:v0+s15+$0x0], $0xffff  }
.Ltmp7:
0x121: {  	s26 =	sor.u32 $0x3A0, s26;
	v0 =	vld [tilespmem:s22+$0xC380];
	(pc) =	sbr.rel @p1 .LBB2_16-.Ltmp7, $4  }
0x122: {  	v5 =	vld [tilespmem:s28+$0xC380];
	[tilespmem:s19+$0x12B80] =	vst v7;
	s19 =	smov.u32 s20;
	s20 =	smov.u32 s28  }
0x123: {  	v6 =	vld [tilespmem:s29+$0xC380];
	[tilespmem:s16+$0x12B80] =	vst v8;
	s16 =	smov.u32 s21;
	s21 =	smov.u32 s29  }
0x124: {  	v4 =	vld [tilespmem:s26+$0xC380];
	[tilespmem:s18+$0x12B80] =	vst v9;
	s18 =	smov.u32 s17;
	s17 =	smov.u32 s26  }
0x125: {  	p0 =	por !p0, !p0;
	v7 =	vld.idx.msk [tilespmem:v10+s15+$0x0], $0xffff  }
0x126: {  	_ =	sdelay $0x3  }
0x127: {  	v1 =	vld.idx.msk [tilespmem:v1+s15+$0x0], $0xffff  }
0x128: {  	v2 =	vld.idx.msk [tilespmem:v2+s15+$0x0], $0xffff  }
0x129: {  	v0 =	vld.idx.msk [tilespmem:v0+s15+$0x0], $0xffff  }
0x12a: {  	[tilespmem:s23+$0x12B80] =	vst v3;
	v3 =	vld.idx.msk [tilespmem:v5+s15+$0x0], $0xffff  }
0x12b: {  	v5 =	vld.idx.msk [tilespmem:v6+s15+$0x0], $0xffff;
	[tilespmem:s19+$0x12B80] =	vst v7  }
0x12c: {  	[tilespmem:s16+$0x12B80] =	vst v1;
	v1 =	vld.idx.msk [tilespmem:v4+s15+$0x0], $0xffff  }
0x12d: {  	[tilespmem:s18+$0x12B80] =	vst v2  }
0x12e: {  	[tilespmem:s22+$0x12B80] =	vst v0  }
0x12f: {  	s24 =	simm.s32 $0x0;
	[tilespmem:s20+$0x12B80] =	vst v3  }
0x130: {  	s25 =	sand.u32 $0x3C00, s15;
	s16 =	sand.u32 $0x40, s24;
	[tilespmem:s21+$0x12B80] =	vst v5  }
0x131: {  	s18 =	sor.u32 s16, s25;
	[tilespmem:s17+$0x12B80] =	vst v1  }
0x132: {  	v3 =	vld [tilespmem:s18+$0xF780]  }
0x133: {  	s26 =	simm.s32 $0x40;
	s22 =	simm.s32 $0x400;
	s21 =	simm.s32 $0x80;
	v4 =	vld [tilespmem:s18+$0xF7A0]  }
0x134: {  	s28 =	simm.s32 $0x200;
	s31 =	sand.u32 $0x3C00, s22;
	s30 =	sand.u32 $0x40, s21;
	v5 =	vld [tilespmem:s18+$0xF790]  }
0x135: {  	s29 =	sand.u32 $0x3C00, s28;
	s19 =	sor.u32 s30, s31;
	s17 =	sand.u32 $0x40, s26;
	v6 =	vld [tilespmem:s18+$0xF7B0]  }
0x136: {  	s20 =	sor.u32 s17, s29;
	v8 =	vld [tilespmem:s19+$0xF780]  }
0x137: {  	v7 =	vld [tilespmem:s20+$0xF780]  }
0x138: {  	v0 =	vld [tilespmem:s20+$0xF790]  }
0x139: {  	v2 =	vld [tilespmem:s20+$0xF7A0]  }
0x13a: {  	s15 =	simm.s32 $0x0;
	v1 =	vld [tilespmem:s20+$0xF7B0]  }
0x13b: {  	v3 =	vld.idx.msk [tilespmem:v3+s15+$0x0], $0xffff  }
0x13c: {  	v9 =	vld.idx.msk [tilespmem:v4+s15+$0x0], $0xffff  }
0x13d: {  	v10 =	vld.idx.msk [tilespmem:v5+s15+$0x0], $0xffff  }
0x13e: {  	v6 =	vld.idx.msk [tilespmem:v6+s15+$0x0], $0xffff  }
0x13f: {  	v4 =	vld [tilespmem:s19+$0xF790]  }
0x140: {  	v5 =	vld [tilespmem:s19+$0xF7A0];
	[tilespmem:s18+$0x15F80] =	vst v3  }
0x141: {  	v3 =	vld [tilespmem:s19+$0xF7B0];
	[tilespmem:s18+$0x15FA0] =	vst v9  }
0x142: {  	v7 =	vld.idx.msk [tilespmem:v7+s15+$0x0], $0xffff;
	[tilespmem:s18+$0x15F90] =	vst v10  }
.LBB2_18:
0x143: {  	s21 =	sadd.s32 $0x40, s21;
	s22 =	sadd.s32 $0x200, s22;
	v9 =	vld.idx.msk [tilespmem:v2+s15+$0x0], $0xffff;
	[tilespmem:s18+$0x15FB0] =	vst v6;
	v10 =	vmov v8;
	s18 =	smov.u32 s20  }
0x144: {  	s23 =	sand.u32 $0x40, s21;
	s24 =	sand.u32 $0x3C00, s22;
	p0 =	slt.u32 s21, $0x640;
	v11 =	vld.idx.msk [tilespmem:v0+s15+$0x0], $0xffff;
	v0 =	vmov v4  }
0x145: {  	s20 =	smov.u32 s19;
	v6 =	vld.idx.msk [tilespmem:v1+s15+$0x0], $0xffff;
	v2 =	vmov v5;
	s19 =	sor.u32 s23, s24  }
.Ltmp8:
0x146: {  	v8 =	vld [tilespmem:s19+$0xF780];
	v1 =	vmov v3;
	(pc) =	sbr.rel @p0 .LBB2_18-.Ltmp8, $4  }
0x147: {  	v4 =	vld [tilespmem:s19+$0xF790]  }
0x148: {  	v5 =	vld [tilespmem:s19+$0xF7A0];
	[tilespmem:s18+$0x15F80] =	vst v7  }
0x149: {  	v3 =	vld [tilespmem:s19+$0xF7B0];
	[tilespmem:s18+$0x15FA0] =	vst v9  }
0x14a: {  	v7 =	vld.idx.msk [tilespmem:v10+s15+$0x0], $0xffff;
	[tilespmem:s18+$0x15F90] =	vst v11  }
0x14b: {  	_ =	sdelay $0x3  }
0x14c: {  	v2 =	vld.idx.msk [tilespmem:v2+s15+$0x0], $0xffff  }
0x14d: {  	v0 =	vld.idx.msk [tilespmem:v0+s15+$0x0], $0xffff  }
0x14e: {  	v1 =	vld.idx.msk [tilespmem:v1+s15+$0x0], $0xffff;
	s15 =	simm.s32 $0x0  }
0x14f: {  	[tilespmem:s18+$0x15FB0] =	vst v6;
	v6 =	vld.idx.msk [tilespmem:v8+s15+$0x0], $0xffff  }
0x150: {  	v5 =	vld.idx.msk [tilespmem:v5+s15+$0x0], $0xffff;
	[tilespmem:s20+$0x15F80] =	vst v7  }
0x151: {  	[tilespmem:s20+$0x15FA0] =	vst v2;
	v2 =	vld.idx.msk [tilespmem:v4+s15+$0x0], $0xffff  }
0x152: {  	[tilespmem:s20+$0x15F90] =	vst v0;
	v0 =	vld.idx.msk [tilespmem:v3+s15+$0x0], $0xffff  }
0x153: {  	[tilespmem:s20+$0x15FB0] =	vst v1  }
0x154: {  	[tilespmem:s19+$0x15F80] =	vst v6  }
0x155: {  	[tilespmem:s19+$0x15FA0] =	vst v5  }
0x156: {  	s18 =	sand.u32 $0x3C00, s15;
	[tilespmem:s19+$0x15F90] =	vst v2  }
0x157: {  	s20 =	sor.u32 s16, s18;
	[tilespmem:s19+$0x15FB0] =	vst v0  }
0x158: {  	v2 =	vld [tilespmem:s20+$0xF820]  }
0x159: {  	s30 =	simm.s32 $0x200;
	v3 =	vld [tilespmem:s20+$0xF830]  }
0x15a: {  	s19 =	sand.u32 $0x3C00, s30;
	v4 =	vld [tilespmem:s20+$0xF800]  }
0x15b: {  	v5 =	vld [tilespmem:s20+$0xF810];
	s16 =	sor.u32 s17, s19  }
0x15c: {  	v0 =	vld [tilespmem:s16+$0xF800]  }
0x15d: {  	s21 =	simm.s32 $0x80;
	s22 =	simm.s32 $0x400;
	v1 =	vld [tilespmem:s16+$0xF810]  }
0x15e: {  	s31 =	sand.u32 $0x40, s21;
	s23 =	sand.u32 $0x3C00, s22;
	v6 =	vld [tilespmem:s16+$0xF820]  }
0x15f: {  	s17 =	sor.u32 s31, s23;
	v7 =	vld [tilespmem:s16+$0xF830]  }
0x160: {  	v8 =	vld [tilespmem:s17+$0xF820]  }
0x161: {  	v9 =	vld.idx.msk [tilespmem:v2+s15+$0x0], $0xffff  }
0x162: {  	v10 =	vld.idx.msk [tilespmem:v3+s15+$0x0], $0xffff  }
0x163: {  	v11 =	vld.idx.msk [tilespmem:v4+s15+$0x0], $0xffff  }
0x164: {  	v4 =	vld.idx.msk [tilespmem:v5+s15+$0x0], $0xffff  }
0x165: {  	v3 =	vld [tilespmem:s17+$0xF800]  }
0x166: {  	v2 =	vld [tilespmem:s17+$0xF810];
	[tilespmem:s20+$0x16020] =	vst v9  }
0x167: {  	v5 =	vld [tilespmem:s17+$0xF830];
	[tilespmem:s20+$0x16030] =	vst v10  }
0x168: {  	v6 =	vld.idx.msk [tilespmem:v6+s15+$0x0], $0xffff;
	[tilespmem:s20+$0x16000] =	vst v11  }
.LBB2_20:
0x169: {  	s21 =	sadd.s32 $0x40, s21;
	s22 =	sadd.s32 $0x200, s22;
	v9 =	vld.idx.msk [tilespmem:v7+s15+$0x0], $0xffff;
	[tilespmem:s20+$0x16010] =	vst v4  }
0x16a: {  	s23 =	sand.u32 $0x40, s21;
	s24 =	sand.u32 $0x3C00, s22;
	p0 =	slt.u32 s21, $0x640;
	v10 =	vld.idx.msk [tilespmem:v0+s15+$0x0], $0xffff;
	v0 =	vmov v3  }
0x16b: {  	s20 =	smov.u32 s16;
	s16 =	smov.u32 s17;
	v4 =	vld.idx.msk [tilespmem:v1+s15+$0x0], $0xffff;
	v1 =	vmov v2;
	v11 =	vmov v8;
	s17 =	sor.u32 s23, s24  }
.Ltmp9:
0x16c: {  	v3 =	vld [tilespmem:s17+$0xF800];
	v7 =	vmov v5;
	(pc) =	sbr.rel @p0 .LBB2_20-.Ltmp9, $4  }
0x16d: {  	v2 =	vld [tilespmem:s17+$0xF810]  }
0x16e: {  	v8 =	vld [tilespmem:s17+$0xF820];
	[tilespmem:s20+$0x16020] =	vst v6  }
0x16f: {  	v5 =	vld [tilespmem:s17+$0xF830];
	[tilespmem:s20+$0x16030] =	vst v9  }
0x170: {  	v6 =	vld.idx.msk [tilespmem:v11+s15+$0x0], $0xffff;
	[tilespmem:s20+$0x16000] =	vst v10  }
0x171: {  	_ =	sdelay $0x3  }
0x172: {  	v7 =	vld.idx.msk [tilespmem:v7+s15+$0x0], $0xffff  }
0x173: {  	v0 =	vld.idx.msk [tilespmem:v0+s15+$0x0], $0xffff  }
0x174: {  	v1 =	vld.idx.msk [tilespmem:v1+s15+$0x0], $0xffff  }
0x175: {  	[tilespmem:s20+$0x16010] =	vst v4;
	v3 =	vld.idx.msk [tilespmem:v3+s15+$0x0], $0xffff  }
0x176: {  	v4 =	vld.idx.msk [tilespmem:v8+s15+$0x0], $0xffff;
	[tilespmem:s16+$0x16020] =	vst v6  }
0x177: {  	v5 =	vld.idx.msk [tilespmem:v5+s15+$0x0], $0xffff;
	[tilespmem:s16+$0x16030] =	vst v7  }
0x178: {  	[tilespmem:s16+$0x16000] =	vst v0;
	v0 =	vld.idx.msk [tilespmem:v2+s15+$0x0], $0xffff  }
0x179: {  	[tilespmem:s16+$0x16010] =	vst v1  }
0x17a: {  	[tilespmem:s17+$0x16000] =	vst v3  }
0x17b: {  	s29 =	simm.s32 $0x0;
	[tilespmem:s17+$0x16020] =	vst v4  }
0x17c: {  	s16 =	sand.u32 $0x40, s29;
	[tilespmem:s17+$0x16030] =	vst v5  }
0x17d: {  	s18 =	sor.u32 s16, s18;
	[tilespmem:s17+$0x16010] =	vst v0  }
0x17e: {  	v3 =	vld [tilespmem:s18+$0xF880]  }
0x17f: {  	s30 =	simm.s32 $0x40;
	v4 =	vld [tilespmem:s18+$0xF8A0]  }
0x180: {  	s17 =	sand.u32 $0x40, s30;
	v5 =	vld [tilespmem:s18+$0xF890]  }
0x181: {  	v6 =	vld [tilespmem:s18+$0xF8B0];
	s20 =	sor.u32 s17, s19  }
0x182: {  	v7 =	vld [tilespmem:s20+$0xF880]  }
0x183: {  	s21 =	simm.s32 $0x80;
	s22 =	simm.s32 $0x400;
	v0 =	vld [tilespmem:s20+$0xF890]  }
0x184: {  	s31 =	sand.u32 $0x40, s21;
	s23 =	sand.u32 $0x3C00, s22;
	v2 =	vld [tilespmem:s20+$0xF8A0]  }
0x185: {  	s19 =	sor.u32 s31, s23;
	v1 =	vld [tilespmem:s20+$0xF8B0]  }
0x186: {  	s15 =	simm.s32 $0x0;
	v8 =	vld [tilespmem:s19+$0xF880]  }
0x187: {  	v3 =	vld.idx.msk [tilespmem:v3+s15+$0x0], $0xffff  }
0x188: {  	v9 =	vld.idx.msk [tilespmem:v4+s15+$0x0], $0xffff  }
0x189: {  	v10 =	vld.idx.msk [tilespmem:v5+s15+$0x0], $0xffff  }
0x18a: {  	v6 =	vld.idx.msk [tilespmem:v6+s15+$0x0], $0xffff  }
0x18b: {  	v4 =	vld [tilespmem:s19+$0xF890]  }
0x18c: {  	v5 =	vld [tilespmem:s19+$0xF8A0];
	[tilespmem:s18+$0x16080] =	vst v3  }
0x18d: {  	v3 =	vld [tilespmem:s19+$0xF8B0];
	[tilespmem:s18+$0x160A0] =	vst v9  }
0x18e: {  	v7 =	vld.idx.msk [tilespmem:v7+s15+$0x0], $0xffff;
	[tilespmem:s18+$0x16090] =	vst v10  }
.LBB2_22:
0x18f: {  	s21 =	sadd.s32 $0x40, s21;
	s22 =	sadd.s32 $0x200, s22;
	v9 =	vld.idx.msk [tilespmem:v2+s15+$0x0], $0xffff;
	[tilespmem:s18+$0x160B0] =	vst v6;
	v10 =	vmov v8;
	s18 =	smov.u32 s20  }
0x190: {  	s23 =	sand.u32 $0x40, s21;
	s24 =	sand.u32 $0x3C00, s22;
	p0 =	slt.u32 s21, $0x640;
	v11 =	vld.idx.msk [tilespmem:v0+s15+$0x0], $0xffff;
	v0 =	vmov v4  }
0x191: {  	s20 =	smov.u32 s19;
	v6 =	vld.idx.msk [tilespmem:v1+s15+$0x0], $0xffff;
	v2 =	vmov v5;
	s19 =	sor.u32 s23, s24  }
.Ltmp10:
0x192: {  	v8 =	vld [tilespmem:s19+$0xF880];
	v1 =	vmov v3;
	(pc) =	sbr.rel @p0 .LBB2_22-.Ltmp10, $4  }
0x193: {  	v4 =	vld [tilespmem:s19+$0xF890]  }
0x194: {  	v5 =	vld [tilespmem:s19+$0xF8A0];
	[tilespmem:s18+$0x16080] =	vst v7  }
0x195: {  	v3 =	vld [tilespmem:s19+$0xF8B0];
	[tilespmem:s18+$0x160A0] =	vst v9  }
0x196: {  	v7 =	vld.idx.msk [tilespmem:v10+s15+$0x0], $0xffff;
	[tilespmem:s18+$0x16090] =	vst v11  }
0x197: {  	_ =	sdelay $0x3  }
0x198: {  	v2 =	vld.idx.msk [tilespmem:v2+s15+$0x0], $0xffff  }
0x199: {  	v0 =	vld.idx.msk [tilespmem:v0+s15+$0x0], $0xffff  }
0x19a: {  	v1 =	vld.idx.msk [tilespmem:v1+s15+$0x0], $0xffff;
	s15 =	simm.s32 $0x0  }
0x19b: {  	[tilespmem:s18+$0x160B0] =	vst v6;
	v6 =	vld.idx.msk [tilespmem:v8+s15+$0x0], $0xffff  }
0x19c: {  	v5 =	vld.idx.msk [tilespmem:v5+s15+$0x0], $0xffff;
	[tilespmem:s20+$0x16080] =	vst v7  }
0x19d: {  	[tilespmem:s20+$0x160A0] =	vst v2;
	v2 =	vld.idx.msk [tilespmem:v4+s15+$0x0], $0xffff  }
0x19e: {  	[tilespmem:s20+$0x16090] =	vst v0;
	v0 =	vld.idx.msk [tilespmem:v3+s15+$0x0], $0xffff  }
0x19f: {  	[tilespmem:s20+$0x160B0] =	vst v1  }
0x1a0: {  	[tilespmem:s19+$0x16080] =	vst v6  }
0x1a1: {  	[tilespmem:s19+$0x160A0] =	vst v5  }
0x1a2: {  	s18 =	sand.u32 $0x3C00, s15;
	[tilespmem:s19+$0x16090] =	vst v2  }
0x1a3: {  	s20 =	sor.u32 s16, s18;
	[tilespmem:s19+$0x160B0] =	vst v0  }
0x1a4: {  	v2 =	vld [tilespmem:s20+$0xF920]  }
0x1a5: {  	s30 =	simm.s32 $0x200;
	v3 =	vld [tilespmem:s20+$0xF930]  }
0x1a6: {  	s19 =	sand.u32 $0x3C00, s30;
	v4 =	vld [tilespmem:s20+$0xF900]  }
0x1a7: {  	v5 =	vld [tilespmem:s20+$0xF910];
	s16 =	sor.u32 s17, s19  }
0x1a8: {  	v0 =	vld [tilespmem:s16+$0xF900]  }
0x1a9: {  	s21 =	simm.s32 $0x80;
	s22 =	simm.s32 $0x400;
	v1 =	vld [tilespmem:s16+$0xF910]  }
0x1aa: {  	s31 =	sand.u32 $0x40, s21;
	s23 =	sand.u32 $0x3C00, s22;
	v6 =	vld [tilespmem:s16+$0xF920]  }
0x1ab: {  	s17 =	sor.u32 s31, s23;
	v7 =	vld [tilespmem:s16+$0xF930]  }
0x1ac: {  	v8 =	vld [tilespmem:s17+$0xF920]  }
0x1ad: {  	v9 =	vld.idx.msk [tilespmem:v2+s15+$0x0], $0xffff  }
0x1ae: {  	v10 =	vld.idx.msk [tilespmem:v3+s15+$0x0], $0xffff  }
0x1af: {  	v11 =	vld.idx.msk [tilespmem:v4+s15+$0x0], $0xffff  }
0x1b0: {  	v4 =	vld.idx.msk [tilespmem:v5+s15+$0x0], $0xffff  }
0x1b1: {  	v3 =	vld [tilespmem:s17+$0xF900]  }
0x1b2: {  	v2 =	vld [tilespmem:s17+$0xF910];
	[tilespmem:s20+$0x16120] =	vst v9  }
0x1b3: {  	v5 =	vld [tilespmem:s17+$0xF930];
	[tilespmem:s20+$0x16130] =	vst v10  }
0x1b4: {  	v6 =	vld.idx.msk [tilespmem:v6+s15+$0x0], $0xffff;
	[tilespmem:s20+$0x16100] =	vst v11  }
.LBB2_24:
0x1b5: {  	s21 =	sadd.s32 $0x40, s21;
	s22 =	sadd.s32 $0x200, s22;
	v9 =	vld.idx.msk [tilespmem:v7+s15+$0x0], $0xffff;
	[tilespmem:s20+$0x16110] =	vst v4  }
0x1b6: {  	s23 =	sand.u32 $0x40, s21;
	s24 =	sand.u32 $0x3C00, s22;
	p0 =	slt.u32 s21, $0x640;
	v10 =	vld.idx.msk [tilespmem:v0+s15+$0x0], $0xffff;
	v0 =	vmov v3  }
0x1b7: {  	s20 =	smov.u32 s16;
	s16 =	smov.u32 s17;
	v4 =	vld.idx.msk [tilespmem:v1+s15+$0x0], $0xffff;
	v1 =	vmov v2;
	v11 =	vmov v8;
	s17 =	sor.u32 s23, s24  }
.Ltmp11:
0x1b8: {  	v3 =	vld [tilespmem:s17+$0xF900];
	v7 =	vmov v5;
	(pc) =	sbr.rel @p0 .LBB2_24-.Ltmp11, $4  }
0x1b9: {  	v2 =	vld [tilespmem:s17+$0xF910]  }
0x1ba: {  	v8 =	vld [tilespmem:s17+$0xF920];
	[tilespmem:s20+$0x16120] =	vst v6  }
0x1bb: {  	v5 =	vld [tilespmem:s17+$0xF930];
	[tilespmem:s20+$0x16130] =	vst v9  }
0x1bc: {  	v6 =	vld.idx.msk [tilespmem:v11+s15+$0x0], $0xffff;
	[tilespmem:s20+$0x16100] =	vst v10  }
0x1bd: {  	_ =	sdelay $0x3  }
0x1be: {  	v7 =	vld.idx.msk [tilespmem:v7+s15+$0x0], $0xffff  }
0x1bf: {  	v0 =	vld.idx.msk [tilespmem:v0+s15+$0x0], $0xffff  }
0x1c0: {  	v1 =	vld.idx.msk [tilespmem:v1+s15+$0x0], $0xffff  }
0x1c1: {  	[tilespmem:s20+$0x16110] =	vst v4;
	v3 =	vld.idx.msk [tilespmem:v3+s15+$0x0], $0xffff  }
0x1c2: {  	v4 =	vld.idx.msk [tilespmem:v8+s15+$0x0], $0xffff;
	[tilespmem:s16+$0x16120] =	vst v6  }
0x1c3: {  	v5 =	vld.idx.msk [tilespmem:v5+s15+$0x0], $0xffff;
	[tilespmem:s16+$0x16130] =	vst v7  }
0x1c4: {  	[tilespmem:s16+$0x16100] =	vst v0;
	v0 =	vld.idx.msk [tilespmem:v2+s15+$0x0], $0xffff  }
0x1c5: {  	[tilespmem:s16+$0x16110] =	vst v1  }
0x1c6: {  	[tilespmem:s17+$0x16100] =	vst v3  }
0x1c7: {  	s29 =	simm.s32 $0x0;
	[tilespmem:s17+$0x16120] =	vst v4  }
0x1c8: {  	s16 =	sand.u32 $0x40, s29;
	[tilespmem:s17+$0x16130] =	vst v5  }
0x1c9: {  	s18 =	sor.u32 s16, s18;
	[tilespmem:s17+$0x16110] =	vst v0  }
0x1ca: {  	v3 =	vld [tilespmem:s18+$0xF980]  }
0x1cb: {  	s30 =	simm.s32 $0x40;
	v4 =	vld [tilespmem:s18+$0xF9A0]  }
0x1cc: {  	s17 =	sand.u32 $0x40, s30;
	v5 =	vld [tilespmem:s18+$0xF990]  }
0x1cd: {  	v6 =	vld [tilespmem:s18+$0xF9B0];
	s20 =	sor.u32 s17, s19  }
0x1ce: {  	v7 =	vld [tilespmem:s20+$0xF980]  }
0x1cf: {  	s21 =	simm.s32 $0x80;
	s22 =	simm.s32 $0x400;
	v0 =	vld [tilespmem:s20+$0xF990]  }
0x1d0: {  	s31 =	sand.u32 $0x40, s21;
	s23 =	sand.u32 $0x3C00, s22;
	v2 =	vld [tilespmem:s20+$0xF9A0]  }
0x1d1: {  	s19 =	sor.u32 s31, s23;
	v1 =	vld [tilespmem:s20+$0xF9B0]  }
0x1d2: {  	s15 =	simm.s32 $0x0;
	v8 =	vld [tilespmem:s19+$0xF980]  }
0x1d3: {  	v3 =	vld.idx.msk [tilespmem:v3+s15+$0x0], $0xffff  }
0x1d4: {  	v9 =	vld.idx.msk [tilespmem:v4+s15+$0x0], $0xffff  }
0x1d5: {  	v10 =	vld.idx.msk [tilespmem:v5+s15+$0x0], $0xffff  }
0x1d6: {  	v6 =	vld.idx.msk [tilespmem:v6+s15+$0x0], $0xffff  }
0x1d7: {  	v4 =	vld [tilespmem:s19+$0xF990]  }
0x1d8: {  	v5 =	vld [tilespmem:s19+$0xF9A0];
	[tilespmem:s18+$0x16180] =	vst v3  }
0x1d9: {  	v3 =	vld [tilespmem:s19+$0xF9B0];
	[tilespmem:s18+$0x161A0] =	vst v9  }
0x1da: {  	v7 =	vld.idx.msk [tilespmem:v7+s15+$0x0], $0xffff;
	[tilespmem:s18+$0x16190] =	vst v10  }
.LBB2_26:
0x1db: {  	s21 =	sadd.s32 $0x40, s21;
	s22 =	sadd.s32 $0x200, s22;
	v9 =	vld.idx.msk [tilespmem:v2+s15+$0x0], $0xffff;
	[tilespmem:s18+$0x161B0] =	vst v6;
	v10 =	vmov v8;
	s18 =	smov.u32 s20  }
0x1dc: {  	s23 =	sand.u32 $0x40, s21;
	s24 =	sand.u32 $0x3C00, s22;
	p0 =	slt.u32 s21, $0x640;
	v11 =	vld.idx.msk [tilespmem:v0+s15+$0x0], $0xffff;
	v0 =	vmov v4  }
0x1dd: {  	s20 =	smov.u32 s19;
	v6 =	vld.idx.msk [tilespmem:v1+s15+$0x0], $0xffff;
	v2 =	vmov v5;
	s19 =	sor.u32 s23, s24  }
.Ltmp12:
0x1de: {  	v8 =	vld [tilespmem:s19+$0xF980];
	v1 =	vmov v3;
	(pc) =	sbr.rel @p0 .LBB2_26-.Ltmp12, $4  }
0x1df: {  	v4 =	vld [tilespmem:s19+$0xF990]  }
0x1e0: {  	v5 =	vld [tilespmem:s19+$0xF9A0];
	[tilespmem:s18+$0x16180] =	vst v7  }
0x1e1: {  	v3 =	vld [tilespmem:s19+$0xF9B0];
	[tilespmem:s18+$0x161A0] =	vst v9  }
0x1e2: {  	v7 =	vld.idx.msk [tilespmem:v10+s15+$0x0], $0xffff;
	[tilespmem:s18+$0x16190] =	vst v11  }
0x1e3: {  	_ =	sdelay $0x3  }
0x1e4: {  	v2 =	vld.idx.msk [tilespmem:v2+s15+$0x0], $0xffff  }
0x1e5: {  	v0 =	vld.idx.msk [tilespmem:v0+s15+$0x0], $0xffff  }
0x1e6: {  	v1 =	vld.idx.msk [tilespmem:v1+s15+$0x0], $0xffff;
	s15 =	simm.s32 $0x0  }
0x1e7: {  	[tilespmem:s18+$0x161B0] =	vst v6;
	v6 =	vld.idx.msk [tilespmem:v8+s15+$0x0], $0xffff  }
0x1e8: {  	v5 =	vld.idx.msk [tilespmem:v5+s15+$0x0], $0xffff;
	[tilespmem:s20+$0x16180] =	vst v7  }
0x1e9: {  	[tilespmem:s20+$0x161A0] =	vst v2;
	v2 =	vld.idx.msk [tilespmem:v4+s15+$0x0], $0xffff  }
0x1ea: {  	[tilespmem:s20+$0x16190] =	vst v0;
	v0 =	vld.idx.msk [tilespmem:v3+s15+$0x0], $0xffff  }
0x1eb: {  	[tilespmem:s20+$0x161B0] =	vst v1  }
0x1ec: {  	[tilespmem:s19+$0x16180] =	vst v6  }
0x1ed: {  	[tilespmem:s19+$0x161A0] =	vst v5  }
0x1ee: {  	s18 =	sand.u32 $0x3C00, s15;
	[tilespmem:s19+$0x16190] =	vst v2  }
0x1ef: {  	s20 =	sor.u32 s16, s18;
	[tilespmem:s19+$0x161B0] =	vst v0  }
0x1f0: {  	v2 =	vld [tilespmem:s20+$0xFA20]  }
0x1f1: {  	s30 =	simm.s32 $0x200;
	v3 =	vld [tilespmem:s20+$0xFA30]  }
0x1f2: {  	s19 =	sand.u32 $0x3C00, s30;
	v4 =	vld [tilespmem:s20+$0xFA00]  }
0x1f3: {  	v5 =	vld [tilespmem:s20+$0xFA10];
	s16 =	sor.u32 s17, s19  }
0x1f4: {  	v0 =	vld [tilespmem:s16+$0xFA00]  }
0x1f5: {  	s21 =	simm.s32 $0x80;
	s22 =	simm.s32 $0x400;
	v1 =	vld [tilespmem:s16+$0xFA10]  }
0x1f6: {  	s31 =	sand.u32 $0x40, s21;
	s23 =	sand.u32 $0x3C00, s22;
	v6 =	vld [tilespmem:s16+$0xFA20]  }
0x1f7: {  	s17 =	sor.u32 s31, s23;
	v7 =	vld [tilespmem:s16+$0xFA30]  }
0x1f8: {  	v8 =	vld [tilespmem:s17+$0xFA20]  }
0x1f9: {  	v9 =	vld.idx.msk [tilespmem:v2+s15+$0x0], $0xffff  }
0x1fa: {  	v10 =	vld.idx.msk [tilespmem:v3+s15+$0x0], $0xffff  }
0x1fb: {  	v11 =	vld.idx.msk [tilespmem:v4+s15+$0x0], $0xffff  }
0x1fc: {  	v4 =	vld.idx.msk [tilespmem:v5+s15+$0x0], $0xffff  }
0x1fd: {  	v3 =	vld [tilespmem:s17+$0xFA00]  }
0x1fe: {  	v2 =	vld [tilespmem:s17+$0xFA10];
	[tilespmem:s20+$0x16220] =	vst v9  }
0x1ff: {  	v5 =	vld [tilespmem:s17+$0xFA30];
	[tilespmem:s20+$0x16230] =	vst v10  }
0x200: {  	v6 =	vld.idx.msk [tilespmem:v6+s15+$0x0], $0xffff;
	[tilespmem:s20+$0x16200] =	vst v11  }
.LBB2_28:
0x201: {  	s21 =	sadd.s32 $0x40, s21;
	s22 =	sadd.s32 $0x200, s22;
	v9 =	vld.idx.msk [tilespmem:v7+s15+$0x0], $0xffff;
	[tilespmem:s20+$0x16210] =	vst v4  }
0x202: {  	s23 =	sand.u32 $0x40, s21;
	s24 =	sand.u32 $0x3C00, s22;
	p0 =	slt.u32 s21, $0x640;
	v10 =	vld.idx.msk [tilespmem:v0+s15+$0x0], $0xffff;
	v0 =	vmov v3  }
0x203: {  	s20 =	smov.u32 s16;
	s16 =	smov.u32 s17;
	v4 =	vld.idx.msk [tilespmem:v1+s15+$0x0], $0xffff;
	v1 =	vmov v2;
	v11 =	vmov v8;
	s17 =	sor.u32 s23, s24  }
.Ltmp13:
0x204: {  	v3 =	vld [tilespmem:s17+$0xFA00];
	v7 =	vmov v5;
	(pc) =	sbr.rel @p0 .LBB2_28-.Ltmp13, $4  }
0x205: {  	v2 =	vld [tilespmem:s17+$0xFA10]  }
0x206: {  	v8 =	vld [tilespmem:s17+$0xFA20];
	[tilespmem:s20+$0x16220] =	vst v6  }
0x207: {  	v5 =	vld [tilespmem:s17+$0xFA30];
	[tilespmem:s20+$0x16230] =	vst v9  }
0x208: {  	v6 =	vld.idx.msk [tilespmem:v11+s15+$0x0], $0xffff;
	[tilespmem:s20+$0x16200] =	vst v10  }
0x209: {  	_ =	sdelay $0x3  }
0x20a: {  	v7 =	vld.idx.msk [tilespmem:v7+s15+$0x0], $0xffff  }
0x20b: {  	v0 =	vld.idx.msk [tilespmem:v0+s15+$0x0], $0xffff  }
0x20c: {  	v1 =	vld.idx.msk [tilespmem:v1+s15+$0x0], $0xffff  }
0x20d: {  	[tilespmem:s20+$0x16210] =	vst v4;
	v3 =	vld.idx.msk [tilespmem:v3+s15+$0x0], $0xffff  }
0x20e: {  	v4 =	vld.idx.msk [tilespmem:v8+s15+$0x0], $0xffff;
	[tilespmem:s16+$0x16220] =	vst v6  }
0x20f: {  	v5 =	vld.idx.msk [tilespmem:v5+s15+$0x0], $0xffff;
	[tilespmem:s16+$0x16230] =	vst v7  }
0x210: {  	[tilespmem:s16+$0x16200] =	vst v0;
	v0 =	vld.idx.msk [tilespmem:v2+s15+$0x0], $0xffff  }
0x211: {  	[tilespmem:s16+$0x16210] =	vst v1  }
0x212: {  	[tilespmem:s17+$0x16200] =	vst v3  }
0x213: {  	s29 =	simm.s32 $0x0;
	[tilespmem:s17+$0x16220] =	vst v4  }
0x214: {  	s15 =	sand.u32 $0x40, s29;
	[tilespmem:s17+$0x16230] =	vst v5  }
0x215: {  	[tilespmem:s17+$0x16210] =	vst v0;
	s17 =	sor.u32 s15, s18  }
0x216: {  	v3 =	vld [tilespmem:s17+$0xFA80]  }
0x217: {  	s30 =	simm.s32 $0x40;
	v4 =	vld [tilespmem:s17+$0xFAA0]  }
0x218: {  	s16 =	sand.u32 $0x40, s30;
	v5 =	vld [tilespmem:s17+$0xFA90]  }
0x219: {  	s19 =	sor.u32 s16, s19;
	v6 =	vld [tilespmem:s17+$0xFAB0]  }
0x21a: {  	v7 =	vld [tilespmem:s19+$0xFA80]  }
0x21b: {  	s21 =	simm.s32 $0x80;
	s22 =	simm.s32 $0x400;
	v0 =	vld [tilespmem:s19+$0xFA90]  }
0x21c: {  	s31 =	sand.u32 $0x40, s21;
	s23 =	sand.u32 $0x3C00, s22;
	v2 =	vld [tilespmem:s19+$0xFAA0]  }
0x21d: {  	s18 =	sor.u32 s31, s23;
	v1 =	vld [tilespmem:s19+$0xFAB0]  }
0x21e: {  	s20 =	simm.s32 $0x0;
	v8 =	vld [tilespmem:s18+$0xFA80]  }
0x21f: {  	v3 =	vld.idx.msk [tilespmem:v3+s20+$0x0], $0xffff  }
0x220: {  	v9 =	vld.idx.msk [tilespmem:v4+s20+$0x0], $0xffff  }
0x221: {  	v10 =	vld.idx.msk [tilespmem:v5+s20+$0x0], $0xffff  }
0x222: {  	v6 =	vld.idx.msk [tilespmem:v6+s20+$0x0], $0xffff  }
0x223: {  	v4 =	vld [tilespmem:s18+$0xFA90]  }
0x224: {  	v5 =	vld [tilespmem:s18+$0xFAA0];
	[tilespmem:s17+$0x16280] =	vst v3  }
0x225: {  	v3 =	vld [tilespmem:s18+$0xFAB0];
	[tilespmem:s17+$0x162A0] =	vst v9  }
0x226: {  	v7 =	vld.idx.msk [tilespmem:v7+s20+$0x0], $0xffff;
	[tilespmem:s17+$0x16290] =	vst v10  }
.LBB2_30:
0x227: {  	s21 =	sadd.s32 $0x40, s21;
	s22 =	sadd.s32 $0x200, s22;
	v9 =	vld.idx.msk [tilespmem:v2+s20+$0x0], $0xffff;
	[tilespmem:s17+$0x162B0] =	vst v6;
	v10 =	vmov v8;
	s17 =	smov.u32 s19  }
0x228: {  	s23 =	sand.u32 $0x40, s21;
	s24 =	sand.u32 $0x3C00, s22;
	p0 =	slt.u32 s21, $0x640;
	v11 =	vld.idx.msk [tilespmem:v0+s20+$0x0], $0xffff;
	v0 =	vmov v4  }
0x229: {  	s19 =	smov.u32 s18;
	v6 =	vld.idx.msk [tilespmem:v1+s20+$0x0], $0xffff;
	v2 =	vmov v5;
	s18 =	sor.u32 s23, s24  }
.Ltmp14:
0x22a: {  	v8 =	vld [tilespmem:s18+$0xFA80];
	v1 =	vmov v3;
	(pc) =	sbr.rel @p0 .LBB2_30-.Ltmp14, $4  }
0x22b: {  	v4 =	vld [tilespmem:s18+$0xFA90]  }
0x22c: {  	v5 =	vld [tilespmem:s18+$0xFAA0];
	[tilespmem:s17+$0x16280] =	vst v7  }
0x22d: {  	v3 =	vld [tilespmem:s18+$0xFAB0];
	[tilespmem:s17+$0x162A0] =	vst v9  }
0x22e: {  	v7 =	vld.idx.msk [tilespmem:v10+s20+$0x0], $0xffff;
	[tilespmem:s17+$0x16290] =	vst v11  }
0x22f: {  	_ =	sdelay $0x3  }
0x230: {  	v2 =	vld.idx.msk [tilespmem:v2+s20+$0x0], $0xffff  }
0x231: {  	v0 =	vld.idx.msk [tilespmem:v0+s20+$0x0], $0xffff  }
0x232: {  	v1 =	vld.idx.msk [tilespmem:v1+s20+$0x0], $0xffff;
	s26 =	simm.s32 $0x0  }
0x233: {  	[tilespmem:s17+$0x162B0] =	vst v6;
	v6 =	vld.idx.msk [tilespmem:v8+s26+$0x0], $0xffff  }
0x234: {  	v5 =	vld.idx.msk [tilespmem:v5+s26+$0x0], $0xffff;
	[tilespmem:s19+$0x16280] =	vst v7  }
0x235: {  	[tilespmem:s19+$0x162A0] =	vst v2;
	v2 =	vld.idx.msk [tilespmem:v4+s26+$0x0], $0xffff  }
0x236: {  	[tilespmem:s19+$0x16290] =	vst v0;
	v0 =	vld.idx.msk [tilespmem:v3+s26+$0x0], $0xffff  }
0x237: {  	[tilespmem:s19+$0x162B0] =	vst v1  }
0x238: {  	[tilespmem:s18+$0x16280] =	vst v6  }
0x239: {  	[tilespmem:s18+$0x162A0] =	vst v5  }
0x23a: {  	s28 =	sand.u32 $0x3C00, s26;
	[tilespmem:s18+$0x16290] =	vst v2  }
0x23b: {  	s15 =	sor.u32 s15, s28;
	[tilespmem:s18+$0x162B0] =	vst v0  }
0x23c: {  	v2 =	vld [tilespmem:s15+$0xFB20]  }
0x23d: {  	s29 =	simm.s32 $0x200;
	v3 =	vld [tilespmem:s15+$0xFB30]  }
0x23e: {  	s17 =	sand.u32 $0x3C00, s29;
	v4 =	vld [tilespmem:s15+$0xFB00]  }
0x23f: {  	s17 =	sor.u32 s16, s17;
	v5 =	vld [tilespmem:s15+$0xFB10]  }
0x240: {  	v0 =	vld [tilespmem:s17+$0xFB00]  }
0x241: {  	s19 =	simm.s32 $0x400;
	s18 =	simm.s32 $0x80;
	v1 =	vld [tilespmem:s17+$0xFB10]  }
0x242: {  	s31 =	sand.u32 $0x3C00, s19;
	v6 =	vld [tilespmem:s17+$0xFB20];
	s30 =	sand.u32 $0x40, s18  }
0x243: {  	v7 =	vld [tilespmem:s17+$0xFB30];
	s16 =	sor.u32 s30, s31  }
0x244: {  	v8 =	vld [tilespmem:s16+$0xFB20]  }
0x245: {  	v9 =	vld.idx.msk [tilespmem:v2+s3+$0x0], $0xffff  }
0x246: {  	v10 =	vld.idx.msk [tilespmem:v3+s3+$0x0], $0xffff  }
0x247: {  	v11 =	vld.idx.msk [tilespmem:v4+s3+$0x0], $0xffff  }
0x248: {  	v4 =	vld.idx.msk [tilespmem:v5+s3+$0x0], $0xffff  }
0x249: {  	v3 =	vld [tilespmem:s16+$0xFB00]  }
0x24a: {  	v2 =	vld [tilespmem:s16+$0xFB10];
	[tilespmem:s15+$0x16320] =	vst v9  }
0x24b: {  	v5 =	vld [tilespmem:s16+$0xFB30];
	[tilespmem:s15+$0x16330] =	vst v10  }
0x24c: {  	v6 =	vld.idx.msk [tilespmem:v6+s3+$0x0], $0xffff;
	[tilespmem:s15+$0x16300] =	vst v11  }
.LBB2_32:
0x24d: {  	s18 =	sadd.s32 $0x40, s18;
	s19 =	sadd.s32 $0x200, s19;
	v9 =	vld.idx.msk [tilespmem:v7+s3+$0x0], $0xffff;
	[tilespmem:s15+$0x16310] =	vst v4;
	s15 =	smov.u32 s17  }
0x24e: {  	s20 =	sand.u32 $0x40, s18;
	s21 =	sand.u32 $0x3C00, s19;
	p0 =	slt.u32 s18, $0x640;
	v10 =	vld.idx.msk [tilespmem:v0+s3+$0x0], $0xffff;
	v0 =	vmov v3  }
0x24f: {  	s17 =	smov.u32 s16;
	v4 =	vld.idx.msk [tilespmem:v1+s3+$0x0], $0xffff;
	v1 =	vmov v2;
	v11 =	vmov v8;
	s16 =	sor.u32 s20, s21  }
.Ltmp15:
0x250: {  	v3 =	vld [tilespmem:s16+$0xFB00];
	v7 =	vmov v5;
	(pc) =	sbr.rel @p0 .LBB2_32-.Ltmp15, $4  }
0x251: {  	v2 =	vld [tilespmem:s16+$0xFB10]  }
0x252: {  	v8 =	vld [tilespmem:s16+$0xFB20];
	[tilespmem:s15+$0x16320] =	vst v6  }
0x253: {  	v5 =	vld [tilespmem:s16+$0xFB30];
	[tilespmem:s15+$0x16330] =	vst v9  }
0x254: {  	v6 =	vld.idx.msk [tilespmem:v11+s3+$0x0], $0xffff;
	[tilespmem:s15+$0x16300] =	vst v10  }
0x255: {  	_ =	sdelay $0x3  }
0x256: {  	v7 =	vld.idx.msk [tilespmem:v7+s3+$0x0], $0xffff  }
0x257: {  	v0 =	vld.idx.msk [tilespmem:v0+s3+$0x0], $0xffff  }
0x258: {  	v1 =	vld.idx.msk [tilespmem:v1+s3+$0x0], $0xffff  }
0x259: {  	[tilespmem:s15+$0x16310] =	vst v4;
	v3 =	vld.idx.msk [tilespmem:v3+s3+$0x0], $0xffff  }
0x25a: {  	v63 =	vld.idx.msk [tilespmem:v2+s3+$0x0], $0xffff;
	[tilespmem:s17+$0x16320] =	vst v6  }
0x25b: {  	v62 =	vld.idx.msk [tilespmem:v8+s3+$0x0], $0xffff;
	[tilespmem:s17+$0x16330] =	vst v7  }
0x25c: {  	v5 =	vld.idx.msk [tilespmem:v5+s3+$0x0], $0xffff;
	[tilespmem:s17+$0x16300] =	vst v0  }
0x25d: {  	[tilespmem:s17+$0x16310] =	vst v1  }
0x25e: {  	[tilespmem:s16+$0x16300] =	vst v3  }
0x25f: {  	s14 =	sadd.s32 $0x1, s14;
	[tilespmem:s16+$0x16310] =	vst v63  }
0x260: {  	p0 =	sne.s32 s14, s6;
	[tilespmem:s16+$0x16320] =	vst v62  }
.Ltmp16:
0x261: {  	[tilespmem:s16+$0x16330] =	vst v5;
	(pc) =	sbr.rel @p0 .LBB2_1-.Ltmp16, $4  }
0x262: {  	[hbm4b:s5+s7] =	stream.strided.scatter [tilespmem:s12], [sflag:$0x3], $0x6800, s8, s7, $0x38;
	[tilespmem:$0x19380] =	vst v63  }
0x263: {  	_ =	swait.ge [sflag:s13], $0x6800  }
0x264: {  	[sflag:s13] =	ssyncset.done $0x0  }
0x265: {  	[sflag:s13] =	ssyncadd.s32 $0xFFFF9800  }
0x266: {  	_ =	sfence.sel $0x180000  }
0x267: {  	[bflag:$0x0] =	sbarrier.arrive $0xFFFF  }
0x268: {  	p0 =	sne.s32 s0, $0x0;
	_ =	strace $0x90000047  }
0x269: {  	s0 =	sadd.s32 @!p0 $0x100000, s1;
	[bflag:$0x2] =	sbarrier.arrive $0xFFFF  }
0x26a: {  	[sflag:s0] =	ssyncadd.tile.s32 @!p0 $0x1;
	_ =	shalt  }
.Lfunc_end2:
_tile_overlayer_lowered:
.L_overlay_start_2:
0x26b: {  	(tag) =	ssettag $0x2  }
0x26c: {  	s0 =	rddreg [dreg:$0x0];
	s2 =	stileid.u32  }
0x26d: {  	s1 =	rddreg [dreg:$0x1];
	p0 =	sne.s32 s2, $0x0  }
0x26e: {  	s3 =	rddreg [dreg:$0x2];
	[bflag:$0x3] =	sbarrier.arrive $0xFFFF;
	s2 =	simm.s32 @!p0 $0x1C03  }
0x26f: {  	[timem:s3], [sflag:s2] =	dma.local @!p0 [hbm:s0], s1  }
0x270: {  	s0 =	simm.s32 @!p0 $0x3  }
0x271: {  	_ =	swait.ge @!p0 [sflag:s0], s1  }
0x272: {  	s1 =	ssub.s32 @!p0 $0x0, s1;
	[sflag:s0] =	ssyncset.done @!p0 $0x0  }
0x273: {  	[sflag:s0] =	ssyncadd.s32 @!p0 s1  }
0x274: {  	[bflag:$0x3] =	sbarrier.arrive $0xFFFF  }
0x275: {  	_ =	shalt  }

</sc_bundles>
